<compile_context>
chip_gen: v7x
topology: tpu7x:2x2x1
jax: 0.10.2.dev20260603
libtpu: 0.0.44.dev20260713+nightly
codegen_flags: <defaults>
</compile_context>

<pallas_src>
import functools

import jax
import jax.numpy as jnp
from jax import lax
from jax.experimental import pallas as pl
from jax.experimental.pallas import tpu as pltpu
from jax.experimental.pallas import tpu_sc as plsc

_LANES = 16


@functools.lru_cache(maxsize=None)
def _build_gather(B, V, D, NC, NS):
    NW = NC * NS
    b_per_w = B // NW
    CH = 128
    n_ch = b_per_w // CH
    DB = 256
    DT = D - DB

    mesh = plsc.VectorSubcoreMesh(core_axis_name="c", subcore_axis_name="s")

    @functools.partial(
        pl.kernel,
        mesh=mesh,
        compiler_params=pltpu.CompilerParams(needs_layout_passes=False),
        out_type=jax.ShapeDtypeStruct((B, D), jnp.float32),
        scratch_types=[
            pltpu.VMEM((b_per_w,), jnp.int32),
            pltpu.VMEM((CH, D), jnp.float32),
            pltpu.VMEM((CH, D), jnp.float32),
            pltpu.SemaphoreType.DMA,
            pltpu.SemaphoreType.DMA,
        ],
    )
    def gather(idx_hbm, table_hbm, out_hbm, idx_v, buf0, buf1, sem0, sem1):
        wid = lax.axis_index("s") * NC + lax.axis_index("c")
        base = wid * b_per_w
        pltpu.sync_copy(idx_hbm.at[wid], idx_v)
        bufs = (buf0, buf1)
        sems = (sem0, sem1)
        lane_iota = lax.iota(jnp.int32, _LANES)

        def start(c, k):
            iv = idx_v.at[pl.ds(c * CH, CH)]
            b, sem = bufs[k], sems[k]
            pltpu.async_copy(table_hbm.at[iv, pl.ds(0, 128)],
                             b.at[:, pl.ds(0, 128)], sem)
            pltpu.async_copy(table_hbm.at[iv, pl.ds(128, 128)],
                             b.at[:, pl.ds(128, 128)], sem)

            def blk_body(blk, carry):
                vec = idx_v[pl.ds(c * CH + blk * _LANES, _LANES)]
                for lane in range(_LANES):
                    r = jnp.sum(jnp.where(lane_iota == lane, vec, 0))
                    i = blk * _LANES + lane
                    pltpu.async_copy(table_hbm.at[pl.ds(r, 1), pl.ds(DB, DT)],
                                     b.at[pl.ds(i, 1), pl.ds(DB, DT)], sem)
                return carry

            lax.fori_loop(0, CH // _LANES, blk_body, 0)

        def finish(c, k):
            pltpu.make_async_copy(table_hbm.at[pl.ds(0, CH)], bufs[k],
                                  sems[k]).wait()
            pltpu.sync_copy(bufs[k], out_hbm.at[pl.ds(base + c * CH, CH)])

        start(0, 0)
        for c in range(n_ch):
            if c + 1 < n_ch:
                start(c + 1, (c + 1) % 2)
            finish(c, c % 2)

    return gather


def kernel(indices, table):
    B = indices.shape[0]
    V, D = table.shape
    info = plsc.get_sparse_core_info()
    NC, NS = info.num_cores, info.num_subcores
    NW = NC * NS
    idx = indices.reshape(NW, B // NW).astype(jnp.int32)
    out = _build_gather(B, V, D, NC, NS)(idx, table)
    return out.reshape(B, 1, D)

# --- scband reference (transcript-rebuilt; emitter-appended) ---
"""Pipeline reference for scband-doc-process-25099788878133 (READ-ONLY COPY).

The authoritative reference and input builder live on the scoring server;
editing this copy changes nothing except your own understanding.
"""

import jax, jax.numpy as jnp
import numpy as np

VOCAB = 1000000
EMBED_DIM = 300
BATCH = 16384
MAX_DOC_LENGTH = 1


def setup_inputs(seed: int = 0) -> dict:
    key = jax.random.key(seed)
    k1, k2 = jax.random.split(key)
    indices = jax.random.randint(k1, (BATCH, MAX_DOC_LENGTH), 0, VOCAB, dtype=jnp.int64 if jax.config.jax_enable_x64 else jnp.int32)
    table = jax.random.normal(k2, (VOCAB, EMBED_DIM), dtype=jnp.float32) * 0.02
    return {"indices": indices, "table": table}


def reference(indices, table):
    # doc_process.call: Embedding lookup, trainable table
    doc_output = jnp.take(table, indices, axis=0)  # [B, L, D]
    return doc_output

if __name__ == "__main__":
    import jax
    _d = setup_inputs()
    print(jax.jit(kernel)(*tuple(_d.values())))

</pallas_src>

<mosaic_0001>
#map = affine_map<(d0, d1) -> (0, 0)>
module attributes {stable_mosaic.version = 14 : i64} {
  func.func @gather(%arg0: i32, %arg1: i32, %arg2: memref<32x512xi32, #tpu.memory_space<hbm>>, %arg3: memref<1000000x300xf32, #tpu.memory_space<hbm>>, %arg4: memref<16384x300xf32, #tpu.memory_space<hbm>>, %arg5: memref<512xi32, #tpu.memory_space<vmem>>, %arg6: memref<128x300xf32, #tpu.memory_space<vmem>>, %arg7: memref<128x300xf32, #tpu.memory_space<vmem>>, %arg8: memref<!tpu.dma_semaphore, #tpu.memory_space<semaphore_mem>>, %arg9: memref<!tpu.dma_semaphore, #tpu.memory_space<semaphore_mem>>) attributes {dimension_semantics = [#tpu.dimension_semantics<core_parallel>, #tpu.dimension_semantics<subcore_parallel>], iteration_bounds = array<i64: 2, 16>, scalar_prefetch = 0 : i64, scratch_operands = 5 : i64, tpu.core_type = #tpu.core_type<sc_vector_subcore>, window_params = [{transform_indices = #map}, {transform_indices = #map}, {transform_indices = #map}]} {
    %mul3A = arith.constant 2 : i32
    %mul3A_0 = arith.muli %arg1, %mul3A : i32
    %add3A = arith.addi %mul3A_0, %arg0 : i32
    %mul3A_1 = arith.constant 512 : i32
    %mul3A_2 = arith.muli %add3A, %mul3A_1 : i32
    "tpu.region"() ({
      %run_scoped3A = tpu.sem_alloc : memref<!tpu.dma_semaphore, #tpu.memory_space<semaphore_mem>>
      %dma_start3A_120 = arith.constant 0 : i32
      %dma_start3A_121 = tpu.memref_slice %arg2[%add3A, %dma_start3A_120] : memref<32x512xi32, #tpu.memory_space<hbm>> -> memref<1x512xi32, #tpu.memory_space<hbm>>
      %dma_start3A_122 = tpu.memref_squeeze %dma_start3A_121 : memref<1x512xi32, #tpu.memory_space<hbm>> -> memref<512xi32, #tpu.memory_space<hbm>>
      %dma_start3A_123 = arith.constant 0 : i32
      %dma_start3A_124 = tpu.memref_slice %arg2[%add3A, %dma_start3A_123] : memref<32x512xi32, #tpu.memory_space<hbm>> -> memref<1x512xi32, #tpu.memory_space<hbm>>
      %dma_start3A_125 = tpu.memref_squeeze %dma_start3A_124 : memref<1x512xi32, #tpu.memory_space<hbm>> -> memref<512xi32, #tpu.memory_space<hbm>>
      tpu.enqueue_dma source(%dma_start3A_125 : memref<512xi32, #tpu.memory_space<hbm>>) target(%arg5 : memref<512xi32, #tpu.memory_space<vmem>>) target_semaphore(%run_scoped3A : memref<!tpu.dma_semaphore, #tpu.memory_space<semaphore_mem>>)
      %dma_wait3A_126 = arith.constant 0 : i32
      %dma_wait3A_127 = tpu.memref_slice %arg2[%add3A, %dma_wait3A_126] : memref<32x512xi32, #tpu.memory_space<hbm>> -> memref<1x512xi32, #tpu.memory_space<hbm>>
      %dma_wait3A_128 = tpu.memref_squeeze %dma_wait3A_127 : memref<1x512xi32, #tpu.memory_space<hbm>> -> memref<512xi32, #tpu.memory_space<hbm>>
      %dma_wait3A_129 = arith.constant 0 : i32
      %dma_wait3A_130 = tpu.memref_slice %arg2[%add3A, %dma_wait3A_129] : memref<32x512xi32, #tpu.memory_space<hbm>> -> memref<1x512xi32, #tpu.memory_space<hbm>>
      %dma_wait3A_131 = tpu.memref_squeeze %dma_wait3A_130 : memref<1x512xi32, #tpu.memory_space<hbm>> -> memref<512xi32, #tpu.memory_space<hbm>>
      tpu.wait_dma2 semaphore(%run_scoped3A : memref<!tpu.dma_semaphore, #tpu.memory_space<semaphore_mem>>) src(%dma_wait3A_131 : memref<512xi32, #tpu.memory_space<hbm>>) dst(%arg5 : memref<512xi32, #tpu.memory_space<vmem>>)
      tpu.yield
    }) : () -> ()
    %iota3A = tpu.iota {dimensions = array<i32: 0>} : vector<16xi32>
    %dma_start3A = arith.constant 0 : i32
    %dma_start3A_3 = arith.constant 0 : i32
    %dma_start3A_4 = tpu.memref_slice %arg6[%dma_start3A, %dma_start3A_3] : memref<128x300xf32, #tpu.memory_space<vmem>> -> memref<128x128xf32, #tpu.memory_space<vmem>>
    %dma_start3A_5 = arith.constant 0 : i32
    %dma_start3A_6 = tpu.memref_slice %arg5[%dma_start3A_5] : memref<512xi32, #tpu.memory_space<vmem>> -> memref<128xi32, #tpu.memory_space<vmem>>
    %dma_start3A_7 = arith.constant 0 : i32
    %dma_start3A_8 = arith.constant 0 : i32
    %dma_start3A_9 = tpu.memref_slice %arg3[%dma_start3A_7, %dma_start3A_8] : memref<1000000x300xf32, #tpu.memory_space<hbm>> -> memref<1000000x128xf32, #tpu.memory_space<hbm>>
    tpu.enqueue_indirect_dma source(%dma_start3A_9 : memref<1000000x128xf32, #tpu.memory_space<hbm>>) target(%dma_start3A_4 : memref<128x128xf32, #tpu.memory_space<vmem>>) offsets(%dma_start3A_6 : memref<128xi32, #tpu.memory_space<vmem>>) semaphore(%arg8 : memref<!tpu.dma_semaphore, #tpu.memory_space<semaphore_mem>>)
    %dma_start3A_10 = arith.constant 0 : i32
    %dma_start3A_11 = arith.constant 128 : i32
    %dma_start3A_12 = tpu.memref_slice %arg6[%dma_start3A_10, %dma_start3A_11] : memref<128x300xf32, #tpu.memory_space<vmem>> -> memref<128x128xf32, #tpu.memory_space<vmem>>
    %dma_start3A_13 = arith.constant 0 : i32
    %dma_start3A_14 = tpu.memref_slice %arg5[%dma_start3A_13] : memref<512xi32, #tpu.memory_space<vmem>> -> memref<128xi32, #tpu.memory_space<vmem>>
    %dma_start3A_15 = arith.constant 0 : i32
    %dma_start3A_16 = arith.constant 128 : i32
    %dma_start3A_17 = tpu.memref_slice %arg3[%dma_start3A_15, %dma_start3A_16] : memref<1000000x300xf32, #tpu.memory_space<hbm>> -> memref<1000000x128xf32, #tpu.memory_space<hbm>>
    tpu.enqueue_indirect_dma source(%dma_start3A_17 : memref<1000000x128xf32, #tpu.memory_space<hbm>>) target(%dma_start3A_12 : memref<128x128xf32, #tpu.memory_space<vmem>>) offsets(%dma_start3A_14 : memref<128xi32, #tpu.memory_space<vmem>>) semaphore(%arg8 : memref<!tpu.dma_semaphore, #tpu.memory_space<semaphore_mem>>)
    %scan3A = arith.constant 0 : i32
    %scan3A_18 = arith.constant 0 : i32
    %scan3A_19 = arith.constant 8 : i32
    %scan3A_20 = arith.addi %scan3A_18, %scan3A_19 : i32
    %scan3A_21 = arith.constant 1 : i32
    scf.for %scan3A_120 = %scan3A_18 to %scan3A_20 step %scan3A_21  : i32 {
      %mul3A_121 = arith.constant 16 : i32
      %mul3A_122 = arith.muli %scan3A_120, %mul3A_121 : i32
      %add3A_123 = arith.constant 0 : i32
      %add3A_124 = arith.addi %add3A_123, %mul3A_122 : i32
      %get3A = arith.index_cast %add3A_124 : i32 to index
      %get3A_125 = tpu.vector_load %arg5[%get3A] {strides = array<i32>} : memref<512xi32, #tpu.memory_space<vmem>>, vector<16xi32>,
      %eq3A = arith.constant 0 : i32
      %eq3A_126 = vector.broadcast %eq3A : i32 to vector<16xi32>
      %eq3A_127 = arith.cmpi eq, %iota3A, %eq3A_126 : vector<16xi32>
      %jit3A = arith.constant 0 : i32
      %broadcast_in_dim3A = vector.broadcast %jit3A : i32 to vector<16xi32>
      %select_n3A = arith.select %eq3A_127, %get3A_125, %broadcast_in_dim3A : vector<16xi1>, vector<16xi32>
      %reduce_sum3A = arith.constant true
      %reduce_sum3A_128 = vector.broadcast %reduce_sum3A : i1 to vector<16xi1>
      %reduce_sum3A_129 = tpu.scan <sum>, %select_n3A masked %reduce_sum3A_128 : vector<16xi32>, vector<16xi1> -> vector<16xi32>
      %reduce_sum3A_130 = vector.extract %reduce_sum3A_129[15] : i32 from vector<16xi32>
      %mul3A_131 = arith.constant 16 : i32
      %mul3A_132 = arith.muli %scan3A_120, %mul3A_131 : i32
      %add3A_133 = arith.constant 0 : i32
      %add3A_134 = arith.addi %mul3A_132, %add3A_133 : i32
      %dma_start3A_135 = arith.constant 256 : i32
      %dma_start3A_136 = tpu.memref_slice %arg6[%add3A_134, %dma_start3A_135] : memref<128x300xf32, #tpu.memory_space<vmem>> -> memref<1x44xf32, #tpu.memory_space<vmem>>
      %dma_start3A_137 = arith.constant 256 : i32
      %dma_start3A_138 = tpu.memref_slice %arg3[%reduce_sum3A_130, %dma_start3A_137] : memref<1000000x300xf32, #tpu.memory_space<hbm>> -> memref<1x44xf32, #tpu.memory_space<hbm>>
      %dma_start3A_139 = arith.constant 256 : i32
      %dma_start3A_140 = tpu.memref_slice %arg6[%add3A_134, %dma_start3A_139] : memref<128x300xf32, #tpu.memory_space<vmem>> -> memref<1x44xf32, #tpu.memory_space<vmem>>
      %dma_start3A_141 = arith.constant 256 : i32
      %dma_start3A_142 = tpu.memref_slice %arg3[%reduce_sum3A_130, %dma_start3A_141] : memref<1000000x300xf32, #tpu.memory_space<hbm>> -> memref<1x44xf32, #tpu.memory_space<hbm>>
      tpu.enqueue_dma source(%dma_start3A_142 : memref<1x44xf32, #tpu.memory_space<hbm>>) target(%dma_start3A_140 : memref<1x44xf32, #tpu.memory_space<vmem>>) target_semaphore(%arg8 : memref<!tpu.dma_semaphore, #tpu.memory_space<semaphore_mem>>)
      %eq3A_143 = arith.constant 1 : i32
      %eq3A_144 = vector.broadcast %eq3A_143 : i32 to vector<16xi32>
      %eq3A_145 = arith.cmpi eq, %iota3A, %eq3A_144 : vector<16xi32>
      %jit3A_146 = arith.constant 0 : i32
      %broadcast_in_dim3A_147 = vector.broadcast %jit3A_146 : i32 to vector<16xi32>
      %select_n3A_148 = arith.select %eq3A_145, %get3A_125, %broadcast_in_dim3A_147 : vector<16xi1>, vector<16xi32>
      %reduce_sum3A_149 = arith.constant true
      %reduce_sum3A_150 = vector.broadcast %reduce_sum3A_149 : i1 to vector<16xi1>
      %reduce_sum3A_151 = tpu.scan <sum>, %select_n3A_148 masked %reduce_sum3A_150 : vector<16xi32>, vector<16xi1> -> vector<16xi32>
      %reduce_sum3A_152 = vector.extract %reduce_sum3A_151[15] : i32 from vector<16xi32>
      %mul3A_153 = arith.constant 16 : i32
      %mul3A_154 = arith.muli %scan3A_120, %mul3A_153 : i32
      %add3A_155 = arith.constant 1 : i32
      %add3A_156 = arith.addi %mul3A_154, %add3A_155 : i32
      %dma_start3A_157 = arith.constant 256 : i32
      %dma_start3A_158 = tpu.memref_slice %arg6[%add3A_156, %dma_start3A_157] : memref<128x300xf32, #tpu.memory_space<vmem>> -> memref<1x44xf32, #tpu.memory_space<vmem>>
      %dma_start3A_159 = arith.constant 256 : i32
      %dma_start3A_160 = tpu.memref_slice %arg3[%reduce_sum3A_152, %dma_start3A_159] : memref<1000000x300xf32, #tpu.memory_space<hbm>> -> memref<1x44xf32, #tpu.memory_space<hbm>>
      %dma_start3A_161 = arith.constant 256 : i32
      %dma_start3A_162 = tpu.memref_slice %arg6[%add3A_156, %dma_start3A_161] : memref<128x300xf32, #tpu.memory_space<vmem>> -> memref<1x44xf32, #tpu.memory_space<vmem>>
      %dma_start3A_163 = arith.constant 256 : i32
      %dma_start3A_164 = tpu.memref_slice %arg3[%reduce_sum3A_152, %dma_start3A_163] : memref<1000000x300xf32, #tpu.memory_space<hbm>> -> memref<1x44xf32, #tpu.memory_space<hbm>>
      tpu.enqueue_dma source(%dma_start3A_164 : memref<1x44xf32, #tpu.memory_space<hbm>>) target(%dma_start3A_162 : memref<1x44xf32, #tpu.memory_space<vmem>>) target_semaphore(%arg8 : memref<!tpu.dma_semaphore, #tpu.memory_space<semaphore_mem>>)
      %eq3A_165 = arith.constant 2 : i32
      %eq3A_166 = vector.broadcast %eq3A_165 : i32 to vector<16xi32>
      %eq3A_167 = arith.cmpi eq, %iota3A, %eq3A_166 : vector<16xi32>
      %jit3A_168 = arith.constant 0 : i32
      %broadcast_in_dim3A_169 = vector.broadcast %jit3A_168 : i32 to vector<16xi32>
      %select_n3A_170 = arith.select %eq3A_167, %get3A_125, %broadcast_in_dim3A_169 : vector<16xi1>, vector<16xi32>
      %reduce_sum3A_171 = arith.constant true
      %reduce_sum3A_172 = vector.broadcast %reduce_sum3A_171 : i1 to vector<16xi1>
      %reduce_sum3A_173 = tpu.scan <sum>, %select_n3A_170 masked %reduce_sum3A_172 : vector<16xi32>, vector<16xi1> -> vector<16xi32>
      %reduce_sum3A_174 = vector.extract %reduce_sum3A_173[15] : i32 from vector<16xi32>
      %mul3A_175 = arith.constant 16 : i32
      %mul3A_176 = arith.muli %scan3A_120, %mul3A_175 : i32
      %add3A_177 = arith.constant 2 : i32
      %add3A_178 = arith.addi %mul3A_176, %add3A_177 : i32
      %dma_start3A_179 = arith.constant 256 : i32
      %dma_start3A_180 = tpu.memref_slice %arg6[%add3A_178, %dma_start3A_179] : memref<128x300xf32, #tpu.memory_space<vmem>> -> memref<1x44xf32, #tpu.memory_space<vmem>>
      %dma_start3A_181 = arith.constant 256 : i32
      %dma_start3A_182 = tpu.memref_slice %arg3[%reduce_sum3A_174, %dma_start3A_181] : memref<1000000x300xf32, #tpu.memory_space<hbm>> -> memref<1x44xf32, #tpu.memory_space<hbm>>
      %dma_start3A_183 = arith.constant 256 : i32
      %dma_start3A_184 = tpu.memref_slice %arg6[%add3A_178, %dma_start3A_183] : memref<128x300xf32, #tpu.memory_space<vmem>> -> memref<1x44xf32, #tpu.memory_space<vmem>>
      %dma_start3A_185 = arith.constant 256 : i32
      %dma_start3A_186 = tpu.memref_slice %arg3[%reduce_sum3A_174, %dma_start3A_185] : memref<1000000x300xf32, #tpu.memory_space<hbm>> -> memref<1x44xf32, #tpu.memory_space<hbm>>
      tpu.enqueue_dma source(%dma_start3A_186 : memref<1x44xf32, #tpu.memory_space<hbm>>) target(%dma_start3A_184 : memref<1x44xf32, #tpu.memory_space<vmem>>) target_semaphore(%arg8 : memref<!tpu.dma_semaphore, #tpu.memory_space<semaphore_mem>>)
      %eq3A_187 = arith.constant 3 : i32
      %eq3A_188 = vector.broadcast %eq3A_187 : i32 to vector<16xi32>
      %eq3A_189 = arith.cmpi eq, %iota3A, %eq3A_188 : vector<16xi32>
      %jit3A_190 = arith.constant 0 : i32
      %broadcast_in_dim3A_191 = vector.broadcast %jit3A_190 : i32 to vector<16xi32>
      %select_n3A_192 = arith.select %eq3A_189, %get3A_125, %broadcast_in_dim3A_191 : vector<16xi1>, vector<16xi32>
      %reduce_sum3A_193 = arith.constant true
      %reduce_sum3A_194 = vector.broadcast %reduce_sum3A_193 : i1 to vector<16xi1>
      %reduce_sum3A_195 = tpu.scan <sum>, %select_n3A_192 masked %reduce_sum3A_194 : vector<16xi32>, vector<16xi1> -> vector<16xi32>
      %reduce_sum3A_196 = vector.extract %reduce_sum3A_195[15] : i32 from vector<16xi32>
      %mul3A_197 = arith.constant 16 : i32
      %mul3A_198 = arith.muli %scan3A_120, %mul3A_197 : i32
      %add3A_199 = arith.constant 3 : i32
      %add3A_200 = arith.addi %mul3A_198, %add3A_199 : i32
      %dma_start3A_201 = arith.constant 256 : i32
      %dma_start3A_202 = tpu.memref_slice %arg6[%add3A_200, %dma_start3A_201] : memref<128x300xf32, #tpu.memory_space<vmem>> -> memref<1x44xf32, #tpu.memory_space<vmem>>
      %dma_start3A_203 = arith.constant 256 : i32
      %dma_start3A_204 = tpu.memref_slice %arg3[%reduce_sum3A_196, %dma_start3A_203] : memref<1000000x300xf32, #tpu.memory_space<hbm>> -> memref<1x44xf32, #tpu.memory_space<hbm>>
      %dma_start3A_205 = arith.constant 256 : i32
      %dma_start3A_206 = tpu.memref_slice %arg6[%add3A_200, %dma_start3A_205] : memref<128x300xf32, #tpu.memory_space<vmem>> -> memref<1x44xf32, #tpu.memory_space<vmem>>
      %dma_start3A_207 = arith.constant 256 : i32
      %dma_start3A_208 = tpu.memref_slice %arg3[%reduce_sum3A_196, %dma_start3A_207] : memref<1000000x300xf32, #tpu.memory_space<hbm>> -> memref<1x44xf32, #tpu.memory_space<hbm>>
      tpu.enqueue_dma source(%dma_start3A_208 : memref<1x44xf32, #tpu.memory_space<hbm>>) target(%dma_start3A_206 : memref<1x44xf32, #tpu.memory_space<vmem>>) target_semaphore(%arg8 : memref<!tpu.dma_semaphore, #tpu.memory_space<semaphore_mem>>)
      %eq3A_209 = arith.constant 4 : i32
      %eq3A_210 = vector.broadcast %eq3A_209 : i32 to vector<16xi32>
      %eq3A_211 = arith.cmpi eq, %iota3A, %eq3A_210 : vector<16xi32>
      %jit3A_212 = arith.constant 0 : i32
      %broadcast_in_dim3A_213 = vector.broadcast %jit3A_212 : i32 to vector<16xi32>
      %select_n3A_214 = arith.select %eq3A_211, %get3A_125, %broadcast_in_dim3A_213 : vector<16xi1>, vector<16xi32>
      %reduce_sum3A_215 = arith.constant true
      %reduce_sum3A_216 = vector.broadcast %reduce_sum3A_215 : i1 to vector<16xi1>
      %reduce_sum3A_217 = tpu.scan <sum>, %select_n3A_214 masked %reduce_sum3A_216 : vector<16xi32>, vector<16xi1> -> vector<16xi32>
      %reduce_sum3A_218 = vector.extract %reduce_sum3A_217[15] : i32 from vector<16xi32>
      %mul3A_219 = arith.constant 16 : i32
      %mul3A_220 = arith.muli %scan3A_120, %mul3A_219 : i32
      %add3A_221 = arith.constant 4 : i32
      %add3A_222 = arith.addi %mul3A_220, %add3A_221 : i32
      %dma_start3A_223 = arith.constant 256 : i32
      %dma_start3A_224 = tpu.memref_slice %arg6[%add3A_222, %dma_start3A_223] : memref<128x300xf32, #tpu.memory_space<vmem>> -> memref<1x44xf32, #tpu.memory_space<vmem>>
      %dma_start3A_225 = arith.constant 256 : i32
      %dma_start3A_226 = tpu.memref_slice %arg3[%reduce_sum3A_218, %dma_start3A_225] : memref<1000000x300xf32, #tpu.memory_space<hbm>> -> memref<1x44xf32, #tpu.memory_space<hbm>>
      %dma_start3A_227 = arith.constant 256 : i32
      %dma_start3A_228 = tpu.memref_slice %arg6[%add3A_222, %dma_start3A_227] : memref<128x300xf32, #tpu.memory_space<vmem>> -> memref<1x44xf32, #tpu.memory_space<vmem>>
      %dma_start3A_229 = arith.constant 256 : i32
      %dma_start3A_230 = tpu.memref_slice %arg3[%reduce_sum3A_218, %dma_start3A_229] : memref<1000000x300xf32, #tpu.memory_space<hbm>> -> memref<1x44xf32, #tpu.memory_space<hbm>>
      tpu.enqueue_dma source(%dma_start3A_230 : memref<1x44xf32, #tpu.memory_space<hbm>>) target(%dma_start3A_228 : memref<1x44xf32, #tpu.memory_space<vmem>>) target_semaphore(%arg8 : memref<!tpu.dma_semaphore, #tpu.memory_space<semaphore_mem>>)
      %eq3A_231 = arith.constant 5 : i32
      %eq3A_232 = vector.broadcast %eq3A_231 : i32 to vector<16xi32>
      %eq3A_233 = arith.cmpi eq, %iota3A, %eq3A_232 : vector<16xi32>
      %jit3A_234 = arith.constant 0 : i32
      %broadcast_in_dim3A_235 = vector.broadcast %jit3A_234 : i32 to vector<16xi32>
      %select_n3A_236 = arith.select %eq3A_233, %get3A_125, %broadcast_in_dim3A_235 : vector<16xi1>, vector<16xi32>
      %reduce_sum3A_237 = arith.constant true
      %reduce_sum3A_238 = vector.broadcast %reduce_sum3A_237 : i1 to vector<16xi1>
      %reduce_sum3A_239 = tpu.scan <sum>, %select_n3A_236 masked %reduce_sum3A_238 : vector<16xi32>, vector<16xi1> -> vector<16xi32>
      %reduce_sum3A_240 = vector.extract %reduce_sum3A_239[15] : i32 from vector<16xi32>
      %mul3A_241 = arith.constant 16 : i32
      %mul3A_242 = arith.muli %scan3A_120, %mul3A_241 : i32
      %add3A_243 = arith.constant 5 : i32
      %add3A_244 = arith.addi %mul3A_242, %add3A_243 : i32
      %dma_start3A_245 = arith.constant 256 : i32
      %dma_start3A_246 = tpu.memref_slice %arg6[%add3A_244, %dma_start3A_245] : memref<128x300xf32, #tpu.memory_space<vmem>> -> memref<1x44xf32, #tpu.memory_space<vmem>>
      %dma_start3A_247 = arith.constant 256 : i32
      %dma_start3A_248 = tpu.memref_slice %arg3[%reduce_sum3A_240, %dma_start3A_247] : memref<1000000x300xf32, #tpu.memory_space<hbm>> -> memref<1x44xf32, #tpu.memory_space<hbm>>
      %dma_start3A_249 = arith.constant 256 : i32
      %dma_start3A_250 = tpu.memref_slice %arg6[%add3A_244, %dma_start3A_249] : memref<128x300xf32, #tpu.memory_space<vmem>> -> memref<1x44xf32, #tpu.memory_space<vmem>>
      %dma_start3A_251 = arith.constant 256 : i32
      %dma_start3A_252 = tpu.memref_slice %arg3[%reduce_sum3A_240, %dma_start3A_251] : memref<1000000x300xf32, #tpu.memory_space<hbm>> -> memref<1x44xf32, #tpu.memory_space<hbm>>
      tpu.enqueue_dma source(%dma_start3A_252 : memref<1x44xf32, #tpu.memory_space<hbm>>) target(%dma_start3A_250 : memref<1x44xf32, #tpu.memory_space<vmem>>) target_semaphore(%arg8 : memref<!tpu.dma_semaphore, #tpu.memory_space<semaphore_mem>>)
      %eq3A_253 = arith.constant 6 : i32
      %eq3A_254 = vector.broadcast %eq3A_253 : i32 to vector<16xi32>
      %eq3A_255 = arith.cmpi eq, %iota3A, %eq3A_254 : vector<16xi32>
      %jit3A_256 = arith.constant 0 : i32
      %broadcast_in_dim3A_257 = vector.broadcast %jit3A_256 : i32 to vector<16xi32>
      %select_n3A_258 = arith.select %eq3A_255, %get3A_125, %broadcast_in_dim3A_257 : vector<16xi1>, vector<16xi32>
      %reduce_sum3A_259 = arith.constant true
      %reduce_sum3A_260 = vector.broadcast %reduce_sum3A_259 : i1 to vector<16xi1>
      %reduce_sum3A_261 = tpu.scan <sum>, %select_n3A_258 masked %reduce_sum3A_260 : vector<16xi32>, vector<16xi1> -> vector<16xi32>
      %reduce_sum3A_262 = vector.extract %reduce_sum3A_261[15] : i32 from vector<16xi32>
      %mul3A_263 = arith.constant 16 : i32
      %mul3A_264 = arith.muli %scan3A_120, %mul3A_263 : i32
      %add3A_265 = arith.constant 6 : i32
      %add3A_266 = arith.addi %mul3A_264, %add3A_265 : i32
      %dma_start3A_267 = arith.constant 256 : i32
      %dma_start3A_268 = tpu.memref_slice %arg6[%add3A_266, %dma_start3A_267] : memref<128x300xf32, #tpu.memory_space<vmem>> -> memref<1x44xf32, #tpu.memory_space<vmem>>
      %dma_start3A_269 = arith.constant 256 : i32
      %dma_start3A_270 = tpu.memref_slice %arg3[%reduce_sum3A_262, %dma_start3A_269] : memref<1000000x300xf32, #tpu.memory_space<hbm>> -> memref<1x44xf32, #tpu.memory_space<hbm>>
      %dma_start3A_271 = arith.constant 256 : i32
      %dma_start3A_272 = tpu.memref_slice %arg6[%add3A_266, %dma_start3A_271] : memref<128x300xf32, #tpu.memory_space<vmem>> -> memref<1x44xf32, #tpu.memory_space<vmem>>
      %dma_start3A_273 = arith.constant 256 : i32
      %dma_start3A_274 = tpu.memref_slice %arg3[%reduce_sum3A_262, %dma_start3A_273] : memref<1000000x300xf32, #tpu.memory_space<hbm>> -> memref<1x44xf32, #tpu.memory_space<hbm>>
      tpu.enqueue_dma source(%dma_start3A_274 : memref<1x44xf32, #tpu.memory_space<hbm>>) target(%dma_start3A_272 : memref<1x44xf32, #tpu.memory_space<vmem>>) target_semaphore(%arg8 : memref<!tpu.dma_semaphore, #tpu.memory_space<semaphore_mem>>)
      %eq3A_275 = arith.constant 7 : i32
      %eq3A_276 = vector.broadcast %eq3A_275 : i32 to vector<16xi32>
      %eq3A_277 = arith.cmpi eq, %iota3A, %eq3A_276 : vector<16xi32>
      %jit3A_278 = arith.constant 0 : i32
      %broadcast_in_dim3A_279 = vector.broadcast %jit3A_278 : i32 to vector<16xi32>
      %select_n3A_280 = arith.select %eq3A_277, %get3A_125, %broadcast_in_dim3A_279 : vector<16xi1>, vector<16xi32>
      %reduce_sum3A_281 = arith.constant true
      %reduce_sum3A_282 = vector.broadcast %reduce_sum3A_281 : i1 to vector<16xi1>
      %reduce_sum3A_283 = tpu.scan <sum>, %select_n3A_280 masked %reduce_sum3A_282 : vector<16xi32>, vector<16xi1> -> vector<16xi32>
      %reduce_sum3A_284 = vector.extract %reduce_sum3A_283[15] : i32 from vector<16xi32>
      %mul3A_285 = arith.constant 16 : i32
      %mul3A_286 = arith.muli %scan3A_120, %mul3A_285 : i32
      %add3A_287 = arith.constant 7 : i32
      %add3A_288 = arith.addi %mul3A_286, %add3A_287 : i32
      %dma_start3A_289 = arith.constant 256 : i32
      %dma_start3A_290 = tpu.memref_slice %arg6[%add3A_288, %dma_start3A_289] : memref<128x300xf32, #tpu.memory_space<vmem>> -> memref<1x44xf32, #tpu.memory_space<vmem>>
      %dma_start3A_291 = arith.constant 256 : i32
      %dma_start3A_292 = tpu.memref_slice %arg3[%reduce_sum3A_284, %dma_start3A_291] : memref<1000000x300xf32, #tpu.memory_space<hbm>> -> memref<1x44xf32, #tpu.memory_space<hbm>>
      %dma_start3A_293 = arith.constant 256 : i32
      %dma_start3A_294 = tpu.memref_slice %arg6[%add3A_288, %dma_start3A_293] : memref<128x300xf32, #tpu.memory_space<vmem>> -> memref<1x44xf32, #tpu.memory_space<vmem>>
      %dma_start3A_295 = arith.constant 256 : i32
      %dma_start3A_296 = tpu.memref_slice %arg3[%reduce_sum3A_284, %dma_start3A_295] : memref<1000000x300xf32, #tpu.memory_space<hbm>> -> memref<1x44xf32, #tpu.memory_space<hbm>>
      tpu.enqueue_dma source(%dma_start3A_296 : memref<1x44xf32, #tpu.memory_space<hbm>>) target(%dma_start3A_294 : memref<1x44xf32, #tpu.memory_space<vmem>>) target_semaphore(%arg8 : memref<!tpu.dma_semaphore, #tpu.memory_space<semaphore_mem>>)
      %eq3A_297 = arith.constant 8 : i32
      %eq3A_298 = vector.broadcast %eq3A_297 : i32 to vector<16xi32>
      %eq3A_299 = arith.cmpi eq, %iota3A, %eq3A_298 : vector<16xi32>
      %jit3A_300 = arith.constant 0 : i32
      %broadcast_in_dim3A_301 = vector.broadcast %jit3A_300 : i32 to vector<16xi32>
      %select_n3A_302 = arith.select %eq3A_299, %get3A_125, %broadcast_in_dim3A_301 : vector<16xi1>, vector<16xi32>
      %reduce_sum3A_303 = arith.constant true
      %reduce_sum3A_304 = vector.broadcast %reduce_sum3A_303 : i1 to vector<16xi1>
      %reduce_sum3A_305 = tpu.scan <sum>, %select_n3A_302 masked %reduce_sum3A_304 : vector<16xi32>, vector<16xi1> -> vector<16xi32>
      %reduce_sum3A_306 = vector.extract %reduce_sum3A_305[15] : i32 from vector<16xi32>
      %mul3A_307 = arith.constant 16 : i32
      %mul3A_308 = arith.muli %scan3A_120, %mul3A_307 : i32
      %add3A_309 = arith.constant 8 : i32
      %add3A_310 = arith.addi %mul3A_308, %add3A_309 : i32
      %dma_start3A_311 = arith.constant 256 : i32
      %dma_start3A_312 = tpu.memref_slice %arg6[%add3A_310, %dma_start3A_311] : memref<128x300xf32, #tpu.memory_space<vmem>> -> memref<1x44xf32, #tpu.memory_space<vmem>>
      %dma_start3A_313 = arith.constant 256 : i32
      %dma_start3A_314 = tpu.memref_slice %arg3[%reduce_sum3A_306, %dma_start3A_313] : memref<1000000x300xf32, #tpu.memory_space<hbm>> -> memref<1x44xf32, #tpu.memory_space<hbm>>
      %dma_start3A_315 = arith.constant 256 : i32
      %dma_start3A_316 = tpu.memref_slice %arg6[%add3A_310, %dma_start3A_315] : memref<128x300xf32, #tpu.memory_space<vmem>> -> memref<1x44xf32, #tpu.memory_space<vmem>>
      %dma_start3A_317 = arith.constant 256 : i32
      %dma_start3A_318 = tpu.memref_slice %arg3[%reduce_sum3A_306, %dma_start3A_317] : memref<1000000x300xf32, #tpu.memory_space<hbm>> -> memref<1x44xf32, #tpu.memory_space<hbm>>
      tpu.enqueue_dma source(%dma_start3A_318 : memref<1x44xf32, #tpu.memory_space<hbm>>) target(%dma_start3A_316 : memref<1x44xf32, #tpu.memory_space<vmem>>) target_semaphore(%arg8 : memref<!tpu.dma_semaphore, #tpu.memory_space<semaphore_mem>>)
      %eq3A_319 = arith.constant 9 : i32
      %eq3A_320 = vector.broadcast %eq3A_319 : i32 to vector<16xi32>
      %eq3A_321 = arith.cmpi eq, %iota3A, %eq3A_320 : vector<16xi32>
      %jit3A_322 = arith.constant 0 : i32
      %broadcast_in_dim3A_323 = vector.broadcast %jit3A_322 : i32 to vector<16xi32>
      %select_n3A_324 = arith.select %eq3A_321, %get3A_125, %broadcast_in_dim3A_323 : vector<16xi1>, vector<16xi32>
      %reduce_sum3A_325 = arith.constant true
      %reduce_sum3A_326 = vector.broadcast %reduce_sum3A_325 : i1 to vector<16xi1>
      %reduce_sum3A_327 = tpu.scan <sum>, %select_n3A_324 masked %reduce_sum3A_326 : vector<16xi32>, vector<16xi1> -> vector<16xi32>
      %reduce_sum3A_328 = vector.extract %reduce_sum3A_327[15] : i32 from vector<16xi32>
      %mul3A_329 = arith.constant 16 : i32
      %mul3A_330 = arith.muli %scan3A_120, %mul3A_329 : i32
      %add3A_331 = arith.constant 9 : i32
      %add3A_332 = arith.addi %mul3A_330, %add3A_331 : i32
      %dma_start3A_333 = arith.constant 256 : i32
      %dma_start3A_334 = tpu.memref_slice %arg6[%add3A_332, %dma_start3A_333] : memref<128x300xf32, #tpu.memory_space<vmem>> -> memref<1x44xf32, #tpu.memory_space<vmem>>
      %dma_start3A_335 = arith.constant 256 : i32
      %dma_start3A_336 = tpu.memref_slice %arg3[%reduce_sum3A_328, %dma_start3A_335] : memref<1000000x300xf32, #tpu.memory_space<hbm>> -> memref<1x44xf32, #tpu.memory_space<hbm>>
      %dma_start3A_337 = arith.constant 256 : i32
      %dma_start3A_338 = tpu.memref_slice %arg6[%add3A_332, %dma_start3A_337] : memref<128x300xf32, #tpu.memory_space<vmem>> -> memref<1x44xf32, #tpu.memory_space<vmem>>
      %dma_start3A_339 = arith.constant 256 : i32
      %dma_start3A_340 = tpu.memref_slice %arg3[%reduce_sum3A_328, %dma_start3A_339] : memref<1000000x300xf32, #tpu.memory_space<hbm>> -> memref<1x44xf32, #tpu.memory_space<hbm>>
      tpu.enqueue_dma source(%dma_start3A_340 : memref<1x44xf32, #tpu.memory_space<hbm>>) target(%dma_start3A_338 : memref<1x44xf32, #tpu.memory_space<vmem>>) target_semaphore(%arg8 : memref<!tpu.dma_semaphore, #tpu.memory_space<semaphore_mem>>)
      %eq3A_341 = arith.constant 10 : i32
      %eq3A_342 = vector.broadcast %eq3A_341 : i32 to vector<16xi32>
      %eq3A_343 = arith.cmpi eq, %iota3A, %eq3A_342 : vector<16xi32>
      %jit3A_344 = arith.constant 0 : i32
      %broadcast_in_dim3A_345 = vector.broadcast %jit3A_344 : i32 to vector<16xi32>
      %select_n3A_346 = arith.select %eq3A_343, %get3A_125, %broadcast_in_dim3A_345 : vector<16xi1>, vector<16xi32>
      %reduce_sum3A_347 = arith.constant true
      %reduce_sum3A_348 = vector.broadcast %reduce_sum3A_347 : i1 to vector<16xi1>
      %reduce_sum3A_349 = tpu.scan <sum>, %select_n3A_346 masked %reduce_sum3A_348 : vector<16xi32>, vector<16xi1> -> vector<16xi32>
      %reduce_sum3A_350 = vector.extract %reduce_sum3A_349[15] : i32 from vector<16xi32>
      %mul3A_351 = arith.constant 16 : i32
      %mul3A_352 = arith.muli %scan3A_120, %mul3A_351 : i32
      %add3A_353 = arith.constant 10 : i32
      %add3A_354 = arith.addi %mul3A_352, %add3A_353 : i32
      %dma_start3A_355 = arith.constant 256 : i32
      %dma_start3A_356 = tpu.memref_slice %arg6[%add3A_354, %dma_start3A_355] : memref<128x300xf32, #tpu.memory_space<vmem>> -> memref<1x44xf32, #tpu.memory_space<vmem>>
      %dma_start3A_357 = arith.constant 256 : i32
      %dma_start3A_358 = tpu.memref_slice %arg3[%reduce_sum3A_350, %dma_start3A_357] : memref<1000000x300xf32, #tpu.memory_space<hbm>> -> memref<1x44xf32, #tpu.memory_space<hbm>>
      %dma_start3A_359 = arith.constant 256 : i32
      %dma_start3A_360 = tpu.memref_slice %arg6[%add3A_354, %dma_start3A_359] : memref<128x300xf32, #tpu.memory_space<vmem>> -> memref<1x44xf32, #tpu.memory_space<vmem>>
      %dma_start3A_361 = arith.constant 256 : i32
      %dma_start3A_362 = tpu.memref_slice %arg3[%reduce_sum3A_350, %dma_start3A_361] : memref<1000000x300xf32, #tpu.memory_space<hbm>> -> memref<1x44xf32, #tpu.memory_space<hbm>>
      tpu.enqueue_dma source(%dma_start3A_362 : memref<1x44xf32, #tpu.memory_space<hbm>>) target(%dma_start3A_360 : memref<1x44xf32, #tpu.memory_space<vmem>>) target_semaphore(%arg8 : memref<!tpu.dma_semaphore, #tpu.memory_space<semaphore_mem>>)
      %eq3A_363 = arith.constant 11 : i32
      %eq3A_364 = vector.broadcast %eq3A_363 : i32 to vector<16xi32>
      %eq3A_365 = arith.cmpi eq, %iota3A, %eq3A_364 : vector<16xi32>
      %jit3A_366 = arith.constant 0 : i32
      %broadcast_in_dim3A_367 = vector.broadcast %jit3A_366 : i32 to vector<16xi32>
      %select_n3A_368 = arith.select %eq3A_365, %get3A_125, %broadcast_in_dim3A_367 : vector<16xi1>, vector<16xi32>
      %reduce_sum3A_369 = arith.constant true
      %reduce_sum3A_370 = vector.broadcast %reduce_sum3A_369 : i1 to vector<16xi1>
      %reduce_sum3A_371 = tpu.scan <sum>, %select_n3A_368 masked %reduce_sum3A_370 : vector<16xi32>, vector<16xi1> -> vector<16xi32>
      %reduce_sum3A_372 = vector.extract %reduce_sum3A_371[15] : i32 from vector<16xi32>
      %mul3A_373 = arith.constant 16 : i32
      %mul3A_374 = arith.muli %scan3A_120, %mul3A_373 : i32
      %add3A_375 = arith.constant 11 : i32
      %add3A_376 = arith.addi %mul3A_374, %add3A_375 : i32
      %dma_start3A_377 = arith.constant 256 : i32
      %dma_start3A_378 = tpu.memref_slice %arg6[%add3A_376, %dma_start3A_377] : memref<128x300xf32, #tpu.memory_space<vmem>> -> memref<1x44xf32, #tpu.memory_space<vmem>>
      %dma_start3A_379 = arith.constant 256 : i32
      %dma_start3A_380 = tpu.memref_slice %arg3[%reduce_sum3A_372, %dma_start3A_379] : memref<1000000x300xf32, #tpu.memory_space<hbm>> -> memref<1x44xf32, #tpu.memory_space<hbm>>
      %dma_start3A_381 = arith.constant 256 : i32
      %dma_start3A_382 = tpu.memref_slice %arg6[%add3A_376, %dma_start3A_381] : memref<128x300xf32, #tpu.memory_space<vmem>> -> memref<1x44xf32, #tpu.memory_space<vmem>>
      %dma_start3A_383 = arith.constant 256 : i32
      %dma_start3A_384 = tpu.memref_slice %arg3[%reduce_sum3A_372, %dma_start3A_383] : memref<1000000x300xf32, #tpu.memory_space<hbm>> -> memref<1x44xf32, #tpu.memory_space<hbm>>
      tpu.enqueue_dma source(%dma_start3A_384 : memref<1x44xf32, #tpu.memory_space<hbm>>) target(%dma_start3A_382 : memref<1x44xf32, #tpu.memory_space<vmem>>) target_semaphore(%arg8 : memref<!tpu.dma_semaphore, #tpu.memory_space<semaphore_mem>>)
      %eq3A_385 = arith.constant 12 : i32
      %eq3A_386 = vector.broadcast %eq3A_385 : i32 to vector<16xi32>
      %eq3A_387 = arith.cmpi eq, %iota3A, %eq3A_386 : vector<16xi32>
      %jit3A_388 = arith.constant 0 : i32
      %broadcast_in_dim3A_389 = vector.broadcast %jit3A_388 : i32 to vector<16xi32>
      %select_n3A_390 = arith.select %eq3A_387, %get3A_125, %broadcast_in_dim3A_389 : vector<16xi1>, vector<16xi32>
      %reduce_sum3A_391 = arith.constant true
      %reduce_sum3A_392 = vector.broadcast %reduce_sum3A_391 : i1 to vector<16xi1>
      %reduce_sum3A_393 = tpu.scan <sum>, %select_n3A_390 masked %reduce_sum3A_392 : vector<16xi32>, vector<16xi1> -> vector<16xi32>
      %reduce_sum3A_394 = vector.extract %reduce_sum3A_393[15] : i32 from vector<16xi32>
      %mul3A_395 = arith.constant 16 : i32
      %mul3A_396 = arith.muli %scan3A_120, %mul3A_395 : i32
      %add3A_397 = arith.constant 12 : i32
      %add3A_398 = arith.addi %mul3A_396, %add3A_397 : i32
      %dma_start3A_399 = arith.constant 256 : i32
      %dma_start3A_400 = tpu.memref_slice %arg6[%add3A_398, %dma_start3A_399] : memref<128x300xf32, #tpu.memory_space<vmem>> -> memref<1x44xf32, #tpu.memory_space<vmem>>
      %dma_start3A_401 = arith.constant 256 : i32
      %dma_start3A_402 = tpu.memref_slice %arg3[%reduce_sum3A_394, %dma_start3A_401] : memref<1000000x300xf32, #tpu.memory_space<hbm>> -> memref<1x44xf32, #tpu.memory_space<hbm>>
      %dma_start3A_403 = arith.constant 256 : i32
      %dma_start3A_404 = tpu.memref_slice %arg6[%add3A_398, %dma_start3A_403] : memref<128x300xf32, #tpu.memory_space<vmem>> -> memref<1x44xf32, #tpu.memory_space<vmem>>
      %dma_start3A_405 = arith.constant 256 : i32
      %dma_start3A_406 = tpu.memref_slice %arg3[%reduce_sum3A_394, %dma_start3A_405] : memref<1000000x300xf32, #tpu.memory_space<hbm>> -> memref<1x44xf32, #tpu.memory_space<hbm>>
      tpu.enqueue_dma source(%dma_start3A_406 : memref<1x44xf32, #tpu.memory_space<hbm>>) target(%dma_start3A_404 : memref<1x44xf32, #tpu.memory_space<vmem>>) target_semaphore(%arg8 : memref<!tpu.dma_semaphore, #tpu.memory_space<semaphore_mem>>)
      %eq3A_407 = arith.constant 13 : i32
      %eq3A_408 = vector.broadcast %eq3A_407 : i32 to vector<16xi32>
      %eq3A_409 = arith.cmpi eq, %iota3A, %eq3A_408 : vector<16xi32>
      %jit3A_410 = arith.constant 0 : i32
      %broadcast_in_dim3A_411 = vector.broadcast %jit3A_410 : i32 to vector<16xi32>
      %select_n3A_412 = arith.select %eq3A_409, %get3A_125, %broadcast_in_dim3A_411 : vector<16xi1>, vector<16xi32>
      %reduce_sum3A_413 = arith.constant true
      %reduce_sum3A_414 = vector.broadcast %reduce_sum3A_413 : i1 to vector<16xi1>
      %reduce_sum3A_415 = tpu.scan <sum>, %select_n3A_412 masked %reduce_sum3A_414 : vector<16xi32>, vector<16xi1> -> vector<16xi32>
      %reduce_sum3A_416 = vector.extract %reduce_sum3A_415[15] : i32 from vector<16xi32>
      %mul3A_417 = arith.constant 16 : i32
      %mul3A_418 = arith.muli %scan3A_120, %mul3A_417 : i32
      %add3A_419 = arith.constant 13 : i32
      %add3A_420 = arith.addi %mul3A_418, %add3A_419 : i32
      %dma_start3A_421 = arith.constant 256 : i32
      %dma_start3A_422 = tpu.memref_slice %arg6[%add3A_420, %dma_start3A_421] : memref<128x300xf32, #tpu.memory_space<vmem>> -> memref<1x44xf32, #tpu.memory_space<vmem>>
      %dma_start3A_423 = arith.constant 256 : i32
      %dma_start3A_424 = tpu.memref_slice %arg3[%reduce_sum3A_416, %dma_start3A_423] : memref<1000000x300xf32, #tpu.memory_space<hbm>> -> memref<1x44xf32, #tpu.memory_space<hbm>>
      %dma_start3A_425 = arith.constant 256 : i32
      %dma_start3A_426 = tpu.memref_slice %arg6[%add3A_420, %dma_start3A_425] : memref<128x300xf32, #tpu.memory_space<vmem>> -> memref<1x44xf32, #tpu.memory_space<vmem>>
      %dma_start3A_427 = arith.constant 256 : i32
      %dma_start3A_428 = tpu.memref_slice %arg3[%reduce_sum3A_416, %dma_start3A_427] : memref<1000000x300xf32, #tpu.memory_space<hbm>> -> memref<1x44xf32, #tpu.memory_space<hbm>>
      tpu.enqueue_dma source(%dma_start3A_428 : memref<1x44xf32, #tpu.memory_space<hbm>>) target(%dma_start3A_426 : memref<1x44xf32, #tpu.memory_space<vmem>>) target_semaphore(%arg8 : memref<!tpu.dma_semaphore, #tpu.memory_space<semaphore_mem>>)
      %eq3A_429 = arith.constant 14 : i32
      %eq3A_430 = vector.broadcast %eq3A_429 : i32 to vector<16xi32>
      %eq3A_431 = arith.cmpi eq, %iota3A, %eq3A_430 : vector<16xi32>
      %jit3A_432 = arith.constant 0 : i32
      %broadcast_in_dim3A_433 = vector.broadcast %jit3A_432 : i32 to vector<16xi32>
      %select_n3A_434 = arith.select %eq3A_431, %get3A_125, %broadcast_in_dim3A_433 : vector<16xi1>, vector<16xi32>
      %reduce_sum3A_435 = arith.constant true
      %reduce_sum3A_436 = vector.broadcast %reduce_sum3A_435 : i1 to vector<16xi1>
      %reduce_sum3A_437 = tpu.scan <sum>, %select_n3A_434 masked %reduce_sum3A_436 : vector<16xi32>, vector<16xi1> -> vector<16xi32>
      %reduce_sum3A_438 = vector.extract %reduce_sum3A_437[15] : i32 from vector<16xi32>
      %mul3A_439 = arith.constant 16 : i32
      %mul3A_440 = arith.muli %scan3A_120, %mul3A_439 : i32
      %add3A_441 = arith.constant 14 : i32
      %add3A_442 = arith.addi %mul3A_440, %add3A_441 : i32
      %dma_start3A_443 = arith.constant 256 : i32
      %dma_start3A_444 = tpu.memref_slice %arg6[%add3A_442, %dma_start3A_443] : memref<128x300xf32, #tpu.memory_space<vmem>> -> memref<1x44xf32, #tpu.memory_space<vmem>>
      %dma_start3A_445 = arith.constant 256 : i32
      %dma_start3A_446 = tpu.memref_slice %arg3[%reduce_sum3A_438, %dma_start3A_445] : memref<1000000x300xf32, #tpu.memory_space<hbm>> -> memref<1x44xf32, #tpu.memory_space<hbm>>
      %dma_start3A_447 = arith.constant 256 : i32
      %dma_start3A_448 = tpu.memref_slice %arg6[%add3A_442, %dma_start3A_447] : memref<128x300xf32, #tpu.memory_space<vmem>> -> memref<1x44xf32, #tpu.memory_space<vmem>>
      %dma_start3A_449 = arith.constant 256 : i32
      %dma_start3A_450 = tpu.memref_slice %arg3[%reduce_sum3A_438, %dma_start3A_449] : memref<1000000x300xf32, #tpu.memory_space<hbm>> -> memref<1x44xf32, #tpu.memory_space<hbm>>
      tpu.enqueue_dma source(%dma_start3A_450 : memref<1x44xf32, #tpu.memory_space<hbm>>) target(%dma_start3A_448 : memref<1x44xf32, #tpu.memory_space<vmem>>) target_semaphore(%arg8 : memref<!tpu.dma_semaphore, #tpu.memory_space<semaphore_mem>>)
      %eq3A_451 = arith.constant 15 : i32
      %eq3A_452 = vector.broadcast %eq3A_451 : i32 to vector<16xi32>
      %eq3A_453 = arith.cmpi eq, %iota3A, %eq3A_452 : vector<16xi32>
      %jit3A_454 = arith.constant 0 : i32
      %broadcast_in_dim3A_455 = vector.broadcast %jit3A_454 : i32 to vector<16xi32>
      %select_n3A_456 = arith.select %eq3A_453, %get3A_125, %broadcast_in_dim3A_455 : vector<16xi1>, vector<16xi32>
      %reduce_sum3A_457 = arith.constant true
      %reduce_sum3A_458 = vector.broadcast %reduce_sum3A_457 : i1 to vector<16xi1>
      %reduce_sum3A_459 = tpu.scan <sum>, %select_n3A_456 masked %reduce_sum3A_458 : vector<16xi32>, vector<16xi1> -> vector<16xi32>
      %reduce_sum3A_460 = vector.extract %reduce_sum3A_459[15] : i32 from vector<16xi32>
      %mul3A_461 = arith.constant 16 : i32
      %mul3A_462 = arith.muli %scan3A_120, %mul3A_461 : i32
      %add3A_463 = arith.constant 15 : i32
      %add3A_464 = arith.addi %mul3A_462, %add3A_463 : i32
      %dma_start3A_465 = arith.constant 256 : i32
      %dma_start3A_466 = tpu.memref_slice %arg6[%add3A_464, %dma_start3A_465] : memref<128x300xf32, #tpu.memory_space<vmem>> -> memref<1x44xf32, #tpu.memory_space<vmem>>
      %dma_start3A_467 = arith.constant 256 : i32
      %dma_start3A_468 = tpu.memref_slice %arg3[%reduce_sum3A_460, %dma_start3A_467] : memref<1000000x300xf32, #tpu.memory_space<hbm>> -> memref<1x44xf32, #tpu.memory_space<hbm>>
      %dma_start3A_469 = arith.constant 256 : i32
      %dma_start3A_470 = tpu.memref_slice %arg6[%add3A_464, %dma_start3A_469] : memref<128x300xf32, #tpu.memory_space<vmem>> -> memref<1x44xf32, #tpu.memory_space<vmem>>
      %dma_start3A_471 = arith.constant 256 : i32
      %dma_start3A_472 = tpu.memref_slice %arg3[%reduce_sum3A_460, %dma_start3A_471] : memref<1000000x300xf32, #tpu.memory_space<hbm>> -> memref<1x44xf32, #tpu.memory_space<hbm>>
      tpu.enqueue_dma source(%dma_start3A_472 : memref<1x44xf32, #tpu.memory_space<hbm>>) target(%dma_start3A_470 : memref<1x44xf32, #tpu.memory_space<vmem>>) target_semaphore(%arg8 : memref<!tpu.dma_semaphore, #tpu.memory_space<semaphore_mem>>)
    }
    %scan3A_22 = arith.constant 8 : i32
    %dma_start3A_23 = arith.constant 0 : i32
    %dma_start3A_24 = arith.constant 0 : i32
    %dma_start3A_25 = tpu.memref_slice %arg7[%dma_start3A_23, %dma_start3A_24] : memref<128x300xf32, #tpu.memory_space<vmem>> -> memref<128x128xf32, #tpu.memory_space<vmem>>
    %dma_start3A_26 = arith.constant 128 : i32
    %dma_start3A_27 = tpu.memref_slice %arg5[%dma_start3A_26] : memref<512xi32, #tpu.memory_space<vmem>> -> memref<128xi32, #tpu.memory_space<vmem>>
    %dma_start3A_28 = arith.constant 0 : i32
    %dma_start3A_29 = arith.constant 0 : i32
    %dma_start3A_30 = tpu.memref_slice %arg3[%dma_start3A_28, %dma_start3A_29] : memref<1000000x300xf32, #tpu.memory_space<hbm>> -> memref<1000000x128xf32, #tpu.memory_space<hbm>>
    tpu.enqueue_indirect_dma source(%dma_start3A_30 : memref<1000000x128xf32, #tpu.memory_space<hbm>>) target(%dma_start3A_25 : memref<128x128xf32, #tpu.memory_space<vmem>>) offsets(%dma_start3A_27 : memref<128xi32, #tpu.memory_space<vmem>>) semaphore(%arg9 : memref<!tpu.dma_semaphore, #tpu.memory_space<semaphore_mem>>)
    %dma_start3A_31 = arith.constant 0 : i32
    %dma_start3A_32 = arith.constant 128 : i32
    %dma_start3A_33 = tpu.memref_slice %arg7[%dma_start3A_31, %dma_start3A_32] : memref<128x300xf32, #tpu.memory_space<vmem>> -> memref<128x128xf32, #tpu.memory_space<vmem>>
    %dma_start3A_34 = arith.constant 128 : i32
    %dma_start3A_35 = tpu.memref_slice %arg5[%dma_start3A_34] : memref<512xi32, #tpu.memory_space<vmem>> -> memref<128xi32, #tpu.memory_space<vmem>>
    %dma_start3A_36 = arith.constant 0 : i32
    %dma_start3A_37 = arith.constant 128 : i32
    %dma_start3A_38 = tpu.memref_slice %arg3[%dma_start3A_36, %dma_start3A_37] : memref<1000000x300xf32, #tpu.memory_space<hbm>> -> memref<1000000x128xf32, #tpu.memory_space<hbm>>
    tpu.enqueue_indirect_dma source(%dma_start3A_38 : memref<1000000x128xf32, #tpu.memory_space<hbm>>) target(%dma_start3A_33 : memref<128x128xf32, #tpu.memory_space<vmem>>) offsets(%dma_start3A_35 : memref<128xi32, #tpu.memory_space<vmem>>) semaphore(%arg9 : memref<!tpu.dma_semaphore, #tpu.memory_space<semaphore_mem>>)
    %scan3A_39 = arith.constant 0 : i32
    %scan3A_40 = arith.constant 0 : i32
    %scan3A_41 = arith.constant 8 : i32
    %scan3A_42 = arith.addi %scan3A_40, %scan3A_41 : i32
    %scan3A_43 = arith.constant 1 : i32
    scf.for %scan3A_120 = %scan3A_40 to %scan3A_42 step %scan3A_43  : i32 {
      %mul3A_121 = arith.constant 16 : i32
      %mul3A_122 = arith.muli %scan3A_120, %mul3A_121 : i32
      %add3A_123 = arith.constant 128 : i32
      %add3A_124 = arith.addi %add3A_123, %mul3A_122 : i32
      %get3A = arith.index_cast %add3A_124 : i32 to index
      %get3A_125 = tpu.vector_load %arg5[%get3A] {strides = array<i32>} : memref<512xi32, #tpu.memory_space<vmem>>, vector<16xi32>,
      %eq3A = arith.constant 0 : i32
      %eq3A_126 = vector.broadcast %eq3A : i32 to vector<16xi32>
      %eq3A_127 = arith.cmpi eq, %iota3A, %eq3A_126 : vector<16xi32>
      %jit3A = arith.constant 0 : i32
      %broadcast_in_dim3A = vector.broadcast %jit3A : i32 to vector<16xi32>
      %select_n3A = arith.select %eq3A_127, %get3A_125, %broadcast_in_dim3A : vector<16xi1>, vector<16xi32>
      %reduce_sum3A = arith.constant true
      %reduce_sum3A_128 = vector.broadcast %reduce_sum3A : i1 to vector<16xi1>
      %reduce_sum3A_129 = tpu.scan <sum>, %select_n3A masked %reduce_sum3A_128 : vector<16xi32>, vector<16xi1> -> vector<16xi32>
      %reduce_sum3A_130 = vector.extract %reduce_sum3A_129[15] : i32 from vector<16xi32>
      %mul3A_131 = arith.constant 16 : i32
      %mul3A_132 = arith.muli %scan3A_120, %mul3A_131 : i32
      %add3A_133 = arith.constant 0 : i32
      %add3A_134 = arith.addi %mul3A_132, %add3A_133 : i32
      %dma_start3A_135 = arith.constant 256 : i32
      %dma_start3A_136 = tpu.memref_slice %arg7[%add3A_134, %dma_start3A_135] : memref<128x300xf32, #tpu.memory_space<vmem>> -> memref<1x44xf32, #tpu.memory_space<vmem>>
      %dma_start3A_137 = arith.constant 256 : i32
      %dma_start3A_138 = tpu.memref_slice %arg3[%reduce_sum3A_130, %dma_start3A_137] : memref<1000000x300xf32, #tpu.memory_space<hbm>> -> memref<1x44xf32, #tpu.memory_space<hbm>>
      %dma_start3A_139 = arith.constant 256 : i32
      %dma_start3A_140 = tpu.memref_slice %arg7[%add3A_134, %dma_start3A_139] : memref<128x300xf32, #tpu.memory_space<vmem>> -> memref<1x44xf32, #tpu.memory_space<vmem>>
      %dma_start3A_141 = arith.constant 256 : i32
      %dma_start3A_142 = tpu.memref_slice %arg3[%reduce_sum3A_130, %dma_start3A_141] : memref<1000000x300xf32, #tpu.memory_space<hbm>> -> memref<1x44xf32, #tpu.memory_space<hbm>>
      tpu.enqueue_dma source(%dma_start3A_142 : memref<1x44xf32, #tpu.memory_space<hbm>>) target(%dma_start3A_140 : memref<1x44xf32, #tpu.memory_space<vmem>>) target_semaphore(%arg9 : memref<!tpu.dma_semaphore, #tpu.memory_space<semaphore_mem>>)
      %eq3A_143 = arith.constant 1 : i32
      %eq3A_144 = vector.broadcast %eq3A_143 : i32 to vector<16xi32>
      %eq3A_145 = arith.cmpi eq, %iota3A, %eq3A_144 : vector<16xi32>
      %jit3A_146 = arith.constant 0 : i32
      %broadcast_in_dim3A_147 = vector.broadcast %jit3A_146 : i32 to vector<16xi32>
      %select_n3A_148 = arith.select %eq3A_145, %get3A_125, %broadcast_in_dim3A_147 : vector<16xi1>, vector<16xi32>
      %reduce_sum3A_149 = arith.constant true
      %reduce_sum3A_150 = vector.broadcast %reduce_sum3A_149 : i1 to vector<16xi1>
      %reduce_sum3A_151 = tpu.scan <sum>, %select_n3A_148 masked %reduce_sum3A_150 : vector<16xi32>, vector<16xi1> -> vector<16xi32>
      %reduce_sum3A_152 = vector.extract %reduce_sum3A_151[15] : i32 from vector<16xi32>
      %mul3A_153 = arith.constant 16 : i32
      %mul3A_154 = arith.muli %scan3A_120, %mul3A_153 : i32
      %add3A_155 = arith.constant 1 : i32
      %add3A_156 = arith.addi %mul3A_154, %add3A_155 : i32
      %dma_start3A_157 = arith.constant 256 : i32
      %dma_start3A_158 = tpu.memref_slice %arg7[%add3A_156, %dma_start3A_157] : memref<128x300xf32, #tpu.memory_space<vmem>> -> memref<1x44xf32, #tpu.memory_space<vmem>>
      %dma_start3A_159 = arith.constant 256 : i32
      %dma_start3A_160 = tpu.memref_slice %arg3[%reduce_sum3A_152, %dma_start3A_159] : memref<1000000x300xf32, #tpu.memory_space<hbm>> -> memref<1x44xf32, #tpu.memory_space<hbm>>
      %dma_start3A_161 = arith.constant 256 : i32
      %dma_start3A_162 = tpu.memref_slice %arg7[%add3A_156, %dma_start3A_161] : memref<128x300xf32, #tpu.memory_space<vmem>> -> memref<1x44xf32, #tpu.memory_space<vmem>>
      %dma_start3A_163 = arith.constant 256 : i32
      %dma_start3A_164 = tpu.memref_slice %arg3[%reduce_sum3A_152, %dma_start3A_163] : memref<1000000x300xf32, #tpu.memory_space<hbm>> -> memref<1x44xf32, #tpu.memory_space<hbm>>
      tpu.enqueue_dma source(%dma_start3A_164 : memref<1x44xf32, #tpu.memory_space<hbm>>) target(%dma_start3A_162 : memref<1x44xf32, #tpu.memory_space<vmem>>) target_semaphore(%arg9 : memref<!tpu.dma_semaphore, #tpu.memory_space<semaphore_mem>>)
      %eq3A_165 = arith.constant 2 : i32
      %eq3A_166 = vector.broadcast %eq3A_165 : i32 to vector<16xi32>
      %eq3A_167 = arith.cmpi eq, %iota3A, %eq3A_166 : vector<16xi32>
      %jit3A_168 = arith.constant 0 : i32
      %broadcast_in_dim3A_169 = vector.broadcast %jit3A_168 : i32 to vector<16xi32>
      %select_n3A_170 = arith.select %eq3A_167, %get3A_125, %broadcast_in_dim3A_169 : vector<16xi1>, vector<16xi32>
      %reduce_sum3A_171 = arith.constant true
      %reduce_sum3A_172 = vector.broadcast %reduce_sum3A_171 : i1 to vector<16xi1>
      %reduce_sum3A_173 = tpu.scan <sum>, %select_n3A_170 masked %reduce_sum3A_172 : vector<16xi32>, vector<16xi1> -> vector<16xi32>
      %reduce_sum3A_174 = vector.extract %reduce_sum3A_173[15] : i32 from vector<16xi32>
      %mul3A_175 = arith.constant 16 : i32
      %mul3A_176 = arith.muli %scan3A_120, %mul3A_175 : i32
      %add3A_177 = arith.constant 2 : i32
      %add3A_178 = arith.addi %mul3A_176, %add3A_177 : i32
      %dma_start3A_179 = arith.constant 256 : i32
      %dma_start3A_180 = tpu.memref_slice %arg7[%add3A_178, %dma_start3A_179] : memref<128x300xf32, #tpu.memory_space<vmem>> -> memref<1x44xf32, #tpu.memory_space<vmem>>
      %dma_start3A_181 = arith.constant 256 : i32
      %dma_start3A_182 = tpu.memref_slice %arg3[%reduce_sum3A_174, %dma_start3A_181] : memref<1000000x300xf32, #tpu.memory_space<hbm>> -> memref<1x44xf32, #tpu.memory_space<hbm>>
      %dma_start3A_183 = arith.constant 256 : i32
      %dma_start3A_184 = tpu.memref_slice %arg7[%add3A_178, %dma_start3A_183] : memref<128x300xf32, #tpu.memory_space<vmem>> -> memref<1x44xf32, #tpu.memory_space<vmem>>
      %dma_start3A_185 = arith.constant 256 : i32
      %dma_start3A_186 = tpu.memref_slice %arg3[%reduce_sum3A_174, %dma_start3A_185] : memref<1000000x300xf32, #tpu.memory_space<hbm>> -> memref<1x44xf32, #tpu.memory_space<hbm>>
      tpu.enqueue_dma source(%dma_start3A_186 : memref<1x44xf32, #tpu.memory_space<hbm>>) target(%dma_start3A_184 : memref<1x44xf32, #tpu.memory_space<vmem>>) target_semaphore(%arg9 : memref<!tpu.dma_semaphore, #tpu.memory_space<semaphore_mem>>)
      %eq3A_187 = arith.constant 3 : i32
      %eq3A_188 = vector.broadcast %eq3A_187 : i32 to vector<16xi32>
      %eq3A_189 = arith.cmpi eq, %iota3A, %eq3A_188 : vector<16xi32>
      %jit3A_190 = arith.constant 0 : i32
      %broadcast_in_dim3A_191 = vector.broadcast %jit3A_190 : i32 to vector<16xi32>
      %select_n3A_192 = arith.select %eq3A_189, %get3A_125, %broadcast_in_dim3A_191 : vector<16xi1>, vector<16xi32>
      %reduce_sum3A_193 = arith.constant true
      %reduce_sum3A_194 = vector.broadcast %reduce_sum3A_193 : i1 to vector<16xi1>
      %reduce_sum3A_195 = tpu.scan <sum>, %select_n3A_192 masked %reduce_sum3A_194 : vector<16xi32>, vector<16xi1> -> vector<16xi32>
      %reduce_sum3A_196 = vector.extract %reduce_sum3A_195[15] : i32 from vector<16xi32>
      %mul3A_197 = arith.constant 16 : i32
      %mul3A_198 = arith.muli %scan3A_120, %mul3A_197 : i32
      %add3A_199 = arith.constant 3 : i32
      %add3A_200 = arith.addi %mul3A_198, %add3A_199 : i32
      %dma_start3A_201 = arith.constant 256 : i32
      %dma_start3A_202 = tpu.memref_slice %arg7[%add3A_200, %dma_start3A_201] : memref<128x300xf32, #tpu.memory_space<vmem>> -> memref<1x44xf32, #tpu.memory_space<vmem>>
      %dma_start3A_203 = arith.constant 256 : i32
      %dma_start3A_204 = tpu.memref_slice %arg3[%reduce_sum3A_196, %dma_start3A_203] : memref<1000000x300xf32, #tpu.memory_space<hbm>> -> memref<1x44xf32, #tpu.memory_space<hbm>>
      %dma_start3A_205 = arith.constant 256 : i32
      %dma_start3A_206 = tpu.memref_slice %arg7[%add3A_200, %dma_start3A_205] : memref<128x300xf32, #tpu.memory_space<vmem>> -> memref<1x44xf32, #tpu.memory_space<vmem>>
      %dma_start3A_207 = arith.constant 256 : i32
      %dma_start3A_208 = tpu.memref_slice %arg3[%reduce_sum3A_196, %dma_start3A_207] : memref<1000000x300xf32, #tpu.memory_space<hbm>> -> memref<1x44xf32, #tpu.memory_space<hbm>>
      tpu.enqueue_dma source(%dma_start3A_208 : memref<1x44xf32, #tpu.memory_space<hbm>>) target(%dma_start3A_206 : memref<1x44xf32, #tpu.memory_space<vmem>>) target_semaphore(%arg9 : memref<!tpu.dma_semaphore, #tpu.memory_space<semaphore_mem>>)
      %eq3A_209 = arith.constant 4 : i32
      %eq3A_210 = vector.broadcast %eq3A_209 : i32 to vector<16xi32>
      %eq3A_211 = arith.cmpi eq, %iota3A, %eq3A_210 : vector<16xi32>
      %jit3A_212 = arith.constant 0 : i32
      %broadcast_in_dim3A_213 = vector.broadcast %jit3A_212 : i32 to vector<16xi32>
      %select_n3A_214 = arith.select %eq3A_211, %get3A_125, %broadcast_in_dim3A_213 : vector<16xi1>, vector<16xi32>
      %reduce_sum3A_215 = arith.constant true
      %reduce_sum3A_216 = vector.broadcast %reduce_sum3A_215 : i1 to vector<16xi1>
      %reduce_sum3A_217 = tpu.scan <sum>, %select_n3A_214 masked %reduce_sum3A_216 : vector<16xi32>, vector<16xi1> -> vector<16xi32>
      %reduce_sum3A_218 = vector.extract %reduce_sum3A_217[15] : i32 from vector<16xi32>
      %mul3A_219 = arith.constant 16 : i32
      %mul3A_220 = arith.muli %scan3A_120, %mul3A_219 : i32
      %add3A_221 = arith.constant 4 : i32
      %add3A_222 = arith.addi %mul3A_220, %add3A_221 : i32
      %dma_start3A_223 = arith.constant 256 : i32
      %dma_start3A_224 = tpu.memref_slice %arg7[%add3A_222, %dma_start3A_223] : memref<128x300xf32, #tpu.memory_space<vmem>> -> memref<1x44xf32, #tpu.memory_space<vmem>>
      %dma_start3A_225 = arith.constant 256 : i32
      %dma_start3A_226 = tpu.memref_slice %arg3[%reduce_sum3A_218, %dma_start3A_225] : memref<1000000x300xf32, #tpu.memory_space<hbm>> -> memref<1x44xf32, #tpu.memory_space<hbm>>
      %dma_start3A_227 = arith.constant 256 : i32
      %dma_start3A_228 = tpu.memref_slice %arg7[%add3A_222, %dma_start3A_227] : memref<128x300xf32, #tpu.memory_space<vmem>> -> memref<1x44xf32, #tpu.memory_space<vmem>>
      %dma_start3A_229 = arith.constant 256 : i32
      %dma_start3A_230 = tpu.memref_slice %arg3[%reduce_sum3A_218, %dma_start3A_229] : memref<1000000x300xf32, #tpu.memory_space<hbm>> -> memref<1x44xf32, #tpu.memory_space<hbm>>
      tpu.enqueue_dma source(%dma_start3A_230 : memref<1x44xf32, #tpu.memory_space<hbm>>) target(%dma_start3A_228 : memref<1x44xf32, #tpu.memory_space<vmem>>) target_semaphore(%arg9 : memref<!tpu.dma_semaphore, #tpu.memory_space<semaphore_mem>>)
      %eq3A_231 = arith.constant 5 : i32
      %eq3A_232 = vector.broadcast %eq3A_231 : i32 to vector<16xi32>
      %eq3A_233 = arith.cmpi eq, %iota3A, %eq3A_232 : vector<16xi32>
      %jit3A_234 = arith.constant 0 : i32
      %broadcast_in_dim3A_235 = vector.broadcast %jit3A_234 : i32 to vector<16xi32>
      %select_n3A_236 = arith.select %eq3A_233, %get3A_125, %broadcast_in_dim3A_235 : vector<16xi1>, vector<16xi32>
      %reduce_sum3A_237 = arith.constant true
      %reduce_sum3A_238 = vector.broadcast %reduce_sum3A_237 : i1 to vector<16xi1>
      %reduce_sum3A_239 = tpu.scan <sum>, %select_n3A_236 masked %reduce_sum3A_238 : vector<16xi32>, vector<16xi1> -> vector<16xi32>
      %reduce_sum3A_240 = vector.extract %reduce_sum3A_239[15] : i32 from vector<16xi32>
      %mul3A_241 = arith.constant 16 : i32
      %mul3A_242 = arith.muli %scan3A_120, %mul3A_241 : i32
      %add3A_243 = arith.constant 5 : i32
      %add3A_244 = arith.addi %mul3A_242, %add3A_243 : i32
      %dma_start3A_245 = arith.constant 256 : i32
      %dma_start3A_246 = tpu.memref_slice %arg7[%add3A_244, %dma_start3A_245] : memref<128x300xf32, #tpu.memory_space<vmem>> -> memref<1x44xf32, #tpu.memory_space<vmem>>
      %dma_start3A_247 = arith.constant 256 : i32
      %dma_start3A_248 = tpu.memref_slice %arg3[%reduce_sum3A_240, %dma_start3A_247] : memref<1000000x300xf32, #tpu.memory_space<hbm>> -> memref<1x44xf32, #tpu.memory_space<hbm>>
      %dma_start3A_249 = arith.constant 256 : i32
      %dma_start3A_250 = tpu.memref_slice %arg7[%add3A_244, %dma_start3A_249] : memref<128x300xf32, #tpu.memory_space<vmem>> -> memref<1x44xf32, #tpu.memory_space<vmem>>
      %dma_start3A_251 = arith.constant 256 : i32
      %dma_start3A_252 = tpu.memref_slice %arg3[%reduce_sum3A_240, %dma_start3A_251] : memref<1000000x300xf32, #tpu.memory_space<hbm>> -> memref<1x44xf32, #tpu.memory_space<hbm>>
      tpu.enqueue_dma source(%dma_start3A_252 : memref<1x44xf32, #tpu.memory_space<hbm>>) target(%dma_start3A_250 : memref<1x44xf32, #tpu.memory_space<vmem>>) target_semaphore(%arg9 : memref<!tpu.dma_semaphore, #tpu.memory_space<semaphore_mem>>)
      %eq3A_253 = arith.constant 6 : i32
      %eq3A_254 = vector.broadcast %eq3A_253 : i32 to vector<16xi32>
      %eq3A_255 = arith.cmpi eq, %iota3A, %eq3A_254 : vector<16xi32>
      %jit3A_256 = arith.constant 0 : i32
      %broadcast_in_dim3A_257 = vector.broadcast %jit3A_256 : i32 to vector<16xi32>
      %select_n3A_258 = arith.select %eq3A_255, %get3A_125, %broadcast_in_dim3A_257 : vector<16xi1>, vector<16xi32>
      %reduce_sum3A_259 = arith.constant true
      %reduce_sum3A_260 = vector.broadcast %reduce_sum3A_259 : i1 to vector<16xi1>
      %reduce_sum3A_261 = tpu.scan <sum>, %select_n3A_258 masked %reduce_sum3A_260 : vector<16xi32>, vector<16xi1> -> vector<16xi32>
      %reduce_sum3A_262 = vector.extract %reduce_sum3A_261[15] : i32 from vector<16xi32>
      %mul3A_263 = arith.constant 16 : i32
      %mul3A_264 = arith.muli %scan3A_120, %mul3A_263 : i32
      %add3A_265 = arith.constant 6 : i32
      %add3A_266 = arith.addi %mul3A_264, %add3A_265 : i32
      %dma_start3A_267 = arith.constant 256 : i32
      %dma_start3A_268 = tpu.memref_slice %arg7[%add3A_266, %dma_start3A_267] : memref<128x300xf32, #tpu.memory_space<vmem>> -> memref<1x44xf32, #tpu.memory_space<vmem>>
      %dma_start3A_269 = arith.constant 256 : i32
      %dma_start3A_270 = tpu.memref_slice %arg3[%reduce_sum3A_262, %dma_start3A_269] : memref<1000000x300xf32, #tpu.memory_space<hbm>> -> memref<1x44xf32, #tpu.memory_space<hbm>>
      %dma_start3A_271 = arith.constant 256 : i32
      %dma_start3A_272 = tpu.memref_slice %arg7[%add3A_266, %dma_start3A_271] : memref<128x300xf32, #tpu.memory_space<vmem>> -> memref<1x44xf32, #tpu.memory_space<vmem>>
      %dma_start3A_273 = arith.constant 256 : i32
      %dma_start3A_274 = tpu.memref_slice %arg3[%reduce_sum3A_262, %dma_start3A_273] : memref<1000000x300xf32, #tpu.memory_space<hbm>> -> memref<1x44xf32, #tpu.memory_space<hbm>>
      tpu.enqueue_dma source(%dma_start3A_274 : memref<1x44xf32, #tpu.memory_space<hbm>>) target(%dma_start3A_272 : memref<1x44xf32, #tpu.memory_space<vmem>>) target_semaphore(%arg9 : memref<!tpu.dma_semaphore, #tpu.memory_space<semaphore_mem>>)
      %eq3A_275 = arith.constant 7 : i32
      %eq3A_276 = vector.broadcast %eq3A_275 : i32 to vector<16xi32>
      %eq3A_277 = arith.cmpi eq, %iota3A, %eq3A_276 : vector<16xi32>
      %jit3A_278 = arith.constant 0 : i32
      %broadcast_in_dim3A_279 = vector.broadcast %jit3A_278 : i32 to vector<16xi32>
      %select_n3A_280 = arith.select %eq3A_277, %get3A_125, %broadcast_in_dim3A_279 : vector<16xi1>, vector<16xi32>
      %reduce_sum3A_281 = arith.constant true
      %reduce_sum3A_282 = vector.broadcast %reduce_sum3A_281 : i1 to vector<16xi1>
      %reduce_sum3A_283 = tpu.scan <sum>, %select_n3A_280 masked %reduce_sum3A_282 : vector<16xi32>, vector<16xi1> -> vector<16xi32>
      %reduce_sum3A_284 = vector.extract %reduce_sum3A_283[15] : i32 from vector<16xi32>
      %mul3A_285 = arith.constant 16 : i32
      %mul3A_286 = arith.muli %scan3A_120, %mul3A_285 : i32
      %add3A_287 = arith.constant 7 : i32
      %add3A_288 = arith.addi %mul3A_286, %add3A_287 : i32
      %dma_start3A_289 = arith.constant 256 : i32
      %dma_start3A_290 = tpu.memref_slice %arg7[%add3A_288, %dma_start3A_289] : memref<128x300xf32, #tpu.memory_space<vmem>> -> memref<1x44xf32, #tpu.memory_space<vmem>>
      %dma_start3A_291 = arith.constant 256 : i32
      %dma_start3A_292 = tpu.memref_slice %arg3[%reduce_sum3A_284, %dma_start3A_291] : memref<1000000x300xf32, #tpu.memory_space<hbm>> -> memref<1x44xf32, #tpu.memory_space<hbm>>
      %dma_start3A_293 = arith.constant 256 : i32
      %dma_start3A_294 = tpu.memref_slice %arg7[%add3A_288, %dma_start3A_293] : memref<128x300xf32, #tpu.memory_space<vmem>> -> memref<1x44xf32, #tpu.memory_space<vmem>>
      %dma_start3A_295 = arith.constant 256 : i32
      %dma_start3A_296 = tpu.memref_slice %arg3[%reduce_sum3A_284, %dma_start3A_295] : memref<1000000x300xf32, #tpu.memory_space<hbm>> -> memref<1x44xf32, #tpu.memory_space<hbm>>
      tpu.enqueue_dma source(%dma_start3A_296 : memref<1x44xf32, #tpu.memory_space<hbm>>) target(%dma_start3A_294 : memref<1x44xf32, #tpu.memory_space<vmem>>) target_semaphore(%arg9 : memref<!tpu.dma_semaphore, #tpu.memory_space<semaphore_mem>>)
      %eq3A_297 = arith.constant 8 : i32
      %eq3A_298 = vector.broadcast %eq3A_297 : i32 to vector<16xi32>
      %eq3A_299 = arith.cmpi eq, %iota3A, %eq3A_298 : vector<16xi32>
      %jit3A_300 = arith.constant 0 : i32
      %broadcast_in_dim3A_301 = vector.broadcast %jit3A_300 : i32 to vector<16xi32>
      %select_n3A_302 = arith.select %eq3A_299, %get3A_125, %broadcast_in_dim3A_301 : vector<16xi1>, vector<16xi32>
      %reduce_sum3A_303 = arith.constant true
      %reduce_sum3A_304 = vector.broadcast %reduce_sum3A_303 : i1 to vector<16xi1>
      %reduce_sum3A_305 = tpu.scan <sum>, %select_n3A_302 masked %reduce_sum3A_304 : vector<16xi32>, vector<16xi1> -> vector<16xi32>
      %reduce_sum3A_306 = vector.extract %reduce_sum3A_305[15] : i32 from vector<16xi32>
      %mul3A_307 = arith.constant 16 : i32
      %mul3A_308 = arith.muli %scan3A_120, %mul3A_307 : i32
      %add3A_309 = arith.constant 8 : i32
      %add3A_310 = arith.addi %mul3A_308, %add3A_309 : i32
      %dma_start3A_311 = arith.constant 256 : i32
      %dma_start3A_312 = tpu.memref_slice %arg7[%add3A_310, %dma_start3A_311] : memref<128x300xf32, #tpu.memory_space<vmem>> -> memref<1x44xf32, #tpu.memory_space<vmem>>
      %dma_start3A_313 = arith.constant 256 : i32
      %dma_start3A_314 = tpu.memref_slice %arg3[%reduce_sum3A_306, %dma_start3A_313] : memref<1000000x300xf32, #tpu.memory_space<hbm>> -> memref<1x44xf32, #tpu.memory_space<hbm>>
      %dma_start3A_315 = arith.constant 256 : i32
      %dma_start3A_316 = tpu.memref_slice %arg7[%add3A_310, %dma_start3A_315] : memref<128x300xf32, #tpu.memory_space<vmem>> -> memref<1x44xf32, #tpu.memory_space<vmem>>
      %dma_start3A_317 = arith.constant 256 : i32
      %dma_start3A_318 = tpu.memref_slice %arg3[%reduce_sum3A_306, %dma_start3A_317] : memref<1000000x300xf32, #tpu.memory_space<hbm>> -> memref<1x44xf32, #tpu.memory_space<hbm>>
      tpu.enqueue_dma source(%dma_start3A_318 : memref<1x44xf32, #tpu.memory_space<hbm>>) target(%dma_start3A_316 : memref<1x44xf32, #tpu.memory_space<vmem>>) target_semaphore(%arg9 : memref<!tpu.dma_semaphore, #tpu.memory_space<semaphore_mem>>)
      %eq3A_319 = arith.constant 9 : i32
      %eq3A_320 = vector.broadcast %eq3A_319 : i32 to vector<16xi32>
      %eq3A_321 = arith.cmpi eq, %iota3A, %eq3A_320 : vector<16xi32>
      %jit3A_322 = arith.constant 0 : i32
      %broadcast_in_dim3A_323 = vector.broadcast %jit3A_322 : i32 to vector<16xi32>
      %select_n3A_324 = arith.select %eq3A_321, %get3A_125, %broadcast_in_dim3A_323 : vector<16xi1>, vector<16xi32>
      %reduce_sum3A_325 = arith.constant true
      %reduce_sum3A_326 = vector.broadcast %reduce_sum3A_325 : i1 to vector<16xi1>
      %reduce_sum3A_327 = tpu.scan <sum>, %select_n3A_324 masked %reduce_sum3A_326 : vector<16xi32>, vector<16xi1> -> vector<16xi32>
      %reduce_sum3A_328 = vector.extract %reduce_sum3A_327[15] : i32 from vector<16xi32>
      %mul3A_329 = arith.constant 16 : i32
      %mul3A_330 = arith.muli %scan3A_120, %mul3A_329 : i32
      %add3A_331 = arith.constant 9 : i32
      %add3A_332 = arith.addi %mul3A_330, %add3A_331 : i32
      %dma_start3A_333 = arith.constant 256 : i32
      %dma_start3A_334 = tpu.memref_slice %arg7[%add3A_332, %dma_start3A_333] : memref<128x300xf32, #tpu.memory_space<vmem>> -> memref<1x44xf32, #tpu.memory_space<vmem>>
      %dma_start3A_335 = arith.constant 256 : i32
      %dma_start3A_336 = tpu.memref_slice %arg3[%reduce_sum3A_328, %dma_start3A_335] : memref<1000000x300xf32, #tpu.memory_space<hbm>> -> memref<1x44xf32, #tpu.memory_space<hbm>>
      %dma_start3A_337 = arith.constant 256 : i32
      %dma_start3A_338 = tpu.memref_slice %arg7[%add3A_332, %dma_start3A_337] : memref<128x300xf32, #tpu.memory_space<vmem>> -> memref<1x44xf32, #tpu.memory_space<vmem>>
      %dma_start3A_339 = arith.constant 256 : i32
      %dma_start3A_340 = tpu.memref_slice %arg3[%reduce_sum3A_328, %dma_start3A_339] : memref<1000000x300xf32, #tpu.memory_space<hbm>> -> memref<1x44xf32, #tpu.memory_space<hbm>>
      tpu.enqueue_dma source(%dma_start3A_340 : memref<1x44xf32, #tpu.memory_space<hbm>>) target(%dma_start3A_338 : memref<1x44xf32, #tpu.memory_space<vmem>>) target_semaphore(%arg9 : memref<!tpu.dma_semaphore, #tpu.memory_space<semaphore_mem>>)
      %eq3A_341 = arith.constant 10 : i32
      %eq3A_342 = vector.broadcast %eq3A_341 : i32 to vector<16xi32>
      %eq3A_343 = arith.cmpi eq, %iota3A, %eq3A_342 : vector<16xi32>
      %jit3A_344 = arith.constant 0 : i32
      %broadcast_in_dim3A_345 = vector.broadcast %jit3A_344 : i32 to vector<16xi32>
      %select_n3A_346 = arith.select %eq3A_343, %get3A_125, %broadcast_in_dim3A_345 : vector<16xi1>, vector<16xi32>
      %reduce_sum3A_347 = arith.constant true
      %reduce_sum3A_348 = vector.broadcast %reduce_sum3A_347 : i1 to vector<16xi1>
      %reduce_sum3A_349 = tpu.scan <sum>, %select_n3A_346 masked %reduce_sum3A_348 : vector<16xi32>, vector<16xi1> -> vector<16xi32>
      %reduce_sum3A_350 = vector.extract %reduce_sum3A_349[15] : i32 from vector<16xi32>
      %mul3A_351 = arith.constant 16 : i32
      %mul3A_352 = arith.muli %scan3A_120, %mul3A_351 : i32
      %add3A_353 = arith.constant 10 : i32
      %add3A_354 = arith.addi %mul3A_352, %add3A_353 : i32
      %dma_start3A_355 = arith.constant 256 : i32
      %dma_start3A_356 = tpu.memref_slice %arg7[%add3A_354, %dma_start3A_355] : memref<128x300xf32, #tpu.memory_space<vmem>> -> memref<1x44xf32, #tpu.memory_space<vmem>>
      %dma_start3A_357 = arith.constant 256 : i32
      %dma_start3A_358 = tpu.memref_slice %arg3[%reduce_sum3A_350, %dma_start3A_357] : memref<1000000x300xf32, #tpu.memory_space<hbm>> -> memref<1x44xf32, #tpu.memory_space<hbm>>
      %dma_start3A_359 = arith.constant 256 : i32
      %dma_start3A_360 = tpu.memref_slice %arg7[%add3A_354, %dma_start3A_359] : memref<128x300xf32, #tpu.memory_space<vmem>> -> memref<1x44xf32, #tpu.memory_space<vmem>>
      %dma_start3A_361 = arith.constant 256 : i32
      %dma_start3A_362 = tpu.memref_slice %arg3[%reduce_sum3A_350, %dma_start3A_361] : memref<1000000x300xf32, #tpu.memory_space<hbm>> -> memref<1x44xf32, #tpu.memory_space<hbm>>
      tpu.enqueue_dma source(%dma_start3A_362 : memref<1x44xf32, #tpu.memory_space<hbm>>) target(%dma_start3A_360 : memref<1x44xf32, #tpu.memory_space<vmem>>) target_semaphore(%arg9 : memref<!tpu.dma_semaphore, #tpu.memory_space<semaphore_mem>>)
      %eq3A_363 = arith.constant 11 : i32
      %eq3A_364 = vector.broadcast %eq3A_363 : i32 to vector<16xi32>
      %eq3A_365 = arith.cmpi eq, %iota3A, %eq3A_364 : vector<16xi32>
      %jit3A_366 = arith.constant 0 : i32
      %broadcast_in_dim3A_367 = vector.broadcast %jit3A_366 : i32 to vector<16xi32>
      %select_n3A_368 = arith.select %eq3A_365, %get3A_125, %broadcast_in_dim3A_367 : vector<16xi1>, vector<16xi32>
      %reduce_sum3A_369 = arith.constant true
      %reduce_sum3A_370 = vector.broadcast %reduce_sum3A_369 : i1 to vector<16xi1>
      %reduce_sum3A_371 = tpu.scan <sum>, %select_n3A_368 masked %reduce_sum3A_370 : vector<16xi32>, vector<16xi1> -> vector<16xi32>
      %reduce_sum3A_372 = vector.extract %reduce_sum3A_371[15] : i32 from vector<16xi32>
      %mul3A_373 = arith.constant 16 : i32
      %mul3A_374 = arith.muli %scan3A_120, %mul3A_373 : i32
      %add3A_375 = arith.constant 11 : i32
      %add3A_376 = arith.addi %mul3A_374, %add3A_375 : i32
      %dma_start3A_377 = arith.constant 256 : i32
      %dma_start3A_378 = tpu.memref_slice %arg7[%add3A_376, %dma_start3A_377] : memref<128x300xf32, #tpu.memory_space<vmem>> -> memref<1x44xf32, #tpu.memory_space<vmem>>
      %dma_start3A_379 = arith.constant 256 : i32
      %dma_start3A_380 = tpu.memref_slice %arg3[%reduce_sum3A_372, %dma_start3A_379] : memref<1000000x300xf32, #tpu.memory_space<hbm>> -> memref<1x44xf32, #tpu.memory_space<hbm>>
      %dma_start3A_381 = arith.constant 256 : i32
      %dma_start3A_382 = tpu.memref_slice %arg7[%add3A_376, %dma_start3A_381] : memref<128x300xf32, #tpu.memory_space<vmem>> -> memref<1x44xf32, #tpu.memory_space<vmem>>
      %dma_start3A_383 = arith.constant 256 : i32
      %dma_start3A_384 = tpu.memref_slice %arg3[%reduce_sum3A_372, %dma_start3A_383] : memref<1000000x300xf32, #tpu.memory_space<hbm>> -> memref<1x44xf32, #tpu.memory_space<hbm>>
      tpu.enqueue_dma source(%dma_start3A_384 : memref<1x44xf32, #tpu.memory_space<hbm>>) target(%dma_start3A_382 : memref<1x44xf32, #tpu.memory_space<vmem>>) target_semaphore(%arg9 : memref<!tpu.dma_semaphore, #tpu.memory_space<semaphore_mem>>)
      %eq3A_385 = arith.constant 12 : i32
      %eq3A_386 = vector.broadcast %eq3A_385 : i32 to vector<16xi32>
      %eq3A_387 = arith.cmpi eq, %iota3A, %eq3A_386 : vector<16xi32>
      %jit3A_388 = arith.constant 0 : i32
      %broadcast_in_dim3A_389 = vector.broadcast %jit3A_388 : i32 to vector<16xi32>
      %select_n3A_390 = arith.select %eq3A_387, %get3A_125, %broadcast_in_dim3A_389 : vector<16xi1>, vector<16xi32>
      %reduce_sum3A_391 = arith.constant true
      %reduce_sum3A_392 = vector.broadcast %reduce_sum3A_391 : i1 to vector<16xi1>
      %reduce_sum3A_393 = tpu.scan <sum>, %select_n3A_390 masked %reduce_sum3A_392 : vector<16xi32>, vector<16xi1> -> vector<16xi32>
      %reduce_sum3A_394 = vector.extract %reduce_sum3A_393[15] : i32 from vector<16xi32>
      %mul3A_395 = arith.constant 16 : i32
      %mul3A_396 = arith.muli %scan3A_120, %mul3A_395 : i32
      %add3A_397 = arith.constant 12 : i32
      %add3A_398 = arith.addi %mul3A_396, %add3A_397 : i32
      %dma_start3A_399 = arith.constant 256 : i32
      %dma_start3A_400 = tpu.memref_slice %arg7[%add3A_398, %dma_start3A_399] : memref<128x300xf32, #tpu.memory_space<vmem>> -> memref<1x44xf32, #tpu.memory_space<vmem>>
      %dma_start3A_401 = arith.constant 256 : i32
      %dma_start3A_402 = tpu.memref_slice %arg3[%reduce_sum3A_394, %dma_start3A_401] : memref<1000000x300xf32, #tpu.memory_space<hbm>> -> memref<1x44xf32, #tpu.memory_space<hbm>>
      %dma_start3A_403 = arith.constant 256 : i32
      %dma_start3A_404 = tpu.memref_slice %arg7[%add3A_398, %dma_start3A_403] : memref<128x300xf32, #tpu.memory_space<vmem>> -> memref<1x44xf32, #tpu.memory_space<vmem>>
      %dma_start3A_405 = arith.constant 256 : i32
      %dma_start3A_406 = tpu.memref_slice %arg3[%reduce_sum3A_394, %dma_start3A_405] : memref<1000000x300xf32, #tpu.memory_space<hbm>> -> memref<1x44xf32, #tpu.memory_space<hbm>>
      tpu.enqueue_dma source(%dma_start3A_406 : memref<1x44xf32, #tpu.memory_space<hbm>>) target(%dma_start3A_404 : memref<1x44xf32, #tpu.memory_space<vmem>>) target_semaphore(%arg9 : memref<!tpu.dma_semaphore, #tpu.memory_space<semaphore_mem>>)
      %eq3A_407 = arith.constant 13 : i32
      %eq3A_408 = vector.broadcast %eq3A_407 : i32 to vector<16xi32>
      %eq3A_409 = arith.cmpi eq, %iota3A, %eq3A_408 : vector<16xi32>
      %jit3A_410 = arith.constant 0 : i32
      %broadcast_in_dim3A_411 = vector.broadcast %jit3A_410 : i32 to vector<16xi32>
      %select_n3A_412 = arith.select %eq3A_409, %get3A_125, %broadcast_in_dim3A_411 : vector<16xi1>, vector<16xi32>
      %reduce_sum3A_413 = arith.constant true
      %reduce_sum3A_414 = vector.broadcast %reduce_sum3A_413 : i1 to vector<16xi1>
      %reduce_sum3A_415 = tpu.scan <sum>, %select_n3A_412 masked %reduce_sum3A_414 : vector<16xi32>, vector<16xi1> -> vector<16xi32>
      %reduce_sum3A_416 = vector.extract %reduce_sum3A_415[15] : i32 from vector<16xi32>
      %mul3A_417 = arith.constant 16 : i32
      %mul3A_418 = arith.muli %scan3A_120, %mul3A_417 : i32
      %add3A_419 = arith.constant 13 : i32
      %add3A_420 = arith.addi %mul3A_418, %add3A_419 : i32
      %dma_start3A_421 = arith.constant 256 : i32
      %dma_start3A_422 = tpu.memref_slice %arg7[%add3A_420, %dma_start3A_421] : memref<128x300xf32, #tpu.memory_space<vmem>> -> memref<1x44xf32, #tpu.memory_space<vmem>>
      %dma_start3A_423 = arith.constant 256 : i32
      %dma_start3A_424 = tpu.memref_slice %arg3[%reduce_sum3A_416, %dma_start3A_423] : memref<1000000x300xf32, #tpu.memory_space<hbm>> -> memref<1x44xf32, #tpu.memory_space<hbm>>
      %dma_start3A_425 = arith.constant 256 : i32
      %dma_start3A_426 = tpu.memref_slice %arg7[%add3A_420, %dma_start3A_425] : memref<128x300xf32, #tpu.memory_space<vmem>> -> memref<1x44xf32, #tpu.memory_space<vmem>>
      %dma_start3A_427 = arith.constant 256 : i32
      %dma_start3A_428 = tpu.memref_slice %arg3[%reduce_sum3A_416, %dma_start3A_427] : memref<1000000x300xf32, #tpu.memory_space<hbm>> -> memref<1x44xf32, #tpu.memory_space<hbm>>
      tpu.enqueue_dma source(%dma_start3A_428 : memref<1x44xf32, #tpu.memory_space<hbm>>) target(%dma_start3A_426 : memref<1x44xf32, #tpu.memory_space<vmem>>) target_semaphore(%arg9 : memref<!tpu.dma_semaphore, #tpu.memory_space<semaphore_mem>>)
      %eq3A_429 = arith.constant 14 : i32
      %eq3A_430 = vector.broadcast %eq3A_429 : i32 to vector<16xi32>
      %eq3A_431 = arith.cmpi eq, %iota3A, %eq3A_430 : vector<16xi32>
      %jit3A_432 = arith.constant 0 : i32
      %broadcast_in_dim3A_433 = vector.broadcast %jit3A_432 : i32 to vector<16xi32>
      %select_n3A_434 = arith.select %eq3A_431, %get3A_125, %broadcast_in_dim3A_433 : vector<16xi1>, vector<16xi32>
      %reduce_sum3A_435 = arith.constant true
      %reduce_sum3A_436 = vector.broadcast %reduce_sum3A_435 : i1 to vector<16xi1>
      %reduce_sum3A_437 = tpu.scan <sum>, %select_n3A_434 masked %reduce_sum3A_436 : vector<16xi32>, vector<16xi1> -> vector<16xi32>
      %reduce_sum3A_438 = vector.extract %reduce_sum3A_437[15] : i32 from vector<16xi32>
      %mul3A_439 = arith.constant 16 : i32
      %mul3A_440 = arith.muli %scan3A_120, %mul3A_439 : i32
      %add3A_441 = arith.constant 14 : i32
      %add3A_442 = arith.addi %mul3A_440, %add3A_441 : i32
      %dma_start3A_443 = arith.constant 256 : i32
      %dma_start3A_444 = tpu.memref_slice %arg7[%add3A_442, %dma_start3A_443] : memref<128x300xf32, #tpu.memory_space<vmem>> -> memref<1x44xf32, #tpu.memory_space<vmem>>
      %dma_start3A_445 = arith.constant 256 : i32
      %dma_start3A_446 = tpu.memref_slice %arg3[%reduce_sum3A_438, %dma_start3A_445] : memref<1000000x300xf32, #tpu.memory_space<hbm>> -> memref<1x44xf32, #tpu.memory_space<hbm>>
      %dma_start3A_447 = arith.constant 256 : i32
      %dma_start3A_448 = tpu.memref_slice %arg7[%add3A_442, %dma_start3A_447] : memref<128x300xf32, #tpu.memory_space<vmem>> -> memref<1x44xf32, #tpu.memory_space<vmem>>
      %dma_start3A_449 = arith.constant 256 : i32
      %dma_start3A_450 = tpu.memref_slice %arg3[%reduce_sum3A_438, %dma_start3A_449] : memref<1000000x300xf32, #tpu.memory_space<hbm>> -> memref<1x44xf32, #tpu.memory_space<hbm>>
      tpu.enqueue_dma source(%dma_start3A_450 : memref<1x44xf32, #tpu.memory_space<hbm>>) target(%dma_start3A_448 : memref<1x44xf32, #tpu.memory_space<vmem>>) target_semaphore(%arg9 : memref<!tpu.dma_semaphore, #tpu.memory_space<semaphore_mem>>)
      %eq3A_451 = arith.constant 15 : i32
      %eq3A_452 = vector.broadcast %eq3A_451 : i32 to vector<16xi32>
      %eq3A_453 = arith.cmpi eq, %iota3A, %eq3A_452 : vector<16xi32>
      %jit3A_454 = arith.constant 0 : i32
      %broadcast_in_dim3A_455 = vector.broadcast %jit3A_454 : i32 to vector<16xi32>
      %select_n3A_456 = arith.select %eq3A_453, %get3A_125, %broadcast_in_dim3A_455 : vector<16xi1>, vector<16xi32>
      %reduce_sum3A_457 = arith.constant true
      %reduce_sum3A_458 = vector.broadcast %reduce_sum3A_457 : i1 to vector<16xi1>
      %reduce_sum3A_459 = tpu.scan <sum>, %select_n3A_456 masked %reduce_sum3A_458 : vector<16xi32>, vector<16xi1> -> vector<16xi32>
      %reduce_sum3A_460 = vector.extract %reduce_sum3A_459[15] : i32 from vector<16xi32>
      %mul3A_461 = arith.constant 16 : i32
      %mul3A_462 = arith.muli %scan3A_120, %mul3A_461 : i32
      %add3A_463 = arith.constant 15 : i32
      %add3A_464 = arith.addi %mul3A_462, %add3A_463 : i32
      %dma_start3A_465 = arith.constant 256 : i32
      %dma_start3A_466 = tpu.memref_slice %arg7[%add3A_464, %dma_start3A_465] : memref<128x300xf32, #tpu.memory_space<vmem>> -> memref<1x44xf32, #tpu.memory_space<vmem>>
      %dma_start3A_467 = arith.constant 256 : i32
      %dma_start3A_468 = tpu.memref_slice %arg3[%reduce_sum3A_460, %dma_start3A_467] : memref<1000000x300xf32, #tpu.memory_space<hbm>> -> memref<1x44xf32, #tpu.memory_space<hbm>>
      %dma_start3A_469 = arith.constant 256 : i32
      %dma_start3A_470 = tpu.memref_slice %arg7[%add3A_464, %dma_start3A_469] : memref<128x300xf32, #tpu.memory_space<vmem>> -> memref<1x44xf32, #tpu.memory_space<vmem>>
      %dma_start3A_471 = arith.constant 256 : i32
      %dma_start3A_472 = tpu.memref_slice %arg3[%reduce_sum3A_460, %dma_start3A_471] : memref<1000000x300xf32, #tpu.memory_space<hbm>> -> memref<1x44xf32, #tpu.memory_space<hbm>>
      tpu.enqueue_dma source(%dma_start3A_472 : memref<1x44xf32, #tpu.memory_space<hbm>>) target(%dma_start3A_470 : memref<1x44xf32, #tpu.memory_space<vmem>>) target_semaphore(%arg9 : memref<!tpu.dma_semaphore, #tpu.memory_space<semaphore_mem>>)
    }
    %scan3A_44 = arith.constant 8 : i32
    %dma_wait3A = arith.constant 0 : i32
    %dma_wait3A_45 = arith.constant 0 : i32
    %dma_wait3A_46 = tpu.memref_slice %arg3[%dma_wait3A, %dma_wait3A_45] : memref<1000000x300xf32, #tpu.memory_space<hbm>> -> memref<128x300xf32, #tpu.memory_space<hbm>>
    %dma_wait3A_47 = arith.constant 0 : i32
    %dma_wait3A_48 = arith.constant 0 : i32
    %dma_wait3A_49 = tpu.memref_slice %arg3[%dma_wait3A_47, %dma_wait3A_48] : memref<1000000x300xf32, #tpu.memory_space<hbm>> -> memref<128x300xf32, #tpu.memory_space<hbm>>
    tpu.wait_dma2 semaphore(%arg8 : memref<!tpu.dma_semaphore, #tpu.memory_space<semaphore_mem>>) src(%dma_wait3A_49 : memref<128x300xf32, #tpu.memory_space<hbm>>) dst(%arg6 : memref<128x300xf32, #tpu.memory_space<vmem>>)
    %add3A_50 = arith.constant 0 : i32
    %add3A_51 = arith.addi %mul3A_2, %add3A_50 : i32
    "tpu.region"() ({
      %run_scoped3A = tpu.sem_alloc : memref<!tpu.dma_semaphore, #tpu.memory_space<semaphore_mem>>
      %dma_start3A_120 = arith.constant 0 : i32
      %dma_start3A_121 = tpu.memref_slice %arg4[%add3A_51, %dma_start3A_120] : memref<16384x300xf32, #tpu.memory_space<hbm>> -> memref<128x300xf32, #tpu.memory_space<hbm>>
      %dma_start3A_122 = arith.constant 0 : i32
      %dma_start3A_123 = tpu.memref_slice %arg4[%add3A_51, %dma_start3A_122] : memref<16384x300xf32, #tpu.memory_space<hbm>> -> memref<128x300xf32, #tpu.memory_space<hbm>>
      tpu.enqueue_dma source(%arg6 : memref<128x300xf32, #tpu.memory_space<vmem>>) target(%dma_start3A_123 : memref<128x300xf32, #tpu.memory_space<hbm>>) target_semaphore(%run_scoped3A : memref<!tpu.dma_semaphore, #tpu.memory_space<semaphore_mem>>)
      %dma_wait3A_124 = arith.constant 0 : i32
      %dma_wait3A_125 = tpu.memref_slice %arg4[%add3A_51, %dma_wait3A_124] : memref<16384x300xf32, #tpu.memory_space<hbm>> -> memref<128x300xf32, #tpu.memory_space<hbm>>
      %dma_wait3A_126 = arith.constant 0 : i32
      %dma_wait3A_127 = tpu.memref_slice %arg4[%add3A_51, %dma_wait3A_126] : memref<16384x300xf32, #tpu.memory_space<hbm>> -> memref<128x300xf32, #tpu.memory_space<hbm>>
      tpu.wait_dma2 semaphore(%run_scoped3A : memref<!tpu.dma_semaphore, #tpu.memory_space<semaphore_mem>>) src(%arg6 : memref<128x300xf32, #tpu.memory_space<vmem>>) dst(%dma_wait3A_127 : memref<128x300xf32, #tpu.memory_space<hbm>>)
      tpu.yield
    }) : () -> ()
    %dma_start3A_52 = arith.constant 0 : i32
    %dma_start3A_53 = arith.constant 0 : i32
    %dma_start3A_54 = tpu.memref_slice %arg6[%dma_start3A_52, %dma_start3A_53] : memref<128x300xf32, #tpu.memory_space<vmem>> -> memref<128x128xf32, #tpu.memory_space<vmem>>
    %dma_start3A_55 = arith.constant 256 : i32
    %dma_start3A_56 = tpu.memref_slice %arg5[%dma_start3A_55] : memref<512xi32, #tpu.memory_space<vmem>> -> memref<128xi32, #tpu.memory_space<vmem>>
    %dma_start3A_57 = arith.constant 0 : i32
    %dma_start3A_58 = arith.constant 0 : i32
    %dma_start3A_59 = tpu.memref_slice %arg3[%dma_start3A_57, %dma_start3A_58] : memref<1000000x300xf32, #tpu.memory_space<hbm>> -> memref<1000000x128xf32, #tpu.memory_space<hbm>>
    tpu.enqueue_indirect_dma source(%dma_start3A_59 : memref<1000000x128xf32, #tpu.memory_space<hbm>>) target(%dma_start3A_54 : memref<128x128xf32, #tpu.memory_space<vmem>>) offsets(%dma_start3A_56 : memref<128xi32, #tpu.memory_space<vmem>>) semaphore(%arg8 : memref<!tpu.dma_semaphore, #tpu.memory_space<semaphore_mem>>)
    %dma_start3A_60 = arith.constant 0 : i32
    %dma_start3A_61 = arith.constant 128 : i32
    %dma_start3A_62 = tpu.memref_slice %arg6[%dma_start3A_60, %dma_start3A_61] : memref<128x300xf32, #tpu.memory_space<vmem>> -> memref<128x128xf32, #tpu.memory_space<vmem>>
    %dma_start3A_63 = arith.constant 256 : i32
    %dma_start3A_64 = tpu.memref_slice %arg5[%dma_start3A_63] : memref<512xi32, #tpu.memory_space<vmem>> -> memref<128xi32, #tpu.memory_space<vmem>>
    %dma_start3A_65 = arith.constant 0 : i32
    %dma_start3A_66 = arith.constant 128 : i32
    %dma_start3A_67 = tpu.memref_slice %arg3[%dma_start3A_65, %dma_start3A_66] : memref<1000000x300xf32, #tpu.memory_space<hbm>> -> memref<1000000x128xf32, #tpu.memory_space<hbm>>
    tpu.enqueue_indirect_dma source(%dma_start3A_67 : memref<1000000x128xf32, #tpu.memory_space<hbm>>) target(%dma_start3A_62 : memref<128x128xf32, #tpu.memory_space<vmem>>) offsets(%dma_start3A_64 : memref<128xi32, #tpu.memory_space<vmem>>) semaphore(%arg8 : memref<!tpu.dma_semaphore, #tpu.memory_space<semaphore_mem>>)
    %scan3A_68 = arith.constant 0 : i32
    %scan3A_69 = arith.constant 0 : i32
    %scan3A_70 = arith.constant 8 : i32
    %scan3A_71 = arith.addi %scan3A_69, %scan3A_70 : i32
    %scan3A_72 = arith.constant 1 : i32
    scf.for %scan3A_120 = %scan3A_69 to %scan3A_71 step %scan3A_72  : i32 {
      %mul3A_121 = arith.constant 16 : i32
      %mul3A_122 = arith.muli %scan3A_120, %mul3A_121 : i32
      %add3A_123 = arith.constant 256 : i32
      %add3A_124 = arith.addi %add3A_123, %mul3A_122 : i32
      %get3A = arith.index_cast %add3A_124 : i32 to index
      %get3A_125 = tpu.vector_load %arg5[%get3A] {strides = array<i32>} : memref<512xi32, #tpu.memory_space<vmem>>, vector<16xi32>,
      %eq3A = arith.constant 0 : i32
      %eq3A_126 = vector.broadcast %eq3A : i32 to vector<16xi32>
      %eq3A_127 = arith.cmpi eq, %iota3A, %eq3A_126 : vector<16xi32>
      %jit3A = arith.constant 0 : i32
      %broadcast_in_dim3A = vector.broadcast %jit3A : i32 to vector<16xi32>
      %select_n3A = arith.select %eq3A_127, %get3A_125, %broadcast_in_dim3A : vector<16xi1>, vector<16xi32>
      %reduce_sum3A = arith.constant true
      %reduce_sum3A_128 = vector.broadcast %reduce_sum3A : i1 to vector<16xi1>
      %reduce_sum3A_129 = tpu.scan <sum>, %select_n3A masked %reduce_sum3A_128 : vector<16xi32>, vector<16xi1> -> vector<16xi32>
      %reduce_sum3A_130 = vector.extract %reduce_sum3A_129[15] : i32 from vector<16xi32>
      %mul3A_131 = arith.constant 16 : i32
      %mul3A_132 = arith.muli %scan3A_120, %mul3A_131 : i32
      %add3A_133 = arith.constant 0 : i32
      %add3A_134 = arith.addi %mul3A_132, %add3A_133 : i32
      %dma_start3A_135 = arith.constant 256 : i32
      %dma_start3A_136 = tpu.memref_slice %arg6[%add3A_134, %dma_start3A_135] : memref<128x300xf32, #tpu.memory_space<vmem>> -> memref<1x44xf32, #tpu.memory_space<vmem>>
      %dma_start3A_137 = arith.constant 256 : i32
      %dma_start3A_138 = tpu.memref_slice %arg3[%reduce_sum3A_130, %dma_start3A_137] : memref<1000000x300xf32, #tpu.memory_space<hbm>> -> memref<1x44xf32, #tpu.memory_space<hbm>>
      %dma_start3A_139 = arith.constant 256 : i32
      %dma_start3A_140 = tpu.memref_slice %arg6[%add3A_134, %dma_start3A_139] : memref<128x300xf32, #tpu.memory_space<vmem>> -> memref<1x44xf32, #tpu.memory_space<vmem>>
      %dma_start3A_141 = arith.constant 256 : i32
      %dma_start3A_142 = tpu.memref_slice %arg3[%reduce_sum3A_130, %dma_start3A_141] : memref<1000000x300xf32, #tpu.memory_space<hbm>> -> memref<1x44xf32, #tpu.memory_space<hbm>>
      tpu.enqueue_dma source(%dma_start3A_142 : memref<1x44xf32, #tpu.memory_space<hbm>>) target(%dma_start3A_140 : memref<1x44xf32, #tpu.memory_space<vmem>>) target_semaphore(%arg8 : memref<!tpu.dma_semaphore, #tpu.memory_space<semaphore_mem>>)
      %eq3A_143 = arith.constant 1 : i32
      %eq3A_144 = vector.broadcast %eq3A_143 : i32 to vector<16xi32>
      %eq3A_145 = arith.cmpi eq, %iota3A, %eq3A_144 : vector<16xi32>
      %jit3A_146 = arith.constant 0 : i32
      %broadcast_in_dim3A_147 = vector.broadcast %jit3A_146 : i32 to vector<16xi32>
      %select_n3A_148 = arith.select %eq3A_145, %get3A_125, %broadcast_in_dim3A_147 : vector<16xi1>, vector<16xi32>
      %reduce_sum3A_149 = arith.constant true
      %reduce_sum3A_150 = vector.broadcast %reduce_sum3A_149 : i1 to vector<16xi1>
      %reduce_sum3A_151 = tpu.scan <sum>, %select_n3A_148 masked %reduce_sum3A_150 : vector<16xi32>, vector<16xi1> -> vector<16xi32>
      %reduce_sum3A_152 = vector.extract %reduce_sum3A_151[15] : i32 from vector<16xi32>
      %mul3A_153 = arith.constant 16 : i32
      %mul3A_154 = arith.muli %scan3A_120, %mul3A_153 : i32
      %add3A_155 = arith.constant 1 : i32
      %add3A_156 = arith.addi %mul3A_154, %add3A_155 : i32
      %dma_start3A_157 = arith.constant 256 : i32
      %dma_start3A_158 = tpu.memref_slice %arg6[%add3A_156, %dma_start3A_157] : memref<128x300xf32, #tpu.memory_space<vmem>> -> memref<1x44xf32, #tpu.memory_space<vmem>>
      %dma_start3A_159 = arith.constant 256 : i32
      %dma_start3A_160 = tpu.memref_slice %arg3[%reduce_sum3A_152, %dma_start3A_159] : memref<1000000x300xf32, #tpu.memory_space<hbm>> -> memref<1x44xf32, #tpu.memory_space<hbm>>
      %dma_start3A_161 = arith.constant 256 : i32
      %dma_start3A_162 = tpu.memref_slice %arg6[%add3A_156, %dma_start3A_161] : memref<128x300xf32, #tpu.memory_space<vmem>> -> memref<1x44xf32, #tpu.memory_space<vmem>>
      %dma_start3A_163 = arith.constant 256 : i32
      %dma_start3A_164 = tpu.memref_slice %arg3[%reduce_sum3A_152, %dma_start3A_163] : memref<1000000x300xf32, #tpu.memory_space<hbm>> -> memref<1x44xf32, #tpu.memory_space<hbm>>
      tpu.enqueue_dma source(%dma_start3A_164 : memref<1x44xf32, #tpu.memory_space<hbm>>) target(%dma_start3A_162 : memref<1x44xf32, #tpu.memory_space<vmem>>) target_semaphore(%arg8 : memref<!tpu.dma_semaphore, #tpu.memory_space<semaphore_mem>>)
      %eq3A_165 = arith.constant 2 : i32
      %eq3A_166 = vector.broadcast %eq3A_165 : i32 to vector<16xi32>
      %eq3A_167 = arith.cmpi eq, %iota3A, %eq3A_166 : vector<16xi32>
      %jit3A_168 = arith.constant 0 : i32
      %broadcast_in_dim3A_169 = vector.broadcast %jit3A_168 : i32 to vector<16xi32>
      %select_n3A_170 = arith.select %eq3A_167, %get3A_125, %broadcast_in_dim3A_169 : vector<16xi1>, vector<16xi32>
      %reduce_sum3A_171 = arith.constant true
      %reduce_sum3A_172 = vector.broadcast %reduce_sum3A_171 : i1 to vector<16xi1>
      %reduce_sum3A_173 = tpu.scan <sum>, %select_n3A_170 masked %reduce_sum3A_172 : vector<16xi32>, vector<16xi1> -> vector<16xi32>
      %reduce_sum3A_174 = vector.extract %reduce_sum3A_173[15] : i32 from vector<16xi32>
      %mul3A_175 = arith.constant 16 : i32
      %mul3A_176 = arith.muli %scan3A_120, %mul3A_175 : i32
      %add3A_177 = arith.constant 2 : i32
      %add3A_178 = arith.addi %mul3A_176, %add3A_177 : i32
      %dma_start3A_179 = arith.constant 256 : i32
      %dma_start3A_180 = tpu.memref_slice %arg6[%add3A_178, %dma_start3A_179] : memref<128x300xf32, #tpu.memory_space<vmem>> -> memref<1x44xf32, #tpu.memory_space<vmem>>
      %dma_start3A_181 = arith.constant 256 : i32
      %dma_start3A_182 = tpu.memref_slice %arg3[%reduce_sum3A_174, %dma_start3A_181] : memref<1000000x300xf32, #tpu.memory_space<hbm>> -> memref<1x44xf32, #tpu.memory_space<hbm>>
      %dma_start3A_183 = arith.constant 256 : i32
      %dma_start3A_184 = tpu.memref_slice %arg6[%add3A_178, %dma_start3A_183] : memref<128x300xf32, #tpu.memory_space<vmem>> -> memref<1x44xf32, #tpu.memory_space<vmem>>
      %dma_start3A_185 = arith.constant 256 : i32
      %dma_start3A_186 = tpu.memref_slice %arg3[%reduce_sum3A_174, %dma_start3A_185] : memref<1000000x300xf32, #tpu.memory_space<hbm>> -> memref<1x44xf32, #tpu.memory_space<hbm>>
      tpu.enqueue_dma source(%dma_start3A_186 : memref<1x44xf32, #tpu.memory_space<hbm>>) target(%dma_start3A_184 : memref<1x44xf32, #tpu.memory_space<vmem>>) target_semaphore(%arg8 : memref<!tpu.dma_semaphore, #tpu.memory_space<semaphore_mem>>)
      %eq3A_187 = arith.constant 3 : i32
      %eq3A_188 = vector.broadcast %eq3A_187 : i32 to vector<16xi32>
      %eq3A_189 = arith.cmpi eq, %iota3A, %eq3A_188 : vector<16xi32>
      %jit3A_190 = arith.constant 0 : i32
      %broadcast_in_dim3A_191 = vector.broadcast %jit3A_190 : i32 to vector<16xi32>
      %select_n3A_192 = arith.select %eq3A_189, %get3A_125, %broadcast_in_dim3A_191 : vector<16xi1>, vector<16xi32>
      %reduce_sum3A_193 = arith.constant true
      %reduce_sum3A_194 = vector.broadcast %reduce_sum3A_193 : i1 to vector<16xi1>
      %reduce_sum3A_195 = tpu.scan <sum>, %select_n3A_192 masked %reduce_sum3A_194 : vector<16xi32>, vector<16xi1> -> vector<16xi32>
      %reduce_sum3A_196 = vector.extract %reduce_sum3A_195[15] : i32 from vector<16xi32>
      %mul3A_197 = arith.constant 16 : i32
      %mul3A_198 = arith.muli %scan3A_120, %mul3A_197 : i32
      %add3A_199 = arith.constant 3 : i32
      %add3A_200 = arith.addi %mul3A_198, %add3A_199 : i32
      %dma_start3A_201 = arith.constant 256 : i32
      %dma_start3A_202 = tpu.memref_slice %arg6[%add3A_200, %dma_start3A_201] : memref<128x300xf32, #tpu.memory_space<vmem>> -> memref<1x44xf32, #tpu.memory_space<vmem>>
      %dma_start3A_203 = arith.constant 256 : i32
      %dma_start3A_204 = tpu.memref_slice %arg3[%reduce_sum3A_196, %dma_start3A_203] : memref<1000000x300xf32, #tpu.memory_space<hbm>> -> memref<1x44xf32, #tpu.memory_space<hbm>>
      %dma_start3A_205 = arith.constant 256 : i32
      %dma_start3A_206 = tpu.memref_slice %arg6[%add3A_200, %dma_start3A_205] : memref<128x300xf32, #tpu.memory_space<vmem>> -> memref<1x44xf32, #tpu.memory_space<vmem>>
      %dma_start3A_207 = arith.constant 256 : i32
      %dma_start3A_208 = tpu.memref_slice %arg3[%reduce_sum3A_196, %dma_start3A_207] : memref<1000000x300xf32, #tpu.memory_space<hbm>> -> memref<1x44xf32, #tpu.memory_space<hbm>>
      tpu.enqueue_dma source(%dma_start3A_208 : memref<1x44xf32, #tpu.memory_space<hbm>>) target(%dma_start3A_206 : memref<1x44xf32, #tpu.memory_space<vmem>>) target_semaphore(%arg8 : memref<!tpu.dma_semaphore, #tpu.memory_space<semaphore_mem>>)
      %eq3A_209 = arith.constant 4 : i32
      %eq3A_210 = vector.broadcast %eq3A_209 : i32 to vector<16xi32>
      %eq3A_211 = arith.cmpi eq, %iota3A, %eq3A_210 : vector<16xi32>
      %jit3A_212 = arith.constant 0 : i32
      %broadcast_in_dim3A_213 = vector.broadcast %jit3A_212 : i32 to vector<16xi32>
      %select_n3A_214 = arith.select %eq3A_211, %get3A_125, %broadcast_in_dim3A_213 : vector<16xi1>, vector<16xi32>
      %reduce_sum3A_215 = arith.constant true
      %reduce_sum3A_216 = vector.broadcast %reduce_sum3A_215 : i1 to vector<16xi1>
      %reduce_sum3A_217 = tpu.scan <sum>, %select_n3A_214 masked %reduce_sum3A_216 : vector<16xi32>, vector<16xi1> -> vector<16xi32>
      %reduce_sum3A_218 = vector.extract %reduce_sum3A_217[15] : i32 from vector<16xi32>
      %mul3A_219 = arith.constant 16 : i32
      %mul3A_220 = arith.muli %scan3A_120, %mul3A_219 : i32
      %add3A_221 = arith.constant 4 : i32
      %add3A_222 = arith.addi %mul3A_220, %add3A_221 : i32
      %dma_start3A_223 = arith.constant 256 : i32
      %dma_start3A_224 = tpu.memref_slice %arg6[%add3A_222, %dma_start3A_223] : memref<128x300xf32, #tpu.memory_space<vmem>> -> memref<1x44xf32, #tpu.memory_space<vmem>>
      %dma_start3A_225 = arith.constant 256 : i32
      %dma_start3A_226 = tpu.memref_slice %arg3[%reduce_sum3A_218, %dma_start3A_225] : memref<1000000x300xf32, #tpu.memory_space<hbm>> -> memref<1x44xf32, #tpu.memory_space<hbm>>
      %dma_start3A_227 = arith.constant 256 : i32
      %dma_start3A_228 = tpu.memref_slice %arg6[%add3A_222, %dma_start3A_227] : memref<128x300xf32, #tpu.memory_space<vmem>> -> memref<1x44xf32, #tpu.memory_space<vmem>>
      %dma_start3A_229 = arith.constant 256 : i32
      %dma_start3A_230 = tpu.memref_slice %arg3[%reduce_sum3A_218, %dma_start3A_229] : memref<1000000x300xf32, #tpu.memory_space<hbm>> -> memref<1x44xf32, #tpu.memory_space<hbm>>
      tpu.enqueue_dma source(%dma_start3A_230 : memref<1x44xf32, #tpu.memory_space<hbm>>) target(%dma_start3A_228 : memref<1x44xf32, #tpu.memory_space<vmem>>) target_semaphore(%arg8 : memref<!tpu.dma_semaphore, #tpu.memory_space<semaphore_mem>>)
      %eq3A_231 = arith.constant 5 : i32
      %eq3A_232 = vector.broadcast %eq3A_231 : i32 to vector<16xi32>
      %eq3A_233 = arith.cmpi eq, %iota3A, %eq3A_232 : vector<16xi32>
      %jit3A_234 = arith.constant 0 : i32
      %broadcast_in_dim3A_235 = vector.broadcast %jit3A_234 : i32 to vector<16xi32>
      %select_n3A_236 = arith.select %eq3A_233, %get3A_125, %broadcast_in_dim3A_235 : vector<16xi1>, vector<16xi32>
      %reduce_sum3A_237 = arith.constant true
      %reduce_sum3A_238 = vector.broadcast %reduce_sum3A_237 : i1 to vector<16xi1>
      %reduce_sum3A_239 = tpu.scan <sum>, %select_n3A_236 masked %reduce_sum3A_238 : vector<16xi32>, vector<16xi1> -> vector<16xi32>
      %reduce_sum3A_240 = vector.extract %reduce_sum3A_239[15] : i32 from vector<16xi32>
      %mul3A_241 = arith.constant 16 : i32
      %mul3A_242 = arith.muli %scan3A_120, %mul3A_241 : i32
      %add3A_243 = arith.constant 5 : i32
      %add3A_244 = arith.addi %mul3A_242, %add3A_243 : i32
      %dma_start3A_245 = arith.constant 256 : i32
      %dma_start3A_246 = tpu.memref_slice %arg6[%add3A_244, %dma_start3A_245] : memref<128x300xf32, #tpu.memory_space<vmem>> -> memref<1x44xf32, #tpu.memory_space<vmem>>
      %dma_start3A_247 = arith.constant 256 : i32
      %dma_start3A_248 = tpu.memref_slice %arg3[%reduce_sum3A_240, %dma_start3A_247] : memref<1000000x300xf32, #tpu.memory_space<hbm>> -> memref<1x44xf32, #tpu.memory_space<hbm>>
      %dma_start3A_249 = arith.constant 256 : i32
      %dma_start3A_250 = tpu.memref_slice %arg6[%add3A_244, %dma_start3A_249] : memref<128x300xf32, #tpu.memory_space<vmem>> -> memref<1x44xf32, #tpu.memory_space<vmem>>
      %dma_start3A_251 = arith.constant 256 : i32
      %dma_start3A_252 = tpu.memref_slice %arg3[%reduce_sum3A_240, %dma_start3A_251] : memref<1000000x300xf32, #tpu.memory_space<hbm>> -> memref<1x44xf32, #tpu.memory_space<hbm>>
      tpu.enqueue_dma source(%dma_start3A_252 : memref<1x44xf32, #tpu.memory_space<hbm>>) target(%dma_start3A_250 : memref<1x44xf32, #tpu.memory_space<vmem>>) target_semaphore(%arg8 : memref<!tpu.dma_semaphore, #tpu.memory_space<semaphore_mem>>)
      %eq3A_253 = arith.constant 6 : i32
      %eq3A_254 = vector.broadcast %eq3A_253 : i32 to vector<16xi32>
      %eq3A_255 = arith.cmpi eq, %iota3A, %eq3A_254 : vector<16xi32>
      %jit3A_256 = arith.constant 0 : i32
      %broadcast_in_dim3A_257 = vector.broadcast %jit3A_256 : i32 to vector<16xi32>
      %select_n3A_258 = arith.select %eq3A_255, %get3A_125, %broadcast_in_dim3A_257 : vector<16xi1>, vector<16xi32>
      %reduce_sum3A_259 = arith.constant true
      %reduce_sum3A_260 = vector.broadcast %reduce_sum3A_259 : i1 to vector<16xi1>
      %reduce_sum3A_261 = tpu.scan <sum>, %select_n3A_258 masked %reduce_sum3A_260 : vector<16xi32>, vector<16xi1> -> vector<16xi32>
      %reduce_sum3A_262 = vector.extract %reduce_sum3A_261[15] : i32 from vector<16xi32>
      %mul3A_263 = arith.constant 16 : i32
      %mul3A_264 = arith.muli %scan3A_120, %mul3A_263 : i32
      %add3A_265 = arith.constant 6 : i32
      %add3A_266 = arith.addi %mul3A_264, %add3A_265 : i32
      %dma_start3A_267 = arith.constant 256 : i32
      %dma_start3A_268 = tpu.memref_slice %arg6[%add3A_266, %dma_start3A_267] : memref<128x300xf32, #tpu.memory_space<vmem>> -> memref<1x44xf32, #tpu.memory_space<vmem>>
      %dma_start3A_269 = arith.constant 256 : i32
      %dma_start3A_270 = tpu.memref_slice %arg3[%reduce_sum3A_262, %dma_start3A_269] : memref<1000000x300xf32, #tpu.memory_space<hbm>> -> memref<1x44xf32, #tpu.memory_space<hbm>>
      %dma_start3A_271 = arith.constant 256 : i32
      %dma_start3A_272 = tpu.memref_slice %arg6[%add3A_266, %dma_start3A_271] : memref<128x300xf32, #tpu.memory_space<vmem>> -> memref<1x44xf32, #tpu.memory_space<vmem>>
      %dma_start3A_273 = arith.constant 256 : i32
      %dma_start3A_274 = tpu.memref_slice %arg3[%reduce_sum3A_262, %dma_start3A_273] : memref<1000000x300xf32, #tpu.memory_space<hbm>> -> memref<1x44xf32, #tpu.memory_space<hbm>>
      tpu.enqueue_dma source(%dma_start3A_274 : memref<1x44xf32, #tpu.memory_space<hbm>>) target(%dma_start3A_272 : memref<1x44xf32, #tpu.memory_space<vmem>>) target_semaphore(%arg8 : memref<!tpu.dma_semaphore, #tpu.memory_space<semaphore_mem>>)
      %eq3A_275 = arith.constant 7 : i32
      %eq3A_276 = vector.broadcast %eq3A_275 : i32 to vector<16xi32>
      %eq3A_277 = arith.cmpi eq, %iota3A, %eq3A_276 : vector<16xi32>
      %jit3A_278 = arith.constant 0 : i32
      %broadcast_in_dim3A_279 = vector.broadcast %jit3A_278 : i32 to vector<16xi32>
      %select_n3A_280 = arith.select %eq3A_277, %get3A_125, %broadcast_in_dim3A_279 : vector<16xi1>, vector<16xi32>
      %reduce_sum3A_281 = arith.constant true
      %reduce_sum3A_282 = vector.broadcast %reduce_sum3A_281 : i1 to vector<16xi1>
      %reduce_sum3A_283 = tpu.scan <sum>, %select_n3A_280 masked %reduce_sum3A_282 : vector<16xi32>, vector<16xi1> -> vector<16xi32>
      %reduce_sum3A_284 = vector.extract %reduce_sum3A_283[15] : i32 from vector<16xi32>
      %mul3A_285 = arith.constant 16 : i32
      %mul3A_286 = arith.muli %scan3A_120, %mul3A_285 : i32
      %add3A_287 = arith.constant 7 : i32
      %add3A_288 = arith.addi %mul3A_286, %add3A_287 : i32
      %dma_start3A_289 = arith.constant 256 : i32
      %dma_start3A_290 = tpu.memref_slice %arg6[%add3A_288, %dma_start3A_289] : memref<128x300xf32, #tpu.memory_space<vmem>> -> memref<1x44xf32, #tpu.memory_space<vmem>>
      %dma_start3A_291 = arith.constant 256 : i32
      %dma_start3A_292 = tpu.memref_slice %arg3[%reduce_sum3A_284, %dma_start3A_291] : memref<1000000x300xf32, #tpu.memory_space<hbm>> -> memref<1x44xf32, #tpu.memory_space<hbm>>
      %dma_start3A_293 = arith.constant 256 : i32
      %dma_start3A_294 = tpu.memref_slice %arg6[%add3A_288, %dma_start3A_293] : memref<128x300xf32, #tpu.memory_space<vmem>> -> memref<1x44xf32, #tpu.memory_space<vmem>>
      %dma_start3A_295 = arith.constant 256 : i32
      %dma_start3A_296 = tpu.memref_slice %arg3[%reduce_sum3A_284, %dma_start3A_295] : memref<1000000x300xf32, #tpu.memory_space<hbm>> -> memref<1x44xf32, #tpu.memory_space<hbm>>
      tpu.enqueue_dma source(%dma_start3A_296 : memref<1x44xf32, #tpu.memory_space<hbm>>) target(%dma_start3A_294 : memref<1x44xf32, #tpu.memory_space<vmem>>) target_semaphore(%arg8 : memref<!tpu.dma_semaphore, #tpu.memory_space<semaphore_mem>>)
      %eq3A_297 = arith.constant 8 : i32
      %eq3A_298 = vector.broadcast %eq3A_297 : i32 to vector<16xi32>
      %eq3A_299 = arith.cmpi eq, %iota3A, %eq3A_298 : vector<16xi32>
      %jit3A_300 = arith.constant 0 : i32
      %broadcast_in_dim3A_301 = vector.broadcast %jit3A_300 : i32 to vector<16xi32>
      %select_n3A_302 = arith.select %eq3A_299, %get3A_125, %broadcast_in_dim3A_301 : vector<16xi1>, vector<16xi32>
      %reduce_sum3A_303 = arith.constant true
      %reduce_sum3A_304 = vector.broadcast %reduce_sum3A_303 : i1 to vector<16xi1>
      %reduce_sum3A_305 = tpu.scan <sum>, %select_n3A_302 masked %reduce_sum3A_304 : vector<16xi32>, vector<16xi1> -> vector<16xi32>
      %reduce_sum3A_306 = vector.extract %reduce_sum3A_305[15] : i32 from vector<16xi32>
      %mul3A_307 = arith.constant 16 : i32
      %mul3A_308 = arith.muli %scan3A_120, %mul3A_307 : i32
      %add3A_309 = arith.constant 8 : i32
      %add3A_310 = arith.addi %mul3A_308, %add3A_309 : i32
      %dma_start3A_311 = arith.constant 256 : i32
      %dma_start3A_312 = tpu.memref_slice %arg6[%add3A_310, %dma_start3A_311] : memref<128x300xf32, #tpu.memory_space<vmem>> -> memref<1x44xf32, #tpu.memory_space<vmem>>
      %dma_start3A_313 = arith.constant 256 : i32
      %dma_start3A_314 = tpu.memref_slice %arg3[%reduce_sum3A_306, %dma_start3A_313] : memref<1000000x300xf32, #tpu.memory_space<hbm>> -> memref<1x44xf32, #tpu.memory_space<hbm>>
      %dma_start3A_315 = arith.constant 256 : i32
      %dma_start3A_316 = tpu.memref_slice %arg6[%add3A_310, %dma_start3A_315] : memref<128x300xf32, #tpu.memory_space<vmem>> -> memref<1x44xf32, #tpu.memory_space<vmem>>
      %dma_start3A_317 = arith.constant 256 : i32
      %dma_start3A_318 = tpu.memref_slice %arg3[%reduce_sum3A_306, %dma_start3A_317] : memref<1000000x300xf32, #tpu.memory_space<hbm>> -> memref<1x44xf32, #tpu.memory_space<hbm>>
      tpu.enqueue_dma source(%dma_start3A_318 : memref<1x44xf32, #tpu.memory_space<hbm>>) target(%dma_start3A_316 : memref<1x44xf32, #tpu.memory_space<vmem>>) target_semaphore(%arg8 : memref<!tpu.dma_semaphore, #tpu.memory_space<semaphore_mem>>)
      %eq3A_319 = arith.constant 9 : i32
      %eq3A_320 = vector.broadcast %eq3A_319 : i32 to vector<16xi32>
      %eq3A_321 = arith.cmpi eq, %iota3A, %eq3A_320 : vector<16xi32>
      %jit3A_322 = arith.constant 0 : i32
      %broadcast_in_dim3A_323 = vector.broadcast %jit3A_322 : i32 to vector<16xi32>
      %select_n3A_324 = arith.select %eq3A_321, %get3A_125, %broadcast_in_dim3A_323 : vector<16xi1>, vector<16xi32>
      %reduce_sum3A_325 = arith.constant true
      %reduce_sum3A_326 = vector.broadcast %reduce_sum3A_325 : i1 to vector<16xi1>
      %reduce_sum3A_327 = tpu.scan <sum>, %select_n3A_324 masked %reduce_sum3A_326 : vector<16xi32>, vector<16xi1> -> vector<16xi32>
      %reduce_sum3A_328 = vector.extract %reduce_sum3A_327[15] : i32 from vector<16xi32>
      %mul3A_329 = arith.constant 16 : i32
      %mul3A_330 = arith.muli %scan3A_120, %mul3A_329 : i32
      %add3A_331 = arith.constant 9 : i32
      %add3A_332 = arith.addi %mul3A_330, %add3A_331 : i32
      %dma_start3A_333 = arith.constant 256 : i32
      %dma_start3A_334 = tpu.memref_slice %arg6[%add3A_332, %dma_start3A_333] : memref<128x300xf32, #tpu.memory_space<vmem>> -> memref<1x44xf32, #tpu.memory_space<vmem>>
      %dma_start3A_335 = arith.constant 256 : i32
      %dma_start3A_336 = tpu.memref_slice %arg3[%reduce_sum3A_328, %dma_start3A_335] : memref<1000000x300xf32, #tpu.memory_space<hbm>> -> memref<1x44xf32, #tpu.memory_space<hbm>>
      %dma_start3A_337 = arith.constant 256 : i32
      %dma_start3A_338 = tpu.memref_slice %arg6[%add3A_332, %dma_start3A_337] : memref<128x300xf32, #tpu.memory_space<vmem>> -> memref<1x44xf32, #tpu.memory_space<vmem>>
      %dma_start3A_339 = arith.constant 256 : i32
      %dma_start3A_340 = tpu.memref_slice %arg3[%reduce_sum3A_328, %dma_start3A_339] : memref<1000000x300xf32, #tpu.memory_space<hbm>> -> memref<1x44xf32, #tpu.memory_space<hbm>>
      tpu.enqueue_dma source(%dma_start3A_340 : memref<1x44xf32, #tpu.memory_space<hbm>>) target(%dma_start3A_338 : memref<1x44xf32, #tpu.memory_space<vmem>>) target_semaphore(%arg8 : memref<!tpu.dma_semaphore, #tpu.memory_space<semaphore_mem>>)
      %eq3A_341 = arith.constant 10 : i32
      %eq3A_342 = vector.broadcast %eq3A_341 : i32 to vector<16xi32>
      %eq3A_343 = arith.cmpi eq, %iota3A, %eq3A_342 : vector<16xi32>
      %jit3A_344 = arith.constant 0 : i32
      %broadcast_in_dim3A_345 = vector.broadcast %jit3A_344 : i32 to vector<16xi32>
      %select_n3A_346 = arith.select %eq3A_343, %get3A_125, %broadcast_in_dim3A_345 : vector<16xi1>, vector<16xi32>
      %reduce_sum3A_347 = arith.constant true
      %reduce_sum3A_348 = vector.broadcast %reduce_sum3A_347 : i1 to vector<16xi1>
      %reduce_sum3A_349 = tpu.scan <sum>, %select_n3A_346 masked %reduce_sum3A_348 : vector<16xi32>, vector<16xi1> -> vector<16xi32>
      %reduce_sum3A_350 = vector.extract %reduce_sum3A_349[15] : i32 from vector<16xi32>
      %mul3A_351 = arith.constant 16 : i32
      %mul3A_352 = arith.muli %scan3A_120, %mul3A_351 : i32
      %add3A_353 = arith.constant 10 : i32
      %add3A_354 = arith.addi %mul3A_352, %add3A_353 : i32
      %dma_start3A_355 = arith.constant 256 : i32
      %dma_start3A_356 = tpu.memref_slice %arg6[%add3A_354, %dma_start3A_355] : memref<128x300xf32, #tpu.memory_space<vmem>> -> memref<1x44xf32, #tpu.memory_space<vmem>>
      %dma_start3A_357 = arith.constant 256 : i32
      %dma_start3A_358 = tpu.memref_slice %arg3[%reduce_sum3A_350, %dma_start3A_357] : memref<1000000x300xf32, #tpu.memory_space<hbm>> -> memref<1x44xf32, #tpu.memory_space<hbm>>
      %dma_start3A_359 = arith.constant 256 : i32
      %dma_start3A_360 = tpu.memref_slice %arg6[%add3A_354, %dma_start3A_359] : memref<128x300xf32, #tpu.memory_space<vmem>> -> memref<1x44xf32, #tpu.memory_space<vmem>>
      %dma_start3A_361 = arith.constant 256 : i32
      %dma_start3A_362 = tpu.memref_slice %arg3[%reduce_sum3A_350, %dma_start3A_361] : memref<1000000x300xf32, #tpu.memory_space<hbm>> -> memref<1x44xf32, #tpu.memory_space<hbm>>
      tpu.enqueue_dma source(%dma_start3A_362 : memref<1x44xf32, #tpu.memory_space<hbm>>) target(%dma_start3A_360 : memref<1x44xf32, #tpu.memory_space<vmem>>) target_semaphore(%arg8 : memref<!tpu.dma_semaphore, #tpu.memory_space<semaphore_mem>>)
      %eq3A_363 = arith.constant 11 : i32
      %eq3A_364 = vector.broadcast %eq3A_363 : i32 to vector<16xi32>
      %eq3A_365 = arith.cmpi eq, %iota3A, %eq3A_364 : vector<16xi32>
      %jit3A_366 = arith.constant 0 : i32
      %broadcast_in_dim3A_367 = vector.broadcast %jit3A_366 : i32 to vector<16xi32>
      %select_n3A_368 = arith.select %eq3A_365, %get3A_125, %broadcast_in_dim3A_367 : vector<16xi1>, vector<16xi32>
      %reduce_sum3A_369 = arith.constant true
      %reduce_sum3A_370 = vector.broadcast %reduce_sum3A_369 : i1 to vector<16xi1>
      %reduce_sum3A_371 = tpu.scan <sum>, %select_n3A_368 masked %reduce_sum3A_370 : vector<16xi32>, vector<16xi1> -> vector<16xi32>
      %reduce_sum3A_372 = vector.extract %reduce_sum3A_371[15] : i32 from vector<16xi32>
      %mul3A_373 = arith.constant 16 : i32
      %mul3A_374 = arith.muli %scan3A_120, %mul3A_373 : i32
      %add3A_375 = arith.constant 11 : i32
      %add3A_376 = arith.addi %mul3A_374, %add3A_375 : i32
      %dma_start3A_377 = arith.constant 256 : i32
      %dma_start3A_378 = tpu.memref_slice %arg6[%add3A_376, %dma_start3A_377] : memref<128x300xf32, #tpu.memory_space<vmem>> -> memref<1x44xf32, #tpu.memory_space<vmem>>
      %dma_start3A_379 = arith.constant 256 : i32
      %dma_start3A_380 = tpu.memref_slice %arg3[%reduce_sum3A_372, %dma_start3A_379] : memref<1000000x300xf32, #tpu.memory_space<hbm>> -> memref<1x44xf32, #tpu.memory_space<hbm>>
      %dma_start3A_381 = arith.constant 256 : i32
      %dma_start3A_382 = tpu.memref_slice %arg6[%add3A_376, %dma_start3A_381] : memref<128x300xf32, #tpu.memory_space<vmem>> -> memref<1x44xf32, #tpu.memory_space<vmem>>
      %dma_start3A_383 = arith.constant 256 : i32
      %dma_start3A_384 = tpu.memref_slice %arg3[%reduce_sum3A_372, %dma_start3A_383] : memref<1000000x300xf32, #tpu.memory_space<hbm>> -> memref<1x44xf32, #tpu.memory_space<hbm>>
      tpu.enqueue_dma source(%dma_start3A_384 : memref<1x44xf32, #tpu.memory_space<hbm>>) target(%dma_start3A_382 : memref<1x44xf32, #tpu.memory_space<vmem>>) target_semaphore(%arg8 : memref<!tpu.dma_semaphore, #tpu.memory_space<semaphore_mem>>)
      %eq3A_385 = arith.constant 12 : i32
      %eq3A_386 = vector.broadcast %eq3A_385 : i32 to vector<16xi32>
      %eq3A_387 = arith.cmpi eq, %iota3A, %eq3A_386 : vector<16xi32>
      %jit3A_388 = arith.constant 0 : i32
      %broadcast_in_dim3A_389 = vector.broadcast %jit3A_388 : i32 to vector<16xi32>
      %select_n3A_390 = arith.select %eq3A_387, %get3A_125, %broadcast_in_dim3A_389 : vector<16xi1>, vector<16xi32>
      %reduce_sum3A_391 = arith.constant true
      %reduce_sum3A_392 = vector.broadcast %reduce_sum3A_391 : i1 to vector<16xi1>
      %reduce_sum3A_393 = tpu.scan <sum>, %select_n3A_390 masked %reduce_sum3A_392 : vector<16xi32>, vector<16xi1> -> vector<16xi32>
      %reduce_sum3A_394 = vector.extract %reduce_sum3A_393[15] : i32 from vector<16xi32>
      %mul3A_395 = arith.constant 16 : i32
      %mul3A_396 = arith.muli %scan3A_120, %mul3A_395 : i32
      %add3A_397 = arith.constant 12 : i32
      %add3A_398 = arith.addi %mul3A_396, %add3A_397 : i32
      %dma_start3A_399 = arith.constant 256 : i32
      %dma_start3A_400 = tpu.memref_slice %arg6[%add3A_398, %dma_start3A_399] : memref<128x300xf32, #tpu.memory_space<vmem>> -> memref<1x44xf32, #tpu.memory_space<vmem>>
      %dma_start3A_401 = arith.constant 256 : i32
      %dma_start3A_402 = tpu.memref_slice %arg3[%reduce_sum3A_394, %dma_start3A_401] : memref<1000000x300xf32, #tpu.memory_space<hbm>> -> memref<1x44xf32, #tpu.memory_space<hbm>>
      %dma_start3A_403 = arith.constant 256 : i32
      %dma_start3A_404 = tpu.memref_slice %arg6[%add3A_398, %dma_start3A_403] : memref<128x300xf32, #tpu.memory_space<vmem>> -> memref<1x44xf32, #tpu.memory_space<vmem>>
      %dma_start3A_405 = arith.constant 256 : i32
      %dma_start3A_406 = tpu.memref_slice %arg3[%reduce_sum3A_394, %dma_start3A_405] : memref<1000000x300xf32, #tpu.memory_space<hbm>> -> memref<1x44xf32, #tpu.memory_space<hbm>>
      tpu.enqueue_dma source(%dma_start3A_406 : memref<1x44xf32, #tpu.memory_space<hbm>>) target(%dma_start3A_404 : memref<1x44xf32, #tpu.memory_space<vmem>>) target_semaphore(%arg8 : memref<!tpu.dma_semaphore, #tpu.memory_space<semaphore_mem>>)
      %eq3A_407 = arith.constant 13 : i32
      %eq3A_408 = vector.broadcast %eq3A_407 : i32 to vector<16xi32>
      %eq3A_409 = arith.cmpi eq, %iota3A, %eq3A_408 : vector<16xi32>
      %jit3A_410 = arith.constant 0 : i32
      %broadcast_in_dim3A_411 = vector.broadcast %jit3A_410 : i32 to vector<16xi32>
      %select_n3A_412 = arith.select %eq3A_409, %get3A_125, %broadcast_in_dim3A_411 : vector<16xi1>, vector<16xi32>
      %reduce_sum3A_413 = arith.constant true
      %reduce_sum3A_414 = vector.broadcast %reduce_sum3A_413 : i1 to vector<16xi1>
      %reduce_sum3A_415 = tpu.scan <sum>, %select_n3A_412 masked %reduce_sum3A_414 : vector<16xi32>, vector<16xi1> -> vector<16xi32>
      %reduce_sum3A_416 = vector.extract %reduce_sum3A_415[15] : i32 from vector<16xi32>
      %mul3A_417 = arith.constant 16 : i32
      %mul3A_418 = arith.muli %scan3A_120, %mul3A_417 : i32
      %add3A_419 = arith.constant 13 : i32
      %add3A_420 = arith.addi %mul3A_418, %add3A_419 : i32
      %dma_start3A_421 = arith.constant 256 : i32
      %dma_start3A_422 = tpu.memref_slice %arg6[%add3A_420, %dma_start3A_421] : memref<128x300xf32, #tpu.memory_space<vmem>> -> memref<1x44xf32, #tpu.memory_space<vmem>>
      %dma_start3A_423 = arith.constant 256 : i32
      %dma_start3A_424 = tpu.memref_slice %arg3[%reduce_sum3A_416, %dma_start3A_423] : memref<1000000x300xf32, #tpu.memory_space<hbm>> -> memref<1x44xf32, #tpu.memory_space<hbm>>
      %dma_start3A_425 = arith.constant 256 : i32
      %dma_start3A_426 = tpu.memref_slice %arg6[%add3A_420, %dma_start3A_425] : memref<128x300xf32, #tpu.memory_space<vmem>> -> memref<1x44xf32, #tpu.memory_space<vmem>>
      %dma_start3A_427 = arith.constant 256 : i32
      %dma_start3A_428 = tpu.memref_slice %arg3[%reduce_sum3A_416, %dma_start3A_427] : memref<1000000x300xf32, #tpu.memory_space<hbm>> -> memref<1x44xf32, #tpu.memory_space<hbm>>
      tpu.enqueue_dma source(%dma_start3A_428 : memref<1x44xf32, #tpu.memory_space<hbm>>) target(%dma_start3A_426 : memref<1x44xf32, #tpu.memory_space<vmem>>) target_semaphore(%arg8 : memref<!tpu.dma_semaphore, #tpu.memory_space<semaphore_mem>>)
      %eq3A_429 = arith.constant 14 : i32
      %eq3A_430 = vector.broadcast %eq3A_429 : i32 to vector<16xi32>
      %eq3A_431 = arith.cmpi eq, %iota3A, %eq3A_430 : vector<16xi32>
      %jit3A_432 = arith.constant 0 : i32
      %broadcast_in_dim3A_433 = vector.broadcast %jit3A_432 : i32 to vector<16xi32>
      %select_n3A_434 = arith.select %eq3A_431, %get3A_125, %broadcast_in_dim3A_433 : vector<16xi1>, vector<16xi32>
      %reduce_sum3A_435 = arith.constant true
      %reduce_sum3A_436 = vector.broadcast %reduce_sum3A_435 : i1 to vector<16xi1>
      %reduce_sum3A_437 = tpu.scan <sum>, %select_n3A_434 masked %reduce_sum3A_436 : vector<16xi32>, vector<16xi1> -> vector<16xi32>
      %reduce_sum3A_438 = vector.extract %reduce_sum3A_437[15] : i32 from vector<16xi32>
      %mul3A_439 = arith.constant 16 : i32
      %mul3A_440 = arith.muli %scan3A_120, %mul3A_439 : i32
      %add3A_441 = arith.constant 14 : i32
      %add3A_442 = arith.addi %mul3A_440, %add3A_441 : i32
      %dma_start3A_443 = arith.constant 256 : i32
      %dma_start3A_444 = tpu.memref_slice %arg6[%add3A_442, %dma_start3A_443] : memref<128x300xf32, #tpu.memory_space<vmem>> -> memref<1x44xf32, #tpu.memory_space<vmem>>
      %dma_start3A_445 = arith.constant 256 : i32
      %dma_start3A_446 = tpu.memref_slice %arg3[%reduce_sum3A_438, %dma_start3A_445] : memref<1000000x300xf32, #tpu.memory_space<hbm>> -> memref<1x44xf32, #tpu.memory_space<hbm>>
      %dma_start3A_447 = arith.constant 256 : i32
      %dma_start3A_448 = tpu.memref_slice %arg6[%add3A_442, %dma_start3A_447] : memref<128x300xf32, #tpu.memory_space<vmem>> -> memref<1x44xf32, #tpu.memory_space<vmem>>
      %dma_start3A_449 = arith.constant 256 : i32
      %dma_start3A_450 = tpu.memref_slice %arg3[%reduce_sum3A_438, %dma_start3A_449] : memref<1000000x300xf32, #tpu.memory_space<hbm>> -> memref<1x44xf32, #tpu.memory_space<hbm>>
      tpu.enqueue_dma source(%dma_start3A_450 : memref<1x44xf32, #tpu.memory_space<hbm>>) target(%dma_start3A_448 : memref<1x44xf32, #tpu.memory_space<vmem>>) target_semaphore(%arg8 : memref<!tpu.dma_semaphore, #tpu.memory_space<semaphore_mem>>)
      %eq3A_451 = arith.constant 15 : i32
      %eq3A_452 = vector.broadcast %eq3A_451 : i32 to vector<16xi32>
      %eq3A_453 = arith.cmpi eq, %iota3A, %eq3A_452 : vector<16xi32>
      %jit3A_454 = arith.constant 0 : i32
      %broadcast_in_dim3A_455 = vector.broadcast %jit3A_454 : i32 to vector<16xi32>
      %select_n3A_456 = arith.select %eq3A_453, %get3A_125, %broadcast_in_dim3A_455 : vector<16xi1>, vector<16xi32>
      %reduce_sum3A_457 = arith.constant true
      %reduce_sum3A_458 = vector.broadcast %reduce_sum3A_457 : i1 to vector<16xi1>
      %reduce_sum3A_459 = tpu.scan <sum>, %select_n3A_456 masked %reduce_sum3A_458 : vector<16xi32>, vector<16xi1> -> vector<16xi32>
      %reduce_sum3A_460 = vector.extract %reduce_sum3A_459[15] : i32 from vector<16xi32>
      %mul3A_461 = arith.constant 16 : i32
      %mul3A_462 = arith.muli %scan3A_120, %mul3A_461 : i32
      %add3A_463 = arith.constant 15 : i32
      %add3A_464 = arith.addi %mul3A_462, %add3A_463 : i32
      %dma_start3A_465 = arith.constant 256 : i32
      %dma_start3A_466 = tpu.memref_slice %arg6[%add3A_464, %dma_start3A_465] : memref<128x300xf32, #tpu.memory_space<vmem>> -> memref<1x44xf32, #tpu.memory_space<vmem>>
      %dma_start3A_467 = arith.constant 256 : i32
      %dma_start3A_468 = tpu.memref_slice %arg3[%reduce_sum3A_460, %dma_start3A_467] : memref<1000000x300xf32, #tpu.memory_space<hbm>> -> memref<1x44xf32, #tpu.memory_space<hbm>>
      %dma_start3A_469 = arith.constant 256 : i32
      %dma_start3A_470 = tpu.memref_slice %arg6[%add3A_464, %dma_start3A_469] : memref<128x300xf32, #tpu.memory_space<vmem>> -> memref<1x44xf32, #tpu.memory_space<vmem>>
      %dma_start3A_471 = arith.constant 256 : i32
      %dma_start3A_472 = tpu.memref_slice %arg3[%reduce_sum3A_460, %dma_start3A_471] : memref<1000000x300xf32, #tpu.memory_space<hbm>> -> memref<1x44xf32, #tpu.memory_space<hbm>>
      tpu.enqueue_dma source(%dma_start3A_472 : memref<1x44xf32, #tpu.memory_space<hbm>>) target(%dma_start3A_470 : memref<1x44xf32, #tpu.memory_space<vmem>>) target_semaphore(%arg8 : memref<!tpu.dma_semaphore, #tpu.memory_space<semaphore_mem>>)
    }
    %scan3A_73 = arith.constant 8 : i32
    %dma_wait3A_74 = arith.constant 0 : i32
    %dma_wait3A_75 = arith.constant 0 : i32
    %dma_wait3A_76 = tpu.memref_slice %arg3[%dma_wait3A_74, %dma_wait3A_75] : memref<1000000x300xf32, #tpu.memory_space<hbm>> -> memref<128x300xf32, #tpu.memory_space<hbm>>
    %dma_wait3A_77 = arith.constant 0 : i32
    %dma_wait3A_78 = arith.constant 0 : i32
    %dma_wait3A_79 = tpu.memref_slice %arg3[%dma_wait3A_77, %dma_wait3A_78] : memref<1000000x300xf32, #tpu.memory_space<hbm>> -> memref<128x300xf32, #tpu.memory_space<hbm>>
    tpu.wait_dma2 semaphore(%arg9 : memref<!tpu.dma_semaphore, #tpu.memory_space<semaphore_mem>>) src(%dma_wait3A_79 : memref<128x300xf32, #tpu.memory_space<hbm>>) dst(%arg7 : memref<128x300xf32, #tpu.memory_space<vmem>>)
    %add3A_80 = arith.constant 128 : i32
    %add3A_81 = arith.addi %mul3A_2, %add3A_80 : i32
    "tpu.region"() ({
      %run_scoped3A = tpu.sem_alloc : memref<!tpu.dma_semaphore, #tpu.memory_space<semaphore_mem>>
      %dma_start3A_120 = arith.constant 0 : i32
      %dma_start3A_121 = tpu.memref_slice %arg4[%add3A_81, %dma_start3A_120] : memref<16384x300xf32, #tpu.memory_space<hbm>> -> memref<128x300xf32, #tpu.memory_space<hbm>>
      %dma_start3A_122 = arith.constant 0 : i32
      %dma_start3A_123 = tpu.memref_slice %arg4[%add3A_81, %dma_start3A_122] : memref<16384x300xf32, #tpu.memory_space<hbm>> -> memref<128x300xf32, #tpu.memory_space<hbm>>
      tpu.enqueue_dma source(%arg7 : memref<128x300xf32, #tpu.memory_space<vmem>>) target(%dma_start3A_123 : memref<128x300xf32, #tpu.memory_space<hbm>>) target_semaphore(%run_scoped3A : memref<!tpu.dma_semaphore, #tpu.memory_space<semaphore_mem>>)
      %dma_wait3A_124 = arith.constant 0 : i32
      %dma_wait3A_125 = tpu.memref_slice %arg4[%add3A_81, %dma_wait3A_124] : memref<16384x300xf32, #tpu.memory_space<hbm>> -> memref<128x300xf32, #tpu.memory_space<hbm>>
      %dma_wait3A_126 = arith.constant 0 : i32
      %dma_wait3A_127 = tpu.memref_slice %arg4[%add3A_81, %dma_wait3A_126] : memref<16384x300xf32, #tpu.memory_space<hbm>> -> memref<128x300xf32, #tpu.memory_space<hbm>>
      tpu.wait_dma2 semaphore(%run_scoped3A : memref<!tpu.dma_semaphore, #tpu.memory_space<semaphore_mem>>) src(%arg7 : memref<128x300xf32, #tpu.memory_space<vmem>>) dst(%dma_wait3A_127 : memref<128x300xf32, #tpu.memory_space<hbm>>)
      tpu.yield
    }) : () -> ()
    %dma_start3A_82 = arith.constant 0 : i32
    %dma_start3A_83 = arith.constant 0 : i32
    %dma_start3A_84 = tpu.memref_slice %arg7[%dma_start3A_82, %dma_start3A_83] : memref<128x300xf32, #tpu.memory_space<vmem>> -> memref<128x128xf32, #tpu.memory_space<vmem>>
    %dma_start3A_85 = arith.constant 384 : i32
    %dma_start3A_86 = tpu.memref_slice %arg5[%dma_start3A_85] : memref<512xi32, #tpu.memory_space<vmem>> -> memref<128xi32, #tpu.memory_space<vmem>>
    %dma_start3A_87 = arith.constant 0 : i32
    %dma_start3A_88 = arith.constant 0 : i32
    %dma_start3A_89 = tpu.memref_slice %arg3[%dma_start3A_87, %dma_start3A_88] : memref<1000000x300xf32, #tpu.memory_space<hbm>> -> memref<1000000x128xf32, #tpu.memory_space<hbm>>
    tpu.enqueue_indirect_dma source(%dma_start3A_89 : memref<1000000x128xf32, #tpu.memory_space<hbm>>) target(%dma_start3A_84 : memref<128x128xf32, #tpu.memory_space<vmem>>) offsets(%dma_start3A_86 : memref<128xi32, #tpu.memory_space<vmem>>) semaphore(%arg9 : memref<!tpu.dma_semaphore, #tpu.memory_space<semaphore_mem>>)
    %dma_start3A_90 = arith.constant 0 : i32
    %dma_start3A_91 = arith.constant 128 : i32
    %dma_start3A_92 = tpu.memref_slice %arg7[%dma_start3A_90, %dma_start3A_91] : memref<128x300xf32, #tpu.memory_space<vmem>> -> memref<128x128xf32, #tpu.memory_space<vmem>>
    %dma_start3A_93 = arith.constant 384 : i32
    %dma_start3A_94 = tpu.memref_slice %arg5[%dma_start3A_93] : memref<512xi32, #tpu.memory_space<vmem>> -> memref<128xi32, #tpu.memory_space<vmem>>
    %dma_start3A_95 = arith.constant 0 : i32
    %dma_start3A_96 = arith.constant 128 : i32
    %dma_start3A_97 = tpu.memref_slice %arg3[%dma_start3A_95, %dma_start3A_96] : memref<1000000x300xf32, #tpu.memory_space<hbm>> -> memref<1000000x128xf32, #tpu.memory_space<hbm>>
    tpu.enqueue_indirect_dma source(%dma_start3A_97 : memref<1000000x128xf32, #tpu.memory_space<hbm>>) target(%dma_start3A_92 : memref<128x128xf32, #tpu.memory_space<vmem>>) offsets(%dma_start3A_94 : memref<128xi32, #tpu.memory_space<vmem>>) semaphore(%arg9 : memref<!tpu.dma_semaphore, #tpu.memory_space<semaphore_mem>>)
    %scan3A_98 = arith.constant 0 : i32
    %scan3A_99 = arith.constant 0 : i32
    %scan3A_100 = arith.constant 8 : i32
    %scan3A_101 = arith.addi %scan3A_99, %scan3A_100 : i32
    %scan3A_102 = arith.constant 1 : i32
    scf.for %scan3A_120 = %scan3A_99 to %scan3A_101 step %scan3A_102  : i32 {
      %mul3A_121 = arith.constant 16 : i32
      %mul3A_122 = arith.muli %scan3A_120, %mul3A_121 : i32
      %add3A_123 = arith.constant 384 : i32
      %add3A_124 = arith.addi %add3A_123, %mul3A_122 : i32
      %get3A = arith.index_cast %add3A_124 : i32 to index
      %get3A_125 = tpu.vector_load %arg5[%get3A] {strides = array<i32>} : memref<512xi32, #tpu.memory_space<vmem>>, vector<16xi32>,
      %eq3A = arith.constant 0 : i32
      %eq3A_126 = vector.broadcast %eq3A : i32 to vector<16xi32>
      %eq3A_127 = arith.cmpi eq, %iota3A, %eq3A_126 : vector<16xi32>
      %jit3A = arith.constant 0 : i32
      %broadcast_in_dim3A = vector.broadcast %jit3A : i32 to vector<16xi32>
      %select_n3A = arith.select %eq3A_127, %get3A_125, %broadcast_in_dim3A : vector<16xi1>, vector<16xi32>
      %reduce_sum3A = arith.constant true
      %reduce_sum3A_128 = vector.broadcast %reduce_sum3A : i1 to vector<16xi1>
      %reduce_sum3A_129 = tpu.scan <sum>, %select_n3A masked %reduce_sum3A_128 : vector<16xi32>, vector<16xi1> -> vector<16xi32>
      %reduce_sum3A_130 = vector.extract %reduce_sum3A_129[15] : i32 from vector<16xi32>
      %mul3A_131 = arith.constant 16 : i32
      %mul3A_132 = arith.muli %scan3A_120, %mul3A_131 : i32
      %add3A_133 = arith.constant 0 : i32
      %add3A_134 = arith.addi %mul3A_132, %add3A_133 : i32
      %dma_start3A_135 = arith.constant 256 : i32
      %dma_start3A_136 = tpu.memref_slice %arg7[%add3A_134, %dma_start3A_135] : memref<128x300xf32, #tpu.memory_space<vmem>> -> memref<1x44xf32, #tpu.memory_space<vmem>>
      %dma_start3A_137 = arith.constant 256 : i32
      %dma_start3A_138 = tpu.memref_slice %arg3[%reduce_sum3A_130, %dma_start3A_137] : memref<1000000x300xf32, #tpu.memory_space<hbm>> -> memref<1x44xf32, #tpu.memory_space<hbm>>
      %dma_start3A_139 = arith.constant 256 : i32
      %dma_start3A_140 = tpu.memref_slice %arg7[%add3A_134, %dma_start3A_139] : memref<128x300xf32, #tpu.memory_space<vmem>> -> memref<1x44xf32, #tpu.memory_space<vmem>>
      %dma_start3A_141 = arith.constant 256 : i32
      %dma_start3A_142 = tpu.memref_slice %arg3[%reduce_sum3A_130, %dma_start3A_141] : memref<1000000x300xf32, #tpu.memory_space<hbm>> -> memref<1x44xf32, #tpu.memory_space<hbm>>
      tpu.enqueue_dma source(%dma_start3A_142 : memref<1x44xf32, #tpu.memory_space<hbm>>) target(%dma_start3A_140 : memref<1x44xf32, #tpu.memory_space<vmem>>) target_semaphore(%arg9 : memref<!tpu.dma_semaphore, #tpu.memory_space<semaphore_mem>>)
      %eq3A_143 = arith.constant 1 : i32
      %eq3A_144 = vector.broadcast %eq3A_143 : i32 to vector<16xi32>
      %eq3A_145 = arith.cmpi eq, %iota3A, %eq3A_144 : vector<16xi32>
      %jit3A_146 = arith.constant 0 : i32
      %broadcast_in_dim3A_147 = vector.broadcast %jit3A_146 : i32 to vector<16xi32>
      %select_n3A_148 = arith.select %eq3A_145, %get3A_125, %broadcast_in_dim3A_147 : vector<16xi1>, vector<16xi32>
      %reduce_sum3A_149 = arith.constant true
      %reduce_sum3A_150 = vector.broadcast %reduce_sum3A_149 : i1 to vector<16xi1>
      %reduce_sum3A_151 = tpu.scan <sum>, %select_n3A_148 masked %reduce_sum3A_150 : vector<16xi32>, vector<16xi1> -> vector<16xi32>
      %reduce_sum3A_152 = vector.extract %reduce_sum3A_151[15] : i32 from vector<16xi32>
      %mul3A_153 = arith.constant 16 : i32
      %mul3A_154 = arith.muli %scan3A_120, %mul3A_153 : i32
      %add3A_155 = arith.constant 1 : i32
      %add3A_156 = arith.addi %mul3A_154, %add3A_155 : i32
      %dma_start3A_157 = arith.constant 256 : i32
      %dma_start3A_158 = tpu.memref_slice %arg7[%add3A_156, %dma_start3A_157] : memref<128x300xf32, #tpu.memory_space<vmem>> -> memref<1x44xf32, #tpu.memory_space<vmem>>
      %dma_start3A_159 = arith.constant 256 : i32
      %dma_start3A_160 = tpu.memref_slice %arg3[%reduce_sum3A_152, %dma_start3A_159] : memref<1000000x300xf32, #tpu.memory_space<hbm>> -> memref<1x44xf32, #tpu.memory_space<hbm>>
      %dma_start3A_161 = arith.constant 256 : i32
      %dma_start3A_162 = tpu.memref_slice %arg7[%add3A_156, %dma_start3A_161] : memref<128x300xf32, #tpu.memory_space<vmem>> -> memref<1x44xf32, #tpu.memory_space<vmem>>
      %dma_start3A_163 = arith.constant 256 : i32
      %dma_start3A_164 = tpu.memref_slice %arg3[%reduce_sum3A_152, %dma_start3A_163] : memref<1000000x300xf32, #tpu.memory_space<hbm>> -> memref<1x44xf32, #tpu.memory_space<hbm>>
      tpu.enqueue_dma source(%dma_start3A_164 : memref<1x44xf32, #tpu.memory_space<hbm>>) target(%dma_start3A_162 : memref<1x44xf32, #tpu.memory_space<vmem>>) target_semaphore(%arg9 : memref<!tpu.dma_semaphore, #tpu.memory_space<semaphore_mem>>)
      %eq3A_165 = arith.constant 2 : i32
      %eq3A_166 = vector.broadcast %eq3A_165 : i32 to vector<16xi32>
      %eq3A_167 = arith.cmpi eq, %iota3A, %eq3A_166 : vector<16xi32>
      %jit3A_168 = arith.constant 0 : i32
      %broadcast_in_dim3A_169 = vector.broadcast %jit3A_168 : i32 to vector<16xi32>
      %select_n3A_170 = arith.select %eq3A_167, %get3A_125, %broadcast_in_dim3A_169 : vector<16xi1>, vector<16xi32>
      %reduce_sum3A_171 = arith.constant true
      %reduce_sum3A_172 = vector.broadcast %reduce_sum3A_171 : i1 to vector<16xi1>
      %reduce_sum3A_173 = tpu.scan <sum>, %select_n3A_170 masked %reduce_sum3A_172 : vector<16xi32>, vector<16xi1> -> vector<16xi32>
      %reduce_sum3A_174 = vector.extract %reduce_sum3A_173[15] : i32 from vector<16xi32>
      %mul3A_175 = arith.constant 16 : i32
      %mul3A_176 = arith.muli %scan3A_120, %mul3A_175 : i32
      %add3A_177 = arith.constant 2 : i32
      %add3A_178 = arith.addi %mul3A_176, %add3A_177 : i32
      %dma_start3A_179 = arith.constant 256 : i32
      %dma_start3A_180 = tpu.memref_slice %arg7[%add3A_178, %dma_start3A_179] : memref<128x300xf32, #tpu.memory_space<vmem>> -> memref<1x44xf32, #tpu.memory_space<vmem>>
      %dma_start3A_181 = arith.constant 256 : i32
      %dma_start3A_182 = tpu.memref_slice %arg3[%reduce_sum3A_174, %dma_start3A_181] : memref<1000000x300xf32, #tpu.memory_space<hbm>> -> memref<1x44xf32, #tpu.memory_space<hbm>>
      %dma_start3A_183 = arith.constant 256 : i32
      %dma_start3A_184 = tpu.memref_slice %arg7[%add3A_178, %dma_start3A_183] : memref<128x300xf32, #tpu.memory_space<vmem>> -> memref<1x44xf32, #tpu.memory_space<vmem>>
      %dma_start3A_185 = arith.constant 256 : i32
      %dma_start3A_186 = tpu.memref_slice %arg3[%reduce_sum3A_174, %dma_start3A_185] : memref<1000000x300xf32, #tpu.memory_space<hbm>> -> memref<1x44xf32, #tpu.memory_space<hbm>>
      tpu.enqueue_dma source(%dma_start3A_186 : memref<1x44xf32, #tpu.memory_space<hbm>>) target(%dma_start3A_184 : memref<1x44xf32, #tpu.memory_space<vmem>>) target_semaphore(%arg9 : memref<!tpu.dma_semaphore, #tpu.memory_space<semaphore_mem>>)
      %eq3A_187 = arith.constant 3 : i32
      %eq3A_188 = vector.broadcast %eq3A_187 : i32 to vector<16xi32>
      %eq3A_189 = arith.cmpi eq, %iota3A, %eq3A_188 : vector<16xi32>
      %jit3A_190 = arith.constant 0 : i32
      %broadcast_in_dim3A_191 = vector.broadcast %jit3A_190 : i32 to vector<16xi32>
      %select_n3A_192 = arith.select %eq3A_189, %get3A_125, %broadcast_in_dim3A_191 : vector<16xi1>, vector<16xi32>
      %reduce_sum3A_193 = arith.constant true
      %reduce_sum3A_194 = vector.broadcast %reduce_sum3A_193 : i1 to vector<16xi1>
      %reduce_sum3A_195 = tpu.scan <sum>, %select_n3A_192 masked %reduce_sum3A_194 : vector<16xi32>, vector<16xi1> -> vector<16xi32>
      %reduce_sum3A_196 = vector.extract %reduce_sum3A_195[15] : i32 from vector<16xi32>
      %mul3A_197 = arith.constant 16 : i32
      %mul3A_198 = arith.muli %scan3A_120, %mul3A_197 : i32
      %add3A_199 = arith.constant 3 : i32
      %add3A_200 = arith.addi %mul3A_198, %add3A_199 : i32
      %dma_start3A_201 = arith.constant 256 : i32
      %dma_start3A_202 = tpu.memref_slice %arg7[%add3A_200, %dma_start3A_201] : memref<128x300xf32, #tpu.memory_space<vmem>> -> memref<1x44xf32, #tpu.memory_space<vmem>>
      %dma_start3A_203 = arith.constant 256 : i32
      %dma_start3A_204 = tpu.memref_slice %arg3[%reduce_sum3A_196, %dma_start3A_203] : memref<1000000x300xf32, #tpu.memory_space<hbm>> -> memref<1x44xf32, #tpu.memory_space<hbm>>
      %dma_start3A_205 = arith.constant 256 : i32
      %dma_start3A_206 = tpu.memref_slice %arg7[%add3A_200, %dma_start3A_205] : memref<128x300xf32, #tpu.memory_space<vmem>> -> memref<1x44xf32, #tpu.memory_space<vmem>>
      %dma_start3A_207 = arith.constant 256 : i32
      %dma_start3A_208 = tpu.memref_slice %arg3[%reduce_sum3A_196, %dma_start3A_207] : memref<1000000x300xf32, #tpu.memory_space<hbm>> -> memref<1x44xf32, #tpu.memory_space<hbm>>
      tpu.enqueue_dma source(%dma_start3A_208 : memref<1x44xf32, #tpu.memory_space<hbm>>) target(%dma_start3A_206 : memref<1x44xf32, #tpu.memory_space<vmem>>) target_semaphore(%arg9 : memref<!tpu.dma_semaphore, #tpu.memory_space<semaphore_mem>>)
      %eq3A_209 = arith.constant 4 : i32
      %eq3A_210 = vector.broadcast %eq3A_209 : i32 to vector<16xi32>
      %eq3A_211 = arith.cmpi eq, %iota3A, %eq3A_210 : vector<16xi32>
      %jit3A_212 = arith.constant 0 : i32
      %broadcast_in_dim3A_213 = vector.broadcast %jit3A_212 : i32 to vector<16xi32>
      %select_n3A_214 = arith.select %eq3A_211, %get3A_125, %broadcast_in_dim3A_213 : vector<16xi1>, vector<16xi32>
      %reduce_sum3A_215 = arith.constant true
      %reduce_sum3A_216 = vector.broadcast %reduce_sum3A_215 : i1 to vector<16xi1>
      %reduce_sum3A_217 = tpu.scan <sum>, %select_n3A_214 masked %reduce_sum3A_216 : vector<16xi32>, vector<16xi1> -> vector<16xi32>
      %reduce_sum3A_218 = vector.extract %reduce_sum3A_217[15] : i32 from vector<16xi32>
      %mul3A_219 = arith.constant 16 : i32
      %mul3A_220 = arith.muli %scan3A_120, %mul3A_219 : i32
      %add3A_221 = arith.constant 4 : i32
      %add3A_222 = arith.addi %mul3A_220, %add3A_221 : i32
      %dma_start3A_223 = arith.constant 256 : i32
      %dma_start3A_224 = tpu.memref_slice %arg7[%add3A_222, %dma_start3A_223] : memref<128x300xf32, #tpu.memory_space<vmem>> -> memref<1x44xf32, #tpu.memory_space<vmem>>
      %dma_start3A_225 = arith.constant 256 : i32
      %dma_start3A_226 = tpu.memref_slice %arg3[%reduce_sum3A_218, %dma_start3A_225] : memref<1000000x300xf32, #tpu.memory_space<hbm>> -> memref<1x44xf32, #tpu.memory_space<hbm>>
      %dma_start3A_227 = arith.constant 256 : i32
      %dma_start3A_228 = tpu.memref_slice %arg7[%add3A_222, %dma_start3A_227] : memref<128x300xf32, #tpu.memory_space<vmem>> -> memref<1x44xf32, #tpu.memory_space<vmem>>
      %dma_start3A_229 = arith.constant 256 : i32
      %dma_start3A_230 = tpu.memref_slice %arg3[%reduce_sum3A_218, %dma_start3A_229] : memref<1000000x300xf32, #tpu.memory_space<hbm>> -> memref<1x44xf32, #tpu.memory_space<hbm>>
      tpu.enqueue_dma source(%dma_start3A_230 : memref<1x44xf32, #tpu.memory_space<hbm>>) target(%dma_start3A_228 : memref<1x44xf32, #tpu.memory_space<vmem>>) target_semaphore(%arg9 : memref<!tpu.dma_semaphore, #tpu.memory_space<semaphore_mem>>)
      %eq3A_231 = arith.constant 5 : i32
      %eq3A_232 = vector.broadcast %eq3A_231 : i32 to vector<16xi32>
      %eq3A_233 = arith.cmpi eq, %iota3A, %eq3A_232 : vector<16xi32>
      %jit3A_234 = arith.constant 0 : i32
      %broadcast_in_dim3A_235 = vector.broadcast %jit3A_234 : i32 to vector<16xi32>
      %select_n3A_236 = arith.select %eq3A_233, %get3A_125, %broadcast_in_dim3A_235 : vector<16xi1>, vector<16xi32>
      %reduce_sum3A_237 = arith.constant true
      %reduce_sum3A_238 = vector.broadcast %reduce_sum3A_237 : i1 to vector<16xi1>
      %reduce_sum3A_239 = tpu.scan <sum>, %select_n3A_236 masked %reduce_sum3A_238 : vector<16xi32>, vector<16xi1> -> vector<16xi32>
      %reduce_sum3A_240 = vector.extract %reduce_sum3A_239[15] : i32 from vector<16xi32>
      %mul3A_241 = arith.constant 16 : i32
      %mul3A_242 = arith.muli %scan3A_120, %mul3A_241 : i32
      %add3A_243 = arith.constant 5 : i32
      %add3A_244 = arith.addi %mul3A_242, %add3A_243 : i32
      %dma_start3A_245 = arith.constant 256 : i32
      %dma_start3A_246 = tpu.memref_slice %arg7[%add3A_244, %dma_start3A_245] : memref<128x300xf32, #tpu.memory_space<vmem>> -> memref<1x44xf32, #tpu.memory_space<vmem>>
      %dma_start3A_247 = arith.constant 256 : i32
      %dma_start3A_248 = tpu.memref_slice %arg3[%reduce_sum3A_240, %dma_start3A_247] : memref<1000000x300xf32, #tpu.memory_space<hbm>> -> memref<1x44xf32, #tpu.memory_space<hbm>>
      %dma_start3A_249 = arith.constant 256 : i32
      %dma_start3A_250 = tpu.memref_slice %arg7[%add3A_244, %dma_start3A_249] : memref<128x300xf32, #tpu.memory_space<vmem>> -> memref<1x44xf32, #tpu.memory_space<vmem>>
      %dma_start3A_251 = arith.constant 256 : i32
      %dma_start3A_252 = tpu.memref_slice %arg3[%reduce_sum3A_240, %dma_start3A_251] : memref<1000000x300xf32, #tpu.memory_space<hbm>> -> memref<1x44xf32, #tpu.memory_space<hbm>>
      tpu.enqueue_dma source(%dma_start3A_252 : memref<1x44xf32, #tpu.memory_space<hbm>>) target(%dma_start3A_250 : memref<1x44xf32, #tpu.memory_space<vmem>>) target_semaphore(%arg9 : memref<!tpu.dma_semaphore, #tpu.memory_space<semaphore_mem>>)
      %eq3A_253 = arith.constant 6 : i32
      %eq3A_254 = vector.broadcast %eq3A_253 : i32 to vector<16xi32>
      %eq3A_255 = arith.cmpi eq, %iota3A, %eq3A_254 : vector<16xi32>
      %jit3A_256 = arith.constant 0 : i32
      %broadcast_in_dim3A_257 = vector.broadcast %jit3A_256 : i32 to vector<16xi32>
      %select_n3A_258 = arith.select %eq3A_255, %get3A_125, %broadcast_in_dim3A_257 : vector<16xi1>, vector<16xi32>
      %reduce_sum3A_259 = arith.constant true
      %reduce_sum3A_260 = vector.broadcast %reduce_sum3A_259 : i1 to vector<16xi1>
      %reduce_sum3A_261 = tpu.scan <sum>, %select_n3A_258 masked %reduce_sum3A_260 : vector<16xi32>, vector<16xi1> -> vector<16xi32>
      %reduce_sum3A_262 = vector.extract %reduce_sum3A_261[15] : i32 from vector<16xi32>
      %mul3A_263 = arith.constant 16 : i32
      %mul3A_264 = arith.muli %scan3A_120, %mul3A_263 : i32
      %add3A_265 = arith.constant 6 : i32
      %add3A_266 = arith.addi %mul3A_264, %add3A_265 : i32
      %dma_start3A_267 = arith.constant 256 : i32
      %dma_start3A_268 = tpu.memref_slice %arg7[%add3A_266, %dma_start3A_267] : memref<128x300xf32, #tpu.memory_space<vmem>> -> memref<1x44xf32, #tpu.memory_space<vmem>>
      %dma_start3A_269 = arith.constant 256 : i32
      %dma_start3A_270 = tpu.memref_slice %arg3[%reduce_sum3A_262, %dma_start3A_269] : memref<1000000x300xf32, #tpu.memory_space<hbm>> -> memref<1x44xf32, #tpu.memory_space<hbm>>
      %dma_start3A_271 = arith.constant 256 : i32
      %dma_start3A_272 = tpu.memref_slice %arg7[%add3A_266, %dma_start3A_271] : memref<128x300xf32, #tpu.memory_space<vmem>> -> memref<1x44xf32, #tpu.memory_space<vmem>>
      %dma_start3A_273 = arith.constant 256 : i32
      %dma_start3A_274 = tpu.memref_slice %arg3[%reduce_sum3A_262, %dma_start3A_273] : memref<1000000x300xf32, #tpu.memory_space<hbm>> -> memref<1x44xf32, #tpu.memory_space<hbm>>
      tpu.enqueue_dma source(%dma_start3A_274 : memref<1x44xf32, #tpu.memory_space<hbm>>) target(%dma_start3A_272 : memref<1x44xf32, #tpu.memory_space<vmem>>) target_semaphore(%arg9 : memref<!tpu.dma_semaphore, #tpu.memory_space<semaphore_mem>>)
      %eq3A_275 = arith.constant 7 : i32
      %eq3A_276 = vector.broadcast %eq3A_275 : i32 to vector<16xi32>
      %eq3A_277 = arith.cmpi eq, %iota3A, %eq3A_276 : vector<16xi32>
      %jit3A_278 = arith.constant 0 : i32
      %broadcast_in_dim3A_279 = vector.broadcast %jit3A_278 : i32 to vector<16xi32>
      %select_n3A_280 = arith.select %eq3A_277, %get3A_125, %broadcast_in_dim3A_279 : vector<16xi1>, vector<16xi32>
      %reduce_sum3A_281 = arith.constant true
      %reduce_sum3A_282 = vector.broadcast %reduce_sum3A_281 : i1 to vector<16xi1>
      %reduce_sum3A_283 = tpu.scan <sum>, %select_n3A_280 masked %reduce_sum3A_282 : vector<16xi32>, vector<16xi1> -> vector<16xi32>
      %reduce_sum3A_284 = vector.extract %reduce_sum3A_283[15] : i32 from vector<16xi32>
      %mul3A_285 = arith.constant 16 : i32
      %mul3A_286 = arith.muli %scan3A_120, %mul3A_285 : i32
      %add3A_287 = arith.constant 7 : i32
      %add3A_288 = arith.addi %mul3A_286, %add3A_287 : i32
      %dma_start3A_289 = arith.constant 256 : i32
      %dma_start3A_290 = tpu.memref_slice %arg7[%add3A_288, %dma_start3A_289] : memref<128x300xf32, #tpu.memory_space<vmem>> -> memref<1x44xf32, #tpu.memory_space<vmem>>
      %dma_start3A_291 = arith.constant 256 : i32
      %dma_start3A_292 = tpu.memref_slice %arg3[%reduce_sum3A_284, %dma_start3A_291] : memref<1000000x300xf32, #tpu.memory_space<hbm>> -> memref<1x44xf32, #tpu.memory_space<hbm>>
      %dma_start3A_293 = arith.constant 256 : i32
      %dma_start3A_294 = tpu.memref_slice %arg7[%add3A_288, %dma_start3A_293] : memref<128x300xf32, #tpu.memory_space<vmem>> -> memref<1x44xf32, #tpu.memory_space<vmem>>
      %dma_start3A_295 = arith.constant 256 : i32
      %dma_start3A_296 = tpu.memref_slice %arg3[%reduce_sum3A_284, %dma_start3A_295] : memref<1000000x300xf32, #tpu.memory_space<hbm>> -> memref<1x44xf32, #tpu.memory_space<hbm>>
      tpu.enqueue_dma source(%dma_start3A_296 : memref<1x44xf32, #tpu.memory_space<hbm>>) target(%dma_start3A_294 : memref<1x44xf32, #tpu.memory_space<vmem>>) target_semaphore(%arg9 : memref<!tpu.dma_semaphore, #tpu.memory_space<semaphore_mem>>)
      %eq3A_297 = arith.constant 8 : i32
      %eq3A_298 = vector.broadcast %eq3A_297 : i32 to vector<16xi32>
      %eq3A_299 = arith.cmpi eq, %iota3A, %eq3A_298 : vector<16xi32>
      %jit3A_300 = arith.constant 0 : i32
      %broadcast_in_dim3A_301 = vector.broadcast %jit3A_300 : i32 to vector<16xi32>
      %select_n3A_302 = arith.select %eq3A_299, %get3A_125, %broadcast_in_dim3A_301 : vector<16xi1>, vector<16xi32>
      %reduce_sum3A_303 = arith.constant true
      %reduce_sum3A_304 = vector.broadcast %reduce_sum3A_303 : i1 to vector<16xi1>
      %reduce_sum3A_305 = tpu.scan <sum>, %select_n3A_302 masked %reduce_sum3A_304 : vector<16xi32>, vector<16xi1> -> vector<16xi32>
      %reduce_sum3A_306 = vector.extract %reduce_sum3A_305[15] : i32 from vector<16xi32>
      %mul3A_307 = arith.constant 16 : i32
      %mul3A_308 = arith.muli %scan3A_120, %mul3A_307 : i32
      %add3A_309 = arith.constant 8 : i32
      %add3A_310 = arith.addi %mul3A_308, %add3A_309 : i32
      %dma_start3A_311 = arith.constant 256 : i32
      %dma_start3A_312 = tpu.memref_slice %arg7[%add3A_310, %dma_start3A_311] : memref<128x300xf32, #tpu.memory_space<vmem>> -> memref<1x44xf32, #tpu.memory_space<vmem>>
      %dma_start3A_313 = arith.constant 256 : i32
      %dma_start3A_314 = tpu.memref_slice %arg3[%reduce_sum3A_306, %dma_start3A_313] : memref<1000000x300xf32, #tpu.memory_space<hbm>> -> memref<1x44xf32, #tpu.memory_space<hbm>>
      %dma_start3A_315 = arith.constant 256 : i32
      %dma_start3A_316 = tpu.memref_slice %arg7[%add3A_310, %dma_start3A_315] : memref<128x300xf32, #tpu.memory_space<vmem>> -> memref<1x44xf32, #tpu.memory_space<vmem>>
      %dma_start3A_317 = arith.constant 256 : i32
      %dma_start3A_318 = tpu.memref_slice %arg3[%reduce_sum3A_306, %dma_start3A_317] : memref<1000000x300xf32, #tpu.memory_space<hbm>> -> memref<1x44xf32, #tpu.memory_space<hbm>>
      tpu.enqueue_dma source(%dma_start3A_318 : memref<1x44xf32, #tpu.memory_space<hbm>>) target(%dma_start3A_316 : memref<1x44xf32, #tpu.memory_space<vmem>>) target_semaphore(%arg9 : memref<!tpu.dma_semaphore, #tpu.memory_space<semaphore_mem>>)
      %eq3A_319 = arith.constant 9 : i32
      %eq3A_320 = vector.broadcast %eq3A_319 : i32 to vector<16xi32>
      %eq3A_321 = arith.cmpi eq, %iota3A, %eq3A_320 : vector<16xi32>
      %jit3A_322 = arith.constant 0 : i32
      %broadcast_in_dim3A_323 = vector.broadcast %jit3A_322 : i32 to vector<16xi32>
      %select_n3A_324 = arith.select %eq3A_321, %get3A_125, %broadcast_in_dim3A_323 : vector<16xi1>, vector<16xi32>
      %reduce_sum3A_325 = arith.constant true
      %reduce_sum3A_326 = vector.broadcast %reduce_sum3A_325 : i1 to vector<16xi1>
      %reduce_sum3A_327 = tpu.scan <sum>, %select_n3A_324 masked %reduce_sum3A_326 : vector<16xi32>, vector<16xi1> -> vector<16xi32>
      %reduce_sum3A_328 = vector.extract %reduce_sum3A_327[15] : i32 from vector<16xi32>
      %mul3A_329 = arith.constant 16 : i32
      %mul3A_330 = arith.muli %scan3A_120, %mul3A_329 : i32
      %add3A_331 = arith.constant 9 : i32
      %add3A_332 = arith.addi %mul3A_330, %add3A_331 : i32
      %dma_start3A_333 = arith.constant 256 : i32
      %dma_start3A_334 = tpu.memref_slice %arg7[%add3A_332, %dma_start3A_333] : memref<128x300xf32, #tpu.memory_space<vmem>> -> memref<1x44xf32, #tpu.memory_space<vmem>>
      %dma_start3A_335 = arith.constant 256 : i32
      %dma_start3A_336 = tpu.memref_slice %arg3[%reduce_sum3A_328, %dma_start3A_335] : memref<1000000x300xf32, #tpu.memory_space<hbm>> -> memref<1x44xf32, #tpu.memory_space<hbm>>
      %dma_start3A_337 = arith.constant 256 : i32
      %dma_start3A_338 = tpu.memref_slice %arg7[%add3A_332, %dma_start3A_337] : memref<128x300xf32, #tpu.memory_space<vmem>> -> memref<1x44xf32, #tpu.memory_space<vmem>>
      %dma_start3A_339 = arith.constant 256 : i32
      %dma_start3A_340 = tpu.memref_slice %arg3[%reduce_sum3A_328, %dma_start3A_339] : memref<1000000x300xf32, #tpu.memory_space<hbm>> -> memref<1x44xf32, #tpu.memory_space<hbm>>
      tpu.enqueue_dma source(%dma_start3A_340 : memref<1x44xf32, #tpu.memory_space<hbm>>) target(%dma_start3A_338 : memref<1x44xf32, #tpu.memory_space<vmem>>) target_semaphore(%arg9 : memref<!tpu.dma_semaphore, #tpu.memory_space<semaphore_mem>>)
      %eq3A_341 = arith.constant 10 : i32
      %eq3A_342 = vector.broadcast %eq3A_341 : i32 to vector<16xi32>
      %eq3A_343 = arith.cmpi eq, %iota3A, %eq3A_342 : vector<16xi32>
      %jit3A_344 = arith.constant 0 : i32
      %broadcast_in_dim3A_345 = vector.broadcast %jit3A_344 : i32 to vector<16xi32>
      %select_n3A_346 = arith.select %eq3A_343, %get3A_125, %broadcast_in_dim3A_345 : vector<16xi1>, vector<16xi32>
      %reduce_sum3A_347 = arith.constant true
      %reduce_sum3A_348 = vector.broadcast %reduce_sum3A_347 : i1 to vector<16xi1>
      %reduce_sum3A_349 = tpu.scan <sum>, %select_n3A_346 masked %reduce_sum3A_348 : vector<16xi32>, vector<16xi1> -> vector<16xi32>
      %reduce_sum3A_350 = vector.extract %reduce_sum3A_349[15] : i32 from vector<16xi32>
      %mul3A_351 = arith.constant 16 : i32
      %mul3A_352 = arith.muli %scan3A_120, %mul3A_351 : i32
      %add3A_353 = arith.constant 10 : i32
      %add3A_354 = arith.addi %mul3A_352, %add3A_353 : i32
      %dma_start3A_355 = arith.constant 256 : i32
      %dma_start3A_356 = tpu.memref_slice %arg7[%add3A_354, %dma_start3A_355] : memref<128x300xf32, #tpu.memory_space<vmem>> -> memref<1x44xf32, #tpu.memory_space<vmem>>
      %dma_start3A_357 = arith.constant 256 : i32
      %dma_start3A_358 = tpu.memref_slice %arg3[%reduce_sum3A_350, %dma_start3A_357] : memref<1000000x300xf32, #tpu.memory_space<hbm>> -> memref<1x44xf32, #tpu.memory_space<hbm>>
      %dma_start3A_359 = arith.constant 256 : i32
      %dma_start3A_360 = tpu.memref_slice %arg7[%add3A_354, %dma_start3A_359] : memref<128x300xf32, #tpu.memory_space<vmem>> -> memref<1x44xf32, #tpu.memory_space<vmem>>
      %dma_start3A_361 = arith.constant 256 : i32
      %dma_start3A_362 = tpu.memref_slice %arg3[%reduce_sum3A_350, %dma_start3A_361] : memref<1000000x300xf32, #tpu.memory_space<hbm>> -> memref<1x44xf32, #tpu.memory_space<hbm>>
      tpu.enqueue_dma source(%dma_start3A_362 : memref<1x44xf32, #tpu.memory_space<hbm>>) target(%dma_start3A_360 : memref<1x44xf32, #tpu.memory_space<vmem>>) target_semaphore(%arg9 : memref<!tpu.dma_semaphore, #tpu.memory_space<semaphore_mem>>)
      %eq3A_363 = arith.constant 11 : i32
      %eq3A_364 = vector.broadcast %eq3A_363 : i32 to vector<16xi32>
      %eq3A_365 = arith.cmpi eq, %iota3A, %eq3A_364 : vector<16xi32>
      %jit3A_366 = arith.constant 0 : i32
      %broadcast_in_dim3A_367 = vector.broadcast %jit3A_366 : i32 to vector<16xi32>
      %select_n3A_368 = arith.select %eq3A_365, %get3A_125, %broadcast_in_dim3A_367 : vector<16xi1>, vector<16xi32>
      %reduce_sum3A_369 = arith.constant true
      %reduce_sum3A_370 = vector.broadcast %reduce_sum3A_369 : i1 to vector<16xi1>
      %reduce_sum3A_371 = tpu.scan <sum>, %select_n3A_368 masked %reduce_sum3A_370 : vector<16xi32>, vector<16xi1> -> vector<16xi32>
      %reduce_sum3A_372 = vector.extract %reduce_sum3A_371[15] : i32 from vector<16xi32>
      %mul3A_373 = arith.constant 16 : i32
      %mul3A_374 = arith.muli %scan3A_120, %mul3A_373 : i32
      %add3A_375 = arith.constant 11 : i32
      %add3A_376 = arith.addi %mul3A_374, %add3A_375 : i32
      %dma_start3A_377 = arith.constant 256 : i32
      %dma_start3A_378 = tpu.memref_slice %arg7[%add3A_376, %dma_start3A_377] : memref<128x300xf32, #tpu.memory_space<vmem>> -> memref<1x44xf32, #tpu.memory_space<vmem>>
      %dma_start3A_379 = arith.constant 256 : i32
      %dma_start3A_380 = tpu.memref_slice %arg3[%reduce_sum3A_372, %dma_start3A_379] : memref<1000000x300xf32, #tpu.memory_space<hbm>> -> memref<1x44xf32, #tpu.memory_space<hbm>>
      %dma_start3A_381 = arith.constant 256 : i32
      %dma_start3A_382 = tpu.memref_slice %arg7[%add3A_376, %dma_start3A_381] : memref<128x300xf32, #tpu.memory_space<vmem>> -> memref<1x44xf32, #tpu.memory_space<vmem>>
      %dma_start3A_383 = arith.constant 256 : i32
      %dma_start3A_384 = tpu.memref_slice %arg3[%reduce_sum3A_372, %dma_start3A_383] : memref<1000000x300xf32, #tpu.memory_space<hbm>> -> memref<1x44xf32, #tpu.memory_space<hbm>>
      tpu.enqueue_dma source(%dma_start3A_384 : memref<1x44xf32, #tpu.memory_space<hbm>>) target(%dma_start3A_382 : memref<1x44xf32, #tpu.memory_space<vmem>>) target_semaphore(%arg9 : memref<!tpu.dma_semaphore, #tpu.memory_space<semaphore_mem>>)
      %eq3A_385 = arith.constant 12 : i32
      %eq3A_386 = vector.broadcast %eq3A_385 : i32 to vector<16xi32>
      %eq3A_387 = arith.cmpi eq, %iota3A, %eq3A_386 : vector<16xi32>
      %jit3A_388 = arith.constant 0 : i32
      %broadcast_in_dim3A_389 = vector.broadcast %jit3A_388 : i32 to vector<16xi32>
      %select_n3A_390 = arith.select %eq3A_387, %get3A_125, %broadcast_in_dim3A_389 : vector<16xi1>, vector<16xi32>
      %reduce_sum3A_391 = arith.constant true
      %reduce_sum3A_392 = vector.broadcast %reduce_sum3A_391 : i1 to vector<16xi1>
      %reduce_sum3A_393 = tpu.scan <sum>, %select_n3A_390 masked %reduce_sum3A_392 : vector<16xi32>, vector<16xi1> -> vector<16xi32>
      %reduce_sum3A_394 = vector.extract %reduce_sum3A_393[15] : i32 from vector<16xi32>
      %mul3A_395 = arith.constant 16 : i32
      %mul3A_396 = arith.muli %scan3A_120, %mul3A_395 : i32
      %add3A_397 = arith.constant 12 : i32
      %add3A_398 = arith.addi %mul3A_396, %add3A_397 : i32
      %dma_start3A_399 = arith.constant 256 : i32
      %dma_start3A_400 = tpu.memref_slice %arg7[%add3A_398, %dma_start3A_399] : memref<128x300xf32, #tpu.memory_space<vmem>> -> memref<1x44xf32, #tpu.memory_space<vmem>>
      %dma_start3A_401 = arith.constant 256 : i32
      %dma_start3A_402 = tpu.memref_slice %arg3[%reduce_sum3A_394, %dma_start3A_401] : memref<1000000x300xf32, #tpu.memory_space<hbm>> -> memref<1x44xf32, #tpu.memory_space<hbm>>
      %dma_start3A_403 = arith.constant 256 : i32
      %dma_start3A_404 = tpu.memref_slice %arg7[%add3A_398, %dma_start3A_403] : memref<128x300xf32, #tpu.memory_space<vmem>> -> memref<1x44xf32, #tpu.memory_space<vmem>>
      %dma_start3A_405 = arith.constant 256 : i32
      %dma_start3A_406 = tpu.memref_slice %arg3[%reduce_sum3A_394, %dma_start3A_405] : memref<1000000x300xf32, #tpu.memory_space<hbm>> -> memref<1x44xf32, #tpu.memory_space<hbm>>
      tpu.enqueue_dma source(%dma_start3A_406 : memref<1x44xf32, #tpu.memory_space<hbm>>) target(%dma_start3A_404 : memref<1x44xf32, #tpu.memory_space<vmem>>) target_semaphore(%arg9 : memref<!tpu.dma_semaphore, #tpu.memory_space<semaphore_mem>>)
      %eq3A_407 = arith.constant 13 : i32
      %eq3A_408 = vector.broadcast %eq3A_407 : i32 to vector<16xi32>
      %eq3A_409 = arith.cmpi eq, %iota3A, %eq3A_408 : vector<16xi32>
      %jit3A_410 = arith.constant 0 : i32
      %broadcast_in_dim3A_411 = vector.broadcast %jit3A_410 : i32 to vector<16xi32>
      %select_n3A_412 = arith.select %eq3A_409, %get3A_125, %broadcast_in_dim3A_411 : vector<16xi1>, vector<16xi32>
      %reduce_sum3A_413 = arith.constant true
      %reduce_sum3A_414 = vector.broadcast %reduce_sum3A_413 : i1 to vector<16xi1>
      %reduce_sum3A_415 = tpu.scan <sum>, %select_n3A_412 masked %reduce_sum3A_414 : vector<16xi32>, vector<16xi1> -> vector<16xi32>
      %reduce_sum3A_416 = vector.extract %reduce_sum3A_415[15] : i32 from vector<16xi32>
      %mul3A_417 = arith.constant 16 : i32
      %mul3A_418 = arith.muli %scan3A_120, %mul3A_417 : i32
      %add3A_419 = arith.constant 13 : i32
      %add3A_420 = arith.addi %mul3A_418, %add3A_419 : i32
      %dma_start3A_421 = arith.constant 256 : i32
      %dma_start3A_422 = tpu.memref_slice %arg7[%add3A_420, %dma_start3A_421] : memref<128x300xf32, #tpu.memory_space<vmem>> -> memref<1x44xf32, #tpu.memory_space<vmem>>
      %dma_start3A_423 = arith.constant 256 : i32
      %dma_start3A_424 = tpu.memref_slice %arg3[%reduce_sum3A_416, %dma_start3A_423] : memref<1000000x300xf32, #tpu.memory_space<hbm>> -> memref<1x44xf32, #tpu.memory_space<hbm>>
      %dma_start3A_425 = arith.constant 256 : i32
      %dma_start3A_426 = tpu.memref_slice %arg7[%add3A_420, %dma_start3A_425] : memref<128x300xf32, #tpu.memory_space<vmem>> -> memref<1x44xf32, #tpu.memory_space<vmem>>
      %dma_start3A_427 = arith.constant 256 : i32
      %dma_start3A_428 = tpu.memref_slice %arg3[%reduce_sum3A_416, %dma_start3A_427] : memref<1000000x300xf32, #tpu.memory_space<hbm>> -> memref<1x44xf32, #tpu.memory_space<hbm>>
      tpu.enqueue_dma source(%dma_start3A_428 : memref<1x44xf32, #tpu.memory_space<hbm>>) target(%dma_start3A_426 : memref<1x44xf32, #tpu.memory_space<vmem>>) target_semaphore(%arg9 : memref<!tpu.dma_semaphore, #tpu.memory_space<semaphore_mem>>)
      %eq3A_429 = arith.constant 14 : i32
      %eq3A_430 = vector.broadcast %eq3A_429 : i32 to vector<16xi32>
      %eq3A_431 = arith.cmpi eq, %iota3A, %eq3A_430 : vector<16xi32>
      %jit3A_432 = arith.constant 0 : i32
      %broadcast_in_dim3A_433 = vector.broadcast %jit3A_432 : i32 to vector<16xi32>
      %select_n3A_434 = arith.select %eq3A_431, %get3A_125, %broadcast_in_dim3A_433 : vector<16xi1>, vector<16xi32>
      %reduce_sum3A_435 = arith.constant true
      %reduce_sum3A_436 = vector.broadcast %reduce_sum3A_435 : i1 to vector<16xi1>
      %reduce_sum3A_437 = tpu.scan <sum>, %select_n3A_434 masked %reduce_sum3A_436 : vector<16xi32>, vector<16xi1> -> vector<16xi32>
      %reduce_sum3A_438 = vector.extract %reduce_sum3A_437[15] : i32 from vector<16xi32>
      %mul3A_439 = arith.constant 16 : i32
      %mul3A_440 = arith.muli %scan3A_120, %mul3A_439 : i32
      %add3A_441 = arith.constant 14 : i32
      %add3A_442 = arith.addi %mul3A_440, %add3A_441 : i32
      %dma_start3A_443 = arith.constant 256 : i32
      %dma_start3A_444 = tpu.memref_slice %arg7[%add3A_442, %dma_start3A_443] : memref<128x300xf32, #tpu.memory_space<vmem>> -> memref<1x44xf32, #tpu.memory_space<vmem>>
      %dma_start3A_445 = arith.constant 256 : i32
      %dma_start3A_446 = tpu.memref_slice %arg3[%reduce_sum3A_438, %dma_start3A_445] : memref<1000000x300xf32, #tpu.memory_space<hbm>> -> memref<1x44xf32, #tpu.memory_space<hbm>>
      %dma_start3A_447 = arith.constant 256 : i32
      %dma_start3A_448 = tpu.memref_slice %arg7[%add3A_442, %dma_start3A_447] : memref<128x300xf32, #tpu.memory_space<vmem>> -> memref<1x44xf32, #tpu.memory_space<vmem>>
      %dma_start3A_449 = arith.constant 256 : i32
      %dma_start3A_450 = tpu.memref_slice %arg3[%reduce_sum3A_438, %dma_start3A_449] : memref<1000000x300xf32, #tpu.memory_space<hbm>> -> memref<1x44xf32, #tpu.memory_space<hbm>>
      tpu.enqueue_dma source(%dma_start3A_450 : memref<1x44xf32, #tpu.memory_space<hbm>>) target(%dma_start3A_448 : memref<1x44xf32, #tpu.memory_space<vmem>>) target_semaphore(%arg9 : memref<!tpu.dma_semaphore, #tpu.memory_space<semaphore_mem>>)
      %eq3A_451 = arith.constant 15 : i32
      %eq3A_452 = vector.broadcast %eq3A_451 : i32 to vector<16xi32>
      %eq3A_453 = arith.cmpi eq, %iota3A, %eq3A_452 : vector<16xi32>
      %jit3A_454 = arith.constant 0 : i32
      %broadcast_in_dim3A_455 = vector.broadcast %jit3A_454 : i32 to vector<16xi32>
      %select_n3A_456 = arith.select %eq3A_453, %get3A_125, %broadcast_in_dim3A_455 : vector<16xi1>, vector<16xi32>
      %reduce_sum3A_457 = arith.constant true
      %reduce_sum3A_458 = vector.broadcast %reduce_sum3A_457 : i1 to vector<16xi1>
      %reduce_sum3A_459 = tpu.scan <sum>, %select_n3A_456 masked %reduce_sum3A_458 : vector<16xi32>, vector<16xi1> -> vector<16xi32>
      %reduce_sum3A_460 = vector.extract %reduce_sum3A_459[15] : i32 from vector<16xi32>
      %mul3A_461 = arith.constant 16 : i32
      %mul3A_462 = arith.muli %scan3A_120, %mul3A_461 : i32
      %add3A_463 = arith.constant 15 : i32
      %add3A_464 = arith.addi %mul3A_462, %add3A_463 : i32
      %dma_start3A_465 = arith.constant 256 : i32
      %dma_start3A_466 = tpu.memref_slice %arg7[%add3A_464, %dma_start3A_465] : memref<128x300xf32, #tpu.memory_space<vmem>> -> memref<1x44xf32, #tpu.memory_space<vmem>>
      %dma_start3A_467 = arith.constant 256 : i32
      %dma_start3A_468 = tpu.memref_slice %arg3[%reduce_sum3A_460, %dma_start3A_467] : memref<1000000x300xf32, #tpu.memory_space<hbm>> -> memref<1x44xf32, #tpu.memory_space<hbm>>
      %dma_start3A_469 = arith.constant 256 : i32
      %dma_start3A_470 = tpu.memref_slice %arg7[%add3A_464, %dma_start3A_469] : memref<128x300xf32, #tpu.memory_space<vmem>> -> memref<1x44xf32, #tpu.memory_space<vmem>>
      %dma_start3A_471 = arith.constant 256 : i32
      %dma_start3A_472 = tpu.memref_slice %arg3[%reduce_sum3A_460, %dma_start3A_471] : memref<1000000x300xf32, #tpu.memory_space<hbm>> -> memref<1x44xf32, #tpu.memory_space<hbm>>
      tpu.enqueue_dma source(%dma_start3A_472 : memref<1x44xf32, #tpu.memory_space<hbm>>) target(%dma_start3A_470 : memref<1x44xf32, #tpu.memory_space<vmem>>) target_semaphore(%arg9 : memref<!tpu.dma_semaphore, #tpu.memory_space<semaphore_mem>>)
    }
    %scan3A_103 = arith.constant 8 : i32
    %dma_wait3A_104 = arith.constant 0 : i32
    %dma_wait3A_105 = arith.constant 0 : i32
    %dma_wait3A_106 = tpu.memref_slice %arg3[%dma_wait3A_104, %dma_wait3A_105] : memref<1000000x300xf32, #tpu.memory_space<hbm>> -> memref<128x300xf32, #tpu.memory_space<hbm>>
    %dma_wait3A_107 = arith.constant 0 : i32
    %dma_wait3A_108 = arith.constant 0 : i32
    %dma_wait3A_109 = tpu.memref_slice %arg3[%dma_wait3A_107, %dma_wait3A_108] : memref<1000000x300xf32, #tpu.memory_space<hbm>> -> memref<128x300xf32, #tpu.memory_space<hbm>>
    tpu.wait_dma2 semaphore(%arg8 : memref<!tpu.dma_semaphore, #tpu.memory_space<semaphore_mem>>) src(%dma_wait3A_109 : memref<128x300xf32, #tpu.memory_space<hbm>>) dst(%arg6 : memref<128x300xf32, #tpu.memory_space<vmem>>)
    %add3A_110 = arith.constant 256 : i32
    %add3A_111 = arith.addi %mul3A_2, %add3A_110 : i32
    "tpu.region"() ({
      %run_scoped3A = tpu.sem_alloc : memref<!tpu.dma_semaphore, #tpu.memory_space<semaphore_mem>>
      %dma_start3A_120 = arith.constant 0 : i32
      %dma_start3A_121 = tpu.memref_slice %arg4[%add3A_111, %dma_start3A_120] : memref<16384x300xf32, #tpu.memory_space<hbm>> -> memref<128x300xf32, #tpu.memory_space<hbm>>
      %dma_start3A_122 = arith.constant 0 : i32
      %dma_start3A_123 = tpu.memref_slice %arg4[%add3A_111, %dma_start3A_122] : memref<16384x300xf32, #tpu.memory_space<hbm>> -> memref<128x300xf32, #tpu.memory_space<hbm>>
      tpu.enqueue_dma source(%arg6 : memref<128x300xf32, #tpu.memory_space<vmem>>) target(%dma_start3A_123 : memref<128x300xf32, #tpu.memory_space<hbm>>) target_semaphore(%run_scoped3A : memref<!tpu.dma_semaphore, #tpu.memory_space<semaphore_mem>>)
      %dma_wait3A_124 = arith.constant 0 : i32
      %dma_wait3A_125 = tpu.memref_slice %arg4[%add3A_111, %dma_wait3A_124] : memref<16384x300xf32, #tpu.memory_space<hbm>> -> memref<128x300xf32, #tpu.memory_space<hbm>>
      %dma_wait3A_126 = arith.constant 0 : i32
      %dma_wait3A_127 = tpu.memref_slice %arg4[%add3A_111, %dma_wait3A_126] : memref<16384x300xf32, #tpu.memory_space<hbm>> -> memref<128x300xf32, #tpu.memory_space<hbm>>
      tpu.wait_dma2 semaphore(%run_scoped3A : memref<!tpu.dma_semaphore, #tpu.memory_space<semaphore_mem>>) src(%arg6 : memref<128x300xf32, #tpu.memory_space<vmem>>) dst(%dma_wait3A_127 : memref<128x300xf32, #tpu.memory_space<hbm>>)
      tpu.yield
    }) : () -> ()
    %dma_wait3A_112 = arith.constant 0 : i32
    %dma_wait3A_113 = arith.constant 0 : i32
    %dma_wait3A_114 = tpu.memref_slice %arg3[%dma_wait3A_112, %dma_wait3A_113] : memref<1000000x300xf32, #tpu.memory_space<hbm>> -> memref<128x300xf32, #tpu.memory_space<hbm>>
    %dma_wait3A_115 = arith.constant 0 : i32
    %dma_wait3A_116 = arith.constant 0 : i32
    %dma_wait3A_117 = tpu.memref_slice %arg3[%dma_wait3A_115, %dma_wait3A_116] : memref<1000000x300xf32, #tpu.memory_space<hbm>> -> memref<128x300xf32, #tpu.memory_space<hbm>>
    tpu.wait_dma2 semaphore(%arg9 : memref<!tpu.dma_semaphore, #tpu.memory_space<semaphore_mem>>) src(%dma_wait3A_117 : memref<128x300xf32, #tpu.memory_space<hbm>>) dst(%arg7 : memref<128x300xf32, #tpu.memory_space<vmem>>)
    %add3A_118 = arith.constant 384 : i32
    %add3A_119 = arith.addi %mul3A_2, %add3A_118 : i32
    "tpu.region"() ({
      %run_scoped3A = tpu.sem_alloc : memref<!tpu.dma_semaphore, #tpu.memory_space<semaphore_mem>>
      %dma_start3A_120 = arith.constant 0 : i32
      %dma_start3A_121 = tpu.memref_slice %arg4[%add3A_119, %dma_start3A_120] : memref<16384x300xf32, #tpu.memory_space<hbm>> -> memref<128x300xf32, #tpu.memory_space<hbm>>
      %dma_start3A_122 = arith.constant 0 : i32
      %dma_start3A_123 = tpu.memref_slice %arg4[%add3A_119, %dma_start3A_122] : memref<16384x300xf32, #tpu.memory_space<hbm>> -> memref<128x300xf32, #tpu.memory_space<hbm>>
      tpu.enqueue_dma source(%arg7 : memref<128x300xf32, #tpu.memory_space<vmem>>) target(%dma_start3A_123 : memref<128x300xf32, #tpu.memory_space<hbm>>) target_semaphore(%run_scoped3A : memref<!tpu.dma_semaphore, #tpu.memory_space<semaphore_mem>>)
      %dma_wait3A_124 = arith.constant 0 : i32
      %dma_wait3A_125 = tpu.memref_slice %arg4[%add3A_119, %dma_wait3A_124] : memref<16384x300xf32, #tpu.memory_space<hbm>> -> memref<128x300xf32, #tpu.memory_space<hbm>>
      %dma_wait3A_126 = arith.constant 0 : i32
      %dma_wait3A_127 = tpu.memref_slice %arg4[%add3A_119, %dma_wait3A_126] : memref<16384x300xf32, #tpu.memory_space<hbm>> -> memref<128x300xf32, #tpu.memory_space<hbm>>
      tpu.wait_dma2 semaphore(%run_scoped3A : memref<!tpu.dma_semaphore, #tpu.memory_space<semaphore_mem>>) src(%arg7 : memref<128x300xf32, #tpu.memory_space<vmem>>) dst(%dma_wait3A_127 : memref<128x300xf32, #tpu.memory_space<hbm>>)
      tpu.yield
    }) : () -> ()
    return
  }
}

</mosaic_0001>

<sc_bundles>
// kernel: kernel.3.cloned.1.call-start
scs
__scs_entry_jumppad:
0x0: {  	(pc) =	sbr.rel $0x88, $3  }
0x1: {  	(tag) =	ssettag $0x0;
	lr =	simm.s32 $0x1  }
0x2: {  	[smem:$0x3F9F] =	sst lr;
	_ =	strace $0xD0000000  }
0x3: {  	_ = 	snop  }
0x4: {  	_ = 	snop  }
0x5: {  	_ = 	snop  }
0x6: {  	_ = 	snop  }
0x7: {  	_ = 	snop  }
__scs_overlays_trampoline_lowered:
0x8: {  	[smem:$0x3FAE] =	sst s0  }
0x9: {  	[smem:$0x3FAF] =	sst s1  }
0xa: {  	[smem:$0x3FB0] =	sst s2  }
0xb: {  	[smem:$0x3FB1] =	sst s3  }
0xc: {  	[smem:$0x3FB2] =	sst s4  }
0xd: {  	[smem:$0x3FB3] =	sst s5  }
0xe: {  	[smem:$0x3FB4] =	sst s6  }
0xf: {  	[smem:$0x3FB5] =	sst s7  }
0x10: {  	[smem:$0x3FB6] =	sst s8  }
0x11: {  	[smem:$0x3FB7] =	sst s9;
	s0 =	simm.s32 @!p0 $0x0  }
0x12: {  	s1 =	sld [smem:$0x3F9D];
	s0 =	simm.s32 @p0 $0x1  }
0x13: {  	[smem:$0x3FB8] =	sst s0;
	s0 =	simm.s32 @!p1 $0x0  }
0x14: {  	s2 =	sld [smem:$0x3F9C];
	s0 =	simm.s32 @p1 $0x1  }
0x15: {  	[smem:$0x3FB9] =	sst s0;
	s0 =	simm.s32 @!p2 $0x0  }
0x16: {  	s3 =	sld [smem:$0x3FDB];
	s0 =	simm.s32 @p2 $0x1  }
0x17: {  	s4 =	simm.s32 $0x1BF5;
	[smem:$0x3FBB] =	sst s0  }
0x18: {  	s0 =	sld [smem:$0x3F9E];
	_ =	swait.ge [sflag:s4], $0x0  }
0x19: {  	s7 =	sld [smem:$0x3F9F]  }
0x1a: {  	s8 =	sadd.s32 $0xFFFFE003, lr  }
0x1b: {  	s9 =	sadd.s32 $0xFFFFFEF7, lr;
	s5 =	simm.s32 $0xFFFFFFFF;
	p2 =	slt.u32 s8, $0xFFFFF086  }
0x1c: {  	p1 =	slt.u32 s9, $0xF7A;
	s5 =	simm.s32 @!p2 $0x0  }
0x1d: {  	s5 =	simm.s32 @p1 $0x1;
	p0 =	seq.s32 s7, s2  }
0x1e: {  	s7 =	smul.u32 @!p0 $0xF7A, s2;
	p2 =	seq.s32 @!p0 s5, $0x0  }
0x1f: {  	s9 =	smul.u32 $0xF7A, s1;
	s8 =	simm.s32 @!p0 $0x1BF5;
	p2 =	por !p2, p0  }
0x20: {  	[sflag:s8] =	ssyncset.s32 @!p0 $0xFFFFF086;
	s6 =	sadd.s32 @!p0 s3, s7;
	s7 =	simm.s32 @!p0 $0x108  }
0x21: {  	s3 =	sadd.s32 s3, s9;
	s6 =	sadd.s32 @!p0 $0x88, s6;
	s7 =	simm.s32 @p2 $0x1082  }
0x22: {  	[simem:s7], [sflag:s8] =	dma.local @!p0 [hbm:s6], $0xF7A  }
0x23: {  	s9 =	sor.u32 $0xD0000000, s2;
	s6 =	simm.s32 $0x108;
	_ =	swait.ge @!p0 [sflag:s8], $0x0  }
0x24: {  	s3 =	sadd.s32 $0x88, s3;
	s6 =	simm.s32 @!p1 $0x1082;
	[sflag:s4] =	ssyncset.s32 $0xFFFFF086  }
0x25: {  	[simem:s6], [sflag:s4] =	dma.local [hbm:s3], $0xF7A  }
0x26: {  	[smem:$0x3F9F] =	sst s1;
	(tag) =	ssettag s2;
	_ =	strace s9  }
0x27: {  	s1 =	sld [smem:$0x3FAF]  }
0x28: {  	s2 =	sld [smem:$0x3FB0]  }
0x29: {  	s4 =	sld [smem:$0x3FB2]  }
0x2a: {  	p0 =	seq.s32 s5, $0x0;
	s5 =	sld [smem:$0x3FB3]  }
0x2b: {  	s6 =	sld [smem:$0x3FB4]  }
0x2c: {  	s7 =	sld [smem:$0x3FB5]  }
0x2d: {  	s3 =	simm.s32 $0x108;
	s8 =	sld [smem:$0x3FB6]  }
0x2e: {  	s3 =	simm.s32 @!p0 $0x1082;
	s9 =	sld [smem:$0x3FB7]  }
0x2f: {  	lr =	sadd.s32 s0, s3;
	s0 =	sld [smem:$0x3FAE]  }
0x30: {  	s3 =	sld [smem:$0x3FB1]  }
0x31: {  	[smem:$0x3FBA] =	sst s10  }
0x32: {  	s10 =	sld [smem:$0x3FB8];
	_ =	sdelay $0x3  }
0x33: {  	p0 =	seq.s32 s10, $0x1;
	s10 =	sld [smem:$0x3FBA];
	_ =	sdelay $0x3  }
0x34: {  	[smem:$0x3FBA] =	sst s10  }
0x35: {  	s10 =	sld [smem:$0x3FB9];
	_ =	sdelay $0x3  }
0x36: {  	p1 =	seq.s32 s10, $0x1;
	s10 =	sld [smem:$0x3FBA];
	_ =	sdelay $0x3  }
0x37: {  	[smem:$0x3FBA] =	sst s10  }
0x38: {  	s10 =	sld [smem:$0x3FBB]  }
0x39: {  	_ = 	snop;
	(pc) =	sbr.ind lr, $3  }
0x3a: {  	_ = 	snop  }
0x3b: {  	_ = 	snop  }
0x3c: {  	p2 =	seq.s32 s10, $0x1;
	s10 =	sld [smem:$0x3FBA]  }
0x3d: {  	_ =	shalt  }
0x3e: {  	_ =	shalt  }
0x3f: {  	_ =	shalt  }
0x40: {  	_ =	shalt  }
0x41: {  	_ =	shalt  }
0x42: {  	_ =	shalt  }
0x43: {  	_ =	shalt  }
0x44: {  	_ =	shalt  }
0x45: {  	_ =	shalt  }
0x46: {  	_ =	shalt  }
0x47: {  	_ =	shalt  }
0x48: {  	_ =	shalt  }
0x49: {  	_ =	shalt  }
0x4a: {  	_ =	shalt  }
0x4b: {  	_ =	shalt  }
0x4c: {  	_ =	shalt  }
0x4d: {  	_ =	shalt  }
0x4e: {  	_ =	shalt  }
0x4f: {  	_ =	shalt  }
0x50: {  	_ =	shalt  }
0x51: {  	_ =	shalt  }
0x52: {  	_ =	shalt  }
0x53: {  	_ =	shalt  }
0x54: {  	_ =	shalt  }
0x55: {  	_ =	shalt  }
0x56: {  	_ =	shalt  }
0x57: {  	_ =	shalt  }
0x58: {  	_ =	shalt  }
0x59: {  	_ =	shalt  }
0x5a: {  	_ =	shalt  }
0x5b: {  	_ =	shalt  }
0x5c: {  	_ =	shalt  }
0x5d: {  	_ =	shalt  }
0x5e: {  	_ =	shalt  }
0x5f: {  	_ =	shalt  }
0x60: {  	_ =	shalt  }
0x61: {  	_ =	shalt  }
0x62: {  	_ =	shalt  }
0x63: {  	_ =	shalt  }
0x64: {  	_ =	shalt  }
0x65: {  	_ =	shalt  }
0x66: {  	_ =	shalt  }
0x67: {  	_ =	shalt  }
0x68: {  	_ =	shalt  }
0x69: {  	_ =	shalt  }
0x6a: {  	_ =	shalt  }
0x6b: {  	_ =	shalt  }
0x6c: {  	_ =	shalt  }
0x6d: {  	_ =	shalt  }
0x6e: {  	_ =	shalt  }
0x6f: {  	_ =	shalt  }
0x70: {  	_ =	shalt  }
0x71: {  	_ =	shalt  }
0x72: {  	_ =	shalt  }
0x73: {  	_ =	shalt  }
0x74: {  	_ =	shalt  }
0x75: {  	_ =	shalt  }
0x76: {  	_ =	shalt  }
0x77: {  	_ =	shalt  }
0x78: {  	_ =	shalt  }
0x79: {  	_ =	shalt  }
0x7a: {  	_ =	shalt  }
0x7b: {  	_ =	shalt  }
0x7c: {  	_ =	shalt  }
0x7d: {  	_ =	shalt  }
0x7e: {  	_ =	shalt  }
0x7f: {  	_ =	shalt  }
0x80: {  	_ =	shalt  }
0x81: {  	_ =	shalt  }
0x82: {  	_ =	shalt  }
0x83: {  	_ =	shalt  }
0x84: {  	_ =	shalt  }
0x85: {  	_ =	shalt  }
0x86: {  	_ =	shalt  }
0x87: {  	_ =	shalt  }
.Lfunc_end0:
.L_simem_size_0:
called_computation_lowered:
.L_overlay_start_0:
0x88: {  	s2 =	sld [smem:$0x3FD9]  }
0x89: {  	s3 =	sld [smem:$0x3FFE];
	_ =	sdelay $0x1  }
0x8a: {  	s1 =	srdreg.scid  }
0x8b: {  	s0 =	sand.u32 $0x1, s1  }
0x8c: {  	s17 =	sshll.u32 s0, $0xA;
	s2 =	sadd.s32 s3, s2  }
0x8d: {  	s2 =	sadd.s32 s2, s17  }
0x8e: {  	[smem:$0x3FC6] =	sst s2  }
0x8f: {  	_ = 	snop  }
0x90: {  	s2 =	sld [smem:$0x3FD0];
	(tm) =	ssettm $0x1  }
0x91: {  	s18 =	sld [smem:$0x3FFB];
	_ =	sdelay $0x3  }
0x92: {  	_ =	strace s18  }
0x93: {  	s3 =	sld [smem:$0x3FFC];
	_ =	sdelay $0x3  }
0x94: {  	_ =	strace s3  }
0x95: {  	s3 =	sld [smem:$0x3FFD];
	_ =	sdelay $0x3  }
0x96: {  	_ =	strace s3  }
0x97: {  	_ =	strace $0x8FFFFFFF  }
0x98: {  	s19 =	sld [smem:$0x3FDB];
	_ =	sdelay $0x1  }
0x99: {  	s4 =	simm.s32 $_scs_section_size  }
0x9a: {  	s5 =	simm.s32 $_size__tile_overlayer_lowered;
	s6 =	simm.s32 $_tile_overlayer_lowered  }
0x9b: {  	s22 =	simm.s32 $0x1BFF;
	s21 =	sshll.u32 s6, $0x1;
	s3 =	sadd.s32 s4, s19  }
0x9c: {  	s7 =	simm.s32 $0x0;
	s20 =	sshll.u32 s5, $0x1;
	s5 =	sadd.s32 s21, s3  }
0x9d: {  	[timem:s7], [sflag:s22] =	dma.local [hbm:s5], s20  }
0x9e: {  	_ =	swait.ge [sflag:s22], s20  }
0x9f: {  	s4 =	ssub.s32 $0x0, s20;
	[sflag:s22] =	ssyncset.done $0x0  }
0xa0: {  	[sflag:s22] =	ssyncadd.s32 s4;
	_ =	sdelay $0x1  }
0xa1: {  	s23 =	simm.s32 $0x1B8B  }
0xa2: {  	_ =	swait.ge [sflag:s23], $0x1  }
0xa3: {  	[sflag:s23] =	ssyncset.done $0x0  }
0xa4: {  	s25 =	simm.s32 $0x1B8E;
	s24 =	sld [smem:$0x3FFE];
	[sflag:s23] =	ssyncadd.s32 $0xFFFFFFFF  }
0xa5: {  	s26 =	simm.s32 $execute0_lowered;
	[smem:$0x3FD2] =	sst s25  }
0xa6: {  	s5 =	sshll.u32 s26, $0x1;
	_ =	strace $0x80000046;
	[dreg:$0x1] =	wrdreg $0xFFFFFFFF  }
0xa7: {  	s28 =	simm.s32 $_size_execute0_lowered;
	s3 =	sadd.s32 s3, s5;
	[dreg:$0x0] =	wrdreg $0x0  }
0xa8: {  	s5 =	sshll.u32 s28, $0x1;
	[dreg:$0x2] =	wrdreg s3  }
0xa9: {  	[dreg:$0x3] =	wrdreg s5  }
0xaa: {  	[dreg:$0x4] =	wrdreg $0xC0  }
0xab: {  	_ =	task [dreg:s7], $0x5FFFF  }
0xac: {  	[dreg:$0x1] =	wrdreg $0xFFFFFFFF  }
0xad: {  	[dreg:$0x0] =	wrdreg $0x60  }
0xae: {  	[dreg:$0x2] =	wrdreg s2  }
0xaf: {  	[dreg:$0x3] =	wrdreg s24  }
0xb0: {  	[dreg:$0x4] =	wrdreg $0x9  }
0xb1: {  	_ =	task.clear_ibuf [dreg:s7], $0x5FFFF;
	_ =	strace $0x90000046  }
0xb2: {  	s29 =	simm.s32 $0x9;
	_ =	strace $0x80000048  }
0xb3: {  	_ =	swait.ge [sflag:s29], $0x1  }
0xb4: {  	[sflag:s29] =	ssyncadd.s32 $0xFFFFFFFF  }
0xb5: {  	_ =	strace $0x90000048  }
0xb6: {  	_ =	sfence  }
0xb7: {  	s30 =	sld [smem:$0x0];
	_ =	sdelay $0x2  }
0xb8: {  	s31 =	sshll.u32 s1, $0xD;
	s1 =	sshrl.u32 s1, $0x2  }
0xb9: {  	s3 =	sand.u32 $0x4000, s31;
	s1 =	sadd.s32 s1, s30  }
0xba: {  	s0 =	sor.u32 s3, s0;
	s1 =	sshll.u32 s1, $0x11  }
0xbb: {  	s0 =	sor.u32 s1, s0  }
0xbc: {  	s0 =	sadd.s32 $0x8F2B, s0  }
0xbd: {  	[sflag:s0] =	ssyncadd.remote.s32 $0x1  }
0xbe: {  	_ =	sfence.sel $0xFFFF  }
0xbf: {  	[dreg:$0x0] =	wrdreg $0xFFFFFFFF;
	(pc) =	sbr.abs _section_cstart, $3  }
0xc0: {  	[dreg:$0x1] =	wrdreg $0xFFFFFFFF  }
0xc1: {  	_ =	task.clear_ibuf [dreg:s7], $0x2FFFF;
	_ =	strace $0x9FFFFFFF  }
0xc2: {  	(tm) =	ssettm $0x7FFFFFFF  }
0xc3: {  	_ =	shalt  }
tec
execute0_lowered:
.L_overlay_start_1:
0x0: {  	(tag) =	ssettag $0x1  }
0x1: {  	s0 =	rddreg [dreg:$0x0]  }
0x2: {  	s7 =	rddreg [dreg:$0x1]  }
0x3: {  	s2 =	simm.s32 $0x0;
	s1 =	srdreg.scid;
	s6 =	stileid.u32  }
0x4: {  	[smem:$0x7FF] =	sst s2;
	s1 =	sand.u32 $0x1, s1;
	s3 =	sshll.u32 s6, $0x1  }
0x5: {  	s4 =	sadd.s32 $0x2DC6C00, s7;
	s23 =	sshll.u32 s6, $0x7;
	s29 =	sadd.s32 $0x80, s7  }
0x6: {  	_ =	strace $0x80000047;
	s22 =	ssub.s32 $0x2, s1;
	s1 =	sor.u32 s1, s3  }
0x7: {  	s3 =	sand.u32 $0x600, s23;
	s24 =	smul.u32 $0x30000, s1;
	s25 =	sshll.u32 s1, $0x4  }
0x8: {  	v2 =	vlaneseq.u32;
	vm0 =	vmmov $0xff;
	s1 =	smul.u32 $0x6000, s1;
	s0 =	sadd.s32 s0, s3;
	s6 =	sand.u32 $0x70, s25  }
0x9: {  	v3 =	vimm.s32 $0x0;
	vm1 =	vmmov $0x1;
	vm2 =	vcmask $0x308;
	[dreg:$0x19] =	wrdreg s29;
	s5 =	sshrl.u32 s22, $0x1;
	s0 =	sadd.s32 s6, s0  }
0xa: {  	vm4 =	vcmask $0xB10;
	vm5 =	vcmask $0xF14;
	vm6 =	vcmask $0x1318;
	s2 =	ssub.s32 s22, s5;
	s1 =	sadd.s32 s4, s1;
	[dreg:$0x17] =	wrdreg s0  }
0xb: {  	vm7 =	vcmask $0x171C;
	vm8 =	vcmask $0x1B20;
	vm9 =	vcmask $0x1F24;
	s26 =	sshrl.u32 s24, $0x3;
	s31 =	smax.u32 s2, $0x1;
	[dreg:$0x18] =	wrdreg s1  }
0xc: {  	vm10 =	vcmask $0x2328;
	vm11 =	vcmask $0x272C;
	vm12 =	vcmask $0x2B30;
	s28 =	sadd.s32 s4, s26;
	s1 =	sadd.s32 $0x1800, s1;
	[dreg:$0x1d] =	wrdreg s31  }
0xd: {  	vm13 =	vcmask $0x2F34;
	vm14 =	vcmask $0x3338;
	vm15 =	vcmask $0x373C;
	[dreg:$0x1a] =	wrdreg s1;
	s30 =	sadd.s32 $0x3000, s28  }
0xe: {  	v1 =	vshrl.u32 v2, $0x3;
	v0 =	vand.u32 $0x7, v2;
	v3 =	vsel vm0, $0xFFFFFFFF, v3;
	s5 =	simm.s32 $0x200;
	s0 =	sadd.s32 $0x4800, s28;
	[dreg:$0x1b] =	wrdreg s30  }
0xf: {  	v2 =	vor.u32 $0x8, v2;
	vm0 =	vmmov $0x7fff;
	v1 =	vmul.u32 $0x8, v1;
	[tilespmem:$0x1FFF0] =	vst v3;
	s4 =	simm.s32 $0x3;
	s1 =	simm.s32 $0x0;
	[dreg:$0x1c] =	wrdreg s0  }
.LBB2_1:
0x10: {  	[dreg:$0x1e] =	wrdreg s1;
	s1 =	simm.s32 $0x0  }
0x11: {  	s0 =	rddreg [dreg:$0x17];
	s2 =	simm.s32 $0x80;
	s3 =	simm.s32 $0x400  }
0x12: {  	[tilespmem:s1], [sflag:$0x3] =	stream.strided.gather [hbm4b:s0+s2], $0x200, s3, s2, $0x38;
	[tilespmem:$0x18200] =	vst v63  }
0x13: {  	_ =	swait.ge [sflag:s4], $0x200  }
0x14: {  	[sflag:s4] =	ssyncset.done $0x0  }
0x15: {  	[sflag:s4] =	ssyncadd.s32 $0xFFFFFE00  }
0x16: {  	v3 =	vld [tilespmem:$0x0];
	_ =	sdelay $0x4  }
0x17: {  	v4 =	vshrl.u32 v3, $0x3  }
0x18: {  	v4 =	vmul.u32 $0x18, v4  }
0x19: {  	v3 =	vand.u32 $0x7, v3  }
0x1a: {  	v3 =	vor.u32 v3, v4  }
0x1b: {  	v4 =	vperm.xlane v3, v0  }
0x1c: {  	v5 =	vld [tilespmem:$0x1FFF0]  }
0x1d: {  	v4 =	vadd.s32 v1, v4;
	_ =	sdelay $0x3  }
0x1e: {  	s23 =	rddreg [dreg:$0x1];
	vm3 =	vnez.u8 v5;
	v3 =	vperm.xlane v3, v2  }
0x1f: {  	[tilespmem:s5], [sflag:$0x1] =	stream.indirect_vreg.gather [hbm4b:s23+s1], $0x80, v4, vm3, $0xb8;
	v4 =	vld [tilespmem:$0x1FFF0]  }
0x20: {  	v3 =	vadd.s32 v1, v3;
	_ =	sdelay $0x3  }
0x21: {  	s24 =	simm.s32 $0xE00;
	vm3 =	vnez.u8 v4  }
0x22: {  	[tilespmem:s24], [sflag:$0x1] =	stream.indirect_vreg.gather [hbm4b:s23+s1], $0x80, v3, vm3, $0xb8;
	[tilespmem:$0x18200] =	vst v63  }
0x23: {  	v3 =	vld [tilespmem:$0x10];
	_ =	sdelay $0x4  }
0x24: {  	v4 =	vshrl.u32 v3, $0x3  }
0x25: {  	v4 =	vmul.u32 $0x18, v4  }
0x26: {  	v3 =	vand.u32 $0x7, v3  }
0x27: {  	v3 =	vor.u32 v3, v4  }
0x28: {  	v4 =	vperm.xlane v3, v0  }
0x29: {  	v5 =	vld [tilespmem:$0x1FFF0]  }
0x2a: {  	v4 =	vadd.s32 v1, v4;
	_ =	sdelay $0x3  }
0x2b: {  	s25 =	simm.s32 $0x1A00;
	vm3 =	vnez.u8 v5;
	v3 =	vperm.xlane v3, v2  }
0x2c: {  	[tilespmem:s25], [sflag:$0x1] =	stream.indirect_vreg.gather [hbm4b:s23+s1], $0x80, v4, vm3, $0xb8;
	v4 =	vld [tilespmem:$0x1FFF0]  }
0x2d: {  	v3 =	vadd.s32 v1, v3;
	_ =	sdelay $0x3  }
0x2e: {  	s26 =	simm.s32 $0x2600;
	vm3 =	vnez.u8 v4  }
0x2f: {  	[tilespmem:s26], [sflag:$0x1] =	stream.indirect_vreg.gather [hbm4b:s23+s1], $0x80, v3, vm3, $0xb8;
	[tilespmem:$0x18200] =	vst v63  }
0x30: {  	v3 =	vld [tilespmem:$0x20];
	_ =	sdelay $0x4  }
0x31: {  	v4 =	vshrl.u32 v3, $0x3  }
0x32: {  	v4 =	vmul.u32 $0x18, v4  }
0x33: {  	v3 =	vand.u32 $0x7, v3  }
0x34: {  	v3 =	vor.u32 v3, v4  }
0x35: {  	v4 =	vperm.xlane v3, v0  }
0x36: {  	v5 =	vld [tilespmem:$0x1FFF0]  }
0x37: {  	v4 =	vadd.s32 v1, v4;
	_ =	sdelay $0x3  }
0x38: {  	s3 =	simm.s32 $0x3200;
	vm3 =	vnez.u8 v5;
	v3 =	vperm.xlane v3, v2  }
0x39: {  	[tilespmem:s3], [sflag:$0x1] =	stream.indirect_vreg.gather [hbm4b:s23+s1], $0x80, v4, vm3, $0xb8;
	v4 =	vld [tilespmem:$0x1FFF0]  }
0x3a: {  	v3 =	vadd.s32 v1, v3;
	_ =	sdelay $0x3  }
0x3b: {  	s4 =	simm.s32 $0x3E00;
	vm3 =	vnez.u8 v4  }
0x3c: {  	[tilespmem:s4], [sflag:$0x1] =	stream.indirect_vreg.gather [hbm4b:s23+s1], $0x80, v3, vm3, $0xb8;
	[tilespmem:$0x18200] =	vst v63  }
0x3d: {  	v3 =	vld [tilespmem:$0x30];
	_ =	sdelay $0x4  }
0x3e: {  	v4 =	vshrl.u32 v3, $0x3  }
0x3f: {  	v4 =	vmul.u32 $0x18, v4  }
0x40: {  	v3 =	vand.u32 $0x7, v3  }
0x41: {  	v3 =	vor.u32 v3, v4  }
0x42: {  	v4 =	vperm.xlane v3, v0  }
0x43: {  	v5 =	vld [tilespmem:$0x1FFF0]  }
0x44: {  	v4 =	vadd.s32 v1, v4;
	_ =	sdelay $0x3  }
0x45: {  	s5 =	simm.s32 $0x4A00;
	vm3 =	vnez.u8 v5;
	v3 =	vperm.xlane v3, v2  }
0x46: {  	[tilespmem:s5], [sflag:$0x1] =	stream.indirect_vreg.gather [hbm4b:s23+s1], $0x80, v4, vm3, $0xb8;
	v4 =	vld [tilespmem:$0x1FFF0]  }
0x47: {  	v3 =	vadd.s32 v1, v3;
	_ =	sdelay $0x3  }
0x48: {  	s6 =	simm.s32 $0x5600;
	vm3 =	vnez.u8 v4  }
0x49: {  	[tilespmem:s6], [sflag:$0x1] =	stream.indirect_vreg.gather [hbm4b:s23+s1], $0x80, v3, vm3, $0xb8;
	[tilespmem:$0x18200] =	vst v63  }
0x4a: {  	v3 =	vld [tilespmem:$0x40];
	_ =	sdelay $0x4  }
0x4b: {  	v4 =	vshrl.u32 v3, $0x3  }
0x4c: {  	v4 =	vmul.u32 $0x18, v4  }
0x4d: {  	v3 =	vand.u32 $0x7, v3  }
0x4e: {  	v3 =	vor.u32 v3, v4  }
0x4f: {  	v4 =	vperm.xlane v3, v0  }
0x50: {  	v5 =	vld [tilespmem:$0x1FFF0]  }
0x51: {  	v4 =	vadd.s32 v1, v4;
	_ =	sdelay $0x3  }
0x52: {  	s7 =	simm.s32 $0x6200;
	vm3 =	vnez.u8 v5;
	v3 =	vperm.xlane v3, v2  }
0x53: {  	[tilespmem:s7], [sflag:$0x1] =	stream.indirect_vreg.gather [hbm4b:s23+s1], $0x80, v4, vm3, $0xb8;
	v4 =	vld [tilespmem:$0x1FFF0]  }
0x54: {  	v3 =	vadd.s32 v1, v3;
	_ =	sdelay $0x3  }
0x55: {  	s8 =	simm.s32 $0x6E00;
	vm3 =	vnez.u8 v4  }
0x56: {  	[tilespmem:s8], [sflag:$0x1] =	stream.indirect_vreg.gather [hbm4b:s23+s1], $0x80, v3, vm3, $0xb8;
	[tilespmem:$0x18200] =	vst v63  }
0x57: {  	v3 =	vld [tilespmem:$0x50];
	_ =	sdelay $0x4  }
0x58: {  	v4 =	vshrl.u32 v3, $0x3  }
0x59: {  	v4 =	vmul.u32 $0x18, v4  }
0x5a: {  	v3 =	vand.u32 $0x7, v3  }
0x5b: {  	v3 =	vor.u32 v3, v4  }
0x5c: {  	v4 =	vperm.xlane v3, v0  }
0x5d: {  	v5 =	vld [tilespmem:$0x1FFF0]  }
0x5e: {  	v4 =	vadd.s32 v1, v4;
	_ =	sdelay $0x3  }
0x5f: {  	s9 =	simm.s32 $0x7A00;
	vm3 =	vnez.u8 v5;
	v3 =	vperm.xlane v3, v2  }
0x60: {  	[tilespmem:s9], [sflag:$0x1] =	stream.indirect_vreg.gather [hbm4b:s23+s1], $0x80, v4, vm3, $0xb8;
	v4 =	vld [tilespmem:$0x1FFF0]  }
0x61: {  	v3 =	vadd.s32 v1, v3;
	_ =	sdelay $0x3  }
0x62: {  	s10 =	simm.s32 $0x8600;
	vm3 =	vnez.u8 v4  }
0x63: {  	[tilespmem:s10], [sflag:$0x1] =	stream.indirect_vreg.gather [hbm4b:s23+s1], $0x80, v3, vm3, $0xb8;
	[tilespmem:$0x18200] =	vst v63  }
0x64: {  	v3 =	vld [tilespmem:$0x60];
	_ =	sdelay $0x4  }
0x65: {  	v4 =	vshrl.u32 v3, $0x3  }
0x66: {  	v4 =	vmul.u32 $0x18, v4  }
0x67: {  	v3 =	vand.u32 $0x7, v3  }
0x68: {  	v3 =	vor.u32 v3, v4  }
0x69: {  	v4 =	vperm.xlane v3, v0  }
0x6a: {  	v5 =	vld [tilespmem:$0x1FFF0]  }
0x6b: {  	v4 =	vadd.s32 v1, v4;
	_ =	sdelay $0x3  }
0x6c: {  	s11 =	simm.s32 $0x9200;
	vm3 =	vnez.u8 v5;
	v3 =	vperm.xlane v3, v2  }
0x6d: {  	[tilespmem:s11], [sflag:$0x1] =	stream.indirect_vreg.gather [hbm4b:s23+s1], $0x80, v4, vm3, $0xb8;
	v4 =	vld [tilespmem:$0x1FFF0]  }
0x6e: {  	v3 =	vadd.s32 v1, v3;
	_ =	sdelay $0x3  }
0x6f: {  	s12 =	simm.s32 $0x9E00;
	vm3 =	vnez.u8 v4  }
0x70: {  	[tilespmem:s12], [sflag:$0x1] =	stream.indirect_vreg.gather [hbm4b:s23+s1], $0x80, v3, vm3, $0xb8;
	[tilespmem:$0x18200] =	vst v63  }
0x71: {  	v3 =	vld [tilespmem:$0x70];
	_ =	sdelay $0x4  }
0x72: {  	v4 =	vshrl.u32 v3, $0x3  }
0x73: {  	v4 =	vmul.u32 $0x18, v4  }
0x74: {  	v3 =	vand.u32 $0x7, v3  }
0x75: {  	v3 =	vor.u32 v3, v4  }
0x76: {  	v4 =	vperm.xlane v3, v0  }
0x77: {  	v5 =	vld [tilespmem:$0x1FFF0]  }
0x78: {  	v4 =	vadd.s32 v1, v4;
	_ =	sdelay $0x3  }
0x79: {  	s13 =	simm.s32 $0xAA00;
	vm3 =	vnez.u8 v5;
	v3 =	vperm.xlane v3, v2  }
0x7a: {  	[tilespmem:s13], [sflag:$0x1] =	stream.indirect_vreg.gather [hbm4b:s23+s1], $0x80, v4, vm3, $0xb8;
	v4 =	vld [tilespmem:$0x1FFF0]  }
0x7b: {  	v3 =	vadd.s32 v1, v3;
	_ =	sdelay $0x3  }
0x7c: {  	s14 =	simm.s32 $0xB600;
	vm3 =	vnez.u8 v4  }
0x7d: {  	[tilespmem:s14], [sflag:$0x1] =	stream.indirect_vreg.gather [hbm4b:s23+s1], $0x80, v3, vm3, $0xb8;
	[tilespmem:$0x18200] =	vst v63  }
0x7e: {  	v3 =	vld [tilespmem:$0x0];
	_ =	sdelay $0x4  }
0x7f: {  	v4 =	vshrl.u32 v3, $0x3  }
0x80: {  	v4 =	vmul.u32 $0x18, v4  }
0x81: {  	v3 =	vand.u32 $0x7, v3  }
0x82: {  	v3 =	vor.u32 v3, v4  }
0x83: {  	v4 =	vperm.xlane v3, v0  }
0x84: {  	v5 =	vld [tilespmem:$0x1FFF0]  }
0x85: {  	v4 =	vadd.s32 v1, v4;
	_ =	sdelay $0x3  }
0x86: {  	s16 =	simm.s32 $0x600;
	s15 =	rddreg [dreg:$0x19];
	vm3 =	vnez.u8 v5;
	v3 =	vperm.xlane v3, v2  }
0x87: {  	[tilespmem:s16], [sflag:$0x1] =	stream.indirect_vreg.gather [hbm4b:s15+s1], $0x80, v4, vm3, $0xb8;
	v4 =	vld [tilespmem:$0x1FFF0]  }
0x88: {  	v3 =	vadd.s32 v1, v3;
	_ =	sdelay $0x3  }
0x89: {  	s17 =	simm.s32 $0x1200;
	vm3 =	vnez.u8 v4  }
0x8a: {  	[tilespmem:s17], [sflag:$0x1] =	stream.indirect_vreg.gather [hbm4b:s15+s1], $0x80, v3, vm3, $0xb8;
	[tilespmem:$0x18200] =	vst v63  }
0x8b: {  	v3 =	vld [tilespmem:$0x10];
	_ =	sdelay $0x4  }
0x8c: {  	v4 =	vshrl.u32 v3, $0x3  }
0x8d: {  	v4 =	vmul.u32 $0x18, v4  }
0x8e: {  	v3 =	vand.u32 $0x7, v3  }
0x8f: {  	v3 =	vor.u32 v3, v4  }
0x90: {  	v4 =	vperm.xlane v3, v0  }
0x91: {  	v5 =	vld [tilespmem:$0x1FFF0]  }
0x92: {  	v4 =	vadd.s32 v1, v4;
	_ =	sdelay $0x3  }
0x93: {  	s18 =	simm.s32 $0x1E00;
	vm3 =	vnez.u8 v5;
	v3 =	vperm.xlane v3, v2  }
0x94: {  	[tilespmem:s18], [sflag:$0x1] =	stream.indirect_vreg.gather [hbm4b:s15+s1], $0x80, v4, vm3, $0xb8;
	v4 =	vld [tilespmem:$0x1FFF0]  }
0x95: {  	v3 =	vadd.s32 v1, v3;
	_ =	sdelay $0x3  }
0x96: {  	s19 =	simm.s32 $0x2A00;
	vm3 =	vnez.u8 v4  }
0x97: {  	[tilespmem:s19], [sflag:$0x1] =	stream.indirect_vreg.gather [hbm4b:s15+s1], $0x80, v3, vm3, $0xb8;
	[tilespmem:$0x18200] =	vst v63  }
0x98: {  	v3 =	vld [tilespmem:$0x20];
	_ =	sdelay $0x4  }
0x99: {  	v4 =	vshrl.u32 v3, $0x3  }
0x9a: {  	v4 =	vmul.u32 $0x18, v4  }
0x9b: {  	v3 =	vand.u32 $0x7, v3  }
0x9c: {  	v3 =	vor.u32 v3, v4  }
0x9d: {  	v4 =	vperm.xlane v3, v0  }
0x9e: {  	v5 =	vld [tilespmem:$0x1FFF0]  }
0x9f: {  	v4 =	vadd.s32 v1, v4;
	_ =	sdelay $0x3  }
0xa0: {  	s20 =	simm.s32 $0x3600;
	vm3 =	vnez.u8 v5;
	v3 =	vperm.xlane v3, v2  }
0xa1: {  	[tilespmem:s20], [sflag:$0x1] =	stream.indirect_vreg.gather [hbm4b:s15+s1], $0x80, v4, vm3, $0xb8;
	v4 =	vld [tilespmem:$0x1FFF0]  }
0xa2: {  	v3 =	vadd.s32 v1, v3;
	_ =	sdelay $0x3  }
0xa3: {  	s21 =	simm.s32 $0x4200;
	vm3 =	vnez.u8 v4  }
0xa4: {  	[tilespmem:s21], [sflag:$0x1] =	stream.indirect_vreg.gather [hbm4b:s15+s1], $0x80, v3, vm3, $0xb8;
	[tilespmem:$0x18200] =	vst v63  }
0xa5: {  	v3 =	vld [tilespmem:$0x30];
	_ =	sdelay $0x4  }
0xa6: {  	v4 =	vshrl.u32 v3, $0x3  }
0xa7: {  	v4 =	vmul.u32 $0x18, v4  }
0xa8: {  	v3 =	vand.u32 $0x7, v3  }
0xa9: {  	v3 =	vor.u32 v3, v4  }
0xaa: {  	v4 =	vperm.xlane v3, v0  }
0xab: {  	v5 =	vld [tilespmem:$0x1FFF0]  }
0xac: {  	v4 =	vadd.s32 v1, v4;
	_ =	sdelay $0x3  }
0xad: {  	s22 =	simm.s32 $0x4E00;
	vm3 =	vnez.u8 v5;
	v3 =	vperm.xlane v3, v2  }
0xae: {  	[tilespmem:s22], [sflag:$0x1] =	stream.indirect_vreg.gather [hbm4b:s15+s1], $0x80, v4, vm3, $0xb8;
	v4 =	vld [tilespmem:$0x1FFF0]  }
0xaf: {  	v3 =	vadd.s32 v1, v3;
	_ =	sdelay $0x3  }
0xb0: {  	s23 =	simm.s32 $0x5A00;
	vm3 =	vnez.u8 v4  }
0xb1: {  	[tilespmem:s23], [sflag:$0x1] =	stream.indirect_vreg.gather [hbm4b:s15+s1], $0x80, v3, vm3, $0xb8;
	[tilespmem:$0x18200] =	vst v63  }
0xb2: {  	v3 =	vld [tilespmem:$0x40];
	_ =	sdelay $0x4  }
0xb3: {  	v4 =	vshrl.u32 v3, $0x3  }
0xb4: {  	v4 =	vmul.u32 $0x18, v4  }
0xb5: {  	v3 =	vand.u32 $0x7, v3  }
0xb6: {  	v3 =	vor.u32 v3, v4  }
0xb7: {  	v4 =	vperm.xlane v3, v0  }
0xb8: {  	v5 =	vld [tilespmem:$0x1FFF0]  }
0xb9: {  	v4 =	vadd.s32 v1, v4;
	_ =	sdelay $0x3  }
0xba: {  	s24 =	simm.s32 $0x6600;
	vm3 =	vnez.u8 v5;
	v3 =	vperm.xlane v3, v2  }
0xbb: {  	[tilespmem:s24], [sflag:$0x1] =	stream.indirect_vreg.gather [hbm4b:s15+s1], $0x80, v4, vm3, $0xb8;
	v4 =	vld [tilespmem:$0x1FFF0]  }
0xbc: {  	v3 =	vadd.s32 v1, v3;
	_ =	sdelay $0x3  }
0xbd: {  	s25 =	simm.s32 $0x7200;
	vm3 =	vnez.u8 v4  }
0xbe: {  	[tilespmem:s25], [sflag:$0x1] =	stream.indirect_vreg.gather [hbm4b:s15+s1], $0x80, v3, vm3, $0xb8;
	[tilespmem:$0x18200] =	vst v63  }
0xbf: {  	v3 =	vld [tilespmem:$0x50];
	_ =	sdelay $0x4  }
0xc0: {  	v4 =	vshrl.u32 v3, $0x3  }
0xc1: {  	v4 =	vmul.u32 $0x18, v4  }
0xc2: {  	v3 =	vand.u32 $0x7, v3  }
0xc3: {  	v3 =	vor.u32 v3, v4  }
0xc4: {  	v4 =	vperm.xlane v3, v0  }
0xc5: {  	v5 =	vld [tilespmem:$0x1FFF0]  }
0xc6: {  	v4 =	vadd.s32 v1, v4;
	_ =	sdelay $0x3  }
0xc7: {  	s26 =	simm.s32 $0x7E00;
	vm3 =	vnez.u8 v5;
	v3 =	vperm.xlane v3, v2  }
0xc8: {  	[tilespmem:s26], [sflag:$0x1] =	stream.indirect_vreg.gather [hbm4b:s15+s1], $0x80, v4, vm3, $0xb8;
	v4 =	vld [tilespmem:$0x1FFF0]  }
0xc9: {  	v3 =	vadd.s32 v1, v3;
	_ =	sdelay $0x3  }
0xca: {  	s3 =	simm.s32 $0x8A00;
	vm3 =	vnez.u8 v4  }
0xcb: {  	[tilespmem:s3], [sflag:$0x1] =	stream.indirect_vreg.gather [hbm4b:s15+s1], $0x80, v3, vm3, $0xb8;
	[tilespmem:$0x18200] =	vst v63  }
0xcc: {  	v3 =	vld [tilespmem:$0x60];
	_ =	sdelay $0x4  }
0xcd: {  	v4 =	vshrl.u32 v3, $0x3  }
0xce: {  	v4 =	vmul.u32 $0x18, v4  }
0xcf: {  	v3 =	vand.u32 $0x7, v3  }
0xd0: {  	v3 =	vor.u32 v3, v4  }
0xd1: {  	v4 =	vperm.xlane v3, v0  }
0xd2: {  	v5 =	vld [tilespmem:$0x1FFF0]  }
0xd3: {  	v4 =	vadd.s32 v1, v4;
	_ =	sdelay $0x3  }
0xd4: {  	s4 =	simm.s32 $0x9600;
	vm3 =	vnez.u8 v5;
	v3 =	vperm.xlane v3, v2  }
0xd5: {  	[tilespmem:s4], [sflag:$0x1] =	stream.indirect_vreg.gather [hbm4b:s15+s1], $0x80, v4, vm3, $0xb8;
	v4 =	vld [tilespmem:$0x1FFF0]  }
0xd6: {  	v3 =	vadd.s32 v1, v3;
	_ =	sdelay $0x3  }
0xd7: {  	s5 =	simm.s32 $0xA200;
	vm3 =	vnez.u8 v4  }
0xd8: {  	[tilespmem:s5], [sflag:$0x1] =	stream.indirect_vreg.gather [hbm4b:s15+s1], $0x80, v3, vm3, $0xb8;
	[tilespmem:$0x18200] =	vst v63  }
0xd9: {  	v3 =	vld [tilespmem:$0x70];
	_ =	sdelay $0x4  }
0xda: {  	v4 =	vshrl.u32 v3, $0x3  }
0xdb: {  	v4 =	vmul.u32 $0x18, v4  }
0xdc: {  	v3 =	vand.u32 $0x7, v3  }
0xdd: {  	v3 =	vor.u32 v3, v4  }
0xde: {  	v4 =	vperm.xlane v3, v0  }
0xdf: {  	v5 =	vld [tilespmem:$0x1FFF0]  }
0xe0: {  	v4 =	vadd.s32 v1, v4;
	_ =	sdelay $0x3  }
0xe1: {  	s6 =	simm.s32 $0xAE00;
	vm3 =	vnez.u8 v5;
	v3 =	vperm.xlane v3, v2  }
0xe2: {  	[tilespmem:s6], [sflag:$0x1] =	stream.indirect_vreg.gather [hbm4b:s15+s1], $0x80, v4, vm3, $0xb8;
	v4 =	vld [tilespmem:$0x1FFF0]  }
0xe3: {  	v3 =	vadd.s32 v1, v3;
	_ =	sdelay $0x3  }
0xe4: {  	s7 =	simm.s32 $0xBA00;
	vm3 =	vnez.u8 v4  }
0xe5: {  	[tilespmem:s7], [sflag:$0x1] =	stream.indirect_vreg.gather [hbm4b:s15+s1], $0x80, v3, vm3, $0xb8;
	[tilespmem:$0x18200] =	vst v63  }
0xe6: {  	v3 =	vld [tilespmem:s1+$0x0];
	_ =	sdelay $0x4  }
0xe7: {  	v4 =	vsel vm2, $0x0, v3  }
0xe8: {  	v5 =	vsel vm7, $0x0, v3;
	(xrf0) =	vadd.scan.msk.s32 $0xffff, v4  }
0xe9: {  	v4 =	vsel vm4, $0x0, v3;
	(xrf0) =	vadd.scan.msk.s32 $0xffff, v5  }
0xea: {  	v5 =	vsel vm5, $0x0, v3;
	(xrf0) =	vadd.scan.msk.s32 $0xffff, v4  }
0xeb: {  	v4 =	vnsel vm1, $0x0, v3;
	(xrf0) =	vadd.scan.msk.s32 $0xffff, v5  }
0xec: {  	v5 =	vsel vm8, $0x0, v3;
	(xrf0) =	vadd.scan.msk.s32 $0xffff, v4  }
0xed: {  	v4 =	vsel vm13, $0x0, v3;
	(xrf0) =	vadd.scan.msk.s32 $0xffff, v5  }
0xee: {  	v5 =	vsel vm12, $0x0, v3;
	v6, _, _ =	vpop (xrf0);
	(xrf0) =	vadd.scan.msk.s32 $0xffff, v4  }
0xef: {  	v4 =	vsel vm10, $0x0, v3;
	v7, _, _ =	vpop (xrf0);
	(xrf0) =	vadd.scan.msk.s32 $0xffff, v5  }
0xf0: {  	v5 =	vsel vm9, $0x0, v3;
	v8, _, _ =	vpop (xrf0);
	(xrf0) =	vadd.scan.msk.s32 $0xffff, v4;
	(v2sf) =	vpush v7, $0xF  }
0xf1: {  	v9, _, _ =	vpop (xrf0);
	(xrf0) =	vadd.scan.msk.s32 $0xffff, v5;
	v5 =	vsel vm6, $0x0, v3;
	(v2sf) =	vpush v8, $0xF  }
0xf2: {  	v4 =	vsel vm11, $0x0, v3;
	(v2sf) =	vpush v9, $0xF  }
0xf3: {  	v58, _, _ =	vpop (xrf0);
	(xrf0) =	vadd.scan.msk.s32 $0xffff, v4;
	(v2sf) =	vpush v6, $0xF  }
0xf4: {  	v4 =	vsel vm14, $0x0, v3;
	(xrf0) =	vadd.scan.msk.s32 $0xffff, v5;
	v5, _, _ =	vpop (xrf0)  }
0xf5: {  	vm3 =	vcmask $0x70C;
	(v2sf) =	vpush v5, $0xF  }
0xf6: {  	v59 =	vsel vm3, $0x0, v3;
	v60, _, _ =	vpop (xrf0);
	(xrf0) =	vadd.scan.msk.s32 $0xffff, v4  }
0xf7: {  	(xrf0) =	vadd.scan.msk.s32 $0xffff, v59;
	v4, _, _ =	vpop (xrf0)  }
0xf8: {  	v62 =	vsel vm15, $0x0, v3;
	v5, _, _ =	vpop (xrf0);
	(v2sf) =	vpush v4, $0xF  }
0xf9: {  	s8 =	simm.s32 $0xC80;
	v3 =	vsel vm0, $0x0, v3;
	(xrf0) =	vadd.scan.msk.s32 $0xffff, v62;
	v61, _, _ =	vpop (xrf0);
	(v2sf) =	vpush v5, $0xF  }
0xfa: {  	s30 =	simm.s32 $0xA80;
	[dreg:$0xd] =	wrdreg s8;
	s9 =	simm.s32 $0xC00;
	(xrf0) =	vadd.scan.msk.s32 $0xffff, v3;
	v4, _, _ =	vpop (xrf0)  }
0xfb: {  	s31 =	simm.s32 $0xD00;
	[dreg:$0x12] =	wrdreg s9;
	s10 =	simm.s32 $0x1700;
	(v2sf) =	vpush v61, $0xF;
	v5, _, _ =	vpop (xrf0)  }
0xfc: {  	s28 =	simm.s32 $0x1680;
	[dreg:$0x9] =	wrdreg s10;
	s11 =	simm.s32 $0x1780;
	v3, _, _ =	vpop (xrf0);
	(v2sf) =	vpush v5, $0xF  }
0xfd: {  	s0 =	simm.s32 $0xA00;
	[dreg:$0x6] =	wrdreg s11;
	s13 =	simm.s32 $0x1800;
	v5, _, _ =	vpop (xrf0)  }
0xfe: {  	[dreg:$0x3] =	wrdreg s13;
	s17 =	simm.s32 $0x0;
	s18 =	simm.s32 $0x6000;
	(v2sf) =	vpush v5, $0xF  }
0xff: {  	s19 =	simm.s32 $0x10;
	s25 =	simm.s32 $0xB80;
	v5, _, _ =	vpop (xrf0);
	s12 =	spop (v2sf)  }
0x100: {  	v63, _, _ =	vpop (xrf0);
	s14 =	sshrl.u32 s12, $0x3;
	s3 =	spop (v2sf);
	s1 =	sshll.u32 s12, $0x7  }
0x101: {  	(v2sf) =	vpush v63, $0xF;
	s2 =	smul.u32 $0xC00, s14;
	s15 =	spop (v2sf);
	s1 =	sand.u32 $0x380, s1  }
0x102: {  	(v2sf) =	vpush v58, $0xF;
	s16 =	sshll.u32 s15, $0x7;
	s6 =	spop (v2sf);
	s4 =	sshrl.u32 s15, $0x3  }
0x103: {  	s1 =	sor.u32 s1, s2;
	s7 =	sshrl.u32 s6, $0x3;
	s6 =	sshll.u32 s6, $0x7  }
0x104: {  	s5 =	sand.u32 $0x380, s16;
	s4 =	smul.u32 $0xC00, s4;
	s20 =	spop (v2sf)  }
0x105: {  	s1 =	sadd.s32 $0x800, s1;
	s21 =	sand.u32 $0x380, s6;
	s9 =	smul.u32 $0xC00, s7  }
0x106: {  	s8 =	sshrl.u32 s20, $0x3;
	s29 =	sshrl.u32 s1, $0x3;
	s2 =	sshll.u32 s20, $0x7  }
0x107: {  	s20 =	sshll.u32 s3, $0x7;
	s12 =	spop (v2sf);
	s22 =	smul.u32 $0xC00, s8  }
0x108: {  	s1 =	sor.u32 s21, s9;
	s2 =	sand.u32 $0x380, s2;
	s23 =	spop (v2sf)  }
0x109: {  	s8 =	sor.u32 s5, s4;
	s1 =	sadd.s32 $0x800, s1;
	s10 =	sshll.u32 s23, $0x7  }
0x10a: {  	s11 =	spop (v2sf);
	s2 =	sor.u32 s2, s22;
	s15 =	sshrl.u32 s23, $0x3  }
0x10b: {  	s5 =	sshrl.u32 s1, $0x3;
	s7 =	sshrl.u32 s11, $0x3;
	s13 =	spop (v2sf)  }
0x10c: {  	s11 =	sshll.u32 s11, $0x7;
	s26 =	sshrl.u32 s13, $0x3;
	s13 =	sshll.u32 s13, $0x7  }
0x10d: {  	s11 =	sand.u32 $0x380, s11;
	s14 =	spop (v2sf);
	s13 =	sand.u32 $0x380, s13  }
0x10e: {  	s6 =	smul.u32 $0xC00, s26;
	s26 =	sshll.u32 s12, $0x7;
	s24 =	sshrl.u32 s14, $0x3  }
0x10f: {  	s16 =	sshll.u32 s14, $0x7;
	s14 =	sand.u32 $0x380, s10;
	s10 =	sadd.s32 $0x800, s2  }
0x110: {  	(v2sf) =	vpush v5, $0xF;
	s2 =	simm.s32 $0xB00;
	s9 =	smul.u32 $0xC00, s24;
	s4 =	spop (v2sf)  }
0x111: {  	(v2sf) =	vpush v60, $0xF;
	s6 =	sor.u32 s13, s6;
	s13 =	sshrl.u32 s3, $0x3;
	s3 =	spop (v2sf)  }
0x112: {  	s1 =	sand.u32 $0x380, s16;
	s16 =	sand.u32 $0x380, s20;
	(v2sf) =	vpush v4, $0xF;
	s20 =	sshll.u32 s3, $0x7  }
.LBB2_2:
0x113: {  	_ = 	snop  }
0x114: {  	s3 =	sshrl.u32 s3, $0x3  }
0x115: {  	s1 =	sor.u32 s1, s9;
	s7 =	smul.u32 $0xC00, s7;
	s9 =	sshrl.u32 s12, $0x3  }
0x116: {  	s23 =	sand.u32 $0x380, s20;
	s6 =	sadd.s32 $0x800, s6;
	s15 =	smul.u32 $0xC00, s15  }
0x117: {  	s26 =	sand.u32 $0x380, s26;
	s13 =	smul.u32 $0xC00, s13;
	s10 =	sshrl.u32 s10, $0x3  }
0x118: {  	s8 =	sadd.s32 $0x800, s8;
	s3 =	smul.u32 $0xC00, s3;
	s1 =	sadd.s32 $0x800, s1  }
0x119: {  	s9 =	smul.u32 $0xC00, s9;
	s8 =	sshrl.u32 s8, $0x3;
	s6 =	sshrl.u32 s6, $0x3  }
0x11a: {  	s1 =	sshrl.u32 s1, $0x3;
	s13 =	sor.u32 s16, s13;
	s14 =	sor.u32 s14, s15  }
0x11b: {  	s7 =	sor.u32 s11, s7;
	s3 =	sor.u32 s23, s3;
	s14 =	sadd.s32 $0x800, s14  }
0x11c: {  	s23 =	rddreg [dreg:$0x1];
	s13 =	sadd.s32 $0x800, s13;
	s9 =	sor.u32 s26, s9  }
0x11d: {  	s3 =	sadd.s32 $0x800, s3;
	s1 =	sadd.s32 s23, s1;
	s26 =	sadd.s32 $0x800, s9  }
0x11e: {  	s8 =	sadd.s32 s23, s8;
	s6 =	sadd.s32 s23, s6;
	s14 =	sshrl.u32 s14, $0x3  }
0x11f: {  	s3 =	sshrl.u32 s3, $0x3;
	s14 =	sadd.s32 s23, s14;
	s20 =	spop (v2sf)  }
0x120: {  	s3 =	sadd.s32 s23, s3;
	s21 =	spop (v2sf);
	s15 =	sshll.u32 s20, $0x7  }
0x121: {  	s20 =	sshrl.u32 s20, $0x3;
	s12 =	sshrl.u32 s21, $0x3;
	s22 =	spop (v2sf)  }
0x122: {  	s21 =	sshll.u32 s21, $0x7;
	s9 =	smul.u32 $0xC00, s20;
	s15 =	sand.u32 $0x380, s15  }
0x123: {  	s20 =	rddreg [dreg:$0xd];
	s24 =	sshll.u32 s22, $0x7;
	s22 =	sshrl.u32 s22, $0x3  }
0x124: {  	s12 =	smul.u32 $0xC00, s12;
	s16 =	sand.u32 $0x380, s24;
	s24 =	simm.s32 $0x0  }
0x125: {  	(v2sf) =	vpush v3, $0xF;
	[tilespmem:s0], [sflag:$0x1] =	stream.linear.gather [hbm4b:s3+s24], $0x80, $0x38;
	[tilespmem:$0x18200] =	vst v63  }
0x126: {  	s9 =	sor.u32 s15, s9;
	s0 =	smul.u32 $0xC00, s22;
	s3 =	sshll.u32 s4, $0x7  }
0x127: {  	s22 =	sadd.s32 s23, s5;
	s5 =	sshrl.u32 s26, $0x3;
	s26 =	sand.u32 $0x380, s21  }
0x128: {  	s21 =	sadd.s32 s23, s29;
	s9 =	sadd.s32 $0x800, s9;
	s12 =	sor.u32 s26, s12  }
0x129: {  	[tilespmem:s30], [sflag:$0x1] =	stream.linear.gather [hbm4b:s22+s24], $0x80, $0x38;
	[tilespmem:$0x18200] =	vst v63  }
0x12a: {  	s16 =	sor.u32 s16, s0;
	s0 =	sand.u32 $0x380, s3;
	s22 =	sshrl.u32 s13, $0x3  }
0x12b: {  	[tilespmem:s2], [sflag:$0x1] =	stream.linear.gather [hbm4b:s1+s24], $0x80, $0x38;
	[tilespmem:$0x18200] =	vst v63  }
0x12c: {  	s12 =	sadd.s32 $0x800, s12;
	s13 =	rddreg [dreg:$0x12];
	s3 =	sadd.s32 s23, s22  }
0x12d: {  	[tilespmem:s25], [sflag:$0x1] =	stream.linear.gather [hbm4b:s3+s24], $0x80, $0x38;
	[tilespmem:$0x18200] =	vst v63  }
0x12e: {  	s16 =	sadd.s32 $0x800, s16;
	s22 =	sshrl.u32 s4, $0x3;
	s1 =	sadd.s32 s23, s10  }
0x12f: {  	[tilespmem:s13], [sflag:$0x1] =	stream.linear.gather [hbm4b:s8+s24], $0x80, $0x38;
	[tilespmem:$0x18200] =	vst v63  }
0x130: {  	s2 =	sadd.s32 $0xD80, s17;
	s10 =	sadd.s32 $0x800, s7;
	s7 =	sadd.s32 $0x1600, s17  }
0x131: {  	[tilespmem:s20], [sflag:$0x1] =	stream.linear.gather [hbm4b:s6+s24], $0x80, $0x38;
	[tilespmem:$0x18200] =	vst v63  }
0x132: {  	s4 =	smul.u32 $0xC00, s22;
	s22 =	rddreg [dreg:$0x6];
	s3 =	sshrl.u32 s10, $0x3  }
0x133: {  	[tilespmem:s31], [sflag:$0x1] =	stream.linear.gather [hbm4b:s21+s24], $0x80, $0x38;
	[tilespmem:$0x18200] =	vst v63  }
0x134: {  	s10 =	sshrl.u32 s12, $0x3;
	s25 =	sshrl.u32 s16, $0x3;
	s26 =	spop (v2sf)  }
0x135: {  	[tilespmem:s2], [sflag:$0x1] =	stream.linear.gather [hbm4b:s1+s24], $0x80, $0x38;
	[tilespmem:$0x18200] =	vst v63  }
0x136: {  	s3 =	sadd.s32 s23, s3;
	s12 =	sshrl.u32 s26, $0x3;
	s13 =	sshll.u32 s26, $0x7  }
0x137: {  	[tilespmem:s7], [sflag:$0x1] =	stream.linear.gather [hbm4b:s3+s24], $0x80, $0x38;
	[tilespmem:$0x18200] =	vst v63  }
0x138: {  	s16 =	sshrl.u32 s9, $0x3;
	s2 =	smul.u32 $0xC00, s12;
	s3 =	sand.u32 $0x380, s13  }
0x139: {  	[tilespmem:s28], [sflag:$0x1] =	stream.linear.gather [hbm4b:s14+s24], $0x80, $0x38;
	[tilespmem:$0x18200] =	vst v63  }
0x13a: {  	s15 =	sadd.s32 s23, s25;
	s20 =	rddreg [dreg:$0x9];
	s2 =	sor.u32 s3, s2  }
0x13b: {  	[tilespmem:s20], [sflag:$0x1] =	stream.linear.gather [hbm4b:s15+s24], $0x80, $0x38;
	[tilespmem:$0x18200] =	vst v63  }
0x13c: {  	s0 =	sor.u32 s0, s4;
	s21 =	sadd.s32 s23, s5;
	s2 =	sadd.s32 $0x800, s2  }
0x13d: {  	[tilespmem:s22], [sflag:$0x1] =	stream.linear.gather [hbm4b:s21+s24], $0x80, $0x38;
	[tilespmem:$0x18200] =	vst v63  }
0x13e: {  	s25 =	sadd.s32 s23, s10;
	s26 =	rddreg [dreg:$0x3];
	s2 =	sshrl.u32 s2, $0x3  }
0x13f: {  	[tilespmem:s26], [sflag:$0x1] =	stream.linear.gather [hbm4b:s25+s24], $0x80, $0x38;
	[tilespmem:$0x18200] =	vst v63  }
0x140: {  	s0 =	sadd.s32 $0x800, s0;
	s5 =	sadd.s32 $0x1880, s17;
	s4 =	sadd.s32 s23, s2  }
0x141: {  	[tilespmem:s5], [sflag:$0x1] =	stream.linear.gather [hbm4b:s4+s24], $0x80, $0x38;
	[tilespmem:$0x18200] =	vst v63  }
0x142: {  	s0 =	sshrl.u32 s0, $0x3;
	s6 =	sadd.s32 s23, s16;
	s7 =	sadd.s32 $0x1900, s17  }
0x143: {  	[tilespmem:s7], [sflag:$0x1] =	stream.linear.gather [hbm4b:s6+s24], $0x80, $0x38;
	[tilespmem:$0x18200] =	vst v63  }
0x144: {  	s8 =	sadd.s32 $0x1980, s17;
	s0 =	sadd.s32 s23, s0  }
0x145: {  	[tilespmem:s8], [sflag:$0x1] =	stream.linear.gather [hbm4b:s0+s24], $0x80, $0x38;
	[tilespmem:$0x18200] =	vst v63  }
0x146: {  	v3 =	vld [tilespmem:s19+$0x0];
	_ =	sdelay $0x4  }
0x147: {  	v4 =	vsel vm2, $0x0, v3  }
0x148: {  	v6 =	vsel vm7, $0x0, v3;
	(xrf0) =	vadd.scan.msk.s32 $0xffff, v4  }
0x149: {  	v4 =	vsel vm4, $0x0, v3;
	(xrf0) =	vadd.scan.msk.s32 $0xffff, v6  }
0x14a: {  	v57 =	vsel vm5, $0x0, v3;
	(xrf0) =	vadd.scan.msk.s32 $0xffff, v4  }
0x14b: {  	v4 =	vnsel vm1, $0x0, v3;
	(xrf0) =	vadd.scan.msk.s32 $0xffff, v57  }
0x14c: {  	v58 =	vsel vm8, $0x0, v3;
	(xrf0) =	vadd.scan.msk.s32 $0xffff, v4  }
0x14d: {  	(xrf0) =	vadd.scan.msk.s32 $0xffff, v58  }
0x14e: {  	v4 =	vsel vm13, $0x0, v3;
	v11, _, _ =	vpop (xrf0)  }
0x14f: {  	v5 =	vsel vm6, $0x0, v3;
	v12, _, _ =	vpop (xrf0)  }
0x150: {  	v7 =	vsel vm3, $0x0, v3;
	v59 =	vsel vm12, $0x0, v3;
	(xrf0) =	vadd.scan.msk.s32 $0xffff, v4;
	v13, _, _ =	vpop (xrf0);
	(v2sf) =	vpush v12, $0xF  }
0x151: {  	v8 =	vsel vm14, $0x0, v3;
	v14 =	vsel vm10, $0x0, v3;
	(xrf0) =	vadd.scan.msk.s32 $0xffff, v59;
	(v2sf) =	vpush v13, $0xF;
	v4, _, _ =	vpop (xrf0)  }
0x152: {  	v9 =	vsel vm15, $0x0, v3;
	v10 =	vsel vm0, $0x0, v3;
	(xrf0) =	vadd.scan.msk.s32 $0xffff, v14;
	v61, _, _ =	vpop (xrf0);
	(v2sf) =	vpush v4, $0xF  }
0x153: {  	v15 =	vsel vm9, $0x0, v3;
	v60 =	vsel vm11, $0x0, v3;
	(v2sf) =	vpush v11, $0xF;
	v3, _, _ =	vpop (xrf0)  }
0x154: {  	(xrf0) =	vadd.scan.msk.s32 $0xffff, v15;
	(v2sf) =	vpush v3, $0xF  }
0x155: {  	(xrf0) =	vadd.scan.msk.s32 $0xffff, v60  }
0x156: {  	(xrf0) =	vadd.scan.msk.s32 $0xffff, v5;
	v4, _, _ =	vpop (xrf0)  }
0x157: {  	s9 =	smov.u32 s18;
	(xrf0) =	vadd.scan.msk.s32 $0xffff, v8;
	v3, _, _ =	vpop (xrf0)  }
0x158: {  	s17 =	sshra.s32 s9, $0x2;
	(xrf0) =	vadd.scan.msk.s32 $0xffff, v7;
	v5, _, _ =	vpop (xrf0);
	(v2sf) =	vpush v3, $0xF  }
0x159: {  	p0 =	sne.s32 s18, $0x2A000;
	s10 =	sadd.s32 $0xC00, s17;
	(xrf0) =	vadd.scan.msk.s32 $0xffff, v9;
	(v2sf) =	vpush v5, $0xF  }
0x15a: {  	s18 =	sadd.s32 $0x6000, s18;
	s11 =	sadd.s32 $0x1700, s17;
	[dreg:$0x12] =	wrdreg s10;
	v3, _, _ =	vpop (xrf0);
	(xrf0) =	vadd.scan.msk.s32 $0xffff, v10  }
0x15b: {  	s30 =	sadd.s32 $0xA80, s17;
	s12 =	sadd.s32 $0x1780, s17;
	[dreg:$0x9] =	wrdreg s11;
	(v2sf) =	vpush v3, $0xF;
	v5, _, _ =	vpop (xrf0)  }
0x15c: {  	s13 =	sadd.s32 $0x1800, s17;
	s31 =	sadd.s32 $0xD00, s17;
	[dreg:$0x6] =	wrdreg s12;
	v3, _, _ =	vpop (xrf0)  }
0x15d: {  	[dreg:$0x3] =	wrdreg s13;
	s28 =	sadd.s32 $0x1680, s17;
	s0 =	sadd.s32 $0xC80, s17;
	(v2sf) =	vpush v3, $0xF;
	v3, _, _ =	vpop (xrf0)  }
0x15e: {  	s2 =	sadd.s32 $0xB00, s17;
	s25 =	sadd.s32 $0xB80, s17;
	[dreg:$0xd] =	wrdreg s0;
	v7, _, _ =	vpop (xrf0)  }
0x15f: {  	s0 =	sadd.s32 $0xA00, s17;
	s19 =	sadd.s32 $0x10, s19;
	(v2sf) =	vpush v7, $0xF;
	v62, _, _ =	vpop (xrf0);
	s14 =	spop (v2sf)  }
0x160: {  	v63, _, _ =	vpop (xrf0);
	s15 =	sshrl.u32 s14, $0x3;
	s1 =	sshll.u32 s14, $0x7;
	s16 =	spop (v2sf)  }
0x161: {  	(v2sf) =	vpush v63, $0xF;
	s3 =	smul.u32 $0xC00, s15;
	s20 =	spop (v2sf);
	s1 =	sand.u32 $0x380, s1  }
0x162: {  	(v2sf) =	vpush v61, $0xF;
	s21 =	sshll.u32 s20, $0x7;
	s22 =	spop (v2sf);
	s8 =	sshrl.u32 s20, $0x3  }
0x163: {  	s1 =	sor.u32 s1, s3;
	s23 =	spop (v2sf);
	s24 =	sshrl.u32 s22, $0x3  }
0x164: {  	s6 =	sshll.u32 s22, $0x7;
	s13 =	sand.u32 $0x380, s21;
	s1 =	sadd.s32 $0x800, s1  }
0x165: {  	s26 =	sshrl.u32 s23, $0x3;
	s6 =	sand.u32 $0x380, s6;
	s4 =	smul.u32 $0xC00, s24  }
0x166: {  	s3 =	sshll.u32 s23, $0x7;
	s24 =	smul.u32 $0xC00, s8;
	s29 =	sshrl.u32 s1, $0x3  }
0x167: {  	s12 =	spop (v2sf);
	s9 =	smul.u32 $0xC00, s26;
	s3 =	sand.u32 $0x380, s3  }
0x168: {  	s10 =	spop (v2sf);
	s1 =	sor.u32 s6, s4;
	s26 =	sshll.u32 s12, $0x7  }
0x169: {  	s8 =	sor.u32 s13, s24;
	s13 =	sshrl.u32 s16, $0x3;
	s14 =	sshll.u32 s10, $0x7  }
0x16a: {  	s20 =	spop (v2sf);
	s1 =	sadd.s32 $0x800, s1;
	s6 =	sor.u32 s3, s9  }
0x16b: {  	s15 =	sshrl.u32 s10, $0x3;
	s7 =	sshrl.u32 s20, $0x3;
	s11 =	sshll.u32 s20, $0x7  }
0x16c: {  	s5 =	sshrl.u32 s1, $0x3;
	s14 =	sand.u32 $0x380, s14;
	s21 =	spop (v2sf)  }
0x16d: {  	s10 =	sadd.s32 $0x800, s6;
	s11 =	sand.u32 $0x380, s11;
	s20 =	sshrl.u32 s21, $0x3  }
.Ltmp0:
0x16e: {  	s4 =	sshll.u32 s21, $0x7;
	s22 =	spop (v2sf);
	(pc) =	sbr.rel @p0 .LBB2_2-.Ltmp0, $4  }
0x16f: {  	s21 =	sand.u32 $0x380, s4;
	s24 =	smul.u32 $0xC00, s20;
	s23 =	sshrl.u32 s22, $0x3  }
0x170: {  	(v2sf) =	vpush v62, $0xF;
	s22 =	sshll.u32 s22, $0x7;
	s9 =	smul.u32 $0xC00, s23;
	s4 =	spop (v2sf)  }
0x171: {  	(v2sf) =	vpush v4, $0xF;
	s23 =	sshll.u32 s16, $0x7;
	s1 =	sand.u32 $0x380, s22;
	s3 =	spop (v2sf)  }
0x172: {  	(v2sf) =	vpush v5, $0xF;
	s6 =	sor.u32 s21, s24;
	s16 =	sand.u32 $0x380, s23;
	s20 =	sshll.u32 s3, $0x7  }
0x173: {  	s3 =	sshrl.u32 s3, $0x3  }
0x174: {  	s18 =	sand.u32 $0x380, s20;
	s23 =	sor.u32 s1, s9;
	s1 =	smul.u32 $0xC00, s7  }
0x175: {  	s19 =	simm.s32 $0x0;
	s24 =	sshrl.u32 s12, $0x3;
	s9 =	smul.u32 $0xC00, s13  }
0x176: {  	s12 =	smul.u32 $0xC00, s15;
	s13 =	sand.u32 $0x380, s26;
	s10 =	sshrl.u32 s10, $0x3  }
0x177: {  	s8 =	sadd.s32 $0x800, s8;
	s26 =	sshll.u32 s4, $0x7;
	s3 =	smul.u32 $0xC00, s3  }
0x178: {  	s8 =	sshrl.u32 s8, $0x3;
	s7 =	sor.u32 s16, s9;
	s9 =	sor.u32 s14, s12  }
0x179: {  	s1 =	sor.u32 s11, s1;
	s16 =	rddreg [dreg:$0xd];
	s3 =	sor.u32 s18, s3  }
0x17a: {  	s18 =	rddreg [dreg:$0x1];
	s9 =	sadd.s32 $0x800, s9;
	s3 =	sadd.s32 $0x800, s3  }
0x17b: {  	s7 =	sadd.s32 $0x800, s7;
	s1 =	sadd.s32 $0x800, s1;
	s3 =	sshrl.u32 s3, $0x3  }
0x17c: {  	(v2sf) =	vpush v3, $0xF;
	s5 =	sadd.s32 s18, s5;
	s7 =	sshrl.u32 s7, $0x3;
	s3 =	sadd.s32 s18, s3  }
0x17d: {  	[tilespmem:s0], [sflag:$0x1] =	stream.linear.gather [hbm4b:s3+s19], $0x80, $0x38;
	[tilespmem:$0x18200] =	vst v63  }
0x17e: {  	s8 =	sadd.s32 s18, s8;
	s1 =	sshrl.u32 s1, $0x3;
	s3 =	smul.u32 $0xC00, s24  }
0x17f: {  	[tilespmem:s30], [sflag:$0x1] =	stream.linear.gather [hbm4b:s5+s19], $0x80, $0x38;
	[tilespmem:$0x18200] =	vst v63  }
0x180: {  	s7 =	sadd.s32 s18, s7;
	s0 =	sadd.s32 $0x800, s23;
	s3 =	sor.u32 s13, s3  }
0x181: {  	s0 =	sshrl.u32 s0, $0x3;
	s5 =	sadd.s32 $0x800, s6;
	s3 =	sadd.s32 $0x800, s3  }
0x182: {  	s0 =	sadd.s32 s18, s0;
	s5 =	sshrl.u32 s5, $0x3;
	s3 =	sshrl.u32 s3, $0x3  }
0x183: {  	[tilespmem:s2], [sflag:$0x1] =	stream.linear.gather [hbm4b:s0+s19], $0x80, $0x38;
	[tilespmem:$0x18200] =	vst v63  }
0x184: {  	s5 =	sadd.s32 s18, s5;
	s2 =	sadd.s32 s18, s10;
	s6 =	spop (v2sf)  }
0x185: {  	s20 =	spop (v2sf);
	s24 =	sshll.u32 s6, $0x7;
	s6 =	sshrl.u32 s6, $0x3  }
0x186: {  	[tilespmem:s25], [sflag:$0x1] =	stream.linear.gather [hbm4b:s7+s19], $0x80, $0x38;
	[tilespmem:$0x18200] =	vst v63  }
0x187: {  	s7 =	sadd.s32 $0x1600, s17;
	s21 =	spop (v2sf);
	s23 =	sshrl.u32 s20, $0x3  }
0x188: {  	s13 =	sshll.u32 s20, $0x7;
	s6 =	smul.u32 $0xC00, s6;
	s20 =	sadd.s32 s18, s29  }
0x189: {  	s22 =	sshrl.u32 s21, $0x3;
	s15 =	sshll.u32 s21, $0x7;
	s12 =	smul.u32 $0xC00, s23  }
0x18a: {  	s13 =	sand.u32 $0x380, s13;
	s21 =	sshrl.u32 s4, $0x3;
	s14 =	smul.u32 $0xC00, s22  }
0x18b: {  	s23 =	spop (v2sf);
	s15 =	sand.u32 $0x380, s15;
	s12 =	sor.u32 s13, s12  }
0x18c: {  	s13 =	sand.u32 $0x380, s26;
	s26 =	rddreg [dreg:$0x12];
	s14 =	sor.u32 s15, s14  }
0x18d: {  	s15 =	sand.u32 $0x380, s24;
	s24 =	sadd.s32 $0xD80, s17;
	s25 =	sadd.s32 $0x800, s12  }
0x18e: {  	[tilespmem:s26], [sflag:$0x1] =	stream.linear.gather [hbm4b:s8+s19], $0x80, $0x38;
	[tilespmem:$0x18200] =	vst v63  }
0x18f: {  	s12 =	sshrl.u32 s9, $0x3;
	s26 =	sshll.u32 s23, $0x7;
	s14 =	sadd.s32 $0x800, s14  }
0x190: {  	[tilespmem:s16], [sflag:$0x1] =	stream.linear.gather [hbm4b:s5+s19], $0x80, $0x38;
	[tilespmem:$0x18200] =	vst v63  }
0x191: {  	s9 =	sshrl.u32 s25, $0x3;
	s6 =	sor.u32 s15, s6;
	s25 =	sshrl.u32 s23, $0x3  }
0x192: {  	[tilespmem:s31], [sflag:$0x1] =	stream.linear.gather [hbm4b:s20+s19], $0x80, $0x38;
	[tilespmem:$0x18200] =	vst v63  }
0x193: {  	s8 =	sadd.s32 s18, s12;
	s12 =	rddreg [dreg:$0x9];
	s15 =	smul.u32 $0xC00, s21  }
0x194: {  	[tilespmem:s24], [sflag:$0x1] =	stream.linear.gather [hbm4b:s2+s19], $0x80, $0x38;
	[tilespmem:$0x18200] =	vst v63  }
0x195: {  	s21 =	rddreg [dreg:$0x3];
	s23 =	sadd.s32 $0x1880, s17;
	s24 =	sadd.s32 s18, s1  }
0x196: {  	[tilespmem:s7], [sflag:$0x1] =	stream.linear.gather [hbm4b:s24+s19], $0x80, $0x38;
	[tilespmem:$0x18200] =	vst v63  }
0x197: {  	s22 =	sshrl.u32 s14, $0x3;
	s1 =	smul.u32 $0xC00, s25;
	s2 =	sand.u32 $0x380, s26  }
0x198: {  	[tilespmem:s28], [sflag:$0x1] =	stream.linear.gather [hbm4b:s8+s19], $0x80, $0x38;
	[tilespmem:$0x18200] =	vst v63  }
0x199: {  	s6 =	sadd.s32 $0x800, s6;
	s10 =	sadd.s32 s18, s22;
	s1 =	sor.u32 s2, s1  }
0x19a: {  	[tilespmem:s12], [sflag:$0x1] =	stream.linear.gather [hbm4b:s10+s19], $0x80, $0x38;
	[tilespmem:$0x18200] =	vst v63  }
0x19b: {  	s14 =	sadd.s32 s18, s3;
	s16 =	rddreg [dreg:$0x6];
	s1 =	sadd.s32 $0x800, s1  }
0x19c: {  	[tilespmem:s16], [sflag:$0x1] =	stream.linear.gather [hbm4b:s14+s19], $0x80, $0x38;
	[tilespmem:$0x18200] =	vst v63  }
0x19d: {  	s3 =	sor.u32 s13, s15;
	s20 =	sadd.s32 s18, s9;
	s1 =	sshrl.u32 s1, $0x3  }
0x19e: {  	[tilespmem:s21], [sflag:$0x1] =	stream.linear.gather [hbm4b:s20+s19], $0x80, $0x38;
	[tilespmem:$0x18200] =	vst v63  }
0x19f: {  	s11 =	sshrl.u32 s6, $0x3;
	s3 =	sadd.s32 $0x800, s3;
	s22 =	sadd.s32 s18, s1  }
0x1a0: {  	[tilespmem:s23], [sflag:$0x1] =	stream.linear.gather [hbm4b:s22+s19], $0x80, $0x38;
	[tilespmem:$0x18200] =	vst v63  }
0x1a1: {  	s25 =	sadd.s32 $0x1900, s17;
	s26 =	sshrl.u32 s3, $0x3;
	s24 =	sadd.s32 s18, s11  }
0x1a2: {  	[tilespmem:s25], [sflag:$0x1] =	stream.linear.gather [hbm4b:s24+s19], $0x80, $0x38;
	[tilespmem:$0x18200] =	vst v63  }
0x1a3: {  	s2 =	sadd.s32 $0x1980, s17;
	s1 =	sadd.s32 s18, s26  }
0x1a4: {  	[tilespmem:s2], [sflag:$0x1] =	stream.linear.gather [hbm4b:s1+s19], $0x80, $0x38;
	[tilespmem:$0x18200] =	vst v63  }
0x1a5: {  	v3 =	vld [tilespmem:$0x80];
	_ =	sdelay $0x4  }
0x1a6: {  	v4 =	vshrl.u32 v3, $0x3  }
0x1a7: {  	v4 =	vmul.u32 $0x18, v4  }
0x1a8: {  	v3 =	vand.u32 $0x7, v3  }
0x1a9: {  	v3 =	vor.u32 v3, v4  }
0x1aa: {  	v4 =	vperm.xlane v3, v0  }
0x1ab: {  	v5 =	vld [tilespmem:$0x1FFF0]  }
0x1ac: {  	v4 =	vadd.s32 v1, v4;
	_ =	sdelay $0x3  }
0x1ad: {  	vm4 =	vnez.u8 v5;
	s0 =	simm.s32 $0x0;
	s3 =	simm.s32 $0xC200;
	v3 =	vperm.xlane v3, v2  }
0x1ae: {  	[tilespmem:s3], [sflag:$0x2] =	stream.indirect_vreg.gather [hbm4b:s18+s0], $0x80, v4, vm4, $0xb8;
	v4 =	vld [tilespmem:$0x1FFF0]  }
0x1af: {  	v3 =	vadd.s32 v1, v3;
	_ =	sdelay $0x3  }
0x1b0: {  	s4 =	simm.s32 $0xCE00;
	vm4 =	vnez.u8 v4  }
0x1b1: {  	[tilespmem:s4], [sflag:$0x2] =	stream.indirect_vreg.gather [hbm4b:s18+s0], $0x80, v3, vm4, $0xb8;
	[tilespmem:$0x18200] =	vst v63  }
0x1b2: {  	v3 =	vld [tilespmem:$0x90];
	_ =	sdelay $0x4  }
0x1b3: {  	v4 =	vshrl.u32 v3, $0x3  }
0x1b4: {  	v4 =	vmul.u32 $0x18, v4  }
0x1b5: {  	v3 =	vand.u32 $0x7, v3  }
0x1b6: {  	v3 =	vor.u32 v3, v4  }
0x1b7: {  	v4 =	vperm.xlane v3, v0  }
0x1b8: {  	v5 =	vld [tilespmem:$0x1FFF0]  }
0x1b9: {  	v4 =	vadd.s32 v1, v4;
	_ =	sdelay $0x3  }
0x1ba: {  	s5 =	simm.s32 $0xDA00;
	vm4 =	vnez.u8 v5;
	v3 =	vperm.xlane v3, v2  }
0x1bb: {  	[tilespmem:s5], [sflag:$0x2] =	stream.indirect_vreg.gather [hbm4b:s18+s0], $0x80, v4, vm4, $0xb8;
	v4 =	vld [tilespmem:$0x1FFF0]  }
0x1bc: {  	v3 =	vadd.s32 v1, v3;
	_ =	sdelay $0x3  }
0x1bd: {  	s6 =	simm.s32 $0xE600;
	vm4 =	vnez.u8 v4  }
0x1be: {  	[tilespmem:s6], [sflag:$0x2] =	stream.indirect_vreg.gather [hbm4b:s18+s0], $0x80, v3, vm4, $0xb8;
	[tilespmem:$0x18200] =	vst v63  }
0x1bf: {  	v3 =	vld [tilespmem:$0xA0];
	_ =	sdelay $0x4  }
0x1c0: {  	v4 =	vshrl.u32 v3, $0x3  }
0x1c1: {  	v4 =	vmul.u32 $0x18, v4  }
0x1c2: {  	v3 =	vand.u32 $0x7, v3  }
0x1c3: {  	v3 =	vor.u32 v3, v4  }
0x1c4: {  	v4 =	vperm.xlane v3, v0  }
0x1c5: {  	v5 =	vld [tilespmem:$0x1FFF0]  }
0x1c6: {  	v4 =	vadd.s32 v1, v4;
	_ =	sdelay $0x3  }
0x1c7: {  	s7 =	simm.s32 $0xF200;
	vm4 =	vnez.u8 v5;
	v3 =	vperm.xlane v3, v2  }
0x1c8: {  	[tilespmem:s7], [sflag:$0x2] =	stream.indirect_vreg.gather [hbm4b:s18+s0], $0x80, v4, vm4, $0xb8;
	v4 =	vld [tilespmem:$0x1FFF0]  }
0x1c9: {  	v3 =	vadd.s32 v1, v3;
	_ =	sdelay $0x3  }
0x1ca: {  	s8 =	simm.s32 $0xFE00;
	vm4 =	vnez.u8 v4  }
0x1cb: {  	[tilespmem:s8], [sflag:$0x2] =	stream.indirect_vreg.gather [hbm4b:s18+s0], $0x80, v3, vm4, $0xb8;
	[tilespmem:$0x18200] =	vst v63  }
0x1cc: {  	v3 =	vld [tilespmem:$0xB0];
	_ =	sdelay $0x4  }
0x1cd: {  	v4 =	vshrl.u32 v3, $0x3  }
0x1ce: {  	v4 =	vmul.u32 $0x18, v4  }
0x1cf: {  	v3 =	vand.u32 $0x7, v3  }
0x1d0: {  	v3 =	vor.u32 v3, v4  }
0x1d1: {  	v4 =	vperm.xlane v3, v0  }
0x1d2: {  	v5 =	vld [tilespmem:$0x1FFF0]  }
0x1d3: {  	v4 =	vadd.s32 v1, v4;
	_ =	sdelay $0x3  }
0x1d4: {  	s9 =	simm.s32 $0x10A00;
	vm4 =	vnez.u8 v5;
	v3 =	vperm.xlane v3, v2  }
0x1d5: {  	[tilespmem:s9], [sflag:$0x2] =	stream.indirect_vreg.gather [hbm4b:s18+s0], $0x80, v4, vm4, $0xb8;
	v4 =	vld [tilespmem:$0x1FFF0]  }
0x1d6: {  	v3 =	vadd.s32 v1, v3;
	_ =	sdelay $0x3  }
0x1d7: {  	s10 =	simm.s32 $0x11600;
	vm4 =	vnez.u8 v4  }
0x1d8: {  	[tilespmem:s10], [sflag:$0x2] =	stream.indirect_vreg.gather [hbm4b:s18+s0], $0x80, v3, vm4, $0xb8;
	[tilespmem:$0x18200] =	vst v63  }
0x1d9: {  	v3 =	vld [tilespmem:$0xC0];
	_ =	sdelay $0x4  }
0x1da: {  	v4 =	vshrl.u32 v3, $0x3  }
0x1db: {  	v4 =	vmul.u32 $0x18, v4  }
0x1dc: {  	v3 =	vand.u32 $0x7, v3  }
0x1dd: {  	v3 =	vor.u32 v3, v4  }
0x1de: {  	v4 =	vperm.xlane v3, v0  }
0x1df: {  	v5 =	vld [tilespmem:$0x1FFF0]  }
0x1e0: {  	v4 =	vadd.s32 v1, v4;
	_ =	sdelay $0x3  }
0x1e1: {  	s11 =	simm.s32 $0x12200;
	vm4 =	vnez.u8 v5;
	v3 =	vperm.xlane v3, v2  }
0x1e2: {  	[tilespmem:s11], [sflag:$0x2] =	stream.indirect_vreg.gather [hbm4b:s18+s0], $0x80, v4, vm4, $0xb8;
	v4 =	vld [tilespmem:$0x1FFF0]  }
0x1e3: {  	v3 =	vadd.s32 v1, v3;
	_ =	sdelay $0x3  }
0x1e4: {  	s12 =	simm.s32 $0x12E00;
	vm4 =	vnez.u8 v4  }
0x1e5: {  	[tilespmem:s12], [sflag:$0x2] =	stream.indirect_vreg.gather [hbm4b:s18+s0], $0x80, v3, vm4, $0xb8;
	[tilespmem:$0x18200] =	vst v63  }
0x1e6: {  	v3 =	vld [tilespmem:$0xD0];
	_ =	sdelay $0x4  }
0x1e7: {  	v4 =	vshrl.u32 v3, $0x3  }
0x1e8: {  	v4 =	vmul.u32 $0x18, v4  }
0x1e9: {  	v3 =	vand.u32 $0x7, v3  }
0x1ea: {  	v3 =	vor.u32 v3, v4  }
0x1eb: {  	v4 =	vperm.xlane v3, v0  }
0x1ec: {  	v5 =	vld [tilespmem:$0x1FFF0]  }
0x1ed: {  	v4 =	vadd.s32 v1, v4;
	_ =	sdelay $0x3  }
0x1ee: {  	s13 =	simm.s32 $0x13A00;
	vm4 =	vnez.u8 v5;
	v3 =	vperm.xlane v3, v2  }
0x1ef: {  	[tilespmem:s13], [sflag:$0x2] =	stream.indirect_vreg.gather [hbm4b:s18+s0], $0x80, v4, vm4, $0xb8;
	v4 =	vld [tilespmem:$0x1FFF0]  }
0x1f0: {  	v3 =	vadd.s32 v1, v3;
	_ =	sdelay $0x3  }
0x1f1: {  	s14 =	simm.s32 $0x14600;
	vm4 =	vnez.u8 v4  }
0x1f2: {  	[tilespmem:s14], [sflag:$0x2] =	stream.indirect_vreg.gather [hbm4b:s18+s0], $0x80, v3, vm4, $0xb8;
	[tilespmem:$0x18200] =	vst v63  }
0x1f3: {  	v3 =	vld [tilespmem:$0xE0];
	_ =	sdelay $0x4  }
0x1f4: {  	v4 =	vshrl.u32 v3, $0x3  }
0x1f5: {  	v4 =	vmul.u32 $0x18, v4  }
0x1f6: {  	v3 =	vand.u32 $0x7, v3  }
0x1f7: {  	v3 =	vor.u32 v3, v4  }
0x1f8: {  	v4 =	vperm.xlane v3, v0  }
0x1f9: {  	v5 =	vld [tilespmem:$0x1FFF0]  }
0x1fa: {  	v4 =	vadd.s32 v1, v4;
	_ =	sdelay $0x3  }
0x1fb: {  	s15 =	simm.s32 $0x15200;
	vm4 =	vnez.u8 v5;
	v3 =	vperm.xlane v3, v2  }
0x1fc: {  	[tilespmem:s15], [sflag:$0x2] =	stream.indirect_vreg.gather [hbm4b:s18+s0], $0x80, v4, vm4, $0xb8;
	v4 =	vld [tilespmem:$0x1FFF0]  }
0x1fd: {  	v3 =	vadd.s32 v1, v3;
	_ =	sdelay $0x3  }
0x1fe: {  	s16 =	simm.s32 $0x15E00;
	vm4 =	vnez.u8 v4  }
0x1ff: {  	[tilespmem:s16], [sflag:$0x2] =	stream.indirect_vreg.gather [hbm4b:s18+s0], $0x80, v3, vm4, $0xb8;
	[tilespmem:$0x18200] =	vst v63  }
0x200: {  	v3 =	vld [tilespmem:$0xF0];
	_ =	sdelay $0x4  }
0x201: {  	v4 =	vshrl.u32 v3, $0x3  }
0x202: {  	v4 =	vmul.u32 $0x18, v4  }
0x203: {  	v3 =	vand.u32 $0x7, v3  }
0x204: {  	v3 =	vor.u32 v3, v4  }
0x205: {  	v4 =	vperm.xlane v3, v0  }
0x206: {  	v5 =	vld [tilespmem:$0x1FFF0]  }
0x207: {  	v4 =	vadd.s32 v1, v4;
	_ =	sdelay $0x3  }
0x208: {  	s17 =	simm.s32 $0x16A00;
	vm4 =	vnez.u8 v5;
	v3 =	vperm.xlane v3, v2  }
0x209: {  	[tilespmem:s17], [sflag:$0x2] =	stream.indirect_vreg.gather [hbm4b:s18+s0], $0x80, v4, vm4, $0xb8;
	v4 =	vld [tilespmem:$0x1FFF0]  }
0x20a: {  	v3 =	vadd.s32 v1, v3;
	_ =	sdelay $0x3  }
0x20b: {  	s19 =	simm.s32 $0x17600;
	vm4 =	vnez.u8 v4  }
0x20c: {  	[tilespmem:s19], [sflag:$0x2] =	stream.indirect_vreg.gather [hbm4b:s18+s0], $0x80, v3, vm4, $0xb8;
	[tilespmem:$0x18200] =	vst v63  }
0x20d: {  	v3 =	vld [tilespmem:$0x80];
	_ =	sdelay $0x4  }
0x20e: {  	v4 =	vshrl.u32 v3, $0x3  }
0x20f: {  	v4 =	vmul.u32 $0x18, v4  }
0x210: {  	v3 =	vand.u32 $0x7, v3  }
0x211: {  	v3 =	vor.u32 v3, v4  }
0x212: {  	v4 =	vperm.xlane v3, v0  }
0x213: {  	v5 =	vld [tilespmem:$0x1FFF0]  }
0x214: {  	v4 =	vadd.s32 v1, v4;
	_ =	sdelay $0x3  }
0x215: {  	s20 =	rddreg [dreg:$0x19];
	s21 =	simm.s32 $0xC600;
	vm4 =	vnez.u8 v5;
	v3 =	vperm.xlane v3, v2  }
0x216: {  	[tilespmem:s21], [sflag:$0x2] =	stream.indirect_vreg.gather [hbm4b:s20+s0], $0x80, v4, vm4, $0xb8;
	v4 =	vld [tilespmem:$0x1FFF0]  }
0x217: {  	v3 =	vadd.s32 v1, v3;
	_ =	sdelay $0x3  }
0x218: {  	s22 =	simm.s32 $0xD200;
	vm4 =	vnez.u8 v4  }
0x219: {  	[tilespmem:s22], [sflag:$0x2] =	stream.indirect_vreg.gather [hbm4b:s20+s0], $0x80, v3, vm4, $0xb8;
	[tilespmem:$0x18200] =	vst v63  }
0x21a: {  	v3 =	vld [tilespmem:$0x90];
	_ =	sdelay $0x4  }
0x21b: {  	v4 =	vshrl.u32 v3, $0x3  }
0x21c: {  	v4 =	vmul.u32 $0x18, v4  }
0x21d: {  	v3 =	vand.u32 $0x7, v3  }
0x21e: {  	v3 =	vor.u32 v3, v4  }
0x21f: {  	v4 =	vperm.xlane v3, v0  }
0x220: {  	v5 =	vld [tilespmem:$0x1FFF0]  }
0x221: {  	v4 =	vadd.s32 v1, v4;
	_ =	sdelay $0x3  }
0x222: {  	s23 =	simm.s32 $0xDE00;
	vm4 =	vnez.u8 v5;
	v3 =	vperm.xlane v3, v2  }
0x223: {  	[tilespmem:s23], [sflag:$0x2] =	stream.indirect_vreg.gather [hbm4b:s20+s0], $0x80, v4, vm4, $0xb8;
	v4 =	vld [tilespmem:$0x1FFF0]  }
0x224: {  	v3 =	vadd.s32 v1, v3;
	_ =	sdelay $0x3  }
0x225: {  	s24 =	simm.s32 $0xEA00;
	vm4 =	vnez.u8 v4  }
0x226: {  	[tilespmem:s24], [sflag:$0x2] =	stream.indirect_vreg.gather [hbm4b:s20+s0], $0x80, v3, vm4, $0xb8;
	[tilespmem:$0x18200] =	vst v63  }
0x227: {  	v3 =	vld [tilespmem:$0xA0];
	_ =	sdelay $0x4  }
0x228: {  	v4 =	vshrl.u32 v3, $0x3  }
0x229: {  	v4 =	vmul.u32 $0x18, v4  }
0x22a: {  	v3 =	vand.u32 $0x7, v3  }
0x22b: {  	v3 =	vor.u32 v3, v4  }
0x22c: {  	v4 =	vperm.xlane v3, v0  }
0x22d: {  	v5 =	vld [tilespmem:$0x1FFF0]  }
0x22e: {  	v4 =	vadd.s32 v1, v4;
	_ =	sdelay $0x3  }
0x22f: {  	s25 =	simm.s32 $0xF600;
	vm4 =	vnez.u8 v5;
	v3 =	vperm.xlane v3, v2  }
0x230: {  	[tilespmem:s25], [sflag:$0x2] =	stream.indirect_vreg.gather [hbm4b:s20+s0], $0x80, v4, vm4, $0xb8;
	v4 =	vld [tilespmem:$0x1FFF0]  }
0x231: {  	v3 =	vadd.s32 v1, v3;
	_ =	sdelay $0x3  }
0x232: {  	s26 =	simm.s32 $0x10200;
	vm4 =	vnez.u8 v4  }
0x233: {  	[tilespmem:s26], [sflag:$0x2] =	stream.indirect_vreg.gather [hbm4b:s20+s0], $0x80, v3, vm4, $0xb8;
	[tilespmem:$0x18200] =	vst v63  }
0x234: {  	v3 =	vld [tilespmem:$0xB0];
	_ =	sdelay $0x4  }
0x235: {  	v4 =	vshrl.u32 v3, $0x3  }
0x236: {  	v4 =	vmul.u32 $0x18, v4  }
0x237: {  	v3 =	vand.u32 $0x7, v3  }
0x238: {  	v3 =	vor.u32 v3, v4  }
0x239: {  	v4 =	vperm.xlane v3, v0  }
0x23a: {  	v5 =	vld [tilespmem:$0x1FFF0]  }
0x23b: {  	v4 =	vadd.s32 v1, v4;
	_ =	sdelay $0x3  }
0x23c: {  	s3 =	simm.s32 $0x10E00;
	vm4 =	vnez.u8 v5;
	v3 =	vperm.xlane v3, v2  }
0x23d: {  	[tilespmem:s3], [sflag:$0x2] =	stream.indirect_vreg.gather [hbm4b:s20+s0], $0x80, v4, vm4, $0xb8;
	v4 =	vld [tilespmem:$0x1FFF0]  }
0x23e: {  	v3 =	vadd.s32 v1, v3;
	_ =	sdelay $0x3  }
0x23f: {  	s4 =	simm.s32 $0x11A00;
	vm4 =	vnez.u8 v4  }
0x240: {  	[tilespmem:s4], [sflag:$0x2] =	stream.indirect_vreg.gather [hbm4b:s20+s0], $0x80, v3, vm4, $0xb8;
	[tilespmem:$0x18200] =	vst v63  }
0x241: {  	v3 =	vld [tilespmem:$0xC0];
	_ =	sdelay $0x4  }
0x242: {  	v4 =	vshrl.u32 v3, $0x3  }
0x243: {  	v4 =	vmul.u32 $0x18, v4  }
0x244: {  	v3 =	vand.u32 $0x7, v3  }
0x245: {  	v3 =	vor.u32 v3, v4  }
0x246: {  	v4 =	vperm.xlane v3, v0  }
0x247: {  	v5 =	vld [tilespmem:$0x1FFF0]  }
0x248: {  	v4 =	vadd.s32 v1, v4;
	_ =	sdelay $0x3  }
0x249: {  	s5 =	simm.s32 $0x12600;
	vm4 =	vnez.u8 v5;
	v3 =	vperm.xlane v3, v2  }
0x24a: {  	[tilespmem:s5], [sflag:$0x2] =	stream.indirect_vreg.gather [hbm4b:s20+s0], $0x80, v4, vm4, $0xb8;
	v4 =	vld [tilespmem:$0x1FFF0]  }
0x24b: {  	v3 =	vadd.s32 v1, v3;
	_ =	sdelay $0x3  }
0x24c: {  	s6 =	simm.s32 $0x13200;
	vm4 =	vnez.u8 v4  }
0x24d: {  	[tilespmem:s6], [sflag:$0x2] =	stream.indirect_vreg.gather [hbm4b:s20+s0], $0x80, v3, vm4, $0xb8;
	[tilespmem:$0x18200] =	vst v63  }
0x24e: {  	v3 =	vld [tilespmem:$0xD0];
	_ =	sdelay $0x4  }
0x24f: {  	v4 =	vshrl.u32 v3, $0x3  }
0x250: {  	v4 =	vmul.u32 $0x18, v4  }
0x251: {  	v3 =	vand.u32 $0x7, v3  }
0x252: {  	v3 =	vor.u32 v3, v4  }
0x253: {  	v4 =	vperm.xlane v3, v0  }
0x254: {  	v5 =	vld [tilespmem:$0x1FFF0]  }
0x255: {  	v4 =	vadd.s32 v1, v4;
	_ =	sdelay $0x3  }
0x256: {  	s7 =	simm.s32 $0x13E00;
	vm4 =	vnez.u8 v5;
	v3 =	vperm.xlane v3, v2  }
0x257: {  	[tilespmem:s7], [sflag:$0x2] =	stream.indirect_vreg.gather [hbm4b:s20+s0], $0x80, v4, vm4, $0xb8;
	v4 =	vld [tilespmem:$0x1FFF0]  }
0x258: {  	v3 =	vadd.s32 v1, v3;
	_ =	sdelay $0x3  }
0x259: {  	s8 =	simm.s32 $0x14A00;
	vm4 =	vnez.u8 v4  }
0x25a: {  	[tilespmem:s8], [sflag:$0x2] =	stream.indirect_vreg.gather [hbm4b:s20+s0], $0x80, v3, vm4, $0xb8;
	[tilespmem:$0x18200] =	vst v63  }
0x25b: {  	v3 =	vld [tilespmem:$0xE0];
	_ =	sdelay $0x4  }
0x25c: {  	v4 =	vshrl.u32 v3, $0x3  }
0x25d: {  	v4 =	vmul.u32 $0x18, v4  }
0x25e: {  	v3 =	vand.u32 $0x7, v3  }
0x25f: {  	v3 =	vor.u32 v3, v4  }
0x260: {  	v4 =	vperm.xlane v3, v0  }
0x261: {  	v5 =	vld [tilespmem:$0x1FFF0]  }
0x262: {  	v4 =	vadd.s32 v1, v4;
	_ =	sdelay $0x3  }
0x263: {  	s9 =	simm.s32 $0x15600;
	vm4 =	vnez.u8 v5;
	v3 =	vperm.xlane v3, v2  }
0x264: {  	[tilespmem:s9], [sflag:$0x2] =	stream.indirect_vreg.gather [hbm4b:s20+s0], $0x80, v4, vm4, $0xb8;
	v4 =	vld [tilespmem:$0x1FFF0]  }
0x265: {  	v3 =	vadd.s32 v1, v3;
	_ =	sdelay $0x3  }
0x266: {  	s10 =	simm.s32 $0x16200;
	vm4 =	vnez.u8 v4  }
0x267: {  	[tilespmem:s10], [sflag:$0x2] =	stream.indirect_vreg.gather [hbm4b:s20+s0], $0x80, v3, vm4, $0xb8;
	[tilespmem:$0x18200] =	vst v63  }
0x268: {  	v3 =	vld [tilespmem:$0xF0];
	_ =	sdelay $0x4  }
0x269: {  	v4 =	vshrl.u32 v3, $0x3  }
0x26a: {  	v4 =	vmul.u32 $0x18, v4  }
0x26b: {  	v3 =	vand.u32 $0x7, v3  }
0x26c: {  	v3 =	vor.u32 v3, v4  }
0x26d: {  	v4 =	vperm.xlane v3, v0  }
0x26e: {  	v5 =	vld [tilespmem:$0x1FFF0]  }
0x26f: {  	v4 =	vadd.s32 v1, v4;
	_ =	sdelay $0x3  }
0x270: {  	s11 =	simm.s32 $0x16E00;
	vm4 =	vnez.u8 v5;
	v3 =	vperm.xlane v3, v2  }
0x271: {  	[tilespmem:s11], [sflag:$0x2] =	stream.indirect_vreg.gather [hbm4b:s20+s0], $0x80, v4, vm4, $0xb8;
	v4 =	vld [tilespmem:$0x1FFF0]  }
0x272: {  	v3 =	vadd.s32 v1, v3;
	_ =	sdelay $0x3  }
0x273: {  	s12 =	simm.s32 $0x17A00;
	s13 =	simm.s32 $0x80;
	vm4 =	vnez.u8 v4  }
0x274: {  	[tilespmem:s12], [sflag:$0x2] =	stream.indirect_vreg.gather [hbm4b:s20+s0], $0x80, v3, vm4, $0xb8;
	[tilespmem:$0x18200] =	vst v63  }
0x275: {  	v3 =	vld [tilespmem:s13+$0x0];
	_ =	sdelay $0x4  }
0x276: {  	v4 =	vsel vm2, $0x0, v3  }
0x277: {  	vm4 =	vcmask $0xB10;
	v5 =	vsel vm7, $0x0, v3;
	(xrf0) =	vadd.scan.msk.s32 $0xffff, v4  }
0x278: {  	v4 =	vsel vm4, $0x0, v3;
	(xrf0) =	vadd.scan.msk.s32 $0xffff, v5  }
0x279: {  	v5 =	vsel vm5, $0x0, v3;
	(xrf0) =	vadd.scan.msk.s32 $0xffff, v4  }
0x27a: {  	v4 =	vnsel vm1, $0x0, v3;
	(xrf0) =	vadd.scan.msk.s32 $0xffff, v5  }
0x27b: {  	v5 =	vsel vm8, $0x0, v3;
	(xrf0) =	vadd.scan.msk.s32 $0xffff, v4  }
0x27c: {  	v4 =	vsel vm13, $0x0, v3;
	(xrf0) =	vadd.scan.msk.s32 $0xffff, v5  }
0x27d: {  	v5 =	vsel vm12, $0x0, v3;
	v6, _, _ =	vpop (xrf0);
	(xrf0) =	vadd.scan.msk.s32 $0xffff, v4  }
0x27e: {  	v4 =	vsel vm10, $0x0, v3;
	v7, _, _ =	vpop (xrf0);
	(xrf0) =	vadd.scan.msk.s32 $0xffff, v5  }
0x27f: {  	v5 =	vsel vm9, $0x0, v3;
	v8, _, _ =	vpop (xrf0);
	(xrf0) =	vadd.scan.msk.s32 $0xffff, v4;
	(v2sf) =	vpush v7, $0xF  }
0x280: {  	v9, _, _ =	vpop (xrf0);
	(xrf0) =	vadd.scan.msk.s32 $0xffff, v5;
	v5 =	vsel vm6, $0x0, v3;
	(v2sf) =	vpush v8, $0xF  }
0x281: {  	v4 =	vsel vm11, $0x0, v3;
	(v2sf) =	vpush v9, $0xF  }
0x282: {  	v58, _, _ =	vpop (xrf0);
	(xrf0) =	vadd.scan.msk.s32 $0xffff, v4;
	(v2sf) =	vpush v6, $0xF  }
0x283: {  	v4 =	vsel vm14, $0x0, v3;
	(xrf0) =	vadd.scan.msk.s32 $0xffff, v5;
	v5, _, _ =	vpop (xrf0)  }
0x284: {  	(v2sf) =	vpush v5, $0xF  }
0x285: {  	v60, _, _ =	vpop (xrf0)  }
0x286: {  	v59 =	vsel vm3, $0x0, v3;
	(xrf0) =	vadd.scan.msk.s32 $0xffff, v4;
	v4, _, _ =	vpop (xrf0)  }
0x287: {  	v62 =	vsel vm15, $0x0, v3;
	(xrf0) =	vadd.scan.msk.s32 $0xffff, v59;
	(v2sf) =	vpush v4, $0xF  }
0x288: {  	s14 =	simm.s32 $0xCC80;
	v3 =	vsel vm0, $0x0, v3;
	v5, _, _ =	vpop (xrf0);
	(xrf0) =	vadd.scan.msk.s32 $0xffff, v62  }
0x289: {  	s30 =	simm.s32 $0xCA80;
	[dreg:$0xe] =	wrdreg s14;
	s15 =	simm.s32 $0xCC00;
	v61, _, _ =	vpop (xrf0);
	(v2sf) =	vpush v5, $0xF;
	(xrf0) =	vadd.scan.msk.s32 $0xffff, v3  }
0x28a: {  	s31 =	simm.s32 $0xCD00;
	[dreg:$0x13] =	wrdreg s15;
	s16 =	simm.s32 $0xD700;
	v4, _, _ =	vpop (xrf0);
	(v2sf) =	vpush v61, $0xF  }
0x28b: {  	s28 =	simm.s32 $0xD680;
	[dreg:$0xa] =	wrdreg s16;
	s17 =	simm.s32 $0x0;
	v5, _, _ =	vpop (xrf0)  }
0x28c: {  	s18 =	simm.s32 $0x6000;
	s19 =	simm.s32 $0x90;
	s22 =	simm.s32 $0xD800;
	v3, _, _ =	vpop (xrf0);
	(v2sf) =	vpush v5, $0xF  }
0x28d: {  	[dreg:$0x4] =	wrdreg s22;
	s25 =	simm.s32 $0xCB80;
	s20 =	simm.s32 $0xD780;
	v5, _, _ =	vpop (xrf0)  }
0x28e: {  	s0 =	simm.s32 $0xCA00;
	[dreg:$0x7] =	wrdreg s20;
	(v2sf) =	vpush v5, $0xF;
	v5, _, _ =	vpop (xrf0);
	s21 =	spop (v2sf)  }
0x28f: {  	v63, _, _ =	vpop (xrf0);
	s23 =	sshrl.u32 s21, $0x3;
	s3 =	spop (v2sf);
	s1 =	sshll.u32 s21, $0x7  }
0x290: {  	(v2sf) =	vpush v63, $0xF;
	s2 =	smul.u32 $0xC00, s23;
	s24 =	spop (v2sf);
	s1 =	sand.u32 $0x380, s1  }
0x291: {  	(v2sf) =	vpush v58, $0xF;
	s26 =	sshll.u32 s24, $0x7;
	s8 =	spop (v2sf);
	s4 =	sshrl.u32 s24, $0x3  }
0x292: {  	s1 =	sor.u32 s1, s2;
	s10 =	sshrl.u32 s8, $0x3;
	s6 =	sshll.u32 s8, $0x7  }
0x293: {  	s5 =	sand.u32 $0x380, s26;
	s4 =	smul.u32 $0xC00, s4;
	s9 =	spop (v2sf)  }
0x294: {  	s1 =	sadd.s32 $0x800, s1;
	s13 =	sand.u32 $0x380, s6;
	s22 =	smul.u32 $0xC00, s10  }
0x295: {  	s11 =	sshrl.u32 s9, $0x3;
	s29 =	sshrl.u32 s1, $0x3;
	s2 =	sshll.u32 s9, $0x7  }
0x296: {  	s8 =	sor.u32 s5, s4;
	s4 =	simm.s32 $0xCB00;
	s12 =	spop (v2sf)  }
0x297: {  	s14 =	smul.u32 $0xC00, s11;
	s1 =	sor.u32 s13, s22;
	s2 =	sand.u32 $0x380, s2  }
0x298: {  	s13 =	sshrl.u32 s3, $0x3;
	s15 =	spop (v2sf);
	s1 =	sadd.s32 $0x800, s1  }
0x299: {  	s10 =	sshll.u32 s15, $0x7;
	s23 =	spop (v2sf);
	s20 =	sor.u32 s2, s14  }
0x29a: {  	s15 =	sshrl.u32 s15, $0x3;
	s5 =	sshrl.u32 s1, $0x3;
	s7 =	sshrl.u32 s23, $0x3  }
0x29b: {  	s11 =	sshll.u32 s23, $0x7;
	s14 =	sand.u32 $0x380, s10;
	s24 =	spop (v2sf)  }
0x29c: {  	s10 =	sadd.s32 $0x800, s20;
	s11 =	sand.u32 $0x380, s11;
	s22 =	sshll.u32 s24, $0x7  }
0x29d: {  	s21 =	sshrl.u32 s24, $0x3;
	s26 =	spop (v2sf);
	s6 =	sand.u32 $0x380, s22  }
0x29e: {  	s23 =	smul.u32 $0xC00, s21;
	s16 =	sshrl.u32 s26, $0x3;
	s24 =	sshll.u32 s26, $0x7  }
0x29f: {  	(v2sf) =	vpush v5, $0xF;
	s26 =	sshll.u32 s3, $0x7;
	s9 =	smul.u32 $0xC00, s16;
	s2 =	spop (v2sf)  }
0x2a0: {  	(v2sf) =	vpush v60, $0xF;
	s6 =	sor.u32 s6, s23;
	s1 =	sand.u32 $0x380, s24;
	s3 =	spop (v2sf)  }
0x2a1: {  	s16 =	sand.u32 $0x380, s26;
	s26 =	sshll.u32 s12, $0x7;
	(v2sf) =	vpush v4, $0xF;
	s20 =	sshll.u32 s3, $0x7  }
.LBB2_4:
0x2a2: {  	_ =	sdelay $0x1  }
0x2a3: {  	s3 =	sshrl.u32 s3, $0x3  }
0x2a4: {  	s1 =	sor.u32 s1, s9;
	s7 =	smul.u32 $0xC00, s7;
	s9 =	sshrl.u32 s12, $0x3  }
0x2a5: {  	s23 =	sand.u32 $0x380, s20;
	s6 =	sadd.s32 $0x800, s6;
	s15 =	smul.u32 $0xC00, s15  }
0x2a6: {  	s26 =	sand.u32 $0x380, s26;
	s13 =	smul.u32 $0xC00, s13;
	s10 =	sshrl.u32 s10, $0x3  }
0x2a7: {  	s8 =	sadd.s32 $0x800, s8;
	s3 =	smul.u32 $0xC00, s3;
	s1 =	sadd.s32 $0x800, s1  }
0x2a8: {  	s9 =	smul.u32 $0xC00, s9;
	s8 =	sshrl.u32 s8, $0x3;
	s6 =	sshrl.u32 s6, $0x3  }
0x2a9: {  	s1 =	sshrl.u32 s1, $0x3;
	s13 =	sor.u32 s16, s13;
	s14 =	sor.u32 s14, s15  }
0x2aa: {  	s7 =	sor.u32 s11, s7;
	s3 =	sor.u32 s23, s3;
	s14 =	sadd.s32 $0x800, s14  }
0x2ab: {  	s23 =	rddreg [dreg:$0x1];
	s13 =	sadd.s32 $0x800, s13;
	s9 =	sor.u32 s26, s9  }
0x2ac: {  	s3 =	sadd.s32 $0x800, s3;
	s1 =	sadd.s32 s23, s1;
	s26 =	sadd.s32 $0x800, s9  }
0x2ad: {  	s8 =	sadd.s32 s23, s8;
	s3 =	sshrl.u32 s3, $0x3;
	s20 =	spop (v2sf)  }
0x2ae: {  	s6 =	sadd.s32 s23, s6;
	s3 =	sadd.s32 s23, s3;
	s21 =	spop (v2sf)  }
0x2af: {  	s15 =	sshll.u32 s20, $0x7;
	s20 =	sshrl.u32 s20, $0x3;
	s12 =	sshrl.u32 s21, $0x3  }
0x2b0: {  	s22 =	spop (v2sf);
	s21 =	sshll.u32 s21, $0x7;
	s9 =	smul.u32 $0xC00, s20  }
0x2b1: {  	s15 =	sand.u32 $0x380, s15;
	s24 =	sshll.u32 s22, $0x7;
	s22 =	sshrl.u32 s22, $0x3  }
0x2b2: {  	s12 =	smul.u32 $0xC00, s12;
	s16 =	sand.u32 $0x380, s24;
	s24 =	simm.s32 $0x0  }
0x2b3: {  	[tilespmem:s0], [sflag:$0x2] =	stream.linear.gather [hbm4b:s3+s24], $0x80, $0x38;
	[tilespmem:$0x18200] =	vst v63  }
0x2b4: {  	(v2sf) =	vpush v3, $0xF;
	s20 =	rddreg [dreg:$0x13];
	s9 =	sor.u32 s15, s9;
	s0 =	smul.u32 $0xC00, s22  }
0x2b5: {  	s3 =	sshll.u32 s2, $0x7;
	s22 =	sadd.s32 s23, s5;
	s5 =	sshrl.u32 s26, $0x3  }
0x2b6: {  	s26 =	sand.u32 $0x380, s21;
	s21 =	sshrl.u32 s14, $0x3;
	s2 =	sshrl.u32 s2, $0x3  }
0x2b7: {  	s9 =	sadd.s32 $0x800, s9;
	s12 =	sor.u32 s26, s12;
	s2 =	smul.u32 $0xC00, s2  }
0x2b8: {  	[tilespmem:s30], [sflag:$0x2] =	stream.linear.gather [hbm4b:s22+s24], $0x80, $0x38;
	[tilespmem:$0x18200] =	vst v63  }
0x2b9: {  	s16 =	sor.u32 s16, s0;
	s0 =	sand.u32 $0x380, s3;
	s22 =	sshrl.u32 s13, $0x3  }
0x2ba: {  	[tilespmem:s4], [sflag:$0x2] =	stream.linear.gather [hbm4b:s1+s24], $0x80, $0x38;
	[tilespmem:$0x18200] =	vst v63  }
0x2bb: {  	s13 =	sadd.s32 $0x800, s12;
	s3 =	sadd.s32 s23, s22;
	s16 =	sadd.s32 $0x800, s16  }
0x2bc: {  	[tilespmem:s25], [sflag:$0x2] =	stream.linear.gather [hbm4b:s3+s24], $0x80, $0x38;
	[tilespmem:$0x18200] =	vst v63  }
0x2bd: {  	s22 =	rddreg [dreg:$0xe];
	s0 =	sor.u32 s0, s2;
	s1 =	sadd.s32 s23, s10  }
0x2be: {  	[tilespmem:s20], [sflag:$0x2] =	stream.linear.gather [hbm4b:s8+s24], $0x80, $0x38;
	[tilespmem:$0x18200] =	vst v63  }
0x2bf: {  	s4 =	sadd.s32 $0xCD80, s17;
	s10 =	sadd.s32 $0x800, s7;
	s7 =	sadd.s32 $0xD600, s17  }
0x2c0: {  	[tilespmem:s22], [sflag:$0x2] =	stream.linear.gather [hbm4b:s6+s24], $0x80, $0x38;
	[tilespmem:$0x18200] =	vst v63  }
0x2c1: {  	s26 =	sshrl.u32 s16, $0x3;
	s16 =	sadd.s32 s23, s21;
	s25 =	sadd.s32 s23, s29  }
0x2c2: {  	[tilespmem:s31], [sflag:$0x2] =	stream.linear.gather [hbm4b:s25+s24], $0x80, $0x38;
	[tilespmem:$0x18200] =	vst v63  }
0x2c3: {  	s3 =	sshrl.u32 s10, $0x3;
	s10 =	sshrl.u32 s13, $0x3;
	s12 =	spop (v2sf)  }
0x2c4: {  	[tilespmem:s4], [sflag:$0x2] =	stream.linear.gather [hbm4b:s1+s24], $0x80, $0x38;
	[tilespmem:$0x18200] =	vst v63  }
0x2c5: {  	s13 =	sadd.s32 s23, s3;
	s14 =	sshrl.u32 s12, $0x3;
	s15 =	sshll.u32 s12, $0x7  }
0x2c6: {  	[tilespmem:s7], [sflag:$0x2] =	stream.linear.gather [hbm4b:s13+s24], $0x80, $0x38;
	[tilespmem:$0x18200] =	vst v63  }
0x2c7: {  	s21 =	sshrl.u32 s9, $0x3;
	s3 =	smul.u32 $0xC00, s14;
	s4 =	sand.u32 $0x380, s15  }
0x2c8: {  	[tilespmem:s28], [sflag:$0x2] =	stream.linear.gather [hbm4b:s16+s24], $0x80, $0x38;
	[tilespmem:$0x18200] =	vst v63  }
0x2c9: {  	s20 =	sadd.s32 s23, s26;
	s22 =	rddreg [dreg:$0xa];
	s3 =	sor.u32 s4, s3  }
0x2ca: {  	[tilespmem:s22], [sflag:$0x2] =	stream.linear.gather [hbm4b:s20+s24], $0x80, $0x38;
	[tilespmem:$0x18200] =	vst v63  }
0x2cb: {  	s26 =	rddreg [dreg:$0x7];
	s25 =	sadd.s32 s23, s5;
	s3 =	sadd.s32 $0x800, s3  }
0x2cc: {  	[tilespmem:s26], [sflag:$0x2] =	stream.linear.gather [hbm4b:s25+s24], $0x80, $0x38;
	[tilespmem:$0x18200] =	vst v63  }
0x2cd: {  	s6 =	rddreg [dreg:$0x4];
	s5 =	sadd.s32 s23, s10;
	s3 =	sshrl.u32 s3, $0x3  }
0x2ce: {  	[tilespmem:s6], [sflag:$0x2] =	stream.linear.gather [hbm4b:s5+s24], $0x80, $0x38;
	[tilespmem:$0x18200] =	vst v63  }
0x2cf: {  	s0 =	sadd.s32 $0x800, s0;
	s8 =	sadd.s32 $0xD880, s17;
	s7 =	sadd.s32 s23, s3  }
0x2d0: {  	[tilespmem:s8], [sflag:$0x2] =	stream.linear.gather [hbm4b:s7+s24], $0x80, $0x38;
	[tilespmem:$0x18200] =	vst v63  }
0x2d1: {  	s9 =	sadd.s32 s23, s21;
	s0 =	sshrl.u32 s0, $0x3;
	s10 =	sadd.s32 $0xD900, s17  }
0x2d2: {  	[tilespmem:s10], [sflag:$0x2] =	stream.linear.gather [hbm4b:s9+s24], $0x80, $0x38;
	[tilespmem:$0x18200] =	vst v63  }
0x2d3: {  	s11 =	sadd.s32 $0xD980, s17;
	s0 =	sadd.s32 s23, s0  }
0x2d4: {  	[tilespmem:s11], [sflag:$0x2] =	stream.linear.gather [hbm4b:s0+s24], $0x80, $0x38;
	[tilespmem:$0x18200] =	vst v63  }
0x2d5: {  	v3 =	vld [tilespmem:s19+$0x0];
	_ =	sdelay $0x4  }
0x2d6: {  	v4 =	vsel vm2, $0x0, v3  }
0x2d7: {  	v6 =	vsel vm7, $0x0, v3;
	(xrf0) =	vadd.scan.msk.s32 $0xffff, v4  }
0x2d8: {  	v4 =	vsel vm4, $0x0, v3;
	(xrf0) =	vadd.scan.msk.s32 $0xffff, v6  }
0x2d9: {  	v57 =	vsel vm5, $0x0, v3;
	(xrf0) =	vadd.scan.msk.s32 $0xffff, v4  }
0x2da: {  	v4 =	vnsel vm1, $0x0, v3;
	(xrf0) =	vadd.scan.msk.s32 $0xffff, v57  }
0x2db: {  	v58 =	vsel vm8, $0x0, v3;
	(xrf0) =	vadd.scan.msk.s32 $0xffff, v4  }
0x2dc: {  	(xrf0) =	vadd.scan.msk.s32 $0xffff, v58  }
0x2dd: {  	v4 =	vsel vm13, $0x0, v3;
	v11, _, _ =	vpop (xrf0)  }
0x2de: {  	v5 =	vsel vm6, $0x0, v3;
	v12, _, _ =	vpop (xrf0)  }
0x2df: {  	v7 =	vsel vm3, $0x0, v3;
	v59 =	vsel vm12, $0x0, v3;
	(xrf0) =	vadd.scan.msk.s32 $0xffff, v4;
	v13, _, _ =	vpop (xrf0);
	(v2sf) =	vpush v12, $0xF  }
0x2e0: {  	v8 =	vsel vm14, $0x0, v3;
	v14 =	vsel vm10, $0x0, v3;
	(xrf0) =	vadd.scan.msk.s32 $0xffff, v59;
	(v2sf) =	vpush v13, $0xF;
	v4, _, _ =	vpop (xrf0)  }
0x2e1: {  	v9 =	vsel vm15, $0x0, v3;
	v15 =	vsel vm9, $0x0, v3;
	(xrf0) =	vadd.scan.msk.s32 $0xffff, v14;
	v61, _, _ =	vpop (xrf0);
	(v2sf) =	vpush v4, $0xF  }
0x2e2: {  	v10 =	vsel vm0, $0x0, v3;
	v60 =	vsel vm11, $0x0, v3;
	(xrf0) =	vadd.scan.msk.s32 $0xffff, v15;
	(v2sf) =	vpush v11, $0xF;
	v3, _, _ =	vpop (xrf0)  }
0x2e3: {  	(xrf0) =	vadd.scan.msk.s32 $0xffff, v60;
	(v2sf) =	vpush v3, $0xF  }
0x2e4: {  	(xrf0) =	vadd.scan.msk.s32 $0xffff, v5  }
0x2e5: {  	v4, _, _ =	vpop (xrf0);
	(xrf0) =	vadd.scan.msk.s32 $0xffff, v8  }
0x2e6: {  	s12 =	smov.u32 s18;
	(xrf0) =	vadd.scan.msk.s32 $0xffff, v7;
	v3, _, _ =	vpop (xrf0)  }
0x2e7: {  	s17 =	sshra.s32 s12, $0x2;
	v5, _, _ =	vpop (xrf0);
	(v2sf) =	vpush v3, $0xF  }
0x2e8: {  	p0 =	sne.s32 s18, $0x2A000;
	s14 =	sadd.s32 $0xD700, s17;
	(xrf0) =	vadd.scan.msk.s32 $0xffff, v9;
	v3, _, _ =	vpop (xrf0);
	(v2sf) =	vpush v5, $0xF  }
0x2e9: {  	s18 =	sadd.s32 $0x6000, s18;
	s15 =	sadd.s32 $0xD780, s17;
	[dreg:$0xa] =	wrdreg s14;
	(xrf0) =	vadd.scan.msk.s32 $0xffff, v10;
	v5, _, _ =	vpop (xrf0)  }
0x2ea: {  	s30 =	sadd.s32 $0xCA80, s17;
	s13 =	sadd.s32 $0xCC00, s17;
	[dreg:$0x7] =	wrdreg s15;
	(v2sf) =	vpush v3, $0xF;
	v3, _, _ =	vpop (xrf0)  }
0x2eb: {  	s31 =	sadd.s32 $0xCD00, s17;
	[dreg:$0x13] =	wrdreg s13;
	s16 =	sadd.s32 $0xD800, s17;
	(v2sf) =	vpush v3, $0xF;
	v3, _, _ =	vpop (xrf0)  }
0x2ec: {  	s4 =	sadd.s32 $0xCB00, s17;
	[dreg:$0x4] =	wrdreg s16;
	s0 =	sadd.s32 $0xCC80, s17;
	v7, _, _ =	vpop (xrf0)  }
0x2ed: {  	s28 =	sadd.s32 $0xD680, s17;
	s25 =	sadd.s32 $0xCB80, s17;
	[dreg:$0xe] =	wrdreg s0;
	(v2sf) =	vpush v7, $0xF  }
0x2ee: {  	s0 =	sadd.s32 $0xCA00, s17;
	s19 =	sadd.s32 $0x10, s19;
	v62, _, _ =	vpop (xrf0);
	s20 =	spop (v2sf)  }
0x2ef: {  	v63, _, _ =	vpop (xrf0);
	s21 =	sshrl.u32 s20, $0x3;
	s1 =	sshll.u32 s20, $0x7;
	s16 =	spop (v2sf)  }
0x2f0: {  	(v2sf) =	vpush v63, $0xF;
	s2 =	smul.u32 $0xC00, s21;
	s22 =	spop (v2sf);
	s1 =	sand.u32 $0x380, s1  }
0x2f1: {  	(v2sf) =	vpush v61, $0xF;
	s23 =	sshll.u32 s22, $0x7;
	s24 =	spop (v2sf);
	s3 =	sshrl.u32 s22, $0x3  }
0x2f2: {  	s1 =	sor.u32 s1, s2;
	s26 =	spop (v2sf);
	s9 =	sshrl.u32 s24, $0x3  }
0x2f3: {  	s6 =	sshll.u32 s24, $0x7;
	s13 =	sand.u32 $0x380, s23;
	s3 =	smul.u32 $0xC00, s3  }
0x2f4: {  	s1 =	sadd.s32 $0x800, s1;
	s10 =	sshrl.u32 s26, $0x3;
	s11 =	sand.u32 $0x380, s6  }
0x2f5: {  	s20 =	smul.u32 $0xC00, s9;
	s2 =	sshll.u32 s26, $0x7;
	s29 =	sshrl.u32 s1, $0x3  }
0x2f6: {  	s12 =	spop (v2sf);
	s14 =	smul.u32 $0xC00, s10;
	s2 =	sand.u32 $0x380, s2  }
0x2f7: {  	s8 =	sor.u32 s13, s3;
	s13 =	sshrl.u32 s16, $0x3;
	s15 =	spop (v2sf)  }
0x2f8: {  	s1 =	sor.u32 s11, s20;
	s26 =	sshll.u32 s12, $0x7;
	s10 =	sshll.u32 s15, $0x7  }
0x2f9: {  	s21 =	spop (v2sf);
	s1 =	sadd.s32 $0x800, s1;
	s6 =	sor.u32 s2, s14  }
0x2fa: {  	s15 =	sshrl.u32 s15, $0x3;
	s7 =	sshrl.u32 s21, $0x3;
	s11 =	sshll.u32 s21, $0x7  }
0x2fb: {  	s14 =	sand.u32 $0x380, s10;
	s10 =	sadd.s32 $0x800, s6;
	s22 =	spop (v2sf)  }
0x2fc: {  	s11 =	sand.u32 $0x380, s11;
	s20 =	sshrl.u32 s22, $0x3;
	s23 =	spop (v2sf)  }
.Ltmp1:
0x2fd: {  	s5 =	sshll.u32 s22, $0x7;
	s24 =	sshrl.u32 s23, $0x3;
	(pc) =	sbr.rel @p0 .LBB2_4-.Ltmp1, $4  }
0x2fe: {  	s21 =	sand.u32 $0x380, s5;
	s5 =	sshrl.u32 s1, $0x3;
	s9 =	smul.u32 $0xC00, s24  }
0x2ff: {  	(v2sf) =	vpush v62, $0xF;
	s22 =	sshll.u32 s23, $0x7;
	s2 =	spop (v2sf);
	s24 =	smul.u32 $0xC00, s20  }
0x300: {  	(v2sf) =	vpush v4, $0xF;
	s23 =	sshll.u32 s16, $0x7;
	s1 =	sand.u32 $0x380, s22;
	s3 =	spop (v2sf)  }
0x301: {  	(v2sf) =	vpush v5, $0xF;
	s16 =	sand.u32 $0x380, s23;
	s6 =	sor.u32 s21, s24;
	s20 =	sshll.u32 s3, $0x7  }
0x302: {  	s9 =	sor.u32 s1, s9;
	s1 =	smul.u32 $0xC00, s7  }
0x303: {  	s3 =	sshrl.u32 s3, $0x3;
	s21 =	smul.u32 $0xC00, s13  }
0x304: {  	s18 =	sand.u32 $0x380, s20;
	s19 =	simm.s32 $0x0;
	s22 =	smul.u32 $0xC00, s15  }
0x305: {  	s20 =	sshrl.u32 s12, $0x3;
	s8 =	sadd.s32 $0x800, s8;
	s3 =	smul.u32 $0xC00, s3  }
0x306: {  	s23 =	sand.u32 $0x380, s26;
	s10 =	sshrl.u32 s10, $0x3;
	s8 =	sshrl.u32 s8, $0x3  }
0x307: {  	s7 =	sor.u32 s16, s21;
	s1 =	sor.u32 s11, s1;
	s3 =	sor.u32 s18, s3  }
0x308: {  	s18 =	rddreg [dreg:$0x1];
	s7 =	sadd.s32 $0x800, s7;
	s3 =	sadd.s32 $0x800, s3  }
0x309: {  	s1 =	sadd.s32 $0x800, s1;
	s5 =	sadd.s32 s18, s5;
	s3 =	sshrl.u32 s3, $0x3  }
0x30a: {  	s7 =	sshrl.u32 s7, $0x3;
	s8 =	sadd.s32 s18, s8;
	s3 =	sadd.s32 s18, s3  }
0x30b: {  	[tilespmem:s0], [sflag:$0x2] =	stream.linear.gather [hbm4b:s3+s19], $0x80, $0x38;
	[tilespmem:$0x18200] =	vst v63  }
0x30c: {  	s1 =	sshrl.u32 s1, $0x3;
	s7 =	sadd.s32 s18, s7;
	s0 =	sadd.s32 $0x800, s9  }
0x30d: {  	s3 =	smul.u32 $0xC00, s20;
	s9 =	sor.u32 s14, s22;
	s22 =	sshll.u32 s2, $0x7  }
0x30e: {  	[tilespmem:s30], [sflag:$0x2] =	stream.linear.gather [hbm4b:s5+s19], $0x80, $0x38;
	[tilespmem:$0x18200] =	vst v63  }
0x30f: {  	s0 =	sshrl.u32 s0, $0x3;
	s9 =	sadd.s32 $0x800, s9;
	s5 =	sadd.s32 $0x800, s6  }
0x310: {  	s3 =	sor.u32 s23, s3;
	s0 =	sadd.s32 s18, s0;
	s23 =	sadd.s32 s18, s10  }
0x311: {  	(v2sf) =	vpush v3, $0xF;
	s11 =	sshrl.u32 s9, $0x3;
	s3 =	sadd.s32 $0x800, s3;
	s5 =	sshrl.u32 s5, $0x3  }
0x312: {  	[tilespmem:s4], [sflag:$0x2] =	stream.linear.gather [hbm4b:s0+s19], $0x80, $0x38;
	[tilespmem:$0x18200] =	vst v63  }
0x313: {  	s3 =	sshrl.u32 s3, $0x3;
	s5 =	sadd.s32 s18, s5;
	s6 =	spop (v2sf)  }
0x314: {  	s10 =	sadd.s32 s18, s3;
	s24 =	spop (v2sf);
	s21 =	sshll.u32 s6, $0x7  }
0x315: {  	[tilespmem:s25], [sflag:$0x2] =	stream.linear.gather [hbm4b:s7+s19], $0x80, $0x38;
	[tilespmem:$0x18200] =	vst v63  }
0x316: {  	s6 =	sshrl.u32 s6, $0x3;
	s7 =	sadd.s32 $0xD600, s17;
	s26 =	spop (v2sf)  }
0x317: {  	s20 =	sshrl.u32 s24, $0x3;
	s13 =	sshll.u32 s24, $0x7;
	s6 =	smul.u32 $0xC00, s6  }
0x318: {  	s24 =	sadd.s32 $0xCD80, s17;
	s16 =	sshrl.u32 s26, $0x3;
	s15 =	sshll.u32 s26, $0x7  }
0x319: {  	s12 =	smul.u32 $0xC00, s20;
	s13 =	sand.u32 $0x380, s13;
	s26 =	rddreg [dreg:$0x13]  }
0x31a: {  	s20 =	sshrl.u32 s2, $0x3;
	s14 =	smul.u32 $0xC00, s16;
	s15 =	sand.u32 $0x380, s15  }
0x31b: {  	[tilespmem:s26], [sflag:$0x2] =	stream.linear.gather [hbm4b:s8+s19], $0x80, $0x38;
	[tilespmem:$0x18200] =	vst v63  }
0x31c: {  	s16 =	sadd.s32 s18, s29;
	s26 =	sadd.s32 s18, s11;
	s8 =	rddreg [dreg:$0xa]  }
0x31d: {  	s2 =	smul.u32 $0xC00, s20;
	s11 =	rddreg [dreg:$0x7];
	s12 =	sor.u32 s13, s12  }
0x31e: {  	s13 =	sand.u32 $0x380, s22;
	s25 =	sadd.s32 $0x800, s12;
	s12 =	rddreg [dreg:$0xe]  }
0x31f: {  	[tilespmem:s12], [sflag:$0x2] =	stream.linear.gather [hbm4b:s5+s19], $0x80, $0x38;
	[tilespmem:$0x18200] =	vst v63  }
0x320: {  	s22 =	spop (v2sf);
	s14 =	sor.u32 s15, s14;
	s15 =	sand.u32 $0x380, s21  }
0x321: {  	[tilespmem:s31], [sflag:$0x2] =	stream.linear.gather [hbm4b:s16+s19], $0x80, $0x38;
	[tilespmem:$0x18200] =	vst v63  }
0x322: {  	s2 =	sor.u32 s13, s2;
	s14 =	sadd.s32 $0x800, s14;
	s9 =	sshrl.u32 s25, $0x3  }
0x323: {  	[tilespmem:s24], [sflag:$0x2] =	stream.linear.gather [hbm4b:s23+s19], $0x80, $0x38;
	[tilespmem:$0x18200] =	vst v63  }
0x324: {  	s25 =	sshll.u32 s22, $0x7;
	s23 =	sadd.s32 s18, s1;
	s24 =	sshrl.u32 s22, $0x3  }
0x325: {  	[tilespmem:s7], [sflag:$0x2] =	stream.linear.gather [hbm4b:s23+s19], $0x80, $0x38;
	[tilespmem:$0x18200] =	vst v63  }
0x326: {  	s21 =	sshrl.u32 s14, $0x3;
	s4 =	sand.u32 $0x380, s25;
	s1 =	smul.u32 $0xC00, s24  }
0x327: {  	[tilespmem:s28], [sflag:$0x2] =	stream.linear.gather [hbm4b:s26+s19], $0x80, $0x38;
	[tilespmem:$0x18200] =	vst v63  }
0x328: {  	s6 =	sor.u32 s15, s6;
	s5 =	sadd.s32 s18, s21;
	s1 =	sor.u32 s4, s1  }
0x329: {  	[tilespmem:s8], [sflag:$0x2] =	stream.linear.gather [hbm4b:s5+s19], $0x80, $0x38;
	[tilespmem:$0x18200] =	vst v63  }
0x32a: {  	s2 =	sadd.s32 $0x800, s2;
	s6 =	sadd.s32 $0x800, s6;
	s1 =	sadd.s32 $0x800, s1  }
0x32b: {  	[tilespmem:s11], [sflag:$0x2] =	stream.linear.gather [hbm4b:s10+s19], $0x80, $0x38;
	[tilespmem:$0x18200] =	vst v63  }
0x32c: {  	s12 =	sadd.s32 s18, s9;
	s14 =	rddreg [dreg:$0x4];
	s1 =	sshrl.u32 s1, $0x3  }
0x32d: {  	[tilespmem:s14], [sflag:$0x2] =	stream.linear.gather [hbm4b:s12+s19], $0x80, $0x38;
	[tilespmem:$0x18200] =	vst v63  }
0x32e: {  	s16 =	sadd.s32 $0xD880, s17;
	s7 =	sshrl.u32 s6, $0x3;
	s15 =	sadd.s32 s18, s1  }
0x32f: {  	[tilespmem:s16], [sflag:$0x2] =	stream.linear.gather [hbm4b:s15+s19], $0x80, $0x38;
	[tilespmem:$0x18200] =	vst v63  }
0x330: {  	s2 =	sshrl.u32 s2, $0x3;
	s21 =	sadd.s32 $0xD900, s17;
	s20 =	sadd.s32 s18, s7  }
0x331: {  	[tilespmem:s21], [sflag:$0x2] =	stream.linear.gather [hbm4b:s20+s19], $0x80, $0x38;
	[tilespmem:$0x18200] =	vst v63  }
0x332: {  	s22 =	sadd.s32 s18, s2;
	s24 =	simm.s32 $0x1;
	s23 =	sadd.s32 $0xD980, s17  }
0x333: {  	[tilespmem:s23], [sflag:$0x2] =	stream.linear.gather [hbm4b:s22+s19], $0x80, $0x38;
	[tilespmem:$0x18200] =	vst v63  }
0x334: {  	_ =	swait.ge [sflag:s24], $0xC000  }
0x335: {  	s0 =	simm.s32 $0x0;
	s3 =	simm.s32 $0x3;
	[sflag:s24] =	ssyncset.done $0x0  }
0x336: {  	s26 =	simm.s32 $0x200;
	s25 =	rddreg [dreg:$0x18];
	[sflag:s24] =	ssyncadd.s32 $0xFFFF4000  }
0x337: {  	[hbm4b:s25+s0] =	stream.linear.scatter [tilespmem:s26], [sflag:$0x3], $0xC000, $0x38;
	[tilespmem:$0x18200] =	vst v63  }
0x338: {  	_ =	swait.ge [sflag:s3], $0xC000  }
0x339: {  	[sflag:s3] =	ssyncset.done $0x0  }
0x33a: {  	[sflag:s3] =	ssyncadd.s32 $0xFFFF4000  }
0x33b: {  	v3 =	vld [tilespmem:$0x100];
	_ =	sdelay $0x4  }
0x33c: {  	v4 =	vshrl.u32 v3, $0x3  }
0x33d: {  	v4 =	vmul.u32 $0x18, v4  }
0x33e: {  	v3 =	vand.u32 $0x7, v3  }
0x33f: {  	v3 =	vor.u32 v3, v4  }
0x340: {  	v4 =	vperm.xlane v3, v0  }
0x341: {  	v5 =	vld [tilespmem:$0x1FFF0]  }
0x342: {  	v4 =	vadd.s32 v1, v4;
	_ =	sdelay $0x3  }
0x343: {  	vm2 =	vnez.u8 v5;
	v3 =	vperm.xlane v3, v2  }
0x344: {  	[tilespmem:s26], [sflag:$0x1] =	stream.indirect_vreg.gather [hbm4b:s18+s0], $0x80, v4, vm2, $0xb8;
	v4 =	vld [tilespmem:$0x1FFF0]  }
0x345: {  	v3 =	vadd.s32 v1, v3;
	_ =	sdelay $0x3  }
0x346: {  	s4 =	simm.s32 $0xE00;
	vm2 =	vnez.u8 v4  }
0x347: {  	[tilespmem:s4], [sflag:$0x1] =	stream.indirect_vreg.gather [hbm4b:s18+s0], $0x80, v3, vm2, $0xb8;
	[tilespmem:$0x18200] =	vst v63  }
0x348: {  	v3 =	vld [tilespmem:$0x110];
	_ =	sdelay $0x4  }
0x349: {  	v4 =	vshrl.u32 v3, $0x3  }
0x34a: {  	v4 =	vmul.u32 $0x18, v4  }
0x34b: {  	v3 =	vand.u32 $0x7, v3  }
0x34c: {  	v3 =	vor.u32 v3, v4  }
0x34d: {  	v4 =	vperm.xlane v3, v0  }
0x34e: {  	v5 =	vld [tilespmem:$0x1FFF0]  }
0x34f: {  	v4 =	vadd.s32 v1, v4;
	_ =	sdelay $0x3  }
0x350: {  	s5 =	simm.s32 $0x1A00;
	vm2 =	vnez.u8 v5;
	v3 =	vperm.xlane v3, v2  }
0x351: {  	[tilespmem:s5], [sflag:$0x1] =	stream.indirect_vreg.gather [hbm4b:s18+s0], $0x80, v4, vm2, $0xb8;
	v4 =	vld [tilespmem:$0x1FFF0]  }
0x352: {  	v3 =	vadd.s32 v1, v3;
	_ =	sdelay $0x3  }
0x353: {  	s6 =	simm.s32 $0x2600;
	vm2 =	vnez.u8 v4  }
0x354: {  	[tilespmem:s6], [sflag:$0x1] =	stream.indirect_vreg.gather [hbm4b:s18+s0], $0x80, v3, vm2, $0xb8;
	[tilespmem:$0x18200] =	vst v63  }
0x355: {  	v3 =	vld [tilespmem:$0x120];
	_ =	sdelay $0x4  }
0x356: {  	v4 =	vshrl.u32 v3, $0x3  }
0x357: {  	v4 =	vmul.u32 $0x18, v4  }
0x358: {  	v3 =	vand.u32 $0x7, v3  }
0x359: {  	v3 =	vor.u32 v3, v4  }
0x35a: {  	v4 =	vperm.xlane v3, v0  }
0x35b: {  	v5 =	vld [tilespmem:$0x1FFF0]  }
0x35c: {  	v4 =	vadd.s32 v1, v4;
	_ =	sdelay $0x3  }
0x35d: {  	s7 =	simm.s32 $0x3200;
	vm2 =	vnez.u8 v5;
	v3 =	vperm.xlane v3, v2  }
0x35e: {  	[tilespmem:s7], [sflag:$0x1] =	stream.indirect_vreg.gather [hbm4b:s18+s0], $0x80, v4, vm2, $0xb8;
	v4 =	vld [tilespmem:$0x1FFF0]  }
0x35f: {  	v3 =	vadd.s32 v1, v3;
	_ =	sdelay $0x3  }
0x360: {  	s8 =	simm.s32 $0x3E00;
	vm2 =	vnez.u8 v4  }
0x361: {  	[tilespmem:s8], [sflag:$0x1] =	stream.indirect_vreg.gather [hbm4b:s18+s0], $0x80, v3, vm2, $0xb8;
	[tilespmem:$0x18200] =	vst v63  }
0x362: {  	v3 =	vld [tilespmem:$0x130];
	_ =	sdelay $0x4  }
0x363: {  	v4 =	vshrl.u32 v3, $0x3  }
0x364: {  	v4 =	vmul.u32 $0x18, v4  }
0x365: {  	v3 =	vand.u32 $0x7, v3  }
0x366: {  	v3 =	vor.u32 v3, v4  }
0x367: {  	v4 =	vperm.xlane v3, v0  }
0x368: {  	v5 =	vld [tilespmem:$0x1FFF0]  }
0x369: {  	v4 =	vadd.s32 v1, v4;
	_ =	sdelay $0x3  }
0x36a: {  	s9 =	simm.s32 $0x4A00;
	vm2 =	vnez.u8 v5;
	v3 =	vperm.xlane v3, v2  }
0x36b: {  	[tilespmem:s9], [sflag:$0x1] =	stream.indirect_vreg.gather [hbm4b:s18+s0], $0x80, v4, vm2, $0xb8;
	v4 =	vld [tilespmem:$0x1FFF0]  }
0x36c: {  	v3 =	vadd.s32 v1, v3;
	_ =	sdelay $0x3  }
0x36d: {  	s10 =	simm.s32 $0x5600;
	vm2 =	vnez.u8 v4  }
0x36e: {  	[tilespmem:s10], [sflag:$0x1] =	stream.indirect_vreg.gather [hbm4b:s18+s0], $0x80, v3, vm2, $0xb8;
	[tilespmem:$0x18200] =	vst v63  }
0x36f: {  	v3 =	vld [tilespmem:$0x140];
	_ =	sdelay $0x4  }
0x370: {  	v4 =	vshrl.u32 v3, $0x3  }
0x371: {  	v4 =	vmul.u32 $0x18, v4  }
0x372: {  	v3 =	vand.u32 $0x7, v3  }
0x373: {  	v3 =	vor.u32 v3, v4  }
0x374: {  	v4 =	vperm.xlane v3, v0  }
0x375: {  	v5 =	vld [tilespmem:$0x1FFF0]  }
0x376: {  	v4 =	vadd.s32 v1, v4;
	_ =	sdelay $0x3  }
0x377: {  	s11 =	simm.s32 $0x6200;
	vm2 =	vnez.u8 v5;
	v3 =	vperm.xlane v3, v2  }
0x378: {  	[tilespmem:s11], [sflag:$0x1] =	stream.indirect_vreg.gather [hbm4b:s18+s0], $0x80, v4, vm2, $0xb8;
	v4 =	vld [tilespmem:$0x1FFF0]  }
0x379: {  	v3 =	vadd.s32 v1, v3;
	_ =	sdelay $0x3  }
0x37a: {  	s12 =	simm.s32 $0x6E00;
	vm2 =	vnez.u8 v4  }
0x37b: {  	[tilespmem:s12], [sflag:$0x1] =	stream.indirect_vreg.gather [hbm4b:s18+s0], $0x80, v3, vm2, $0xb8;
	[tilespmem:$0x18200] =	vst v63  }
0x37c: {  	v3 =	vld [tilespmem:$0x150];
	_ =	sdelay $0x4  }
0x37d: {  	v4 =	vshrl.u32 v3, $0x3  }
0x37e: {  	v4 =	vmul.u32 $0x18, v4  }
0x37f: {  	v3 =	vand.u32 $0x7, v3  }
0x380: {  	v3 =	vor.u32 v3, v4  }
0x381: {  	v4 =	vperm.xlane v3, v0  }
0x382: {  	v5 =	vld [tilespmem:$0x1FFF0]  }
0x383: {  	v4 =	vadd.s32 v1, v4;
	_ =	sdelay $0x3  }
0x384: {  	s13 =	simm.s32 $0x7A00;
	vm2 =	vnez.u8 v5;
	v3 =	vperm.xlane v3, v2  }
0x385: {  	[tilespmem:s13], [sflag:$0x1] =	stream.indirect_vreg.gather [hbm4b:s18+s0], $0x80, v4, vm2, $0xb8;
	v4 =	vld [tilespmem:$0x1FFF0]  }
0x386: {  	v3 =	vadd.s32 v1, v3;
	_ =	sdelay $0x3  }
0x387: {  	s14 =	simm.s32 $0x8600;
	vm2 =	vnez.u8 v4  }
0x388: {  	[tilespmem:s14], [sflag:$0x1] =	stream.indirect_vreg.gather [hbm4b:s18+s0], $0x80, v3, vm2, $0xb8;
	[tilespmem:$0x18200] =	vst v63  }
0x389: {  	v3 =	vld [tilespmem:$0x160];
	_ =	sdelay $0x4  }
0x38a: {  	v4 =	vshrl.u32 v3, $0x3  }
0x38b: {  	v4 =	vmul.u32 $0x18, v4  }
0x38c: {  	v3 =	vand.u32 $0x7, v3  }
0x38d: {  	v3 =	vor.u32 v3, v4  }
0x38e: {  	v4 =	vperm.xlane v3, v0  }
0x38f: {  	v5 =	vld [tilespmem:$0x1FFF0]  }
0x390: {  	v4 =	vadd.s32 v1, v4;
	_ =	sdelay $0x3  }
0x391: {  	s15 =	simm.s32 $0x9200;
	vm2 =	vnez.u8 v5;
	v3 =	vperm.xlane v3, v2  }
0x392: {  	[tilespmem:s15], [sflag:$0x1] =	stream.indirect_vreg.gather [hbm4b:s18+s0], $0x80, v4, vm2, $0xb8;
	v4 =	vld [tilespmem:$0x1FFF0]  }
0x393: {  	v3 =	vadd.s32 v1, v3;
	_ =	sdelay $0x3  }
0x394: {  	s16 =	simm.s32 $0x9E00;
	vm2 =	vnez.u8 v4  }
0x395: {  	[tilespmem:s16], [sflag:$0x1] =	stream.indirect_vreg.gather [hbm4b:s18+s0], $0x80, v3, vm2, $0xb8;
	[tilespmem:$0x18200] =	vst v63  }
0x396: {  	v3 =	vld [tilespmem:$0x170];
	_ =	sdelay $0x4  }
0x397: {  	v4 =	vshrl.u32 v3, $0x3  }
0x398: {  	v4 =	vmul.u32 $0x18, v4  }
0x399: {  	v3 =	vand.u32 $0x7, v3  }
0x39a: {  	v3 =	vor.u32 v3, v4  }
0x39b: {  	v4 =	vperm.xlane v3, v0  }
0x39c: {  	v5 =	vld [tilespmem:$0x1FFF0]  }
0x39d: {  	v4 =	vadd.s32 v1, v4;
	_ =	sdelay $0x3  }
0x39e: {  	s17 =	simm.s32 $0xAA00;
	vm2 =	vnez.u8 v5;
	v3 =	vperm.xlane v3, v2  }
0x39f: {  	[tilespmem:s17], [sflag:$0x1] =	stream.indirect_vreg.gather [hbm4b:s18+s0], $0x80, v4, vm2, $0xb8;
	v4 =	vld [tilespmem:$0x1FFF0]  }
0x3a0: {  	v3 =	vadd.s32 v1, v3;
	_ =	sdelay $0x3  }
0x3a1: {  	s19 =	simm.s32 $0xB600;
	vm2 =	vnez.u8 v4  }
0x3a2: {  	[tilespmem:s19], [sflag:$0x1] =	stream.indirect_vreg.gather [hbm4b:s18+s0], $0x80, v3, vm2, $0xb8;
	[tilespmem:$0x18200] =	vst v63  }
0x3a3: {  	v3 =	vld [tilespmem:$0x100];
	_ =	sdelay $0x4  }
0x3a4: {  	v4 =	vshrl.u32 v3, $0x3  }
0x3a5: {  	v4 =	vmul.u32 $0x18, v4  }
0x3a6: {  	v3 =	vand.u32 $0x7, v3  }
0x3a7: {  	v3 =	vor.u32 v3, v4  }
0x3a8: {  	v4 =	vperm.xlane v3, v0  }
0x3a9: {  	v5 =	vld [tilespmem:$0x1FFF0]  }
0x3aa: {  	v4 =	vadd.s32 v1, v4;
	_ =	sdelay $0x3  }
0x3ab: {  	s21 =	simm.s32 $0x600;
	s20 =	rddreg [dreg:$0x19];
	vm2 =	vnez.u8 v5;
	v3 =	vperm.xlane v3, v2  }
0x3ac: {  	[tilespmem:s21], [sflag:$0x1] =	stream.indirect_vreg.gather [hbm4b:s20+s0], $0x80, v4, vm2, $0xb8;
	v4 =	vld [tilespmem:$0x1FFF0]  }
0x3ad: {  	v3 =	vadd.s32 v1, v3;
	_ =	sdelay $0x3  }
0x3ae: {  	s22 =	simm.s32 $0x1200;
	vm2 =	vnez.u8 v4  }
0x3af: {  	[tilespmem:s22], [sflag:$0x1] =	stream.indirect_vreg.gather [hbm4b:s20+s0], $0x80, v3, vm2, $0xb8;
	[tilespmem:$0x18200] =	vst v63  }
0x3b0: {  	v3 =	vld [tilespmem:$0x110];
	_ =	sdelay $0x4  }
0x3b1: {  	v4 =	vshrl.u32 v3, $0x3  }
0x3b2: {  	v4 =	vmul.u32 $0x18, v4  }
0x3b3: {  	v3 =	vand.u32 $0x7, v3  }
0x3b4: {  	v3 =	vor.u32 v3, v4  }
0x3b5: {  	v4 =	vperm.xlane v3, v0  }
0x3b6: {  	v5 =	vld [tilespmem:$0x1FFF0]  }
0x3b7: {  	v4 =	vadd.s32 v1, v4;
	_ =	sdelay $0x3  }
0x3b8: {  	s23 =	simm.s32 $0x1E00;
	vm2 =	vnez.u8 v5;
	v3 =	vperm.xlane v3, v2  }
0x3b9: {  	[tilespmem:s23], [sflag:$0x1] =	stream.indirect_vreg.gather [hbm4b:s20+s0], $0x80, v4, vm2, $0xb8;
	v4 =	vld [tilespmem:$0x1FFF0]  }
0x3ba: {  	v3 =	vadd.s32 v1, v3;
	_ =	sdelay $0x3  }
0x3bb: {  	s24 =	simm.s32 $0x2A00;
	vm2 =	vnez.u8 v4  }
0x3bc: {  	[tilespmem:s24], [sflag:$0x1] =	stream.indirect_vreg.gather [hbm4b:s20+s0], $0x80, v3, vm2, $0xb8;
	[tilespmem:$0x18200] =	vst v63  }
0x3bd: {  	v3 =	vld [tilespmem:$0x120];
	_ =	sdelay $0x4  }
0x3be: {  	v4 =	vshrl.u32 v3, $0x3  }
0x3bf: {  	v4 =	vmul.u32 $0x18, v4  }
0x3c0: {  	v3 =	vand.u32 $0x7, v3  }
0x3c1: {  	v3 =	vor.u32 v3, v4  }
0x3c2: {  	v4 =	vperm.xlane v3, v0  }
0x3c3: {  	v5 =	vld [tilespmem:$0x1FFF0]  }
0x3c4: {  	v4 =	vadd.s32 v1, v4;
	_ =	sdelay $0x3  }
0x3c5: {  	s25 =	simm.s32 $0x3600;
	vm2 =	vnez.u8 v5;
	v3 =	vperm.xlane v3, v2  }
0x3c6: {  	[tilespmem:s25], [sflag:$0x1] =	stream.indirect_vreg.gather [hbm4b:s20+s0], $0x80, v4, vm2, $0xb8;
	v4 =	vld [tilespmem:$0x1FFF0]  }
0x3c7: {  	v3 =	vadd.s32 v1, v3;
	_ =	sdelay $0x3  }
0x3c8: {  	s26 =	simm.s32 $0x4200;
	vm2 =	vnez.u8 v4  }
0x3c9: {  	[tilespmem:s26], [sflag:$0x1] =	stream.indirect_vreg.gather [hbm4b:s20+s0], $0x80, v3, vm2, $0xb8;
	[tilespmem:$0x18200] =	vst v63  }
0x3ca: {  	v3 =	vld [tilespmem:$0x130];
	_ =	sdelay $0x4  }
0x3cb: {  	v4 =	vshrl.u32 v3, $0x3  }
0x3cc: {  	v4 =	vmul.u32 $0x18, v4  }
0x3cd: {  	v3 =	vand.u32 $0x7, v3  }
0x3ce: {  	v3 =	vor.u32 v3, v4  }
0x3cf: {  	v4 =	vperm.xlane v3, v0  }
0x3d0: {  	v5 =	vld [tilespmem:$0x1FFF0]  }
0x3d1: {  	v4 =	vadd.s32 v1, v4;
	_ =	sdelay $0x3  }
0x3d2: {  	s3 =	simm.s32 $0x4E00;
	vm2 =	vnez.u8 v5;
	v3 =	vperm.xlane v3, v2  }
0x3d3: {  	[tilespmem:s3], [sflag:$0x1] =	stream.indirect_vreg.gather [hbm4b:s20+s0], $0x80, v4, vm2, $0xb8;
	v4 =	vld [tilespmem:$0x1FFF0]  }
0x3d4: {  	v3 =	vadd.s32 v1, v3;
	_ =	sdelay $0x3  }
0x3d5: {  	s4 =	simm.s32 $0x5A00;
	vm2 =	vnez.u8 v4  }
0x3d6: {  	[tilespmem:s4], [sflag:$0x1] =	stream.indirect_vreg.gather [hbm4b:s20+s0], $0x80, v3, vm2, $0xb8;
	[tilespmem:$0x18200] =	vst v63  }
0x3d7: {  	v3 =	vld [tilespmem:$0x140];
	_ =	sdelay $0x4  }
0x3d8: {  	v4 =	vshrl.u32 v3, $0x3  }
0x3d9: {  	v4 =	vmul.u32 $0x18, v4  }
0x3da: {  	v3 =	vand.u32 $0x7, v3  }
0x3db: {  	v3 =	vor.u32 v3, v4  }
0x3dc: {  	v4 =	vperm.xlane v3, v0  }
0x3dd: {  	v5 =	vld [tilespmem:$0x1FFF0]  }
0x3de: {  	v4 =	vadd.s32 v1, v4;
	_ =	sdelay $0x3  }
0x3df: {  	s5 =	simm.s32 $0x6600;
	vm2 =	vnez.u8 v5;
	v3 =	vperm.xlane v3, v2  }
0x3e0: {  	[tilespmem:s5], [sflag:$0x1] =	stream.indirect_vreg.gather [hbm4b:s20+s0], $0x80, v4, vm2, $0xb8;
	v4 =	vld [tilespmem:$0x1FFF0]  }
0x3e1: {  	v3 =	vadd.s32 v1, v3;
	_ =	sdelay $0x3  }
0x3e2: {  	s6 =	simm.s32 $0x7200;
	vm2 =	vnez.u8 v4  }
0x3e3: {  	[tilespmem:s6], [sflag:$0x1] =	stream.indirect_vreg.gather [hbm4b:s20+s0], $0x80, v3, vm2, $0xb8;
	[tilespmem:$0x18200] =	vst v63  }
0x3e4: {  	v3 =	vld [tilespmem:$0x150];
	_ =	sdelay $0x4  }
0x3e5: {  	v4 =	vshrl.u32 v3, $0x3  }
0x3e6: {  	v4 =	vmul.u32 $0x18, v4  }
0x3e7: {  	v3 =	vand.u32 $0x7, v3  }
0x3e8: {  	v3 =	vor.u32 v3, v4  }
0x3e9: {  	v4 =	vperm.xlane v3, v0  }
0x3ea: {  	v5 =	vld [tilespmem:$0x1FFF0]  }
0x3eb: {  	v4 =	vadd.s32 v1, v4;
	_ =	sdelay $0x3  }
0x3ec: {  	s7 =	simm.s32 $0x7E00;
	vm2 =	vnez.u8 v5;
	v3 =	vperm.xlane v3, v2  }
0x3ed: {  	[tilespmem:s7], [sflag:$0x1] =	stream.indirect_vreg.gather [hbm4b:s20+s0], $0x80, v4, vm2, $0xb8;
	v4 =	vld [tilespmem:$0x1FFF0]  }
0x3ee: {  	v3 =	vadd.s32 v1, v3;
	_ =	sdelay $0x3  }
0x3ef: {  	s8 =	simm.s32 $0x8A00;
	vm2 =	vnez.u8 v4  }
0x3f0: {  	[tilespmem:s8], [sflag:$0x1] =	stream.indirect_vreg.gather [hbm4b:s20+s0], $0x80, v3, vm2, $0xb8;
	[tilespmem:$0x18200] =	vst v63  }
0x3f1: {  	v3 =	vld [tilespmem:$0x160];
	_ =	sdelay $0x4  }
0x3f2: {  	v4 =	vshrl.u32 v3, $0x3  }
0x3f3: {  	v4 =	vmul.u32 $0x18, v4  }
0x3f4: {  	v3 =	vand.u32 $0x7, v3  }
0x3f5: {  	v3 =	vor.u32 v3, v4  }
0x3f6: {  	v4 =	vperm.xlane v3, v0  }
0x3f7: {  	v5 =	vld [tilespmem:$0x1FFF0]  }
0x3f8: {  	v4 =	vadd.s32 v1, v4;
	_ =	sdelay $0x3  }
0x3f9: {  	s9 =	simm.s32 $0x9600;
	vm2 =	vnez.u8 v5;
	v3 =	vperm.xlane v3, v2  }
0x3fa: {  	[tilespmem:s9], [sflag:$0x1] =	stream.indirect_vreg.gather [hbm4b:s20+s0], $0x80, v4, vm2, $0xb8;
	v4 =	vld [tilespmem:$0x1FFF0]  }
0x3fb: {  	v3 =	vadd.s32 v1, v3;
	_ =	sdelay $0x3  }
0x3fc: {  	s10 =	simm.s32 $0xA200;
	vm2 =	vnez.u8 v4  }
0x3fd: {  	[tilespmem:s10], [sflag:$0x1] =	stream.indirect_vreg.gather [hbm4b:s20+s0], $0x80, v3, vm2, $0xb8;
	[tilespmem:$0x18200] =	vst v63  }
0x3fe: {  	v3 =	vld [tilespmem:$0x170];
	_ =	sdelay $0x4  }
0x3ff: {  	v4 =	vshrl.u32 v3, $0x3  }
0x400: {  	v4 =	vmul.u32 $0x18, v4  }
0x401: {  	v3 =	vand.u32 $0x7, v3  }
0x402: {  	v3 =	vor.u32 v3, v4  }
0x403: {  	v4 =	vperm.xlane v3, v0  }
0x404: {  	v5 =	vld [tilespmem:$0x1FFF0]  }
0x405: {  	v4 =	vadd.s32 v1, v4;
	_ =	sdelay $0x3  }
0x406: {  	s11 =	simm.s32 $0xAE00;
	vm2 =	vnez.u8 v5;
	v3 =	vperm.xlane v3, v2  }
0x407: {  	[tilespmem:s11], [sflag:$0x1] =	stream.indirect_vreg.gather [hbm4b:s20+s0], $0x80, v4, vm2, $0xb8;
	v4 =	vld [tilespmem:$0x1FFF0]  }
0x408: {  	v3 =	vadd.s32 v1, v3;
	_ =	sdelay $0x3  }
0x409: {  	s12 =	simm.s32 $0xBA00;
	s13 =	simm.s32 $0x100;
	vm2 =	vnez.u8 v4  }
0x40a: {  	[tilespmem:s12], [sflag:$0x1] =	stream.indirect_vreg.gather [hbm4b:s20+s0], $0x80, v3, vm2, $0xb8;
	[tilespmem:$0x18200] =	vst v63  }
0x40b: {  	v3 =	vld [tilespmem:s13+$0x0];
	_ =	sdelay $0x3  }
0x40c: {  	vm2 =	vcmask $0x308  }
0x40d: {  	v4 =	vsel vm2, $0x0, v3  }
0x40e: {  	v5 =	vsel vm7, $0x0, v3;
	(xrf0) =	vadd.scan.msk.s32 $0xffff, v4  }
0x40f: {  	v4 =	vsel vm4, $0x0, v3;
	(xrf0) =	vadd.scan.msk.s32 $0xffff, v5  }
0x410: {  	v5 =	vsel vm5, $0x0, v3;
	(xrf0) =	vadd.scan.msk.s32 $0xffff, v4  }
0x411: {  	v4 =	vnsel vm1, $0x0, v3;
	(xrf0) =	vadd.scan.msk.s32 $0xffff, v5  }
0x412: {  	v5 =	vsel vm8, $0x0, v3;
	(xrf0) =	vadd.scan.msk.s32 $0xffff, v4  }
0x413: {  	v4 =	vsel vm13, $0x0, v3;
	(xrf0) =	vadd.scan.msk.s32 $0xffff, v5  }
0x414: {  	v5 =	vsel vm12, $0x0, v3;
	v6, _, _ =	vpop (xrf0);
	(xrf0) =	vadd.scan.msk.s32 $0xffff, v4  }
0x415: {  	v4 =	vsel vm10, $0x0, v3;
	v7, _, _ =	vpop (xrf0);
	(xrf0) =	vadd.scan.msk.s32 $0xffff, v5  }
0x416: {  	v5 =	vsel vm9, $0x0, v3;
	v8, _, _ =	vpop (xrf0);
	(xrf0) =	vadd.scan.msk.s32 $0xffff, v4;
	(v2sf) =	vpush v7, $0xF  }
0x417: {  	v9, _, _ =	vpop (xrf0);
	(xrf0) =	vadd.scan.msk.s32 $0xffff, v5;
	v5 =	vsel vm6, $0x0, v3;
	(v2sf) =	vpush v8, $0xF  }
0x418: {  	v4 =	vsel vm11, $0x0, v3;
	(v2sf) =	vpush v9, $0xF  }
0x419: {  	v58, _, _ =	vpop (xrf0);
	(xrf0) =	vadd.scan.msk.s32 $0xffff, v4;
	(v2sf) =	vpush v6, $0xF  }
0x41a: {  	v4 =	vsel vm14, $0x0, v3;
	(xrf0) =	vadd.scan.msk.s32 $0xffff, v5;
	v5, _, _ =	vpop (xrf0)  }
0x41b: {  	(v2sf) =	vpush v5, $0xF  }
0x41c: {  	v60, _, _ =	vpop (xrf0)  }
0x41d: {  	v59 =	vsel vm3, $0x0, v3;
	(xrf0) =	vadd.scan.msk.s32 $0xffff, v4;
	v4, _, _ =	vpop (xrf0)  }
0x41e: {  	v62 =	vsel vm15, $0x0, v3;
	(xrf0) =	vadd.scan.msk.s32 $0xffff, v59;
	(v2sf) =	vpush v4, $0xF  }
0x41f: {  	s14 =	simm.s32 $0xC80;
	v3 =	vsel vm0, $0x0, v3;
	v5, _, _ =	vpop (xrf0);
	(xrf0) =	vadd.scan.msk.s32 $0xffff, v62  }
0x420: {  	s30 =	simm.s32 $0xA80;
	[dreg:$0xf] =	wrdreg s14;
	s15 =	simm.s32 $0xC00;
	v61, _, _ =	vpop (xrf0);
	(v2sf) =	vpush v5, $0xF;
	(xrf0) =	vadd.scan.msk.s32 $0xffff, v3  }
0x421: {  	s31 =	simm.s32 $0xD00;
	[dreg:$0x14] =	wrdreg s15;
	s16 =	simm.s32 $0x1700;
	v4, _, _ =	vpop (xrf0);
	(v2sf) =	vpush v61, $0xF  }
0x422: {  	s28 =	simm.s32 $0x1680;
	[dreg:$0xb] =	wrdreg s16;
	s17 =	simm.s32 $0x0;
	v5, _, _ =	vpop (xrf0)  }
0x423: {  	s18 =	simm.s32 $0x6000;
	s19 =	simm.s32 $0x110;
	s22 =	simm.s32 $0x1800;
	v3, _, _ =	vpop (xrf0);
	(v2sf) =	vpush v5, $0xF  }
0x424: {  	[dreg:$0x5] =	wrdreg s22;
	s25 =	simm.s32 $0xB80;
	s20 =	simm.s32 $0x1780;
	v5, _, _ =	vpop (xrf0)  }
0x425: {  	s0 =	simm.s32 $0xA00;
	[dreg:$0x8] =	wrdreg s20;
	(v2sf) =	vpush v5, $0xF;
	v5, _, _ =	vpop (xrf0);
	s21 =	spop (v2sf)  }
0x426: {  	v63, _, _ =	vpop (xrf0);
	s23 =	sshrl.u32 s21, $0x3;
	s3 =	spop (v2sf);
	s1 =	sshll.u32 s21, $0x7  }
0x427: {  	(v2sf) =	vpush v63, $0xF;
	s2 =	smul.u32 $0xC00, s23;
	s24 =	spop (v2sf);
	s1 =	sand.u32 $0x380, s1  }
0x428: {  	(v2sf) =	vpush v58, $0xF;
	s26 =	sshll.u32 s24, $0x7;
	s8 =	spop (v2sf);
	s4 =	sshrl.u32 s24, $0x3  }
0x429: {  	s1 =	sor.u32 s1, s2;
	s10 =	sshrl.u32 s8, $0x3;
	s6 =	sshll.u32 s8, $0x7  }
0x42a: {  	s5 =	sand.u32 $0x380, s26;
	s4 =	smul.u32 $0xC00, s4;
	s9 =	spop (v2sf)  }
0x42b: {  	s1 =	sadd.s32 $0x800, s1;
	s13 =	sand.u32 $0x380, s6;
	s22 =	smul.u32 $0xC00, s10  }
0x42c: {  	s11 =	sshrl.u32 s9, $0x3;
	s29 =	sshrl.u32 s1, $0x3;
	s2 =	sshll.u32 s9, $0x7  }
0x42d: {  	s8 =	sor.u32 s5, s4;
	s4 =	simm.s32 $0xB00;
	s12 =	spop (v2sf)  }
0x42e: {  	s14 =	smul.u32 $0xC00, s11;
	s1 =	sor.u32 s13, s22;
	s2 =	sand.u32 $0x380, s2  }
0x42f: {  	s13 =	sshrl.u32 s3, $0x3;
	s15 =	spop (v2sf);
	s1 =	sadd.s32 $0x800, s1  }
0x430: {  	s10 =	sshll.u32 s15, $0x7;
	s23 =	spop (v2sf);
	s20 =	sor.u32 s2, s14  }
0x431: {  	s15 =	sshrl.u32 s15, $0x3;
	s5 =	sshrl.u32 s1, $0x3;
	s7 =	sshrl.u32 s23, $0x3  }
0x432: {  	s11 =	sshll.u32 s23, $0x7;
	s14 =	sand.u32 $0x380, s10;
	s24 =	spop (v2sf)  }
0x433: {  	s10 =	sadd.s32 $0x800, s20;
	s11 =	sand.u32 $0x380, s11;
	s22 =	sshll.u32 s24, $0x7  }
0x434: {  	s21 =	sshrl.u32 s24, $0x3;
	s26 =	spop (v2sf);
	s6 =	sand.u32 $0x380, s22  }
0x435: {  	s23 =	smul.u32 $0xC00, s21;
	s16 =	sshrl.u32 s26, $0x3;
	s24 =	sshll.u32 s26, $0x7  }
0x436: {  	(v2sf) =	vpush v5, $0xF;
	s26 =	sshll.u32 s3, $0x7;
	s9 =	smul.u32 $0xC00, s16;
	s2 =	spop (v2sf)  }
0x437: {  	(v2sf) =	vpush v60, $0xF;
	s6 =	sor.u32 s6, s23;
	s1 =	sand.u32 $0x380, s24;
	s3 =	spop (v2sf)  }
0x438: {  	s16 =	sand.u32 $0x380, s26;
	s26 =	sshll.u32 s12, $0x7;
	(v2sf) =	vpush v4, $0xF;
	s20 =	sshll.u32 s3, $0x7  }
.LBB2_6:
0x439: {  	_ =	sdelay $0x1  }
0x43a: {  	s3 =	sshrl.u32 s3, $0x3  }
0x43b: {  	s1 =	sor.u32 s1, s9;
	s7 =	smul.u32 $0xC00, s7;
	s9 =	sshrl.u32 s12, $0x3  }
0x43c: {  	s23 =	sand.u32 $0x380, s20;
	s6 =	sadd.s32 $0x800, s6;
	s15 =	smul.u32 $0xC00, s15  }
0x43d: {  	s26 =	sand.u32 $0x380, s26;
	s13 =	smul.u32 $0xC00, s13;
	s10 =	sshrl.u32 s10, $0x3  }
0x43e: {  	s8 =	sadd.s32 $0x800, s8;
	s3 =	smul.u32 $0xC00, s3;
	s1 =	sadd.s32 $0x800, s1  }
0x43f: {  	s9 =	smul.u32 $0xC00, s9;
	s8 =	sshrl.u32 s8, $0x3;
	s6 =	sshrl.u32 s6, $0x3  }
0x440: {  	s1 =	sshrl.u32 s1, $0x3;
	s13 =	sor.u32 s16, s13;
	s14 =	sor.u32 s14, s15  }
0x441: {  	s7 =	sor.u32 s11, s7;
	s3 =	sor.u32 s23, s3;
	s14 =	sadd.s32 $0x800, s14  }
0x442: {  	s23 =	rddreg [dreg:$0x1];
	s13 =	sadd.s32 $0x800, s13;
	s9 =	sor.u32 s26, s9  }
0x443: {  	s3 =	sadd.s32 $0x800, s3;
	s1 =	sadd.s32 s23, s1;
	s26 =	sadd.s32 $0x800, s9  }
0x444: {  	s8 =	sadd.s32 s23, s8;
	s3 =	sshrl.u32 s3, $0x3;
	s20 =	spop (v2sf)  }
0x445: {  	s6 =	sadd.s32 s23, s6;
	s3 =	sadd.s32 s23, s3;
	s21 =	spop (v2sf)  }
0x446: {  	s15 =	sshll.u32 s20, $0x7;
	s20 =	sshrl.u32 s20, $0x3;
	s12 =	sshrl.u32 s21, $0x3  }
0x447: {  	s22 =	spop (v2sf);
	s21 =	sshll.u32 s21, $0x7;
	s9 =	smul.u32 $0xC00, s20  }
0x448: {  	s15 =	sand.u32 $0x380, s15;
	s24 =	sshll.u32 s22, $0x7;
	s22 =	sshrl.u32 s22, $0x3  }
0x449: {  	s12 =	smul.u32 $0xC00, s12;
	s16 =	sand.u32 $0x380, s24;
	s24 =	simm.s32 $0x0  }
0x44a: {  	[tilespmem:s0], [sflag:$0x1] =	stream.linear.gather [hbm4b:s3+s24], $0x80, $0x38;
	[tilespmem:$0x18200] =	vst v63  }
0x44b: {  	(v2sf) =	vpush v3, $0xF;
	s20 =	rddreg [dreg:$0x14];
	s9 =	sor.u32 s15, s9;
	s0 =	smul.u32 $0xC00, s22  }
0x44c: {  	s3 =	sshll.u32 s2, $0x7;
	s22 =	sadd.s32 s23, s5;
	s5 =	sshrl.u32 s26, $0x3  }
0x44d: {  	s26 =	sand.u32 $0x380, s21;
	s21 =	sshrl.u32 s14, $0x3;
	s2 =	sshrl.u32 s2, $0x3  }
0x44e: {  	s9 =	sadd.s32 $0x800, s9;
	s12 =	sor.u32 s26, s12;
	s2 =	smul.u32 $0xC00, s2  }
0x44f: {  	[tilespmem:s30], [sflag:$0x1] =	stream.linear.gather [hbm4b:s22+s24], $0x80, $0x38;
	[tilespmem:$0x18200] =	vst v63  }
0x450: {  	s16 =	sor.u32 s16, s0;
	s0 =	sand.u32 $0x380, s3;
	s22 =	sshrl.u32 s13, $0x3  }
0x451: {  	[tilespmem:s4], [sflag:$0x1] =	stream.linear.gather [hbm4b:s1+s24], $0x80, $0x38;
	[tilespmem:$0x18200] =	vst v63  }
0x452: {  	s13 =	sadd.s32 $0x800, s12;
	s3 =	sadd.s32 s23, s22;
	s16 =	sadd.s32 $0x800, s16  }
0x453: {  	[tilespmem:s25], [sflag:$0x1] =	stream.linear.gather [hbm4b:s3+s24], $0x80, $0x38;
	[tilespmem:$0x18200] =	vst v63  }
0x454: {  	s22 =	rddreg [dreg:$0xf];
	s0 =	sor.u32 s0, s2;
	s1 =	sadd.s32 s23, s10  }
0x455: {  	[tilespmem:s20], [sflag:$0x1] =	stream.linear.gather [hbm4b:s8+s24], $0x80, $0x38;
	[tilespmem:$0x18200] =	vst v63  }
0x456: {  	s4 =	sadd.s32 $0xD80, s17;
	s10 =	sadd.s32 $0x800, s7;
	s7 =	sadd.s32 $0x1600, s17  }
0x457: {  	[tilespmem:s22], [sflag:$0x1] =	stream.linear.gather [hbm4b:s6+s24], $0x80, $0x38;
	[tilespmem:$0x18200] =	vst v63  }
0x458: {  	s26 =	sshrl.u32 s16, $0x3;
	s16 =	sadd.s32 s23, s21;
	s25 =	sadd.s32 s23, s29  }
0x459: {  	[tilespmem:s31], [sflag:$0x1] =	stream.linear.gather [hbm4b:s25+s24], $0x80, $0x38;
	[tilespmem:$0x18200] =	vst v63  }
0x45a: {  	s3 =	sshrl.u32 s10, $0x3;
	s10 =	sshrl.u32 s13, $0x3;
	s12 =	spop (v2sf)  }
0x45b: {  	[tilespmem:s4], [sflag:$0x1] =	stream.linear.gather [hbm4b:s1+s24], $0x80, $0x38;
	[tilespmem:$0x18200] =	vst v63  }
0x45c: {  	s13 =	sadd.s32 s23, s3;
	s14 =	sshrl.u32 s12, $0x3;
	s15 =	sshll.u32 s12, $0x7  }
0x45d: {  	[tilespmem:s7], [sflag:$0x1] =	stream.linear.gather [hbm4b:s13+s24], $0x80, $0x38;
	[tilespmem:$0x18200] =	vst v63  }
0x45e: {  	s21 =	sshrl.u32 s9, $0x3;
	s3 =	smul.u32 $0xC00, s14;
	s4 =	sand.u32 $0x380, s15  }
0x45f: {  	[tilespmem:s28], [sflag:$0x1] =	stream.linear.gather [hbm4b:s16+s24], $0x80, $0x38;
	[tilespmem:$0x18200] =	vst v63  }
0x460: {  	s20 =	sadd.s32 s23, s26;
	s22 =	rddreg [dreg:$0xb];
	s3 =	sor.u32 s4, s3  }
0x461: {  	[tilespmem:s22], [sflag:$0x1] =	stream.linear.gather [hbm4b:s20+s24], $0x80, $0x38;
	[tilespmem:$0x18200] =	vst v63  }
0x462: {  	s26 =	rddreg [dreg:$0x8];
	s25 =	sadd.s32 s23, s5;
	s3 =	sadd.s32 $0x800, s3  }
0x463: {  	[tilespmem:s26], [sflag:$0x1] =	stream.linear.gather [hbm4b:s25+s24], $0x80, $0x38;
	[tilespmem:$0x18200] =	vst v63  }
0x464: {  	s6 =	rddreg [dreg:$0x5];
	s5 =	sadd.s32 s23, s10;
	s3 =	sshrl.u32 s3, $0x3  }
0x465: {  	[tilespmem:s6], [sflag:$0x1] =	stream.linear.gather [hbm4b:s5+s24], $0x80, $0x38;
	[tilespmem:$0x18200] =	vst v63  }
0x466: {  	s0 =	sadd.s32 $0x800, s0;
	s8 =	sadd.s32 $0x1880, s17;
	s7 =	sadd.s32 s23, s3  }
0x467: {  	[tilespmem:s8], [sflag:$0x1] =	stream.linear.gather [hbm4b:s7+s24], $0x80, $0x38;
	[tilespmem:$0x18200] =	vst v63  }
0x468: {  	s9 =	sadd.s32 s23, s21;
	s0 =	sshrl.u32 s0, $0x3;
	s10 =	sadd.s32 $0x1900, s17  }
0x469: {  	[tilespmem:s10], [sflag:$0x1] =	stream.linear.gather [hbm4b:s9+s24], $0x80, $0x38;
	[tilespmem:$0x18200] =	vst v63  }
0x46a: {  	s11 =	sadd.s32 $0x1980, s17;
	s0 =	sadd.s32 s23, s0  }
0x46b: {  	[tilespmem:s11], [sflag:$0x1] =	stream.linear.gather [hbm4b:s0+s24], $0x80, $0x38;
	[tilespmem:$0x18200] =	vst v63  }
0x46c: {  	v3 =	vld [tilespmem:s19+$0x0];
	_ =	sdelay $0x4  }
0x46d: {  	v4 =	vsel vm2, $0x0, v3  }
0x46e: {  	v6 =	vsel vm7, $0x0, v3;
	(xrf0) =	vadd.scan.msk.s32 $0xffff, v4  }
0x46f: {  	v4 =	vsel vm4, $0x0, v3;
	(xrf0) =	vadd.scan.msk.s32 $0xffff, v6  }
0x470: {  	v57 =	vsel vm5, $0x0, v3;
	(xrf0) =	vadd.scan.msk.s32 $0xffff, v4  }
0x471: {  	v4 =	vnsel vm1, $0x0, v3;
	(xrf0) =	vadd.scan.msk.s32 $0xffff, v57  }
0x472: {  	v58 =	vsel vm8, $0x0, v3;
	(xrf0) =	vadd.scan.msk.s32 $0xffff, v4  }
0x473: {  	(xrf0) =	vadd.scan.msk.s32 $0xffff, v58  }
0x474: {  	v4 =	vsel vm13, $0x0, v3;
	v11, _, _ =	vpop (xrf0)  }
0x475: {  	v5 =	vsel vm6, $0x0, v3;
	v12, _, _ =	vpop (xrf0)  }
0x476: {  	v7 =	vsel vm3, $0x0, v3;
	v59 =	vsel vm12, $0x0, v3;
	(xrf0) =	vadd.scan.msk.s32 $0xffff, v4;
	v13, _, _ =	vpop (xrf0);
	(v2sf) =	vpush v12, $0xF  }
0x477: {  	v8 =	vsel vm14, $0x0, v3;
	v14 =	vsel vm10, $0x0, v3;
	(xrf0) =	vadd.scan.msk.s32 $0xffff, v59;
	(v2sf) =	vpush v13, $0xF;
	v4, _, _ =	vpop (xrf0)  }
0x478: {  	v9 =	vsel vm15, $0x0, v3;
	v15 =	vsel vm9, $0x0, v3;
	(xrf0) =	vadd.scan.msk.s32 $0xffff, v14;
	v61, _, _ =	vpop (xrf0);
	(v2sf) =	vpush v4, $0xF  }
0x479: {  	v10 =	vsel vm0, $0x0, v3;
	v60 =	vsel vm11, $0x0, v3;
	(xrf0) =	vadd.scan.msk.s32 $0xffff, v15;
	(v2sf) =	vpush v11, $0xF;
	v3, _, _ =	vpop (xrf0)  }
0x47a: {  	(xrf0) =	vadd.scan.msk.s32 $0xffff, v60;
	(v2sf) =	vpush v3, $0xF  }
0x47b: {  	(xrf0) =	vadd.scan.msk.s32 $0xffff, v5  }
0x47c: {  	v4, _, _ =	vpop (xrf0);
	(xrf0) =	vadd.scan.msk.s32 $0xffff, v8  }
0x47d: {  	s12 =	smov.u32 s18;
	(xrf0) =	vadd.scan.msk.s32 $0xffff, v7;
	v3, _, _ =	vpop (xrf0)  }
0x47e: {  	s17 =	sshra.s32 s12, $0x2;
	v5, _, _ =	vpop (xrf0);
	(v2sf) =	vpush v3, $0xF  }
0x47f: {  	p0 =	sne.s32 s18, $0x2A000;
	s14 =	sadd.s32 $0x1700, s17;
	(xrf0) =	vadd.scan.msk.s32 $0xffff, v9;
	v3, _, _ =	vpop (xrf0);
	(v2sf) =	vpush v5, $0xF  }
0x480: {  	s18 =	sadd.s32 $0x6000, s18;
	s15 =	sadd.s32 $0x1780, s17;
	[dreg:$0xb] =	wrdreg s14;
	(xrf0) =	vadd.scan.msk.s32 $0xffff, v10;
	v5, _, _ =	vpop (xrf0)  }
0x481: {  	s30 =	sadd.s32 $0xA80, s17;
	s13 =	sadd.s32 $0xC00, s17;
	[dreg:$0x8] =	wrdreg s15;
	(v2sf) =	vpush v3, $0xF;
	v3, _, _ =	vpop (xrf0)  }
0x482: {  	s31 =	sadd.s32 $0xD00, s17;
	[dreg:$0x14] =	wrdreg s13;
	s16 =	sadd.s32 $0x1800, s17;
	(v2sf) =	vpush v3, $0xF;
	v3, _, _ =	vpop (xrf0)  }
0x483: {  	s4 =	sadd.s32 $0xB00, s17;
	[dreg:$0x5] =	wrdreg s16;
	s0 =	sadd.s32 $0xC80, s17;
	v7, _, _ =	vpop (xrf0)  }
0x484: {  	s28 =	sadd.s32 $0x1680, s17;
	s25 =	sadd.s32 $0xB80, s17;
	[dreg:$0xf] =	wrdreg s0;
	(v2sf) =	vpush v7, $0xF  }
0x485: {  	s0 =	sadd.s32 $0xA00, s17;
	s19 =	sadd.s32 $0x10, s19;
	v62, _, _ =	vpop (xrf0);
	s20 =	spop (v2sf)  }
0x486: {  	v63, _, _ =	vpop (xrf0);
	s21 =	sshrl.u32 s20, $0x3;
	s1 =	sshll.u32 s20, $0x7;
	s16 =	spop (v2sf)  }
0x487: {  	(v2sf) =	vpush v63, $0xF;
	s2 =	smul.u32 $0xC00, s21;
	s22 =	spop (v2sf);
	s1 =	sand.u32 $0x380, s1  }
0x488: {  	(v2sf) =	vpush v61, $0xF;
	s23 =	sshll.u32 s22, $0x7;
	s24 =	spop (v2sf);
	s3 =	sshrl.u32 s22, $0x3  }
0x489: {  	s1 =	sor.u32 s1, s2;
	s26 =	spop (v2sf);
	s9 =	sshrl.u32 s24, $0x3  }
0x48a: {  	s6 =	sshll.u32 s24, $0x7;
	s13 =	sand.u32 $0x380, s23;
	s3 =	smul.u32 $0xC00, s3  }
0x48b: {  	s1 =	sadd.s32 $0x800, s1;
	s10 =	sshrl.u32 s26, $0x3;
	s11 =	sand.u32 $0x380, s6  }
0x48c: {  	s20 =	smul.u32 $0xC00, s9;
	s2 =	sshll.u32 s26, $0x7;
	s29 =	sshrl.u32 s1, $0x3  }
0x48d: {  	s12 =	spop (v2sf);
	s14 =	smul.u32 $0xC00, s10;
	s2 =	sand.u32 $0x380, s2  }
0x48e: {  	s8 =	sor.u32 s13, s3;
	s13 =	sshrl.u32 s16, $0x3;
	s15 =	spop (v2sf)  }
0x48f: {  	s1 =	sor.u32 s11, s20;
	s26 =	sshll.u32 s12, $0x7;
	s10 =	sshll.u32 s15, $0x7  }
0x490: {  	s21 =	spop (v2sf);
	s1 =	sadd.s32 $0x800, s1;
	s6 =	sor.u32 s2, s14  }
0x491: {  	s15 =	sshrl.u32 s15, $0x3;
	s7 =	sshrl.u32 s21, $0x3;
	s11 =	sshll.u32 s21, $0x7  }
0x492: {  	s14 =	sand.u32 $0x380, s10;
	s10 =	sadd.s32 $0x800, s6;
	s22 =	spop (v2sf)  }
0x493: {  	s11 =	sand.u32 $0x380, s11;
	s20 =	sshrl.u32 s22, $0x3;
	s23 =	spop (v2sf)  }
.Ltmp2:
0x494: {  	s5 =	sshll.u32 s22, $0x7;
	s24 =	sshrl.u32 s23, $0x3;
	(pc) =	sbr.rel @p0 .LBB2_6-.Ltmp2, $4  }
0x495: {  	s21 =	sand.u32 $0x380, s5;
	s5 =	sshrl.u32 s1, $0x3;
	s9 =	smul.u32 $0xC00, s24  }
0x496: {  	(v2sf) =	vpush v62, $0xF;
	s22 =	sshll.u32 s23, $0x7;
	s2 =	spop (v2sf);
	s24 =	smul.u32 $0xC00, s20  }
0x497: {  	(v2sf) =	vpush v4, $0xF;
	s23 =	sshll.u32 s16, $0x7;
	s1 =	sand.u32 $0x380, s22;
	s3 =	spop (v2sf)  }
0x498: {  	(v2sf) =	vpush v5, $0xF;
	s16 =	sand.u32 $0x380, s23;
	s6 =	sor.u32 s21, s24;
	s20 =	sshll.u32 s3, $0x7  }
0x499: {  	s9 =	sor.u32 s1, s9;
	s1 =	smul.u32 $0xC00, s7  }
0x49a: {  	s3 =	sshrl.u32 s3, $0x3;
	s21 =	smul.u32 $0xC00, s13  }
0x49b: {  	s18 =	sand.u32 $0x380, s20;
	s19 =	simm.s32 $0x0;
	s22 =	smul.u32 $0xC00, s15  }
0x49c: {  	s20 =	sshrl.u32 s12, $0x3;
	s8 =	sadd.s32 $0x800, s8;
	s3 =	smul.u32 $0xC00, s3  }
0x49d: {  	s23 =	sand.u32 $0x380, s26;
	s10 =	sshrl.u32 s10, $0x3;
	s8 =	sshrl.u32 s8, $0x3  }
0x49e: {  	s7 =	sor.u32 s16, s21;
	s1 =	sor.u32 s11, s1;
	s3 =	sor.u32 s18, s3  }
0x49f: {  	s18 =	rddreg [dreg:$0x1];
	s7 =	sadd.s32 $0x800, s7;
	s3 =	sadd.s32 $0x800, s3  }
0x4a0: {  	s1 =	sadd.s32 $0x800, s1;
	s5 =	sadd.s32 s18, s5;
	s3 =	sshrl.u32 s3, $0x3  }
0x4a1: {  	s7 =	sshrl.u32 s7, $0x3;
	s8 =	sadd.s32 s18, s8;
	s3 =	sadd.s32 s18, s3  }
0x4a2: {  	[tilespmem:s0], [sflag:$0x1] =	stream.linear.gather [hbm4b:s3+s19], $0x80, $0x38;
	[tilespmem:$0x18200] =	vst v63  }
0x4a3: {  	s1 =	sshrl.u32 s1, $0x3;
	s7 =	sadd.s32 s18, s7;
	s0 =	sadd.s32 $0x800, s9  }
0x4a4: {  	s3 =	smul.u32 $0xC00, s20;
	s9 =	sor.u32 s14, s22;
	s22 =	sshll.u32 s2, $0x7  }
0x4a5: {  	[tilespmem:s30], [sflag:$0x1] =	stream.linear.gather [hbm4b:s5+s19], $0x80, $0x38;
	[tilespmem:$0x18200] =	vst v63  }
0x4a6: {  	(v2sf) =	vpush v3, $0xF;
	s0 =	sshrl.u32 s0, $0x3;
	s9 =	sadd.s32 $0x800, s9;
	s5 =	sadd.s32 $0x800, s6  }
0x4a7: {  	s3 =	sor.u32 s23, s3;
	s0 =	sadd.s32 s18, s0;
	s23 =	sadd.s32 s18, s10  }
0x4a8: {  	s9 =	sshrl.u32 s9, $0x3;
	s10 =	rddreg [dreg:$0x8];
	s3 =	sadd.s32 $0x800, s3  }
0x4a9: {  	[tilespmem:s4], [sflag:$0x1] =	stream.linear.gather [hbm4b:s0+s19], $0x80, $0x38;
	[tilespmem:$0x18200] =	vst v63  }
0x4aa: {  	s5 =	sshrl.u32 s5, $0x3;
	s3 =	sshrl.u32 s3, $0x3;
	s6 =	spop (v2sf)  }
0x4ab: {  	s5 =	sadd.s32 s18, s5;
	s24 =	spop (v2sf);
	s21 =	sshll.u32 s6, $0x7  }
0x4ac: {  	[tilespmem:s25], [sflag:$0x1] =	stream.linear.gather [hbm4b:s7+s19], $0x80, $0x38;
	[tilespmem:$0x18200] =	vst v63  }
0x4ad: {  	s6 =	sshrl.u32 s6, $0x3;
	s7 =	sadd.s32 $0x1600, s17;
	s26 =	spop (v2sf)  }
0x4ae: {  	s20 =	sshrl.u32 s24, $0x3;
	s13 =	sshll.u32 s24, $0x7;
	s6 =	smul.u32 $0xC00, s6  }
0x4af: {  	s24 =	sadd.s32 $0xD80, s17;
	s16 =	sshrl.u32 s26, $0x3;
	s15 =	sshll.u32 s26, $0x7  }
0x4b0: {  	s12 =	smul.u32 $0xC00, s20;
	s13 =	sand.u32 $0x380, s13;
	s26 =	rddreg [dreg:$0x14]  }
0x4b1: {  	s20 =	sshrl.u32 s2, $0x3;
	s14 =	smul.u32 $0xC00, s16;
	s15 =	sand.u32 $0x380, s15  }
0x4b2: {  	[tilespmem:s26], [sflag:$0x1] =	stream.linear.gather [hbm4b:s8+s19], $0x80, $0x38;
	[tilespmem:$0x18200] =	vst v63  }
0x4b3: {  	s16 =	sadd.s32 s18, s29;
	s26 =	sadd.s32 s18, s9;
	s8 =	sadd.s32 s18, s3  }
0x4b4: {  	s2 =	smul.u32 $0xC00, s20;
	s12 =	sor.u32 s13, s12;
	s13 =	sand.u32 $0x380, s22  }
0x4b5: {  	s22 =	spop (v2sf);
	s25 =	sadd.s32 $0x800, s12;
	s12 =	rddreg [dreg:$0xf]  }
0x4b6: {  	[tilespmem:s12], [sflag:$0x1] =	stream.linear.gather [hbm4b:s5+s19], $0x80, $0x38;
	[tilespmem:$0x18200] =	vst v63  }
0x4b7: {  	s14 =	sor.u32 s15, s14;
	s15 =	sand.u32 $0x380, s21;
	s2 =	sor.u32 s13, s2  }
0x4b8: {  	[tilespmem:s31], [sflag:$0x1] =	stream.linear.gather [hbm4b:s16+s19], $0x80, $0x38;
	[tilespmem:$0x18200] =	vst v63  }
0x4b9: {  	s14 =	sadd.s32 $0x800, s14;
	s11 =	sshrl.u32 s25, $0x3;
	s6 =	sor.u32 s15, s6  }
0x4ba: {  	[tilespmem:s24], [sflag:$0x1] =	stream.linear.gather [hbm4b:s23+s19], $0x80, $0x38;
	[tilespmem:$0x18200] =	vst v63  }
0x4bb: {  	s25 =	sshll.u32 s22, $0x7;
	s23 =	sadd.s32 s18, s1;
	s24 =	sshrl.u32 s22, $0x3  }
0x4bc: {  	[tilespmem:s7], [sflag:$0x1] =	stream.linear.gather [hbm4b:s23+s19], $0x80, $0x38;
	[tilespmem:$0x18200] =	vst v63  }
0x4bd: {  	s21 =	sshrl.u32 s14, $0x3;
	s4 =	sand.u32 $0x380, s25;
	s1 =	smul.u32 $0xC00, s24  }
0x4be: {  	[tilespmem:s28], [sflag:$0x1] =	stream.linear.gather [hbm4b:s26+s19], $0x80, $0x38;
	[tilespmem:$0x18200] =	vst v63  }
0x4bf: {  	s5 =	sadd.s32 s18, s21;
	s7 =	rddreg [dreg:$0xb];
	s1 =	sor.u32 s4, s1  }
0x4c0: {  	[tilespmem:s7], [sflag:$0x1] =	stream.linear.gather [hbm4b:s5+s19], $0x80, $0x38;
	[tilespmem:$0x18200] =	vst v63  }
0x4c1: {  	s12 =	rddreg [dreg:$0x5];
	s2 =	sadd.s32 $0x800, s2;
	s1 =	sadd.s32 $0x800, s1  }
0x4c2: {  	[tilespmem:s10], [sflag:$0x1] =	stream.linear.gather [hbm4b:s8+s19], $0x80, $0x38;
	[tilespmem:$0x18200] =	vst v63  }
0x4c3: {  	s6 =	sadd.s32 $0x800, s6;
	s11 =	sadd.s32 s18, s11;
	s1 =	sshrl.u32 s1, $0x3  }
0x4c4: {  	[tilespmem:s12], [sflag:$0x1] =	stream.linear.gather [hbm4b:s11+s19], $0x80, $0x38;
	[tilespmem:$0x18200] =	vst v63  }
0x4c5: {  	s14 =	sadd.s32 $0x1880, s17;
	s6 =	sshrl.u32 s6, $0x3;
	s13 =	sadd.s32 s18, s1  }
0x4c6: {  	[tilespmem:s14], [sflag:$0x1] =	stream.linear.gather [hbm4b:s13+s19], $0x80, $0x38;
	[tilespmem:$0x18200] =	vst v63  }
0x4c7: {  	s2 =	sshrl.u32 s2, $0x3;
	s16 =	sadd.s32 $0x1900, s17;
	s15 =	sadd.s32 s18, s6  }
0x4c8: {  	[tilespmem:s16], [sflag:$0x1] =	stream.linear.gather [hbm4b:s15+s19], $0x80, $0x38;
	[tilespmem:$0x18200] =	vst v63  }
0x4c9: {  	s20 =	sadd.s32 s18, s2;
	s21 =	sadd.s32 $0x1980, s17;
	s22 =	simm.s32 $0x2  }
0x4ca: {  	[tilespmem:s21], [sflag:$0x1] =	stream.linear.gather [hbm4b:s20+s19], $0x80, $0x38;
	[tilespmem:$0x18200] =	vst v63  }
0x4cb: {  	_ =	swait.ge [sflag:s22], $0xC000  }
0x4cc: {  	s0 =	simm.s32 $0x0;
	s25 =	simm.s32 $0x3;
	[sflag:s22] =	ssyncset.done $0x0  }
0x4cd: {  	s24 =	simm.s32 $0xC200;
	s23 =	rddreg [dreg:$0x1a];
	[sflag:s22] =	ssyncadd.s32 $0xFFFF4000  }
0x4ce: {  	[hbm4b:s23+s0] =	stream.linear.scatter [tilespmem:s24], [sflag:$0x3], $0xC000, $0x38;
	[tilespmem:$0x18200] =	vst v63  }
0x4cf: {  	_ =	swait.ge [sflag:s25], $0xC000  }
0x4d0: {  	[sflag:s25] =	ssyncset.done $0x0  }
0x4d1: {  	[sflag:s25] =	ssyncadd.s32 $0xFFFF4000  }
0x4d2: {  	v3 =	vld [tilespmem:$0x180];
	_ =	sdelay $0x4  }
0x4d3: {  	v4 =	vshrl.u32 v3, $0x3  }
0x4d4: {  	v4 =	vmul.u32 $0x18, v4  }
0x4d5: {  	v3 =	vand.u32 $0x7, v3  }
0x4d6: {  	v3 =	vor.u32 v3, v4  }
0x4d7: {  	v4 =	vperm.xlane v3, v0  }
0x4d8: {  	v5 =	vld [tilespmem:$0x1FFF0]  }
0x4d9: {  	v4 =	vadd.s32 v1, v4;
	_ =	sdelay $0x3  }
0x4da: {  	vm5 =	vnez.u8 v5;
	v3 =	vperm.xlane v3, v2  }
0x4db: {  	[tilespmem:s24], [sflag:$0x2] =	stream.indirect_vreg.gather [hbm4b:s18+s0], $0x80, v4, vm5, $0xb8;
	v4 =	vld [tilespmem:$0x1FFF0]  }
0x4dc: {  	v3 =	vadd.s32 v1, v3;
	_ =	sdelay $0x3  }
0x4dd: {  	s26 =	simm.s32 $0xCE00;
	vm5 =	vnez.u8 v4  }
0x4de: {  	[tilespmem:s26], [sflag:$0x2] =	stream.indirect_vreg.gather [hbm4b:s18+s0], $0x80, v3, vm5, $0xb8;
	[tilespmem:$0x18200] =	vst v63  }
0x4df: {  	v3 =	vld [tilespmem:$0x190];
	_ =	sdelay $0x4  }
0x4e0: {  	v4 =	vshrl.u32 v3, $0x3  }
0x4e1: {  	v4 =	vmul.u32 $0x18, v4  }
0x4e2: {  	v3 =	vand.u32 $0x7, v3  }
0x4e3: {  	v3 =	vor.u32 v3, v4  }
0x4e4: {  	v4 =	vperm.xlane v3, v0  }
0x4e5: {  	v5 =	vld [tilespmem:$0x1FFF0]  }
0x4e6: {  	v4 =	vadd.s32 v1, v4;
	_ =	sdelay $0x3  }
0x4e7: {  	s2 =	simm.s32 $0xDA00;
	vm5 =	vnez.u8 v5;
	v3 =	vperm.xlane v3, v2  }
0x4e8: {  	[tilespmem:s2], [sflag:$0x2] =	stream.indirect_vreg.gather [hbm4b:s18+s0], $0x80, v4, vm5, $0xb8;
	v4 =	vld [tilespmem:$0x1FFF0]  }
0x4e9: {  	v3 =	vadd.s32 v1, v3;
	_ =	sdelay $0x3  }
0x4ea: {  	s3 =	simm.s32 $0xE600;
	vm5 =	vnez.u8 v4  }
0x4eb: {  	[tilespmem:s3], [sflag:$0x2] =	stream.indirect_vreg.gather [hbm4b:s18+s0], $0x80, v3, vm5, $0xb8;
	[tilespmem:$0x18200] =	vst v63  }
0x4ec: {  	v3 =	vld [tilespmem:$0x1A0];
	_ =	sdelay $0x4  }
0x4ed: {  	v4 =	vshrl.u32 v3, $0x3  }
0x4ee: {  	v4 =	vmul.u32 $0x18, v4  }
0x4ef: {  	v3 =	vand.u32 $0x7, v3  }
0x4f0: {  	v3 =	vor.u32 v3, v4  }
0x4f1: {  	v4 =	vperm.xlane v3, v0  }
0x4f2: {  	v5 =	vld [tilespmem:$0x1FFF0]  }
0x4f3: {  	v4 =	vadd.s32 v1, v4;
	_ =	sdelay $0x3  }
0x4f4: {  	s4 =	simm.s32 $0xF200;
	vm5 =	vnez.u8 v5;
	v3 =	vperm.xlane v3, v2  }
0x4f5: {  	[tilespmem:s4], [sflag:$0x2] =	stream.indirect_vreg.gather [hbm4b:s18+s0], $0x80, v4, vm5, $0xb8;
	v4 =	vld [tilespmem:$0x1FFF0]  }
0x4f6: {  	v3 =	vadd.s32 v1, v3;
	_ =	sdelay $0x3  }
0x4f7: {  	s5 =	simm.s32 $0xFE00;
	vm5 =	vnez.u8 v4  }
0x4f8: {  	[tilespmem:s5], [sflag:$0x2] =	stream.indirect_vreg.gather [hbm4b:s18+s0], $0x80, v3, vm5, $0xb8;
	[tilespmem:$0x18200] =	vst v63  }
0x4f9: {  	v3 =	vld [tilespmem:$0x1B0];
	_ =	sdelay $0x4  }
0x4fa: {  	v4 =	vshrl.u32 v3, $0x3  }
0x4fb: {  	v4 =	vmul.u32 $0x18, v4  }
0x4fc: {  	v3 =	vand.u32 $0x7, v3  }
0x4fd: {  	v3 =	vor.u32 v3, v4  }
0x4fe: {  	v4 =	vperm.xlane v3, v0  }
0x4ff: {  	v5 =	vld [tilespmem:$0x1FFF0]  }
0x500: {  	v4 =	vadd.s32 v1, v4;
	_ =	sdelay $0x3  }
0x501: {  	s6 =	simm.s32 $0x10A00;
	vm5 =	vnez.u8 v5;
	v3 =	vperm.xlane v3, v2  }
0x502: {  	[tilespmem:s6], [sflag:$0x2] =	stream.indirect_vreg.gather [hbm4b:s18+s0], $0x80, v4, vm5, $0xb8;
	v4 =	vld [tilespmem:$0x1FFF0]  }
0x503: {  	v3 =	vadd.s32 v1, v3;
	_ =	sdelay $0x3  }
0x504: {  	s7 =	simm.s32 $0x11600;
	vm5 =	vnez.u8 v4  }
0x505: {  	[tilespmem:s7], [sflag:$0x2] =	stream.indirect_vreg.gather [hbm4b:s18+s0], $0x80, v3, vm5, $0xb8;
	[tilespmem:$0x18200] =	vst v63  }
0x506: {  	v3 =	vld [tilespmem:$0x1C0];
	_ =	sdelay $0x4  }
0x507: {  	v4 =	vshrl.u32 v3, $0x3  }
0x508: {  	v4 =	vmul.u32 $0x18, v4  }
0x509: {  	v3 =	vand.u32 $0x7, v3  }
0x50a: {  	v3 =	vor.u32 v3, v4  }
0x50b: {  	v4 =	vperm.xlane v3, v0  }
0x50c: {  	v5 =	vld [tilespmem:$0x1FFF0]  }
0x50d: {  	v4 =	vadd.s32 v1, v4;
	_ =	sdelay $0x3  }
0x50e: {  	s8 =	simm.s32 $0x12200;
	vm5 =	vnez.u8 v5;
	v3 =	vperm.xlane v3, v2  }
0x50f: {  	[tilespmem:s8], [sflag:$0x2] =	stream.indirect_vreg.gather [hbm4b:s18+s0], $0x80, v4, vm5, $0xb8;
	v4 =	vld [tilespmem:$0x1FFF0]  }
0x510: {  	v3 =	vadd.s32 v1, v3;
	_ =	sdelay $0x3  }
0x511: {  	s9 =	simm.s32 $0x12E00;
	vm5 =	vnez.u8 v4  }
0x512: {  	[tilespmem:s9], [sflag:$0x2] =	stream.indirect_vreg.gather [hbm4b:s18+s0], $0x80, v3, vm5, $0xb8;
	[tilespmem:$0x18200] =	vst v63  }
0x513: {  	v3 =	vld [tilespmem:$0x1D0];
	_ =	sdelay $0x4  }
0x514: {  	v4 =	vshrl.u32 v3, $0x3  }
0x515: {  	v4 =	vmul.u32 $0x18, v4  }
0x516: {  	v3 =	vand.u32 $0x7, v3  }
0x517: {  	v3 =	vor.u32 v3, v4  }
0x518: {  	v4 =	vperm.xlane v3, v0  }
0x519: {  	v5 =	vld [tilespmem:$0x1FFF0]  }
0x51a: {  	v4 =	vadd.s32 v1, v4;
	_ =	sdelay $0x3  }
0x51b: {  	s10 =	simm.s32 $0x13A00;
	vm5 =	vnez.u8 v5;
	v3 =	vperm.xlane v3, v2  }
0x51c: {  	[tilespmem:s10], [sflag:$0x2] =	stream.indirect_vreg.gather [hbm4b:s18+s0], $0x80, v4, vm5, $0xb8;
	v4 =	vld [tilespmem:$0x1FFF0]  }
0x51d: {  	v3 =	vadd.s32 v1, v3;
	_ =	sdelay $0x3  }
0x51e: {  	s11 =	simm.s32 $0x14600;
	vm5 =	vnez.u8 v4  }
0x51f: {  	[tilespmem:s11], [sflag:$0x2] =	stream.indirect_vreg.gather [hbm4b:s18+s0], $0x80, v3, vm5, $0xb8;
	[tilespmem:$0x18200] =	vst v63  }
0x520: {  	v3 =	vld [tilespmem:$0x1E0];
	_ =	sdelay $0x4  }
0x521: {  	v4 =	vshrl.u32 v3, $0x3  }
0x522: {  	v4 =	vmul.u32 $0x18, v4  }
0x523: {  	v3 =	vand.u32 $0x7, v3  }
0x524: {  	v3 =	vor.u32 v3, v4  }
0x525: {  	v4 =	vperm.xlane v3, v0  }
0x526: {  	v5 =	vld [tilespmem:$0x1FFF0]  }
0x527: {  	v4 =	vadd.s32 v1, v4;
	_ =	sdelay $0x3  }
0x528: {  	s12 =	simm.s32 $0x15200;
	vm5 =	vnez.u8 v5;
	v3 =	vperm.xlane v3, v2  }
0x529: {  	[tilespmem:s12], [sflag:$0x2] =	stream.indirect_vreg.gather [hbm4b:s18+s0], $0x80, v4, vm5, $0xb8;
	v4 =	vld [tilespmem:$0x1FFF0]  }
0x52a: {  	v3 =	vadd.s32 v1, v3;
	_ =	sdelay $0x3  }
0x52b: {  	s13 =	simm.s32 $0x15E00;
	vm5 =	vnez.u8 v4  }
0x52c: {  	[tilespmem:s13], [sflag:$0x2] =	stream.indirect_vreg.gather [hbm4b:s18+s0], $0x80, v3, vm5, $0xb8;
	[tilespmem:$0x18200] =	vst v63  }
0x52d: {  	v3 =	vld [tilespmem:$0x1F0];
	_ =	sdelay $0x4  }
0x52e: {  	v4 =	vshrl.u32 v3, $0x3  }
0x52f: {  	v4 =	vmul.u32 $0x18, v4  }
0x530: {  	v3 =	vand.u32 $0x7, v3  }
0x531: {  	v3 =	vor.u32 v3, v4  }
0x532: {  	v4 =	vperm.xlane v3, v0  }
0x533: {  	v5 =	vld [tilespmem:$0x1FFF0]  }
0x534: {  	v4 =	vadd.s32 v1, v4;
	_ =	sdelay $0x3  }
0x535: {  	s14 =	simm.s32 $0x16A00;
	vm5 =	vnez.u8 v5;
	v3 =	vperm.xlane v3, v2  }
0x536: {  	[tilespmem:s14], [sflag:$0x2] =	stream.indirect_vreg.gather [hbm4b:s18+s0], $0x80, v4, vm5, $0xb8;
	v4 =	vld [tilespmem:$0x1FFF0]  }
0x537: {  	v3 =	vadd.s32 v1, v3;
	_ =	sdelay $0x3  }
0x538: {  	s15 =	simm.s32 $0x17600;
	vm5 =	vnez.u8 v4  }
0x539: {  	[tilespmem:s15], [sflag:$0x2] =	stream.indirect_vreg.gather [hbm4b:s18+s0], $0x80, v3, vm5, $0xb8;
	[tilespmem:$0x18200] =	vst v63  }
0x53a: {  	v3 =	vld [tilespmem:$0x180];
	_ =	sdelay $0x4  }
0x53b: {  	v4 =	vshrl.u32 v3, $0x3  }
0x53c: {  	v4 =	vmul.u32 $0x18, v4  }
0x53d: {  	v3 =	vand.u32 $0x7, v3  }
0x53e: {  	v3 =	vor.u32 v3, v4  }
0x53f: {  	v4 =	vperm.xlane v3, v0  }
0x540: {  	v5 =	vld [tilespmem:$0x1FFF0]  }
0x541: {  	v4 =	vadd.s32 v1, v4;
	_ =	sdelay $0x3  }
0x542: {  	s17 =	simm.s32 $0xC600;
	s16 =	rddreg [dreg:$0x19];
	vm5 =	vnez.u8 v5;
	v3 =	vperm.xlane v3, v2  }
0x543: {  	[tilespmem:s17], [sflag:$0x2] =	stream.indirect_vreg.gather [hbm4b:s16+s0], $0x80, v4, vm5, $0xb8;
	v4 =	vld [tilespmem:$0x1FFF0]  }
0x544: {  	v3 =	vadd.s32 v1, v3;
	_ =	sdelay $0x3  }
0x545: {  	s18 =	simm.s32 $0xD200;
	vm5 =	vnez.u8 v4  }
0x546: {  	[tilespmem:s18], [sflag:$0x2] =	stream.indirect_vreg.gather [hbm4b:s16+s0], $0x80, v3, vm5, $0xb8;
	[tilespmem:$0x18200] =	vst v63  }
0x547: {  	v3 =	vld [tilespmem:$0x190];
	_ =	sdelay $0x4  }
0x548: {  	v4 =	vshrl.u32 v3, $0x3  }
0x549: {  	v4 =	vmul.u32 $0x18, v4  }
0x54a: {  	v3 =	vand.u32 $0x7, v3  }
0x54b: {  	v3 =	vor.u32 v3, v4  }
0x54c: {  	v4 =	vperm.xlane v3, v0  }
0x54d: {  	v5 =	vld [tilespmem:$0x1FFF0]  }
0x54e: {  	v4 =	vadd.s32 v1, v4;
	_ =	sdelay $0x3  }
0x54f: {  	s19 =	simm.s32 $0xDE00;
	vm5 =	vnez.u8 v5;
	v3 =	vperm.xlane v3, v2  }
0x550: {  	[tilespmem:s19], [sflag:$0x2] =	stream.indirect_vreg.gather [hbm4b:s16+s0], $0x80, v4, vm5, $0xb8;
	v4 =	vld [tilespmem:$0x1FFF0]  }
0x551: {  	v3 =	vadd.s32 v1, v3;
	_ =	sdelay $0x3  }
0x552: {  	s20 =	simm.s32 $0xEA00;
	vm5 =	vnez.u8 v4  }
0x553: {  	[tilespmem:s20], [sflag:$0x2] =	stream.indirect_vreg.gather [hbm4b:s16+s0], $0x80, v3, vm5, $0xb8;
	[tilespmem:$0x18200] =	vst v63  }
0x554: {  	v3 =	vld [tilespmem:$0x1A0];
	_ =	sdelay $0x4  }
0x555: {  	v4 =	vshrl.u32 v3, $0x3  }
0x556: {  	v4 =	vmul.u32 $0x18, v4  }
0x557: {  	v3 =	vand.u32 $0x7, v3  }
0x558: {  	v3 =	vor.u32 v3, v4  }
0x559: {  	v4 =	vperm.xlane v3, v0  }
0x55a: {  	v5 =	vld [tilespmem:$0x1FFF0]  }
0x55b: {  	v4 =	vadd.s32 v1, v4;
	_ =	sdelay $0x3  }
0x55c: {  	s21 =	simm.s32 $0xF600;
	vm5 =	vnez.u8 v5;
	v3 =	vperm.xlane v3, v2  }
0x55d: {  	[tilespmem:s21], [sflag:$0x2] =	stream.indirect_vreg.gather [hbm4b:s16+s0], $0x80, v4, vm5, $0xb8;
	v4 =	vld [tilespmem:$0x1FFF0]  }
0x55e: {  	v3 =	vadd.s32 v1, v3;
	_ =	sdelay $0x3  }
0x55f: {  	s22 =	simm.s32 $0x10200;
	vm5 =	vnez.u8 v4  }
0x560: {  	[tilespmem:s22], [sflag:$0x2] =	stream.indirect_vreg.gather [hbm4b:s16+s0], $0x80, v3, vm5, $0xb8;
	[tilespmem:$0x18200] =	vst v63  }
0x561: {  	v3 =	vld [tilespmem:$0x1B0];
	_ =	sdelay $0x4  }
0x562: {  	v4 =	vshrl.u32 v3, $0x3  }
0x563: {  	v4 =	vmul.u32 $0x18, v4  }
0x564: {  	v3 =	vand.u32 $0x7, v3  }
0x565: {  	v3 =	vor.u32 v3, v4  }
0x566: {  	v4 =	vperm.xlane v3, v0  }
0x567: {  	v5 =	vld [tilespmem:$0x1FFF0]  }
0x568: {  	v4 =	vadd.s32 v1, v4;
	_ =	sdelay $0x3  }
0x569: {  	s23 =	simm.s32 $0x10E00;
	vm5 =	vnez.u8 v5;
	v3 =	vperm.xlane v3, v2  }
0x56a: {  	[tilespmem:s23], [sflag:$0x2] =	stream.indirect_vreg.gather [hbm4b:s16+s0], $0x80, v4, vm5, $0xb8;
	v4 =	vld [tilespmem:$0x1FFF0]  }
0x56b: {  	v3 =	vadd.s32 v1, v3;
	_ =	sdelay $0x3  }
0x56c: {  	s24 =	simm.s32 $0x11A00;
	vm5 =	vnez.u8 v4  }
0x56d: {  	[tilespmem:s24], [sflag:$0x2] =	stream.indirect_vreg.gather [hbm4b:s16+s0], $0x80, v3, vm5, $0xb8;
	[tilespmem:$0x18200] =	vst v63  }
0x56e: {  	v3 =	vld [tilespmem:$0x1C0];
	_ =	sdelay $0x4  }
0x56f: {  	v4 =	vshrl.u32 v3, $0x3  }
0x570: {  	v4 =	vmul.u32 $0x18, v4  }
0x571: {  	v3 =	vand.u32 $0x7, v3  }
0x572: {  	v3 =	vor.u32 v3, v4  }
0x573: {  	v4 =	vperm.xlane v3, v0  }
0x574: {  	v5 =	vld [tilespmem:$0x1FFF0]  }
0x575: {  	v4 =	vadd.s32 v1, v4;
	_ =	sdelay $0x3  }
0x576: {  	s25 =	simm.s32 $0x12600;
	vm5 =	vnez.u8 v5;
	v3 =	vperm.xlane v3, v2  }
0x577: {  	[tilespmem:s25], [sflag:$0x2] =	stream.indirect_vreg.gather [hbm4b:s16+s0], $0x80, v4, vm5, $0xb8;
	v4 =	vld [tilespmem:$0x1FFF0]  }
0x578: {  	v3 =	vadd.s32 v1, v3;
	_ =	sdelay $0x3  }
0x579: {  	s26 =	simm.s32 $0x13200;
	vm5 =	vnez.u8 v4  }
0x57a: {  	[tilespmem:s26], [sflag:$0x2] =	stream.indirect_vreg.gather [hbm4b:s16+s0], $0x80, v3, vm5, $0xb8;
	[tilespmem:$0x18200] =	vst v63  }
0x57b: {  	v3 =	vld [tilespmem:$0x1D0];
	_ =	sdelay $0x4  }
0x57c: {  	v4 =	vshrl.u32 v3, $0x3  }
0x57d: {  	v4 =	vmul.u32 $0x18, v4  }
0x57e: {  	v3 =	vand.u32 $0x7, v3  }
0x57f: {  	v3 =	vor.u32 v3, v4  }
0x580: {  	v4 =	vperm.xlane v3, v0  }
0x581: {  	v5 =	vld [tilespmem:$0x1FFF0]  }
0x582: {  	v4 =	vadd.s32 v1, v4;
	_ =	sdelay $0x3  }
0x583: {  	s3 =	simm.s32 $0x13E00;
	vm5 =	vnez.u8 v5;
	v3 =	vperm.xlane v3, v2  }
0x584: {  	[tilespmem:s3], [sflag:$0x2] =	stream.indirect_vreg.gather [hbm4b:s16+s0], $0x80, v4, vm5, $0xb8;
	v4 =	vld [tilespmem:$0x1FFF0]  }
0x585: {  	v3 =	vadd.s32 v1, v3;
	_ =	sdelay $0x3  }
0x586: {  	s4 =	simm.s32 $0x14A00;
	vm5 =	vnez.u8 v4  }
0x587: {  	[tilespmem:s4], [sflag:$0x2] =	stream.indirect_vreg.gather [hbm4b:s16+s0], $0x80, v3, vm5, $0xb8;
	[tilespmem:$0x18200] =	vst v63  }
0x588: {  	v3 =	vld [tilespmem:$0x1E0];
	_ =	sdelay $0x4  }
0x589: {  	v4 =	vshrl.u32 v3, $0x3  }
0x58a: {  	v4 =	vmul.u32 $0x18, v4  }
0x58b: {  	v3 =	vand.u32 $0x7, v3  }
0x58c: {  	v3 =	vor.u32 v3, v4  }
0x58d: {  	v4 =	vperm.xlane v3, v0  }
0x58e: {  	v5 =	vld [tilespmem:$0x1FFF0]  }
0x58f: {  	v4 =	vadd.s32 v1, v4;
	_ =	sdelay $0x3  }
0x590: {  	s5 =	simm.s32 $0x15600;
	vm5 =	vnez.u8 v5;
	v3 =	vperm.xlane v3, v2  }
0x591: {  	[tilespmem:s5], [sflag:$0x2] =	stream.indirect_vreg.gather [hbm4b:s16+s0], $0x80, v4, vm5, $0xb8;
	v4 =	vld [tilespmem:$0x1FFF0]  }
0x592: {  	v3 =	vadd.s32 v1, v3;
	_ =	sdelay $0x3  }
0x593: {  	s6 =	simm.s32 $0x16200;
	vm5 =	vnez.u8 v4  }
0x594: {  	[tilespmem:s6], [sflag:$0x2] =	stream.indirect_vreg.gather [hbm4b:s16+s0], $0x80, v3, vm5, $0xb8;
	[tilespmem:$0x18200] =	vst v63  }
0x595: {  	v3 =	vld [tilespmem:$0x1F0];
	_ =	sdelay $0x4  }
0x596: {  	v4 =	vshrl.u32 v3, $0x3  }
0x597: {  	v4 =	vmul.u32 $0x18, v4  }
0x598: {  	v3 =	vand.u32 $0x7, v3  }
0x599: {  	v3 =	vor.u32 v3, v4  }
0x59a: {  	v4 =	vperm.xlane v3, v0  }
0x59b: {  	v5 =	vld [tilespmem:$0x1FFF0]  }
0x59c: {  	v4 =	vadd.s32 v1, v4;
	_ =	sdelay $0x3  }
0x59d: {  	s7 =	simm.s32 $0x16E00;
	vm5 =	vnez.u8 v5;
	v3 =	vperm.xlane v3, v2  }
0x59e: {  	[tilespmem:s7], [sflag:$0x2] =	stream.indirect_vreg.gather [hbm4b:s16+s0], $0x80, v4, vm5, $0xb8;
	v4 =	vld [tilespmem:$0x1FFF0]  }
0x59f: {  	v3 =	vadd.s32 v1, v3;
	_ =	sdelay $0x3  }
0x5a0: {  	s8 =	simm.s32 $0x17A00;
	s9 =	simm.s32 $0x180;
	vm5 =	vnez.u8 v4  }
0x5a1: {  	[tilespmem:s8], [sflag:$0x2] =	stream.indirect_vreg.gather [hbm4b:s16+s0], $0x80, v3, vm5, $0xb8;
	[tilespmem:$0x18200] =	vst v63  }
0x5a2: {  	v3 =	vld [tilespmem:s9+$0x0];
	_ =	sdelay $0x4  }
0x5a3: {  	v4 =	vsel vm2, $0x0, v3  }
0x5a4: {  	v5 =	vsel vm7, $0x0, v3;
	(xrf0) =	vadd.scan.msk.s32 $0xffff, v4  }
0x5a5: {  	vm5 =	vcmask $0xF14;
	v4 =	vsel vm4, $0x0, v3;
	(xrf0) =	vadd.scan.msk.s32 $0xffff, v5  }
0x5a6: {  	v5 =	vsel vm5, $0x0, v3;
	(xrf0) =	vadd.scan.msk.s32 $0xffff, v4  }
0x5a7: {  	(xrf0) =	vadd.scan.msk.s32 $0xffff, v5  }
0x5a8: {  	v4 =	vnsel vm1, $0x0, v3  }
0x5a9: {  	v5 =	vsel vm8, $0x0, v3;
	(xrf0) =	vadd.scan.msk.s32 $0xffff, v4  }
0x5aa: {  	v4 =	vsel vm13, $0x0, v3;
	(xrf0) =	vadd.scan.msk.s32 $0xffff, v5;
	v6, _, _ =	vpop (xrf0)  }
0x5ab: {  	v5 =	vsel vm12, $0x0, v3;
	(xrf0) =	vadd.scan.msk.s32 $0xffff, v4;
	v7, _, _ =	vpop (xrf0)  }
0x5ac: {  	v4 =	vsel vm10, $0x0, v3;
	(xrf0) =	vadd.scan.msk.s32 $0xffff, v5;
	v8, _, _ =	vpop (xrf0);
	(v2sf) =	vpush v7, $0xF  }
0x5ad: {  	v5 =	vsel vm9, $0x0, v3;
	(xrf0) =	vadd.scan.msk.s32 $0xffff, v4;
	v9, _, _ =	vpop (xrf0);
	(v2sf) =	vpush v8, $0xF  }
0x5ae: {  	(xrf0) =	vadd.scan.msk.s32 $0xffff, v5;
	v5 =	vsel vm6, $0x0, v3;
	(v2sf) =	vpush v9, $0xF  }
0x5af: {  	v4 =	vsel vm11, $0x0, v3  }
0x5b0: {  	v58, _, _ =	vpop (xrf0);
	(xrf0) =	vadd.scan.msk.s32 $0xffff, v4;
	v4 =	vsel vm14, $0x0, v3;
	(v2sf) =	vpush v6, $0xF  }
0x5b1: {  	(xrf0) =	vadd.scan.msk.s32 $0xffff, v5;
	v5, _, _ =	vpop (xrf0)  }
0x5b2: {  	v60, _, _ =	vpop (xrf0);
	(v2sf) =	vpush v5, $0xF  }
0x5b3: {  	(xrf0) =	vadd.scan.msk.s32 $0xffff, v4;
	v4, _, _ =	vpop (xrf0)  }
0x5b4: {  	v59 =	vsel vm3, $0x0, v3;
	(v2sf) =	vpush v4, $0xF  }
0x5b5: {  	s10 =	simm.s32 $0xCC80;
	v62 =	vsel vm15, $0x0, v3;
	(xrf0) =	vadd.scan.msk.s32 $0xffff, v59;
	v5, _, _ =	vpop (xrf0)  }
0x5b6: {  	[dreg:$0x15] =	wrdreg s10;
	s11 =	simm.s32 $0xCC00;
	v3 =	vsel vm0, $0x0, v3;
	(xrf0) =	vadd.scan.msk.s32 $0xffff, v62;
	(v2sf) =	vpush v5, $0xF  }
0x5b7: {  	[dreg:$0x16] =	wrdreg s11;
	s12 =	simm.s32 $0xD700;
	v61, _, _ =	vpop (xrf0);
	(xrf0) =	vadd.scan.msk.s32 $0xffff, v3  }
0x5b8: {  	[dreg:$0x11] =	wrdreg s12;
	s13 =	simm.s32 $0xD780;
	v4, _, _ =	vpop (xrf0);
	(v2sf) =	vpush v61, $0xF  }
0x5b9: {  	s29 =	simm.s32 $0xD680;
	[dreg:$0x10] =	wrdreg s13;
	s15 =	simm.s32 $0xD800;
	v5, _, _ =	vpop (xrf0)  }
0x5ba: {  	s28 =	simm.s32 $0xCA80;
	[dreg:$0xc] =	wrdreg s15;
	s17 =	simm.s32 $0x0;
	v3, _, _ =	vpop (xrf0);
	(v2sf) =	vpush v5, $0xF  }
0x5bb: {  	s18 =	simm.s32 $0x6000;
	s19 =	simm.s32 $0x190;
	v5, _, _ =	vpop (xrf0);
	s14 =	spop (v2sf)  }
0x5bc: {  	s25 =	simm.s32 $0xCB80;
	(v2sf) =	vpush v5, $0xF;
	v5, _, _ =	vpop (xrf0);
	s16 =	sshrl.u32 s14, $0x3;
	s3 =	spop (v2sf)  }
0x5bd: {  	v63, _, _ =	vpop (xrf0);
	s1 =	sshll.u32 s14, $0x7;
	s2 =	smul.u32 $0xC00, s16;
	s20 =	spop (v2sf)  }
0x5be: {  	s0 =	simm.s32 $0xCA00;
	(v2sf) =	vpush v63, $0xF;
	s1 =	sand.u32 $0x380, s1;
	s21 =	sshll.u32 s20, $0x7  }
0x5bf: {  	(v2sf) =	vpush v58, $0xF;
	s22 =	spop (v2sf);
	s4 =	sshrl.u32 s20, $0x3;
	s1 =	sor.u32 s1, s2  }
0x5c0: {  	s24 =	sshrl.u32 s22, $0x3;
	s6 =	sshll.u32 s22, $0x7;
	s4 =	smul.u32 $0xC00, s4  }
0x5c1: {  	s23 =	spop (v2sf);
	s1 =	sadd.s32 $0x800, s1;
	s6 =	sand.u32 $0x380, s6  }
0x5c2: {  	s7 =	smul.u32 $0xC00, s24;
	s26 =	sshrl.u32 s23, $0x3;
	s31 =	sshrl.u32 s1, $0x3  }
0x5c3: {  	s2 =	sshll.u32 s23, $0x7;
	s11 =	spop (v2sf);
	s8 =	smul.u32 $0xC00, s26  }
0x5c4: {  	s26 =	sand.u32 $0x380, s21;
	s1 =	sor.u32 s6, s7;
	s2 =	sand.u32 $0x380, s2  }
0x5c5: {  	s12 =	spop (v2sf);
	s1 =	sadd.s32 $0x800, s1;
	s26 =	sor.u32 s26, s4  }
0x5c6: {  	s4 =	simm.s32 $0xCD00;
	s7 =	sshll.u32 s11, $0x7;
	s9 =	sshll.u32 s12, $0x7  }
0x5c7: {  	s22 =	spop (v2sf);
	s2 =	sor.u32 s2, s8;
	s5 =	sshrl.u32 s12, $0x3  }
0x5c8: {  	s15 =	sshrl.u32 s22, $0x3;
	s20 =	sshll.u32 s22, $0x7;
	s8 =	sand.u32 $0x380, s9  }
0x5c9: {  	s9 =	sadd.s32 $0x800, s2;
	s2 =	simm.s32 $0xCB00;
	s23 =	spop (v2sf)  }
0x5ca: {  	s12 =	sand.u32 $0x380, s20;
	s16 =	sshrl.u32 s23, $0x3;
	s21 =	sshll.u32 s23, $0x7  }
0x5cb: {  	s24 =	spop (v2sf);
	s22 =	sand.u32 $0x380, s21;
	s6 =	smul.u32 $0xC00, s16  }
0x5cc: {  	s14 =	sshrl.u32 s24, $0x3;
	s23 =	sshll.u32 s24, $0x7;
	s24 =	sshll.u32 s3, $0x7  }
0x5cd: {  	(v2sf) =	vpush v5, $0xF;
	s10 =	smul.u32 $0xC00, s14;
	s30 =	spop (v2sf);
	s16 =	sor.u32 s22, s6  }
0x5ce: {  	(v2sf) =	vpush v60, $0xF;
	s14 =	sshrl.u32 s1, $0x3;
	s1 =	sand.u32 $0x380, s23;
	s20 =	spop (v2sf)  }
0x5cf: {  	s6 =	sshrl.u32 s3, $0x3;
	s13 =	sand.u32 $0x380, s24;
	(v2sf) =	vpush v4, $0xF;
	s3 =	sshll.u32 s20, $0x7  }
.LBB2_8:
0x5d0: {  	_ =	sdelay $0x3  }
0x5d1: {  	s20 =	sshrl.u32 s20, $0x3  }
0x5d2: {  	s1 =	sor.u32 s1, s10;
	s15 =	smul.u32 $0xC00, s15;
	s11 =	sshrl.u32 s11, $0x3  }
0x5d3: {  	s3 =	sand.u32 $0x380, s3;
	s16 =	sadd.s32 $0x800, s16;
	s5 =	smul.u32 $0xC00, s5  }
0x5d4: {  	s7 =	sand.u32 $0x380, s7;
	s6 =	smul.u32 $0xC00, s6;
	s9 =	sshrl.u32 s9, $0x3  }
0x5d5: {  	s26 =	sadd.s32 $0x800, s26;
	s23 =	smul.u32 $0xC00, s20;
	s1 =	sadd.s32 $0x800, s1  }
0x5d6: {  	s11 =	smul.u32 $0xC00, s11;
	s26 =	sshrl.u32 s26, $0x3;
	s1 =	sshrl.u32 s1, $0x3  }
0x5d7: {  	s6 =	sor.u32 s13, s6;
	s5 =	sor.u32 s8, s5;
	s12 =	sor.u32 s12, s15  }
0x5d8: {  	s15 =	rddreg [dreg:$0x16];
	s3 =	sor.u32 s3, s23;
	s23 =	sadd.s32 $0x800, s5  }
0x5d9: {  	s6 =	sadd.s32 $0x800, s6;
	s3 =	sadd.s32 $0x800, s3;
	s20 =	spop (v2sf)  }
0x5da: {  	s7 =	sor.u32 s7, s11;
	s3 =	sshrl.u32 s3, $0x3;
	s21 =	spop (v2sf)  }
0x5db: {  	s8 =	sshll.u32 s20, $0x7;
	s11 =	sshrl.u32 s20, $0x3;
	s20 =	simm.s32 $0x0  }
0x5dc: {  	s10 =	sshrl.u32 s21, $0x3;
	s22 =	spop (v2sf);
	s21 =	sshll.u32 s21, $0x7  }
0x5dd: {  	s24 =	sshll.u32 s22, $0x7;
	s22 =	sshrl.u32 s22, $0x3;
	s10 =	smul.u32 $0xC00, s10  }
0x5de: {  	s8 =	sand.u32 $0x380, s8;
	s13 =	sand.u32 $0x380, s24;
	s5 =	smul.u32 $0xC00, s22  }
0x5df: {  	s24 =	rddreg [dreg:$0x1];
	s22 =	sadd.s32 $0x800, s7;
	s7 =	smul.u32 $0xC00, s11  }
0x5e0: {  	s3 =	sadd.s32 s24, s3;
	s1 =	sadd.s32 s24, s1;
	s14 =	sadd.s32 s24, s14  }
0x5e1: {  	[tilespmem:s0], [sflag:$0x2] =	stream.linear.gather [hbm4b:s3+s20], $0x80, $0x38;
	[tilespmem:$0x18200] =	vst v63  }
0x5e2: {  	(v2sf) =	vpush v3, $0xF;
	s3 =	sshll.u32 s30, $0x7;
	s13 =	sor.u32 s13, s5;
	s5 =	sshrl.u32 s22, $0x3  }
0x5e3: {  	s22 =	sand.u32 $0x380, s21;
	s21 =	rddreg [dreg:$0x15];
	s7 =	sor.u32 s8, s7  }
0x5e4: {  	s0 =	sand.u32 $0x380, s3;
	s11 =	sadd.s32 $0x800, s13;
	s10 =	sor.u32 s22, s10  }
0x5e5: {  	s13 =	sadd.s32 $0x800, s12;
	s22 =	sadd.s32 s24, s31;
	s7 =	sadd.s32 $0x800, s7  }
0x5e6: {  	[tilespmem:s28], [sflag:$0x2] =	stream.linear.gather [hbm4b:s14+s20], $0x80, $0x38;
	[tilespmem:$0x18200] =	vst v63  }
0x5e7: {  	s14 =	sshrl.u32 s6, $0x3;
	s6 =	sadd.s32 s24, s26;
	s26 =	sshrl.u32 s16, $0x3  }
0x5e8: {  	[tilespmem:s2], [sflag:$0x2] =	stream.linear.gather [hbm4b:s1+s20], $0x80, $0x38;
	[tilespmem:$0x18200] =	vst v63  }
0x5e9: {  	s10 =	sadd.s32 $0x800, s10;
	s16 =	sshrl.u32 s23, $0x3;
	s3 =	sadd.s32 s24, s14  }
0x5ea: {  	[tilespmem:s25], [sflag:$0x2] =	stream.linear.gather [hbm4b:s3+s20], $0x80, $0x38;
	[tilespmem:$0x18200] =	vst v63  }
0x5eb: {  	s23 =	sshrl.u32 s30, $0x3;
	s14 =	sadd.s32 s24, s26;
	s10 =	sshrl.u32 s10, $0x3  }
0x5ec: {  	[tilespmem:s15], [sflag:$0x2] =	stream.linear.gather [hbm4b:s6+s20], $0x80, $0x38;
	[tilespmem:$0x18200] =	vst v63  }
0x5ed: {  	s23 =	smul.u32 $0xC00, s23;
	s1 =	sadd.s32 s24, s9;
	s2 =	sadd.s32 $0xCD80, s17  }
0x5ee: {  	[tilespmem:s21], [sflag:$0x2] =	stream.linear.gather [hbm4b:s14+s20], $0x80, $0x38;
	[tilespmem:$0x18200] =	vst v63  }
0x5ef: {  	s9 =	sadd.s32 $0xD600, s17;
	s0 =	sor.u32 s0, s23;
	s3 =	sshrl.u32 s13, $0x3  }
0x5f0: {  	[tilespmem:s4], [sflag:$0x2] =	stream.linear.gather [hbm4b:s22+s20], $0x80, $0x38;
	[tilespmem:$0x18200] =	vst v63  }
0x5f1: {  	s25 =	sshrl.u32 s11, $0x3;
	s0 =	sadd.s32 $0x800, s0;
	s26 =	spop (v2sf)  }
0x5f2: {  	[tilespmem:s2], [sflag:$0x2] =	stream.linear.gather [hbm4b:s1+s20], $0x80, $0x38;
	[tilespmem:$0x18200] =	vst v63  }
0x5f3: {  	s3 =	sadd.s32 s24, s3;
	s12 =	sshrl.u32 s26, $0x3;
	s13 =	sshll.u32 s26, $0x7  }
0x5f4: {  	[tilespmem:s9], [sflag:$0x2] =	stream.linear.gather [hbm4b:s3+s20], $0x80, $0x38;
	[tilespmem:$0x18200] =	vst v63  }
0x5f5: {  	s14 =	sadd.s32 s24, s16;
	s2 =	smul.u32 $0xC00, s12;
	s3 =	sand.u32 $0x380, s13  }
0x5f6: {  	[tilespmem:s29], [sflag:$0x2] =	stream.linear.gather [hbm4b:s14+s20], $0x80, $0x38;
	[tilespmem:$0x18200] =	vst v63  }
0x5f7: {  	s15 =	sadd.s32 s24, s25;
	s21 =	rddreg [dreg:$0x11];
	s2 =	sor.u32 s3, s2  }
0x5f8: {  	[tilespmem:s21], [sflag:$0x2] =	stream.linear.gather [hbm4b:s15+s20], $0x80, $0x38;
	[tilespmem:$0x18200] =	vst v63  }
0x5f9: {  	s25 =	rddreg [dreg:$0x10];
	s22 =	sadd.s32 s24, s5;
	s2 =	sadd.s32 $0x800, s2  }
0x5fa: {  	[tilespmem:s25], [sflag:$0x2] =	stream.linear.gather [hbm4b:s22+s20], $0x80, $0x38;
	[tilespmem:$0x18200] =	vst v63  }
0x5fb: {  	s26 =	sadd.s32 s24, s10;
	s5 =	rddreg [dreg:$0xc];
	s2 =	sshrl.u32 s2, $0x3  }
0x5fc: {  	[tilespmem:s5], [sflag:$0x2] =	stream.linear.gather [hbm4b:s26+s20], $0x80, $0x38;
	[tilespmem:$0x18200] =	vst v63  }
0x5fd: {  	s16 =	sshrl.u32 s7, $0x3;
	s7 =	sadd.s32 $0xD880, s17;
	s6 =	sadd.s32 s24, s2  }
0x5fe: {  	[tilespmem:s7], [sflag:$0x2] =	stream.linear.gather [hbm4b:s6+s20], $0x80, $0x38;
	[tilespmem:$0x18200] =	vst v63  }
0x5ff: {  	s0 =	sshrl.u32 s0, $0x3;
	s8 =	sadd.s32 s24, s16;
	s9 =	sadd.s32 $0xD900, s17  }
0x600: {  	[tilespmem:s9], [sflag:$0x2] =	stream.linear.gather [hbm4b:s8+s20], $0x80, $0x38;
	[tilespmem:$0x18200] =	vst v63  }
0x601: {  	s0 =	sadd.s32 s24, s0;
	s10 =	sadd.s32 $0xD980, s17  }
0x602: {  	[tilespmem:s10], [sflag:$0x2] =	stream.linear.gather [hbm4b:s0+s20], $0x80, $0x38;
	[tilespmem:$0x18200] =	vst v63  }
0x603: {  	v3 =	vld [tilespmem:s19+$0x0];
	_ =	sdelay $0x4  }
0x604: {  	v4 =	vsel vm2, $0x0, v3  }
0x605: {  	v6 =	vsel vm7, $0x0, v3;
	(xrf0) =	vadd.scan.msk.s32 $0xffff, v4  }
0x606: {  	v4 =	vsel vm4, $0x0, v3;
	(xrf0) =	vadd.scan.msk.s32 $0xffff, v6  }
0x607: {  	v57 =	vsel vm5, $0x0, v3;
	(xrf0) =	vadd.scan.msk.s32 $0xffff, v4  }
0x608: {  	v4 =	vnsel vm1, $0x0, v3;
	(xrf0) =	vadd.scan.msk.s32 $0xffff, v57  }
0x609: {  	v58 =	vsel vm8, $0x0, v3;
	(xrf0) =	vadd.scan.msk.s32 $0xffff, v4  }
0x60a: {  	(xrf0) =	vadd.scan.msk.s32 $0xffff, v58  }
0x60b: {  	v4 =	vsel vm13, $0x0, v3;
	v11, _, _ =	vpop (xrf0)  }
0x60c: {  	v5 =	vsel vm6, $0x0, v3;
	v12, _, _ =	vpop (xrf0)  }
0x60d: {  	v7 =	vsel vm3, $0x0, v3;
	v59 =	vsel vm12, $0x0, v3;
	(xrf0) =	vadd.scan.msk.s32 $0xffff, v4;
	v13, _, _ =	vpop (xrf0);
	(v2sf) =	vpush v12, $0xF  }
0x60e: {  	v8 =	vsel vm14, $0x0, v3;
	v14 =	vsel vm10, $0x0, v3;
	(xrf0) =	vadd.scan.msk.s32 $0xffff, v59;
	(v2sf) =	vpush v13, $0xF;
	v4, _, _ =	vpop (xrf0)  }
0x60f: {  	v9 =	vsel vm15, $0x0, v3;
	v10 =	vsel vm0, $0x0, v3;
	(xrf0) =	vadd.scan.msk.s32 $0xffff, v14;
	v61, _, _ =	vpop (xrf0);
	(v2sf) =	vpush v4, $0xF  }
0x610: {  	v15 =	vsel vm9, $0x0, v3;
	v60 =	vsel vm11, $0x0, v3;
	(v2sf) =	vpush v11, $0xF;
	v3, _, _ =	vpop (xrf0)  }
0x611: {  	(xrf0) =	vadd.scan.msk.s32 $0xffff, v15;
	(v2sf) =	vpush v3, $0xF  }
0x612: {  	(xrf0) =	vadd.scan.msk.s32 $0xffff, v60  }
0x613: {  	(xrf0) =	vadd.scan.msk.s32 $0xffff, v5;
	v4, _, _ =	vpop (xrf0)  }
0x614: {  	s11 =	smov.u32 s18;
	(xrf0) =	vadd.scan.msk.s32 $0xffff, v8;
	v3, _, _ =	vpop (xrf0)  }
0x615: {  	s17 =	sshra.s32 s11, $0x2;
	(xrf0) =	vadd.scan.msk.s32 $0xffff, v7;
	v5, _, _ =	vpop (xrf0);
	(v2sf) =	vpush v3, $0xF  }
0x616: {  	p0 =	sne.s32 s18, $0x2A000;
	s12 =	sadd.s32 $0xCC00, s17;
	(xrf0) =	vadd.scan.msk.s32 $0xffff, v9;
	(v2sf) =	vpush v5, $0xF  }
0x617: {  	s18 =	sadd.s32 $0x6000, s18;
	s13 =	sadd.s32 $0xD700, s17;
	[dreg:$0x16] =	wrdreg s12;
	v3, _, _ =	vpop (xrf0);
	(xrf0) =	vadd.scan.msk.s32 $0xffff, v10  }
0x618: {  	s28 =	sadd.s32 $0xCA80, s17;
	[dreg:$0x11] =	wrdreg s13;
	s14 =	sadd.s32 $0xD780, s17;
	(v2sf) =	vpush v3, $0xF;
	v5, _, _ =	vpop (xrf0)  }
0x619: {  	s4 =	sadd.s32 $0xCD00, s17;
	[dreg:$0x10] =	wrdreg s14;
	s15 =	sadd.s32 $0xD800, s17;
	v3, _, _ =	vpop (xrf0)  }
0x61a: {  	s29 =	sadd.s32 $0xD680, s17;
	[dreg:$0xc] =	wrdreg s15;
	s0 =	sadd.s32 $0xCC80, s17;
	(v2sf) =	vpush v3, $0xF;
	v3, _, _ =	vpop (xrf0)  }
0x61b: {  	s2 =	sadd.s32 $0xCB00, s17;
	s25 =	sadd.s32 $0xCB80, s17;
	[dreg:$0x15] =	wrdreg s0;
	v7, _, _ =	vpop (xrf0)  }
0x61c: {  	s0 =	sadd.s32 $0xCA00, s17;
	s19 =	sadd.s32 $0x10, s19;
	(v2sf) =	vpush v7, $0xF;
	v62, _, _ =	vpop (xrf0);
	s16 =	spop (v2sf)  }
0x61d: {  	v63, _, _ =	vpop (xrf0);
	s20 =	sshrl.u32 s16, $0x3;
	s1 =	sshll.u32 s16, $0x7;
	s16 =	spop (v2sf)  }
0x61e: {  	(v2sf) =	vpush v63, $0xF;
	s3 =	smul.u32 $0xC00, s20;
	s21 =	spop (v2sf);
	s1 =	sand.u32 $0x380, s1  }
0x61f: {  	(v2sf) =	vpush v61, $0xF;
	s22 =	sshll.u32 s21, $0x7;
	s23 =	spop (v2sf);
	s8 =	sshrl.u32 s21, $0x3  }
0x620: {  	s1 =	sor.u32 s1, s3;
	s24 =	spop (v2sf);
	s26 =	sshrl.u32 s23, $0x3  }
0x621: {  	s7 =	sshll.u32 s23, $0x7;
	s6 =	sand.u32 $0x380, s22;
	s1 =	sadd.s32 $0x800, s1  }
0x622: {  	s10 =	sshrl.u32 s24, $0x3;
	s12 =	sand.u32 $0x380, s7;
	s5 =	smul.u32 $0xC00, s26  }
0x623: {  	s3 =	sshll.u32 s24, $0x7;
	s26 =	smul.u32 $0xC00, s8;
	s31 =	sshrl.u32 s1, $0x3  }
0x624: {  	s11 =	spop (v2sf);
	s9 =	smul.u32 $0xC00, s10;
	s3 =	sand.u32 $0x380, s3  }
0x625: {  	s14 =	spop (v2sf);
	s1 =	sor.u32 s12, s5;
	s7 =	sshll.u32 s11, $0x7  }
0x626: {  	s26 =	sor.u32 s6, s26;
	s6 =	sshrl.u32 s16, $0x3;
	s13 =	sshll.u32 s14, $0x7  }
0x627: {  	s20 =	spop (v2sf);
	s1 =	sadd.s32 $0x800, s1;
	s9 =	sor.u32 s3, s9  }
0x628: {  	s5 =	sshrl.u32 s14, $0x3;
	s15 =	sshrl.u32 s20, $0x3;
	s12 =	sshll.u32 s20, $0x7  }
0x629: {  	s14 =	sshrl.u32 s1, $0x3;
	s8 =	sand.u32 $0x380, s13;
	s21 =	spop (v2sf)  }
0x62a: {  	s9 =	sadd.s32 $0x800, s9;
	s12 =	sand.u32 $0x380, s12;
	s20 =	sshrl.u32 s21, $0x3  }
.Ltmp3:
0x62b: {  	s24 =	sshll.u32 s21, $0x7;
	s22 =	spop (v2sf);
	(pc) =	sbr.rel @p0 .LBB2_8-.Ltmp3, $4  }
0x62c: {  	s21 =	sand.u32 $0x380, s24;
	s24 =	smul.u32 $0xC00, s20;
	s23 =	sshrl.u32 s22, $0x3  }
0x62d: {  	(v2sf) =	vpush v62, $0xF;
	s22 =	sshll.u32 s22, $0x7;
	s10 =	smul.u32 $0xC00, s23;
	s30 =	spop (v2sf)  }
0x62e: {  	(v2sf) =	vpush v4, $0xF;
	s23 =	sshll.u32 s16, $0x7;
	s1 =	sand.u32 $0x380, s22;
	s20 =	spop (v2sf)  }
0x62f: {  	(v2sf) =	vpush v5, $0xF;
	s16 =	sor.u32 s21, s24;
	s13 =	sand.u32 $0x380, s23;
	s3 =	sshll.u32 s20, $0x7  }
0x630: {  	s18 =	sshrl.u32 s20, $0x3  }
0x631: {  	s18 =	smul.u32 $0xC00, s18  }
0x632: {  	s3 =	sand.u32 $0x380, s3  }
0x633: {  	s3 =	sor.u32 s3, s18  }
0x634: {  	s3 =	sadd.s32 $0x800, s3  }
0x635: {  	s18 =	rddreg [dreg:$0x1];
	s3 =	sshrl.u32 s3, $0x3  }
0x636: {  	s19 =	simm.s32 $0x0;
	s1 =	sor.u32 s1, s10;
	s3 =	sadd.s32 s18, s3  }
0x637: {  	[tilespmem:s0], [sflag:$0x2] =	stream.linear.gather [hbm4b:s3+s19], $0x80, $0x38;
	[tilespmem:$0x18200] =	vst v63  }
0x638: {  	s0 =	sadd.s32 $0x800, s1  }
0x639: {  	s24 =	sadd.s32 s18, s14;
	s3 =	smul.u32 $0xC00, s6;
	s0 =	sshrl.u32 s0, $0x3  }
0x63a: {  	[tilespmem:s28], [sflag:$0x2] =	stream.linear.gather [hbm4b:s24+s19], $0x80, $0x38;
	[tilespmem:$0x18200] =	vst v63  }
0x63b: {  	s0 =	sadd.s32 s18, s0;
	s6 =	sor.u32 s13, s3  }
0x63c: {  	[tilespmem:s2], [sflag:$0x2] =	stream.linear.gather [hbm4b:s0+s19], $0x80, $0x38;
	[tilespmem:$0x18200] =	vst v63  }
0x63d: {  	s0 =	sadd.s32 $0x800, s6  }
0x63e: {  	s0 =	sshrl.u32 s0, $0x3  }
0x63f: {  	s10 =	sadd.s32 $0x800, s26;
	s0 =	sadd.s32 s18, s0  }
0x640: {  	[tilespmem:s25], [sflag:$0x2] =	stream.linear.gather [hbm4b:s0+s19], $0x80, $0x38;
	[tilespmem:$0x18200] =	vst v63  }
0x641: {  	s0 =	sshrl.u32 s10, $0x3  }
0x642: {  	s14 =	sadd.s32 $0x800, s16;
	s13 =	rddreg [dreg:$0x16];
	s0 =	sadd.s32 s18, s0  }
0x643: {  	[tilespmem:s13], [sflag:$0x2] =	stream.linear.gather [hbm4b:s0+s19], $0x80, $0x38;
	[tilespmem:$0x18200] =	vst v63  }
0x644: {  	s21 =	sshrl.u32 s9, $0x3;
	s0 =	sshrl.u32 s14, $0x3  }
0x645: {  	s22 =	smul.u32 $0xC00, s15;
	s16 =	rddreg [dreg:$0x15];
	s0 =	sadd.s32 s18, s0  }
0x646: {  	[tilespmem:s16], [sflag:$0x2] =	stream.linear.gather [hbm4b:s0+s19], $0x80, $0x38;
	[tilespmem:$0x18200] =	vst v63  }
0x647: {  	s23 =	sadd.s32 $0xCD80, s17;
	s26 =	sadd.s32 $0xD600, s17;
	s20 =	sadd.s32 s18, s31  }
0x648: {  	[tilespmem:s4], [sflag:$0x2] =	stream.linear.gather [hbm4b:s20+s19], $0x80, $0x38;
	[tilespmem:$0x18200] =	vst v63  }
0x649: {  	s24 =	sor.u32 s12, s22;
	s25 =	smul.u32 $0xC00, s5;
	s0 =	sadd.s32 s18, s21  }
0x64a: {  	[tilespmem:s23], [sflag:$0x2] =	stream.linear.gather [hbm4b:s0+s19], $0x80, $0x38;
	[tilespmem:$0x18200] =	vst v63  }
0x64b: {  	s28 =	spop (v2sf);
	s1 =	sor.u32 s8, s25;
	s0 =	sadd.s32 $0x800, s24  }
0x64c: {  	s31 =	spop (v2sf);
	s1 =	sadd.s32 $0x800, s1;
	s0 =	sshrl.u32 s0, $0x3  }
0x64d: {  	s1 =	sshrl.u32 s1, $0x3;
	s4 =	spop (v2sf);
	s0 =	sadd.s32 s18, s0  }
0x64e: {  	[tilespmem:s26], [sflag:$0x2] =	stream.linear.gather [hbm4b:s0+s19], $0x80, $0x38;
	[tilespmem:$0x18200] =	vst v63  }
0x64f: {  	s1 =	sadd.s32 s18, s1;
	s5 =	sshrl.u32 s4, $0x3  }
0x650: {  	[tilespmem:s29], [sflag:$0x2] =	stream.linear.gather [hbm4b:s1+s19], $0x80, $0x38;
	[tilespmem:$0x18200] =	vst v63  }
0x651: {  	s3 =	smul.u32 $0xC00, s5;
	s1 =	sshll.u32 s4, $0x7  }
0x652: {  	s1 =	sand.u32 $0x380, s1  }
0x653: {  	s1 =	sor.u32 s1, s3  }
0x654: {  	(v2sf) =	vpush v3, $0xF;
	s1 =	sadd.s32 $0x800, s1  }
0x655: {  	s1 =	sshrl.u32 s1, $0x3  }
0x656: {  	s6 =	rddreg [dreg:$0x11];
	s8 =	sshrl.u32 s11, $0x3;
	s1 =	sadd.s32 s18, s1  }
0x657: {  	[tilespmem:s6], [sflag:$0x2] =	stream.linear.gather [hbm4b:s1+s19], $0x80, $0x38;
	[tilespmem:$0x18200] =	vst v63  }
0x658: {  	s1 =	smul.u32 $0xC00, s8  }
0x659: {  	s9 =	sand.u32 $0x380, s7  }
0x65a: {  	s1 =	sor.u32 s9, s1  }
0x65b: {  	s1 =	sadd.s32 $0x800, s1  }
0x65c: {  	s1 =	sshrl.u32 s1, $0x3  }
0x65d: {  	s10 =	rddreg [dreg:$0x10];
	s11 =	sshrl.u32 s31, $0x3;
	s1 =	sadd.s32 s18, s1  }
0x65e: {  	[tilespmem:s10], [sflag:$0x2] =	stream.linear.gather [hbm4b:s1+s19], $0x80, $0x38;
	[tilespmem:$0x18200] =	vst v63  }
0x65f: {  	s2 =	sshll.u32 s31, $0x7;
	s1 =	smul.u32 $0xC00, s11  }
0x660: {  	s2 =	sand.u32 $0x380, s2  }
0x661: {  	s1 =	sor.u32 s2, s1  }
0x662: {  	s1 =	sadd.s32 $0x800, s1  }
0x663: {  	s13 =	spop (v2sf);
	s1 =	sshrl.u32 s1, $0x3  }
0x664: {  	s12 =	rddreg [dreg:$0xc];
	s14 =	sshrl.u32 s13, $0x3;
	s1 =	sadd.s32 s18, s1  }
0x665: {  	[tilespmem:s12], [sflag:$0x2] =	stream.linear.gather [hbm4b:s1+s19], $0x80, $0x38;
	[tilespmem:$0x18200] =	vst v63  }
0x666: {  	s2 =	smul.u32 $0xC00, s14;
	s1 =	sshll.u32 s13, $0x7  }
0x667: {  	s1 =	sand.u32 $0x380, s1  }
0x668: {  	s1 =	sor.u32 s1, s2  }
0x669: {  	s1 =	sadd.s32 $0x800, s1  }
0x66a: {  	s1 =	sshrl.u32 s1, $0x3  }
0x66b: {  	s15 =	sadd.s32 $0xD880, s17;
	s16 =	sshrl.u32 s28, $0x3;
	s1 =	sadd.s32 s18, s1  }
0x66c: {  	[tilespmem:s15], [sflag:$0x2] =	stream.linear.gather [hbm4b:s1+s19], $0x80, $0x38;
	[tilespmem:$0x18200] =	vst v63  }
0x66d: {  	s0 =	sshll.u32 s28, $0x7;
	s1 =	smul.u32 $0xC00, s16  }
0x66e: {  	s0 =	sand.u32 $0x380, s0  }
0x66f: {  	s0 =	sor.u32 s0, s1  }
0x670: {  	s0 =	sadd.s32 $0x800, s0  }
0x671: {  	s0 =	sshrl.u32 s0, $0x3  }
0x672: {  	s21 =	sshrl.u32 s30, $0x3;
	s20 =	sadd.s32 $0xD900, s17;
	s0 =	sadd.s32 s18, s0  }
0x673: {  	[tilespmem:s20], [sflag:$0x2] =	stream.linear.gather [hbm4b:s0+s19], $0x80, $0x38;
	[tilespmem:$0x18200] =	vst v63  }
0x674: {  	s22 =	sshll.u32 s30, $0x7;
	s0 =	smul.u32 $0xC00, s21  }
0x675: {  	s1 =	sand.u32 $0x380, s22  }
0x676: {  	s0 =	sor.u32 s1, s0  }
0x677: {  	s0 =	sadd.s32 $0x800, s0  }
0x678: {  	s0 =	sshrl.u32 s0, $0x3  }
0x679: {  	s23 =	sadd.s32 $0xD980, s17;
	s24 =	simm.s32 $0x1;
	s0 =	sadd.s32 s18, s0  }
0x67a: {  	[tilespmem:s23], [sflag:$0x2] =	stream.linear.gather [hbm4b:s0+s19], $0x80, $0x38;
	[tilespmem:$0x18200] =	vst v63  }
0x67b: {  	_ =	swait.ge [sflag:s24], $0xC000  }
0x67c: {  	s5 =	simm.s32 $0x200;
	[sflag:s24] =	ssyncset.done $0x0  }
0x67d: {  	s4 =	simm.s32 $0x3;
	s25 =	rddreg [dreg:$0x1b];
	[sflag:s24] =	ssyncadd.s32 $0xFFFF4000  }
0x67e: {  	[hbm4b:s25+s19] =	stream.linear.scatter [tilespmem:s5], [sflag:$0x3], $0xC000, $0x38;
	[tilespmem:$0x18200] =	vst v63  }
0x67f: {  	_ =	swait.ge [sflag:s4], $0xC000  }
0x680: {  	[sflag:s4] =	ssyncset.done $0x0  }
0x681: {  	s26 =	simm.s32 $0x2;
	[sflag:s4] =	ssyncadd.s32 $0xFFFF4000  }
0x682: {  	_ =	swait.ge [sflag:s26], $0xC000  }
0x683: {  	[sflag:s26] =	ssyncset.done $0x0  }
0x684: {  	s29 =	simm.s32 $0xC200;
	s28 =	rddreg [dreg:$0x1c];
	[sflag:s26] =	ssyncadd.s32 $0xFFFF4000  }
0x685: {  	[hbm4b:s28+s19] =	stream.linear.scatter [tilespmem:s29], [sflag:$0x3], $0xC000, $0x38;
	[tilespmem:$0x18200] =	vst v63  }
0x686: {  	_ =	swait.ge [sflag:s4], $0xC000  }
0x687: {  	s30 =	rddreg [dreg:$0x1e]  }
0x688: {  	s31 =	rddreg [dreg:$0x1d];
	s1 =	sadd.s32 $0x1, s30  }
0x689: {  	p0 =	sne.s32 s1, s31  }
.Ltmp4:
0x68a: {  	_ = 	snop;
	(pc) =	sbr.rel @p0 .LBB2_1-.Ltmp4, $3  }
0x68b: {  	_ =	sdelay $0x1  }
0x68c: {  	[sflag:s4] =	ssyncset.done $0x0  }
0x68d: {  	[sflag:s4] =	ssyncadd.s32 $0xFFFF4000  }
0x68e: {  	_ =	sfence.sel $0x180000  }
0x68f: {  	[bflag:$0x0] =	sbarrier.arrive $0xFFFF  }
0x690: {  	_ =	strace $0x90000047  }
0x691: {  	s0 =	stileid.u32;
	[bflag:$0x2] =	sbarrier.arrive $0xFFFF  }
0x692: {  	p0 =	sne.s32 s0, $0x0;
	s0 =	rddreg [dreg:$0x2]  }
0x693: {  	s0 =	sadd.s32 @!p0 $0x100000, s0  }
0x694: {  	[sflag:s0] =	ssyncadd.tile.s32 @!p0 $0x1;
	_ =	shalt  }
.Lfunc_end2:
_tile_overlayer_lowered:
.L_overlay_start_2:
0x695: {  	(tag) =	ssettag $0x2  }
0x696: {  	s0 =	rddreg [dreg:$0x0];
	s2 =	stileid.u32  }
0x697: {  	s1 =	rddreg [dreg:$0x1];
	p0 =	sne.s32 s2, $0x0  }
0x698: {  	s3 =	rddreg [dreg:$0x2];
	[bflag:$0x3] =	sbarrier.arrive $0xFFFF;
	s2 =	simm.s32 @!p0 $0x1C03  }
0x699: {  	[timem:s3], [sflag:s2] =	dma.local @!p0 [hbm:s0], s1  }
0x69a: {  	s0 =	simm.s32 @!p0 $0x3  }
0x69b: {  	_ =	swait.ge @!p0 [sflag:s0], s1  }
0x69c: {  	s1 =	ssub.s32 @!p0 $0x0, s1;
	[sflag:s0] =	ssyncset.done @!p0 $0x0  }
0x69d: {  	[sflag:s0] =	ssyncadd.s32 @!p0 s1  }
0x69e: {  	[bflag:$0x3] =	sbarrier.arrive $0xFFFF  }
0x69f: {  	_ =	shalt  }

</sc_bundles>
